<compile_context>
chip_gen: v7x
topology: tpu7x:2x2x1
jax: 0.10.2.dev20260603
libtpu: 0.0.44.dev20260713+nightly
codegen_flags: <defaults>
</compile_context>

<pallas_src>
import functools

import jax
import jax.numpy as jnp
from jax import lax
from jax.experimental import pallas as pl
from jax.experimental.pallas import tpu as pltpu
from jax.experimental.pallas import tpu_sc as plsc

_EMB_DIM = 64
_SEQ_LEN = 200
_NC = 2
_NS = 16
_NW = _NC * _NS
_CHUNK = 128
_LANES = 16
_NB = 4
_RUNROLL = 16


def _pos_embedding(emb_dim, seq_len):
    pos = jnp.arange(seq_len, dtype=jnp.float32)[:, None]
    i = jnp.arange(emb_dim, dtype=jnp.float32)[None, :]
    angle_rates = 1.0 / jnp.power(10000.0, (2.0 * jnp.floor(i / 2.0)) / float(emb_dim))
    angles = pos * angle_rates
    even = (jnp.arange(emb_dim)[None, :] % 2) == 0
    return jnp.where(even, jnp.sin(angles), jnp.cos(angles)).astype(jnp.float32)


def kernel(inputs, token_embeddings):
    batch, seq_len = inputs.shape
    _, emb_dim = token_embeddings.shape
    rows = batch * seq_len
    rpw = rows // _NW
    nch = rpw // _CHUNK
    nvec = emb_dim // _LANES

    pe = _pos_embedding(emb_dim, seq_len)
    pe2 = jnp.concatenate([pe, pe], axis=0)
    idx = inputs.reshape(_NW, nch, _CHUNK)

    mesh = plsc.VectorSubcoreMesh(core_axis_name="c", subcore_axis_name="s")

    @functools.partial(
        pl.kernel,
        out_type=jax.ShapeDtypeStruct((rows, emb_dim), jnp.float32),
        mesh=mesh,
        compiler_params=pltpu.CompilerParams(use_tc_tiling_on_sc=False),
        scratch_types=[
            pltpu.VMEM((nch, _CHUNK), jnp.int32),
            pltpu.VMEM((2 * seq_len, emb_dim), jnp.float32),
            [pltpu.VMEM((_CHUNK, emb_dim), jnp.float32) for _ in range(_NB)],
            [pltpu.SemaphoreType.DMA for _ in range(_NB)],
            [pltpu.SemaphoreType.DMA for _ in range(_NB)],
        ],
    )
    def emb(idx_hbm, table_hbm, pe_hbm, out_hbm,
            idx_v, pe_v, bufs, gsems, ssems):
        wid = lax.axis_index("s") * _NC + lax.axis_index("c")
        base = wid * rpw
        pltpu.sync_copy(idx_hbm.at[wid], idx_v)
        pltpu.sync_copy(pe_hbm, pe_v)

        def issue_gather(j, b):
            pltpu.async_copy(table_hbm.at[idx_v.at[j]], bufs[b], gsems[b])

        def wait_gather(j, b):
            pltpu.make_async_copy(
                table_hbm.at[idx_v.at[j]], bufs[b], gsems[b]).wait()

        def out_slice(j):
            return out_hbm.at[pl.ds(base + j * _CHUNK, _CHUNK)]

        def issue_store(j, b):
            pltpu.async_copy(bufs[b], out_slice(j), ssems[b])

        def wait_store(j, b):
            pltpu.make_async_copy(bufs[b], out_slice(j), ssems[b]).wait()

        def add_pe(j, b):
            p0 = lax.rem(j * _CHUNK, seq_len)
            buf = bufs[b]

            def row_body(r0, carry):
                rbase = r0 * _RUNROLL
                for u in range(_RUNROLL):
                    for c in range(nvec):
                        sl = pl.ds(c * _LANES, _LANES)
                        plsc.addupdate(buf.at[rbase + u, sl],
                                       pe_v[p0 + rbase + u, sl])
                return carry

            lax.fori_loop(0, _CHUNK // _RUNROLL, row_body, 0)

        for b in range(_NB - 2):
            issue_gather(b, b)

        def body(jj, carry):
            for k in range(_NB):
                j = _NB * jj + k
                bq = (k - 2) % _NB

                @pl.when(j >= 2)
                def _():
                    wait_store(j - 2, bq)

                @pl.when(j + _NB - 2 < nch)
                def _():
                    issue_gather(j + _NB - 2, bq)

                wait_gather(j, k)
                add_pe(j, k)
                issue_store(j, k)
            return carry

        lax.fori_loop(0, nch // _NB, body, 0)

        for b in (_NB - 2, _NB - 1):
            wait_store(nch - _NB + b, b)

    out = emb(idx, token_embeddings, pe2)
    return out.reshape(batch, seq_len, emb_dim)

# --- scband reference (transcript-rebuilt; emitter-appended) ---
"""Pipeline reference for scband-embeddings-29841432772945 (READ-ONLY COPY).

The authoritative reference and input builder live on the scoring server;
editing this copy changes nothing except your own understanding.
"""

import jax, jax.numpy as jnp
import numpy as np

VOCAB_SIZE = 1000000
EMB_DIM = 64
SEQ_LEN = 200
BATCH = 4096


def _positional_embedding(emb_dim, sequence_length):
    # standard sinusoidal positional embedding [sequence_length, emb_dim]
    pos = jnp.arange(sequence_length, dtype=jnp.float32)[:, None]
    i = jnp.arange(emb_dim, dtype=jnp.float32)[None, :]
    angle_rates = 1.0 / jnp.power(10000.0, (2.0 * jnp.floor(i / 2.0)) / float(emb_dim))
    angles = pos * angle_rates
    even_mask = (jnp.arange(emb_dim)[None, :] % 2) == 0
    pe = jnp.where(even_mask, jnp.sin(angles), jnp.cos(angles))
    return pe.astype(jnp.float32)


def setup_inputs(seed: int = 0) -> dict:
    key = jax.random.key(seed)
    k1, k2 = jax.random.split(key)
    indices = jax.random.randint(k1, (BATCH, SEQ_LEN), 0, VOCAB_SIZE, dtype=jnp.int32)
    token_embeddings = jax.random.normal(k2, (VOCAB_SIZE, EMB_DIM), dtype=jnp.float32) * 0.02
    return {"inputs": indices, "token_embeddings": token_embeddings}


def reference(inputs, token_embeddings):
    # x = self.token_embeddings(inputs)  -> embedding gather
    x = jnp.take(token_embeddings, inputs, axis=0)
    # y = positional_embedding(emb_dim, sequence_length)
    y = _positional_embedding(EMB_DIM, SEQ_LEN)
    # return x + y (broadcast over batch)
    return x + y[None, :, :]

if __name__ == "__main__":
    import jax
    _d = setup_inputs()
    print(jax.jit(kernel)(*tuple(_d.values())))

</pallas_src>

<mosaic_0001>
#map = affine_map<(d0, d1) -> (0, 0, 0)>
#map1 = affine_map<(d0, d1) -> (0, 0)>
module attributes {stable_mosaic.version = 14 : i64} {
  func.func @emb(%arg0: i32, %arg1: i32, %arg2: memref<32x200x128xi32, #tpu.memory_space<hbm>>, %arg3: memref<1000000x64xf32, #tpu.memory_space<hbm>>, %arg4: memref<400x64xf32, #tpu.memory_space<hbm>>, %arg5: memref<819200x64xf32, #tpu.memory_space<hbm>>, %arg6: memref<200x128xi32, #tpu.memory_space<vmem>>, %arg7: memref<400x64xf32, #tpu.memory_space<vmem>>, %arg8: memref<128x64xf32, #tpu.memory_space<vmem>>, %arg9: memref<128x64xf32, #tpu.memory_space<vmem>>, %arg10: memref<128x64xf32, #tpu.memory_space<vmem>>, %arg11: memref<128x64xf32, #tpu.memory_space<vmem>>, %arg12: memref<!tpu.dma_semaphore, #tpu.memory_space<semaphore_mem>>, %arg13: memref<!tpu.dma_semaphore, #tpu.memory_space<semaphore_mem>>, %arg14: memref<!tpu.dma_semaphore, #tpu.memory_space<semaphore_mem>>, %arg15: memref<!tpu.dma_semaphore, #tpu.memory_space<semaphore_mem>>, %arg16: memref<!tpu.dma_semaphore, #tpu.memory_space<semaphore_mem>>, %arg17: memref<!tpu.dma_semaphore, #tpu.memory_space<semaphore_mem>>, %arg18: memref<!tpu.dma_semaphore, #tpu.memory_space<semaphore_mem>>, %arg19: memref<!tpu.dma_semaphore, #tpu.memory_space<semaphore_mem>>) attributes {dimension_semantics = [#tpu.dimension_semantics<core_parallel>, #tpu.dimension_semantics<subcore_parallel>], iteration_bounds = array<i64: 2, 16>, scalar_prefetch = 0 : i64, scratch_operands = 14 : i64, tpu.core_type = #tpu.core_type<sc_vector_subcore>, window_params = [{transform_indices = #map}, {transform_indices = #map1}, {transform_indices = #map1}, {transform_indices = #map1}]} {
    %mul3A = arith.constant 2 : i32
    %mul3A_0 = arith.muli %arg1, %mul3A : i32
    %add3A = arith.addi %mul3A_0, %arg0 : i32
    %mul3A_1 = arith.constant 25600 : i32
    %mul3A_2 = arith.muli %add3A, %mul3A_1 : i32
    "tpu.region"() ({
      %run_scoped3A = tpu.sem_alloc : memref<!tpu.dma_semaphore, #tpu.memory_space<semaphore_mem>>
      %dma_start3A_32 = arith.constant 0 : i32
      %dma_start3A_33 = arith.constant 0 : i32
      %dma_start3A_34 = tpu.memref_slice %arg2[%add3A, %dma_start3A_32, %dma_start3A_33] : memref<32x200x128xi32, #tpu.memory_space<hbm>> -> memref<1x200x128xi32, #tpu.memory_space<hbm>>
      %dma_start3A_35 = tpu.memref_squeeze %dma_start3A_34 : memref<1x200x128xi32, #tpu.memory_space<hbm>> -> memref<200x128xi32, #tpu.memory_space<hbm>>
      %dma_start3A_36 = arith.constant 0 : i32
      %dma_start3A_37 = arith.constant 0 : i32
      %dma_start3A_38 = tpu.memref_slice %arg2[%add3A, %dma_start3A_36, %dma_start3A_37] : memref<32x200x128xi32, #tpu.memory_space<hbm>> -> memref<1x200x128xi32, #tpu.memory_space<hbm>>
      %dma_start3A_39 = tpu.memref_squeeze %dma_start3A_38 : memref<1x200x128xi32, #tpu.memory_space<hbm>> -> memref<200x128xi32, #tpu.memory_space<hbm>>
      tpu.enqueue_dma source(%dma_start3A_39 : memref<200x128xi32, #tpu.memory_space<hbm>>) target(%arg6 : memref<200x128xi32, #tpu.memory_space<vmem>>) target_semaphore(%run_scoped3A : memref<!tpu.dma_semaphore, #tpu.memory_space<semaphore_mem>>)
      %dma_wait3A_40 = arith.constant 0 : i32
      %dma_wait3A_41 = arith.constant 0 : i32
      %dma_wait3A_42 = tpu.memref_slice %arg2[%add3A, %dma_wait3A_40, %dma_wait3A_41] : memref<32x200x128xi32, #tpu.memory_space<hbm>> -> memref<1x200x128xi32, #tpu.memory_space<hbm>>
      %dma_wait3A_43 = tpu.memref_squeeze %dma_wait3A_42 : memref<1x200x128xi32, #tpu.memory_space<hbm>> -> memref<200x128xi32, #tpu.memory_space<hbm>>
      %dma_wait3A_44 = arith.constant 0 : i32
      %dma_wait3A_45 = arith.constant 0 : i32
      %dma_wait3A_46 = tpu.memref_slice %arg2[%add3A, %dma_wait3A_44, %dma_wait3A_45] : memref<32x200x128xi32, #tpu.memory_space<hbm>> -> memref<1x200x128xi32, #tpu.memory_space<hbm>>
      %dma_wait3A_47 = tpu.memref_squeeze %dma_wait3A_46 : memref<1x200x128xi32, #tpu.memory_space<hbm>> -> memref<200x128xi32, #tpu.memory_space<hbm>>
      tpu.wait_dma2 semaphore(%run_scoped3A : memref<!tpu.dma_semaphore, #tpu.memory_space<semaphore_mem>>) src(%dma_wait3A_47 : memref<200x128xi32, #tpu.memory_space<hbm>>) dst(%arg6 : memref<200x128xi32, #tpu.memory_space<vmem>>)
      tpu.yield
    }) : () -> ()
    "tpu.region"() ({
      %run_scoped3A = tpu.sem_alloc : memref<!tpu.dma_semaphore, #tpu.memory_space<semaphore_mem>>
      tpu.enqueue_dma source(%arg4 : memref<400x64xf32, #tpu.memory_space<hbm>>) target(%arg7 : memref<400x64xf32, #tpu.memory_space<vmem>>) target_semaphore(%run_scoped3A : memref<!tpu.dma_semaphore, #tpu.memory_space<semaphore_mem>>)
      tpu.wait_dma2 semaphore(%run_scoped3A : memref<!tpu.dma_semaphore, #tpu.memory_space<semaphore_mem>>) src(%arg4 : memref<400x64xf32, #tpu.memory_space<hbm>>) dst(%arg7 : memref<400x64xf32, #tpu.memory_space<vmem>>)
      tpu.yield
    }) : () -> ()
    %dma_start3A = arith.constant 0 : i32
    %dma_start3A_3 = arith.constant 0 : i32
    %dma_start3A_4 = tpu.memref_slice %arg6[%dma_start3A, %dma_start3A_3] : memref<200x128xi32, #tpu.memory_space<vmem>> -> memref<1x128xi32, #tpu.memory_space<vmem>>
    %dma_start3A_5 = tpu.memref_squeeze %dma_start3A_4 : memref<1x128xi32, #tpu.memory_space<vmem>> -> memref<128xi32, #tpu.memory_space<vmem>>
    %dma_start3A_6 = arith.constant 0 : i32
    %dma_start3A_7 = arith.constant 0 : i32
    %dma_start3A_8 = tpu.memref_slice %arg3[%dma_start3A_6, %dma_start3A_7] : memref<1000000x64xf32, #tpu.memory_space<hbm>> -> memref<1000000x64xf32, #tpu.memory_space<hbm>>
    tpu.enqueue_indirect_dma source(%dma_start3A_8 : memref<1000000x64xf32, #tpu.memory_space<hbm>>) target(%arg8 : memref<128x64xf32, #tpu.memory_space<vmem>>) offsets(%dma_start3A_5 : memref<128xi32, #tpu.memory_space<vmem>>) semaphore(%arg12 : memref<!tpu.dma_semaphore, #tpu.memory_space<semaphore_mem>>)
    %dma_start3A_9 = arith.constant 1 : i32
    %dma_start3A_10 = arith.constant 0 : i32
    %dma_start3A_11 = tpu.memref_slice %arg6[%dma_start3A_9, %dma_start3A_10] : memref<200x128xi32, #tpu.memory_space<vmem>> -> memref<1x128xi32, #tpu.memory_space<vmem>>
    %dma_start3A_12 = tpu.memref_squeeze %dma_start3A_11 : memref<1x128xi32, #tpu.memory_space<vmem>> -> memref<128xi32, #tpu.memory_space<vmem>>
    %dma_start3A_13 = arith.constant 0 : i32
    %dma_start3A_14 = arith.constant 0 : i32
    %dma_start3A_15 = tpu.memref_slice %arg3[%dma_start3A_13, %dma_start3A_14] : memref<1000000x64xf32, #tpu.memory_space<hbm>> -> memref<1000000x64xf32, #tpu.memory_space<hbm>>
    tpu.enqueue_indirect_dma source(%dma_start3A_15 : memref<1000000x64xf32, #tpu.memory_space<hbm>>) target(%arg9 : memref<128x64xf32, #tpu.memory_space<vmem>>) offsets(%dma_start3A_12 : memref<128xi32, #tpu.memory_space<vmem>>) semaphore(%arg13 : memref<!tpu.dma_semaphore, #tpu.memory_space<semaphore_mem>>)
    %scan3A = arith.constant 0 : i32
    %scan3A_16 = arith.constant 0 : i32
    %scan3A_17 = arith.constant 50 : i32
    %scan3A_18 = arith.addi %scan3A_16, %scan3A_17 : i32
    %scan3A_19 = arith.constant 1 : i32
    scf.for %scan3A_32 = %scan3A_16 to %scan3A_18 step %scan3A_19  : i32 {
      %mul3A_33 = arith.constant 4 : i32
      %mul3A_34 = arith.muli %mul3A_33, %scan3A_32 : i32
      %add3A_35 = arith.constant 0 : i32
      %add3A_36 = arith.addi %mul3A_34, %add3A_35 : i32
      %ge3A = arith.constant 2 : i32
      %ge3A_37 = arith.cmpi sge, %add3A_36, %ge3A : i32
      %convert_element_type3A = arith.extui %ge3A_37 : i1 to i32
      %cond3A = arith.constant 0 : i32
      %cond3A_38 = arith.cmpi ne, %convert_element_type3A, %cond3A : i32
      scf.if %cond3A_38 {
        %sub3A_191 = arith.constant 2 : i32
        %sub3A_192 = arith.subi %add3A_36, %sub3A_191 : i32
        %mul3A_193 = arith.constant 128 : i32
        %mul3A_194 = arith.muli %sub3A_192, %mul3A_193 : i32
        %add3A_195 = arith.addi %mul3A_2, %mul3A_194 : i32
        %dma_wait3A_196 = arith.constant 0 : i32
        %dma_wait3A_197 = tpu.memref_slice %arg5[%add3A_195, %dma_wait3A_196] : memref<819200x64xf32, #tpu.memory_space<hbm>> -> memref<128x64xf32, #tpu.memory_space<hbm>>
        %dma_wait3A_198 = arith.constant 0 : i32
        %dma_wait3A_199 = tpu.memref_slice %arg5[%add3A_195, %dma_wait3A_198] : memref<819200x64xf32, #tpu.memory_space<hbm>> -> memref<128x64xf32, #tpu.memory_space<hbm>>
        tpu.wait_dma2 semaphore(%arg18 : memref<!tpu.dma_semaphore, #tpu.memory_space<semaphore_mem>>) src(%arg10 : memref<128x64xf32, #tpu.memory_space<vmem>>) dst(%dma_wait3A_199 : memref<128x64xf32, #tpu.memory_space<hbm>>)
      } else {
      }
      %add3A_39 = arith.constant 4 : i32
      %add3A_40 = arith.addi %add3A_36, %add3A_39 : i32
      %sub3A = arith.constant 2 : i32
      %sub3A_41 = arith.subi %add3A_40, %sub3A : i32
      %lt3A = arith.constant 200 : i32
      %lt3A_42 = arith.cmpi slt, %sub3A_41, %lt3A : i32
      %convert_element_type3A_43 = arith.extui %lt3A_42 : i1 to i32
      %cond3A_44 = arith.constant 0 : i32
      %cond3A_45 = arith.cmpi ne, %convert_element_type3A_43, %cond3A_44 : i32
      scf.if %cond3A_45 {
        %add3A_191 = arith.constant 4 : i32
        %add3A_192 = arith.addi %add3A_36, %add3A_191 : i32
        %sub3A_193 = arith.constant 2 : i32
        %sub3A_194 = arith.subi %add3A_192, %sub3A_193 : i32
        %dma_start3A_195 = arith.constant 0 : i32
        %dma_start3A_196 = tpu.memref_slice %arg6[%sub3A_194, %dma_start3A_195] : memref<200x128xi32, #tpu.memory_space<vmem>> -> memref<1x128xi32, #tpu.memory_space<vmem>>
        %dma_start3A_197 = tpu.memref_squeeze %dma_start3A_196 : memref<1x128xi32, #tpu.memory_space<vmem>> -> memref<128xi32, #tpu.memory_space<vmem>>
        %dma_start3A_198 = arith.constant 0 : i32
        %dma_start3A_199 = arith.constant 0 : i32
        %dma_start3A_200 = tpu.memref_slice %arg3[%dma_start3A_198, %dma_start3A_199] : memref<1000000x64xf32, #tpu.memory_space<hbm>> -> memref<1000000x64xf32, #tpu.memory_space<hbm>>
        tpu.enqueue_indirect_dma source(%dma_start3A_200 : memref<1000000x64xf32, #tpu.memory_space<hbm>>) target(%arg10 : memref<128x64xf32, #tpu.memory_space<vmem>>) offsets(%dma_start3A_197 : memref<128xi32, #tpu.memory_space<vmem>>) semaphore(%arg14 : memref<!tpu.dma_semaphore, #tpu.memory_space<semaphore_mem>>)
      } else {
      }
      %dma_wait3A_46 = arith.constant 0 : i32
      %dma_wait3A_47 = tpu.memref_slice %arg6[%add3A_36, %dma_wait3A_46] : memref<200x128xi32, #tpu.memory_space<vmem>> -> memref<1x128xi32, #tpu.memory_space<vmem>>
      %dma_wait3A_48 = tpu.memref_squeeze %dma_wait3A_47 : memref<1x128xi32, #tpu.memory_space<vmem>> -> memref<128xi32, #tpu.memory_space<vmem>>
      %dma_wait3A_49 = arith.constant 0 : i32
      %dma_wait3A_50 = arith.constant 0 : i32
      %dma_wait3A_51 = tpu.memref_slice %arg3[%dma_wait3A_49, %dma_wait3A_50] : memref<1000000x64xf32, #tpu.memory_space<hbm>> -> memref<1000000x64xf32, #tpu.memory_space<hbm>>
      tpu.wait_indirect_dma semaphore(%arg12 : memref<!tpu.dma_semaphore, #tpu.memory_space<semaphore_mem>>) src(%dma_wait3A_51 : memref<1000000x64xf32, #tpu.memory_space<hbm>>) dst(%arg8 : memref<128x64xf32, #tpu.memory_space<vmem>>)
      %mul3A_52 = arith.constant 128 : i32
      %mul3A_53 = arith.muli %add3A_36, %mul3A_52 : i32
      %rem3A = arith.constant 200 : i32
      %rem3A_54 = arith.remsi %mul3A_53, %rem3A : i32
      %scan3A_55 = arith.constant 0 : i32
      %scan3A_56 = arith.constant 0 : i32
      %scan3A_57 = arith.constant 8 : i32
      %scan3A_58 = arith.addi %scan3A_56, %scan3A_57 : i32
      %scan3A_59 = arith.constant 1 : i32
      scf.for %scan3A_191 = %scan3A_56 to %scan3A_58 step %scan3A_59  : i32 {
        %mul3A_192 = arith.constant 16 : i32
        %mul3A_193 = arith.muli %scan3A_191, %mul3A_192 : i32
        %add3A_194 = arith.constant 0 : i32
        %add3A_195 = arith.addi %mul3A_193, %add3A_194 : i32
        %add3A_196 = arith.addi %rem3A_54, %mul3A_193 : i32
        %add3A_197 = arith.constant 0 : i32
        %add3A_198 = arith.addi %add3A_196, %add3A_197 : i32
        %get3A = arith.index_cast %add3A_198 : i32 to index
        %get3A_199 = arith.constant 0 : index
        %get3A_200 = tpu.vector_load %arg7[%get3A, %get3A_199] {strides = array<i32>} : memref<400x64xf32, #tpu.memory_space<vmem>>, vector<1x16xf32>,
        %get3A_201 = vector.shape_cast %get3A_200 : vector<1x16xf32> to vector<16xf32>
        %swap3A = arith.index_cast %add3A_195 : i32 to index
        %swap3A_202 = arith.constant 0 : index
        %swap3A_203 = tpu.vector_load %arg8[%swap3A, %swap3A_202] {strides = array<i32>} : memref<128x64xf32, #tpu.memory_space<vmem>>, vector<1x16xf32>,
        %swap3A_204 = vector.shape_cast %swap3A_203 : vector<1x16xf32> to vector<16xf32>
        %swap3A_205 = vector.shape_cast %get3A_201 : vector<16xf32> to vector<1x16xf32>
        tpu.vector_store %arg8[%swap3A, %swap3A_202], %swap3A_205 {add = true, strides = array<i32>} : memref<128x64xf32, #tpu.memory_space<vmem>>, vector<1x16xf32>,
        %add3A_206 = arith.constant 0 : i32
        %add3A_207 = arith.addi %mul3A_193, %add3A_206 : i32
        %add3A_208 = arith.addi %rem3A_54, %mul3A_193 : i32
        %add3A_209 = arith.constant 0 : i32
        %add3A_210 = arith.addi %add3A_208, %add3A_209 : i32
        %get3A_211 = arith.index_cast %add3A_210 : i32 to index
        %get3A_212 = arith.constant 16 : index
        %get3A_213 = tpu.vector_load %arg7[%get3A_211, %get3A_212] {strides = array<i32>} : memref<400x64xf32, #tpu.memory_space<vmem>>, vector<1x16xf32>,
        %get3A_214 = vector.shape_cast %get3A_213 : vector<1x16xf32> to vector<16xf32>
        %swap3A_215 = arith.index_cast %add3A_207 : i32 to index
        %swap3A_216 = arith.constant 16 : index
        %swap3A_217 = tpu.vector_load %arg8[%swap3A_215, %swap3A_216] {strides = array<i32>} : memref<128x64xf32, #tpu.memory_space<vmem>>, vector<1x16xf32>,
        %swap3A_218 = vector.shape_cast %swap3A_217 : vector<1x16xf32> to vector<16xf32>
        %swap3A_219 = vector.shape_cast %get3A_214 : vector<16xf32> to vector<1x16xf32>
        tpu.vector_store %arg8[%swap3A_215, %swap3A_216], %swap3A_219 {add = true, strides = array<i32>} : memref<128x64xf32, #tpu.memory_space<vmem>>, vector<1x16xf32>,
        %add3A_220 = arith.constant 0 : i32
        %add3A_221 = arith.addi %mul3A_193, %add3A_220 : i32
        %add3A_222 = arith.addi %rem3A_54, %mul3A_193 : i32
        %add3A_223 = arith.constant 0 : i32
        %add3A_224 = arith.addi %add3A_222, %add3A_223 : i32
        %get3A_225 = arith.index_cast %add3A_224 : i32 to index
        %get3A_226 = arith.constant 32 : index
        %get3A_227 = tpu.vector_load %arg7[%get3A_225, %get3A_226] {strides = array<i32>} : memref<400x64xf32, #tpu.memory_space<vmem>>, vector<1x16xf32>,
        %get3A_228 = vector.shape_cast %get3A_227 : vector<1x16xf32> to vector<16xf32>
        %swap3A_229 = arith.index_cast %add3A_221 : i32 to index
        %swap3A_230 = arith.constant 32 : index
        %swap3A_231 = tpu.vector_load %arg8[%swap3A_229, %swap3A_230] {strides = array<i32>} : memref<128x64xf32, #tpu.memory_space<vmem>>, vector<1x16xf32>,
        %swap3A_232 = vector.shape_cast %swap3A_231 : vector<1x16xf32> to vector<16xf32>
        %swap3A_233 = vector.shape_cast %get3A_228 : vector<16xf32> to vector<1x16xf32>
        tpu.vector_store %arg8[%swap3A_229, %swap3A_230], %swap3A_233 {add = true, strides = array<i32>} : memref<128x64xf32, #tpu.memory_space<vmem>>, vector<1x16xf32>,
        %add3A_234 = arith.constant 0 : i32
        %add3A_235 = arith.addi %mul3A_193, %add3A_234 : i32
        %add3A_236 = arith.addi %rem3A_54, %mul3A_193 : i32
        %add3A_237 = arith.constant 0 : i32
        %add3A_238 = arith.addi %add3A_236, %add3A_237 : i32
        %get3A_239 = arith.index_cast %add3A_238 : i32 to index
        %get3A_240 = arith.constant 48 : index
        %get3A_241 = tpu.vector_load %arg7[%get3A_239, %get3A_240] {strides = array<i32>} : memref<400x64xf32, #tpu.memory_space<vmem>>, vector<1x16xf32>,
        %get3A_242 = vector.shape_cast %get3A_241 : vector<1x16xf32> to vector<16xf32>
        %swap3A_243 = arith.index_cast %add3A_235 : i32 to index
        %swap3A_244 = arith.constant 48 : index
        %swap3A_245 = tpu.vector_load %arg8[%swap3A_243, %swap3A_244] {strides = array<i32>} : memref<128x64xf32, #tpu.memory_space<vmem>>, vector<1x16xf32>,
        %swap3A_246 = vector.shape_cast %swap3A_245 : vector<1x16xf32> to vector<16xf32>
        %swap3A_247 = vector.shape_cast %get3A_242 : vector<16xf32> to vector<1x16xf32>
        tpu.vector_store %arg8[%swap3A_243, %swap3A_244], %swap3A_247 {add = true, strides = array<i32>} : memref<128x64xf32, #tpu.memory_space<vmem>>, vector<1x16xf32>,
        %add3A_248 = arith.constant 1 : i32
        %add3A_249 = arith.addi %mul3A_193, %add3A_248 : i32
        %add3A_250 = arith.addi %rem3A_54, %mul3A_193 : i32
        %add3A_251 = arith.constant 1 : i32
        %add3A_252 = arith.addi %add3A_250, %add3A_251 : i32
        %get3A_253 = arith.index_cast %add3A_252 : i32 to index
        %get3A_254 = arith.constant 0 : index
        %get3A_255 = tpu.vector_load %arg7[%get3A_253, %get3A_254] {strides = array<i32>} : memref<400x64xf32, #tpu.memory_space<vmem>>, vector<1x16xf32>,
        %get3A_256 = vector.shape_cast %get3A_255 : vector<1x16xf32> to vector<16xf32>
        %swap3A_257 = arith.index_cast %add3A_249 : i32 to index
        %swap3A_258 = arith.constant 0 : index
        %swap3A_259 = tpu.vector_load %arg8[%swap3A_257, %swap3A_258] {strides = array<i32>} : memref<128x64xf32, #tpu.memory_space<vmem>>, vector<1x16xf32>,
        %swap3A_260 = vector.shape_cast %swap3A_259 : vector<1x16xf32> to vector<16xf32>
        %swap3A_261 = vector.shape_cast %get3A_256 : vector<16xf32> to vector<1x16xf32>
        tpu.vector_store %arg8[%swap3A_257, %swap3A_258], %swap3A_261 {add = true, strides = array<i32>} : memref<128x64xf32, #tpu.memory_space<vmem>>, vector<1x16xf32>,
        %add3A_262 = arith.constant 1 : i32
        %add3A_263 = arith.addi %mul3A_193, %add3A_262 : i32
        %add3A_264 = arith.addi %rem3A_54, %mul3A_193 : i32
        %add3A_265 = arith.constant 1 : i32
        %add3A_266 = arith.addi %add3A_264, %add3A_265 : i32
        %get3A_267 = arith.index_cast %add3A_266 : i32 to index
        %get3A_268 = arith.constant 16 : index
        %get3A_269 = tpu.vector_load %arg7[%get3A_267, %get3A_268] {strides = array<i32>} : memref<400x64xf32, #tpu.memory_space<vmem>>, vector<1x16xf32>,
        %get3A_270 = vector.shape_cast %get3A_269 : vector<1x16xf32> to vector<16xf32>
        %swap3A_271 = arith.index_cast %add3A_263 : i32 to index
        %swap3A_272 = arith.constant 16 : index
        %swap3A_273 = tpu.vector_load %arg8[%swap3A_271, %swap3A_272] {strides = array<i32>} : memref<128x64xf32, #tpu.memory_space<vmem>>, vector<1x16xf32>,
        %swap3A_274 = vector.shape_cast %swap3A_273 : vector<1x16xf32> to vector<16xf32>
        %swap3A_275 = vector.shape_cast %get3A_270 : vector<16xf32> to vector<1x16xf32>
        tpu.vector_store %arg8[%swap3A_271, %swap3A_272], %swap3A_275 {add = true, strides = array<i32>} : memref<128x64xf32, #tpu.memory_space<vmem>>, vector<1x16xf32>,
        %add3A_276 = arith.constant 1 : i32
        %add3A_277 = arith.addi %mul3A_193, %add3A_276 : i32
        %add3A_278 = arith.addi %rem3A_54, %mul3A_193 : i32
        %add3A_279 = arith.constant 1 : i32
        %add3A_280 = arith.addi %add3A_278, %add3A_279 : i32
        %get3A_281 = arith.index_cast %add3A_280 : i32 to index
        %get3A_282 = arith.constant 32 : index
        %get3A_283 = tpu.vector_load %arg7[%get3A_281, %get3A_282] {strides = array<i32>} : memref<400x64xf32, #tpu.memory_space<vmem>>, vector<1x16xf32>,
        %get3A_284 = vector.shape_cast %get3A_283 : vector<1x16xf32> to vector<16xf32>
        %swap3A_285 = arith.index_cast %add3A_277 : i32 to index
        %swap3A_286 = arith.constant 32 : index
        %swap3A_287 = tpu.vector_load %arg8[%swap3A_285, %swap3A_286] {strides = array<i32>} : memref<128x64xf32, #tpu.memory_space<vmem>>, vector<1x16xf32>,
        %swap3A_288 = vector.shape_cast %swap3A_287 : vector<1x16xf32> to vector<16xf32>
        %swap3A_289 = vector.shape_cast %get3A_284 : vector<16xf32> to vector<1x16xf32>
        tpu.vector_store %arg8[%swap3A_285, %swap3A_286], %swap3A_289 {add = true, strides = array<i32>} : memref<128x64xf32, #tpu.memory_space<vmem>>, vector<1x16xf32>,
        %add3A_290 = arith.constant 1 : i32
        %add3A_291 = arith.addi %mul3A_193, %add3A_290 : i32
        %add3A_292 = arith.addi %rem3A_54, %mul3A_193 : i32
        %add3A_293 = arith.constant 1 : i32
        %add3A_294 = arith.addi %add3A_292, %add3A_293 : i32
        %get3A_295 = arith.index_cast %add3A_294 : i32 to index
        %get3A_296 = arith.constant 48 : index
        %get3A_297 = tpu.vector_load %arg7[%get3A_295, %get3A_296] {strides = array<i32>} : memref<400x64xf32, #tpu.memory_space<vmem>>, vector<1x16xf32>,
        %get3A_298 = vector.shape_cast %get3A_297 : vector<1x16xf32> to vector<16xf32>
        %swap3A_299 = arith.index_cast %add3A_291 : i32 to index
        %swap3A_300 = arith.constant 48 : index
        %swap3A_301 = tpu.vector_load %arg8[%swap3A_299, %swap3A_300] {strides = array<i32>} : memref<128x64xf32, #tpu.memory_space<vmem>>, vector<1x16xf32>,
        %swap3A_302 = vector.shape_cast %swap3A_301 : vector<1x16xf32> to vector<16xf32>
        %swap3A_303 = vector.shape_cast %get3A_298 : vector<16xf32> to vector<1x16xf32>
        tpu.vector_store %arg8[%swap3A_299, %swap3A_300], %swap3A_303 {add = true, strides = array<i32>} : memref<128x64xf32, #tpu.memory_space<vmem>>, vector<1x16xf32>,
        %add3A_304 = arith.constant 2 : i32
        %add3A_305 = arith.addi %mul3A_193, %add3A_304 : i32
        %add3A_306 = arith.addi %rem3A_54, %mul3A_193 : i32
        %add3A_307 = arith.constant 2 : i32
        %add3A_308 = arith.addi %add3A_306, %add3A_307 : i32
        %get3A_309 = arith.index_cast %add3A_308 : i32 to index
        %get3A_310 = arith.constant 0 : index
        %get3A_311 = tpu.vector_load %arg7[%get3A_309, %get3A_310] {strides = array<i32>} : memref<400x64xf32, #tpu.memory_space<vmem>>, vector<1x16xf32>,
        %get3A_312 = vector.shape_cast %get3A_311 : vector<1x16xf32> to vector<16xf32>
        %swap3A_313 = arith.index_cast %add3A_305 : i32 to index
        %swap3A_314 = arith.constant 0 : index
        %swap3A_315 = tpu.vector_load %arg8[%swap3A_313, %swap3A_314] {strides = array<i32>} : memref<128x64xf32, #tpu.memory_space<vmem>>, vector<1x16xf32>,
        %swap3A_316 = vector.shape_cast %swap3A_315 : vector<1x16xf32> to vector<16xf32>
        %swap3A_317 = vector.shape_cast %get3A_312 : vector<16xf32> to vector<1x16xf32>
        tpu.vector_store %arg8[%swap3A_313, %swap3A_314], %swap3A_317 {add = true, strides = array<i32>} : memref<128x64xf32, #tpu.memory_space<vmem>>, vector<1x16xf32>,
        %add3A_318 = arith.constant 2 : i32
        %add3A_319 = arith.addi %mul3A_193, %add3A_318 : i32
        %add3A_320 = arith.addi %rem3A_54, %mul3A_193 : i32
        %add3A_321 = arith.constant 2 : i32
        %add3A_322 = arith.addi %add3A_320, %add3A_321 : i32
        %get3A_323 = arith.index_cast %add3A_322 : i32 to index
        %get3A_324 = arith.constant 16 : index
        %get3A_325 = tpu.vector_load %arg7[%get3A_323, %get3A_324] {strides = array<i32>} : memref<400x64xf32, #tpu.memory_space<vmem>>, vector<1x16xf32>,
        %get3A_326 = vector.shape_cast %get3A_325 : vector<1x16xf32> to vector<16xf32>
        %swap3A_327 = arith.index_cast %add3A_319 : i32 to index
        %swap3A_328 = arith.constant 16 : index
        %swap3A_329 = tpu.vector_load %arg8[%swap3A_327, %swap3A_328] {strides = array<i32>} : memref<128x64xf32, #tpu.memory_space<vmem>>, vector<1x16xf32>,
        %swap3A_330 = vector.shape_cast %swap3A_329 : vector<1x16xf32> to vector<16xf32>
        %swap3A_331 = vector.shape_cast %get3A_326 : vector<16xf32> to vector<1x16xf32>
        tpu.vector_store %arg8[%swap3A_327, %swap3A_328], %swap3A_331 {add = true, strides = array<i32>} : memref<128x64xf32, #tpu.memory_space<vmem>>, vector<1x16xf32>,
        %add3A_332 = arith.constant 2 : i32
        %add3A_333 = arith.addi %mul3A_193, %add3A_332 : i32
        %add3A_334 = arith.addi %rem3A_54, %mul3A_193 : i32
        %add3A_335 = arith.constant 2 : i32
        %add3A_336 = arith.addi %add3A_334, %add3A_335 : i32
        %get3A_337 = arith.index_cast %add3A_336 : i32 to index
        %get3A_338 = arith.constant 32 : index
        %get3A_339 = tpu.vector_load %arg7[%get3A_337, %get3A_338] {strides = array<i32>} : memref<400x64xf32, #tpu.memory_space<vmem>>, vector<1x16xf32>,
        %get3A_340 = vector.shape_cast %get3A_339 : vector<1x16xf32> to vector<16xf32>
        %swap3A_341 = arith.index_cast %add3A_333 : i32 to index
        %swap3A_342 = arith.constant 32 : index
        %swap3A_343 = tpu.vector_load %arg8[%swap3A_341, %swap3A_342] {strides = array<i32>} : memref<128x64xf32, #tpu.memory_space<vmem>>, vector<1x16xf32>,
        %swap3A_344 = vector.shape_cast %swap3A_343 : vector<1x16xf32> to vector<16xf32>
        %swap3A_345 = vector.shape_cast %get3A_340 : vector<16xf32> to vector<1x16xf32>
        tpu.vector_store %arg8[%swap3A_341, %swap3A_342], %swap3A_345 {add = true, strides = array<i32>} : memref<128x64xf32, #tpu.memory_space<vmem>>, vector<1x16xf32>,
        %add3A_346 = arith.constant 2 : i32
        %add3A_347 = arith.addi %mul3A_193, %add3A_346 : i32
        %add3A_348 = arith.addi %rem3A_54, %mul3A_193 : i32
        %add3A_349 = arith.constant 2 : i32
        %add3A_350 = arith.addi %add3A_348, %add3A_349 : i32
        %get3A_351 = arith.index_cast %add3A_350 : i32 to index
        %get3A_352 = arith.constant 48 : index
        %get3A_353 = tpu.vector_load %arg7[%get3A_351, %get3A_352] {strides = array<i32>} : memref<400x64xf32, #tpu.memory_space<vmem>>, vector<1x16xf32>,
        %get3A_354 = vector.shape_cast %get3A_353 : vector<1x16xf32> to vector<16xf32>
        %swap3A_355 = arith.index_cast %add3A_347 : i32 to index
        %swap3A_356 = arith.constant 48 : index
        %swap3A_357 = tpu.vector_load %arg8[%swap3A_355, %swap3A_356] {strides = array<i32>} : memref<128x64xf32, #tpu.memory_space<vmem>>, vector<1x16xf32>,
        %swap3A_358 = vector.shape_cast %swap3A_357 : vector<1x16xf32> to vector<16xf32>
        %swap3A_359 = vector.shape_cast %get3A_354 : vector<16xf32> to vector<1x16xf32>
        tpu.vector_store %arg8[%swap3A_355, %swap3A_356], %swap3A_359 {add = true, strides = array<i32>} : memref<128x64xf32, #tpu.memory_space<vmem>>, vector<1x16xf32>,
        %add3A_360 = arith.constant 3 : i32
        %add3A_361 = arith.addi %mul3A_193, %add3A_360 : i32
        %add3A_362 = arith.addi %rem3A_54, %mul3A_193 : i32
        %add3A_363 = arith.constant 3 : i32
        %add3A_364 = arith.addi %add3A_362, %add3A_363 : i32
        %get3A_365 = arith.index_cast %add3A_364 : i32 to index
        %get3A_366 = arith.constant 0 : index
        %get3A_367 = tpu.vector_load %arg7[%get3A_365, %get3A_366] {strides = array<i32>} : memref<400x64xf32, #tpu.memory_space<vmem>>, vector<1x16xf32>,
        %get3A_368 = vector.shape_cast %get3A_367 : vector<1x16xf32> to vector<16xf32>
        %swap3A_369 = arith.index_cast %add3A_361 : i32 to index
        %swap3A_370 = arith.constant 0 : index
        %swap3A_371 = tpu.vector_load %arg8[%swap3A_369, %swap3A_370] {strides = array<i32>} : memref<128x64xf32, #tpu.memory_space<vmem>>, vector<1x16xf32>,
        %swap3A_372 = vector.shape_cast %swap3A_371 : vector<1x16xf32> to vector<16xf32>
        %swap3A_373 = vector.shape_cast %get3A_368 : vector<16xf32> to vector<1x16xf32>
        tpu.vector_store %arg8[%swap3A_369, %swap3A_370], %swap3A_373 {add = true, strides = array<i32>} : memref<128x64xf32, #tpu.memory_space<vmem>>, vector<1x16xf32>,
        %add3A_374 = arith.constant 3 : i32
        %add3A_375 = arith.addi %mul3A_193, %add3A_374 : i32
        %add3A_376 = arith.addi %rem3A_54, %mul3A_193 : i32
        %add3A_377 = arith.constant 3 : i32
        %add3A_378 = arith.addi %add3A_376, %add3A_377 : i32
        %get3A_379 = arith.index_cast %add3A_378 : i32 to index
        %get3A_380 = arith.constant 16 : index
        %get3A_381 = tpu.vector_load %arg7[%get3A_379, %get3A_380] {strides = array<i32>} : memref<400x64xf32, #tpu.memory_space<vmem>>, vector<1x16xf32>,
        %get3A_382 = vector.shape_cast %get3A_381 : vector<1x16xf32> to vector<16xf32>
        %swap3A_383 = arith.index_cast %add3A_375 : i32 to index
        %swap3A_384 = arith.constant 16 : index
        %swap3A_385 = tpu.vector_load %arg8[%swap3A_383, %swap3A_384] {strides = array<i32>} : memref<128x64xf32, #tpu.memory_space<vmem>>, vector<1x16xf32>,
        %swap3A_386 = vector.shape_cast %swap3A_385 : vector<1x16xf32> to vector<16xf32>
        %swap3A_387 = vector.shape_cast %get3A_382 : vector<16xf32> to vector<1x16xf32>
        tpu.vector_store %arg8[%swap3A_383, %swap3A_384], %swap3A_387 {add = true, strides = array<i32>} : memref<128x64xf32, #tpu.memory_space<vmem>>, vector<1x16xf32>,
        %add3A_388 = arith.constant 3 : i32
        %add3A_389 = arith.addi %mul3A_193, %add3A_388 : i32
        %add3A_390 = arith.addi %rem3A_54, %mul3A_193 : i32
        %add3A_391 = arith.constant 3 : i32
        %add3A_392 = arith.addi %add3A_390, %add3A_391 : i32
        %get3A_393 = arith.index_cast %add3A_392 : i32 to index
        %get3A_394 = arith.constant 32 : index
        %get3A_395 = tpu.vector_load %arg7[%get3A_393, %get3A_394] {strides = array<i32>} : memref<400x64xf32, #tpu.memory_space<vmem>>, vector<1x16xf32>,
        %get3A_396 = vector.shape_cast %get3A_395 : vector<1x16xf32> to vector<16xf32>
        %swap3A_397 = arith.index_cast %add3A_389 : i32 to index
        %swap3A_398 = arith.constant 32 : index
        %swap3A_399 = tpu.vector_load %arg8[%swap3A_397, %swap3A_398] {strides = array<i32>} : memref<128x64xf32, #tpu.memory_space<vmem>>, vector<1x16xf32>,
        %swap3A_400 = vector.shape_cast %swap3A_399 : vector<1x16xf32> to vector<16xf32>
        %swap3A_401 = vector.shape_cast %get3A_396 : vector<16xf32> to vector<1x16xf32>
        tpu.vector_store %arg8[%swap3A_397, %swap3A_398], %swap3A_401 {add = true, strides = array<i32>} : memref<128x64xf32, #tpu.memory_space<vmem>>, vector<1x16xf32>,
        %add3A_402 = arith.constant 3 : i32
        %add3A_403 = arith.addi %mul3A_193, %add3A_402 : i32
        %add3A_404 = arith.addi %rem3A_54, %mul3A_193 : i32
        %add3A_405 = arith.constant 3 : i32
        %add3A_406 = arith.addi %add3A_404, %add3A_405 : i32
        %get3A_407 = arith.index_cast %add3A_406 : i32 to index
        %get3A_408 = arith.constant 48 : index
        %get3A_409 = tpu.vector_load %arg7[%get3A_407, %get3A_408] {strides = array<i32>} : memref<400x64xf32, #tpu.memory_space<vmem>>, vector<1x16xf32>,
        %get3A_410 = vector.shape_cast %get3A_409 : vector<1x16xf32> to vector<16xf32>
        %swap3A_411 = arith.index_cast %add3A_403 : i32 to index
        %swap3A_412 = arith.constant 48 : index
        %swap3A_413 = tpu.vector_load %arg8[%swap3A_411, %swap3A_412] {strides = array<i32>} : memref<128x64xf32, #tpu.memory_space<vmem>>, vector<1x16xf32>,
        %swap3A_414 = vector.shape_cast %swap3A_413 : vector<1x16xf32> to vector<16xf32>
        %swap3A_415 = vector.shape_cast %get3A_410 : vector<16xf32> to vector<1x16xf32>
        tpu.vector_store %arg8[%swap3A_411, %swap3A_412], %swap3A_415 {add = true, strides = array<i32>} : memref<128x64xf32, #tpu.memory_space<vmem>>, vector<1x16xf32>,
        %add3A_416 = arith.constant 4 : i32
        %add3A_417 = arith.addi %mul3A_193, %add3A_416 : i32
        %add3A_418 = arith.addi %rem3A_54, %mul3A_193 : i32
        %add3A_419 = arith.constant 4 : i32
        %add3A_420 = arith.addi %add3A_418, %add3A_419 : i32
        %get3A_421 = arith.index_cast %add3A_420 : i32 to index
        %get3A_422 = arith.constant 0 : index
        %get3A_423 = tpu.vector_load %arg7[%get3A_421, %get3A_422] {strides = array<i32>} : memref<400x64xf32, #tpu.memory_space<vmem>>, vector<1x16xf32>,
        %get3A_424 = vector.shape_cast %get3A_423 : vector<1x16xf32> to vector<16xf32>
        %swap3A_425 = arith.index_cast %add3A_417 : i32 to index
        %swap3A_426 = arith.constant 0 : index
        %swap3A_427 = tpu.vector_load %arg8[%swap3A_425, %swap3A_426] {strides = array<i32>} : memref<128x64xf32, #tpu.memory_space<vmem>>, vector<1x16xf32>,
        %swap3A_428 = vector.shape_cast %swap3A_427 : vector<1x16xf32> to vector<16xf32>
        %swap3A_429 = vector.shape_cast %get3A_424 : vector<16xf32> to vector<1x16xf32>
        tpu.vector_store %arg8[%swap3A_425, %swap3A_426], %swap3A_429 {add = true, strides = array<i32>} : memref<128x64xf32, #tpu.memory_space<vmem>>, vector<1x16xf32>,
        %add3A_430 = arith.constant 4 : i32
        %add3A_431 = arith.addi %mul3A_193, %add3A_430 : i32
        %add3A_432 = arith.addi %rem3A_54, %mul3A_193 : i32
        %add3A_433 = arith.constant 4 : i32
        %add3A_434 = arith.addi %add3A_432, %add3A_433 : i32
        %get3A_435 = arith.index_cast %add3A_434 : i32 to index
        %get3A_436 = arith.constant 16 : index
        %get3A_437 = tpu.vector_load %arg7[%get3A_435, %get3A_436] {strides = array<i32>} : memref<400x64xf32, #tpu.memory_space<vmem>>, vector<1x16xf32>,
        %get3A_438 = vector.shape_cast %get3A_437 : vector<1x16xf32> to vector<16xf32>
        %swap3A_439 = arith.index_cast %add3A_431 : i32 to index
        %swap3A_440 = arith.constant 16 : index
        %swap3A_441 = tpu.vector_load %arg8[%swap3A_439, %swap3A_440] {strides = array<i32>} : memref<128x64xf32, #tpu.memory_space<vmem>>, vector<1x16xf32>,
        %swap3A_442 = vector.shape_cast %swap3A_441 : vector<1x16xf32> to vector<16xf32>
        %swap3A_443 = vector.shape_cast %get3A_438 : vector<16xf32> to vector<1x16xf32>
        tpu.vector_store %arg8[%swap3A_439, %swap3A_440], %swap3A_443 {add = true, strides = array<i32>} : memref<128x64xf32, #tpu.memory_space<vmem>>, vector<1x16xf32>,
        %add3A_444 = arith.constant 4 : i32
        %add3A_445 = arith.addi %mul3A_193, %add3A_444 : i32
        %add3A_446 = arith.addi %rem3A_54, %mul3A_193 : i32
        %add3A_447 = arith.constant 4 : i32
        %add3A_448 = arith.addi %add3A_446, %add3A_447 : i32
        %get3A_449 = arith.index_cast %add3A_448 : i32 to index
        %get3A_450 = arith.constant 32 : index
        %get3A_451 = tpu.vector_load %arg7[%get3A_449, %get3A_450] {strides = array<i32>} : memref<400x64xf32, #tpu.memory_space<vmem>>, vector<1x16xf32>,
        %get3A_452 = vector.shape_cast %get3A_451 : vector<1x16xf32> to vector<16xf32>
        %swap3A_453 = arith.index_cast %add3A_445 : i32 to index
        %swap3A_454 = arith.constant 32 : index
        %swap3A_455 = tpu.vector_load %arg8[%swap3A_453, %swap3A_454] {strides = array<i32>} : memref<128x64xf32, #tpu.memory_space<vmem>>, vector<1x16xf32>,
        %swap3A_456 = vector.shape_cast %swap3A_455 : vector<1x16xf32> to vector<16xf32>
        %swap3A_457 = vector.shape_cast %get3A_452 : vector<16xf32> to vector<1x16xf32>
        tpu.vector_store %arg8[%swap3A_453, %swap3A_454], %swap3A_457 {add = true, strides = array<i32>} : memref<128x64xf32, #tpu.memory_space<vmem>>, vector<1x16xf32>,
        %add3A_458 = arith.constant 4 : i32
        %add3A_459 = arith.addi %mul3A_193, %add3A_458 : i32
        %add3A_460 = arith.addi %rem3A_54, %mul3A_193 : i32
        %add3A_461 = arith.constant 4 : i32
        %add3A_462 = arith.addi %add3A_460, %add3A_461 : i32
        %get3A_463 = arith.index_cast %add3A_462 : i32 to index
        %get3A_464 = arith.constant 48 : index
        %get3A_465 = tpu.vector_load %arg7[%get3A_463, %get3A_464] {strides = array<i32>} : memref<400x64xf32, #tpu.memory_space<vmem>>, vector<1x16xf32>,
        %get3A_466 = vector.shape_cast %get3A_465 : vector<1x16xf32> to vector<16xf32>
        %swap3A_467 = arith.index_cast %add3A_459 : i32 to index
        %swap3A_468 = arith.constant 48 : index
        %swap3A_469 = tpu.vector_load %arg8[%swap3A_467, %swap3A_468] {strides = array<i32>} : memref<128x64xf32, #tpu.memory_space<vmem>>, vector<1x16xf32>,
        %swap3A_470 = vector.shape_cast %swap3A_469 : vector<1x16xf32> to vector<16xf32>
        %swap3A_471 = vector.shape_cast %get3A_466 : vector<16xf32> to vector<1x16xf32>
        tpu.vector_store %arg8[%swap3A_467, %swap3A_468], %swap3A_471 {add = true, strides = array<i32>} : memref<128x64xf32, #tpu.memory_space<vmem>>, vector<1x16xf32>,
        %add3A_472 = arith.constant 5 : i32
        %add3A_473 = arith.addi %mul3A_193, %add3A_472 : i32
        %add3A_474 = arith.addi %rem3A_54, %mul3A_193 : i32
        %add3A_475 = arith.constant 5 : i32
        %add3A_476 = arith.addi %add3A_474, %add3A_475 : i32
        %get3A_477 = arith.index_cast %add3A_476 : i32 to index
        %get3A_478 = arith.constant 0 : index
        %get3A_479 = tpu.vector_load %arg7[%get3A_477, %get3A_478] {strides = array<i32>} : memref<400x64xf32, #tpu.memory_space<vmem>>, vector<1x16xf32>,
        %get3A_480 = vector.shape_cast %get3A_479 : vector<1x16xf32> to vector<16xf32>
        %swap3A_481 = arith.index_cast %add3A_473 : i32 to index
        %swap3A_482 = arith.constant 0 : index
        %swap3A_483 = tpu.vector_load %arg8[%swap3A_481, %swap3A_482] {strides = array<i32>} : memref<128x64xf32, #tpu.memory_space<vmem>>, vector<1x16xf32>,
        %swap3A_484 = vector.shape_cast %swap3A_483 : vector<1x16xf32> to vector<16xf32>
        %swap3A_485 = vector.shape_cast %get3A_480 : vector<16xf32> to vector<1x16xf32>
        tpu.vector_store %arg8[%swap3A_481, %swap3A_482], %swap3A_485 {add = true, strides = array<i32>} : memref<128x64xf32, #tpu.memory_space<vmem>>, vector<1x16xf32>,
        %add3A_486 = arith.constant 5 : i32
        %add3A_487 = arith.addi %mul3A_193, %add3A_486 : i32
        %add3A_488 = arith.addi %rem3A_54, %mul3A_193 : i32
        %add3A_489 = arith.constant 5 : i32
        %add3A_490 = arith.addi %add3A_488, %add3A_489 : i32
        %get3A_491 = arith.index_cast %add3A_490 : i32 to index
        %get3A_492 = arith.constant 16 : index
        %get3A_493 = tpu.vector_load %arg7[%get3A_491, %get3A_492] {strides = array<i32>} : memref<400x64xf32, #tpu.memory_space<vmem>>, vector<1x16xf32>,
        %get3A_494 = vector.shape_cast %get3A_493 : vector<1x16xf32> to vector<16xf32>
        %swap3A_495 = arith.index_cast %add3A_487 : i32 to index
        %swap3A_496 = arith.constant 16 : index
        %swap3A_497 = tpu.vector_load %arg8[%swap3A_495, %swap3A_496] {strides = array<i32>} : memref<128x64xf32, #tpu.memory_space<vmem>>, vector<1x16xf32>,
        %swap3A_498 = vector.shape_cast %swap3A_497 : vector<1x16xf32> to vector<16xf32>
        %swap3A_499 = vector.shape_cast %get3A_494 : vector<16xf32> to vector<1x16xf32>
        tpu.vector_store %arg8[%swap3A_495, %swap3A_496], %swap3A_499 {add = true, strides = array<i32>} : memref<128x64xf32, #tpu.memory_space<vmem>>, vector<1x16xf32>,
        %add3A_500 = arith.constant 5 : i32
        %add3A_501 = arith.addi %mul3A_193, %add3A_500 : i32
        %add3A_502 = arith.addi %rem3A_54, %mul3A_193 : i32
        %add3A_503 = arith.constant 5 : i32
        %add3A_504 = arith.addi %add3A_502, %add3A_503 : i32
        %get3A_505 = arith.index_cast %add3A_504 : i32 to index
        %get3A_506 = arith.constant 32 : index
        %get3A_507 = tpu.vector_load %arg7[%get3A_505, %get3A_506] {strides = array<i32>} : memref<400x64xf32, #tpu.memory_space<vmem>>, vector<1x16xf32>,
        %get3A_508 = vector.shape_cast %get3A_507 : vector<1x16xf32> to vector<16xf32>
        %swap3A_509 = arith.index_cast %add3A_501 : i32 to index
        %swap3A_510 = arith.constant 32 : index
        %swap3A_511 = tpu.vector_load %arg8[%swap3A_509, %swap3A_510] {strides = array<i32>} : memref<128x64xf32, #tpu.memory_space<vmem>>, vector<1x16xf32>,
        %swap3A_512 = vector.shape_cast %swap3A_511 : vector<1x16xf32> to vector<16xf32>
        %swap3A_513 = vector.shape_cast %get3A_508 : vector<16xf32> to vector<1x16xf32>
        tpu.vector_store %arg8[%swap3A_509, %swap3A_510], %swap3A_513 {add = true, strides = array<i32>} : memref<128x64xf32, #tpu.memory_space<vmem>>, vector<1x16xf32>,
        %add3A_514 = arith.constant 5 : i32
        %add3A_515 = arith.addi %mul3A_193, %add3A_514 : i32
        %add3A_516 = arith.addi %rem3A_54, %mul3A_193 : i32
        %add3A_517 = arith.constant 5 : i32
        %add3A_518 = arith.addi %add3A_516, %add3A_517 : i32
        %get3A_519 = arith.index_cast %add3A_518 : i32 to index
        %get3A_520 = arith.constant 48 : index
        %get3A_521 = tpu.vector_load %arg7[%get3A_519, %get3A_520] {strides = array<i32>} : memref<400x64xf32, #tpu.memory_space<vmem>>, vector<1x16xf32>,
        %get3A_522 = vector.shape_cast %get3A_521 : vector<1x16xf32> to vector<16xf32>
        %swap3A_523 = arith.index_cast %add3A_515 : i32 to index
        %swap3A_524 = arith.constant 48 : index
        %swap3A_525 = tpu.vector_load %arg8[%swap3A_523, %swap3A_524] {strides = array<i32>} : memref<128x64xf32, #tpu.memory_space<vmem>>, vector<1x16xf32>,
        %swap3A_526 = vector.shape_cast %swap3A_525 : vector<1x16xf32> to vector<16xf32>
        %swap3A_527 = vector.shape_cast %get3A_522 : vector<16xf32> to vector<1x16xf32>
        tpu.vector_store %arg8[%swap3A_523, %swap3A_524], %swap3A_527 {add = true, strides = array<i32>} : memref<128x64xf32, #tpu.memory_space<vmem>>, vector<1x16xf32>,
        %add3A_528 = arith.constant 6 : i32
        %add3A_529 = arith.addi %mul3A_193, %add3A_528 : i32
        %add3A_530 = arith.addi %rem3A_54, %mul3A_193 : i32
        %add3A_531 = arith.constant 6 : i32
        %add3A_532 = arith.addi %add3A_530, %add3A_531 : i32
        %get3A_533 = arith.index_cast %add3A_532 : i32 to index
        %get3A_534 = arith.constant 0 : index
        %get3A_535 = tpu.vector_load %arg7[%get3A_533, %get3A_534] {strides = array<i32>} : memref<400x64xf32, #tpu.memory_space<vmem>>, vector<1x16xf32>,
        %get3A_536 = vector.shape_cast %get3A_535 : vector<1x16xf32> to vector<16xf32>
        %swap3A_537 = arith.index_cast %add3A_529 : i32 to index
        %swap3A_538 = arith.constant 0 : index
        %swap3A_539 = tpu.vector_load %arg8[%swap3A_537, %swap3A_538] {strides = array<i32>} : memref<128x64xf32, #tpu.memory_space<vmem>>, vector<1x16xf32>,
        %swap3A_540 = vector.shape_cast %swap3A_539 : vector<1x16xf32> to vector<16xf32>
        %swap3A_541 = vector.shape_cast %get3A_536 : vector<16xf32> to vector<1x16xf32>
        tpu.vector_store %arg8[%swap3A_537, %swap3A_538], %swap3A_541 {add = true, strides = array<i32>} : memref<128x64xf32, #tpu.memory_space<vmem>>, vector<1x16xf32>,
        %add3A_542 = arith.constant 6 : i32
        %add3A_543 = arith.addi %mul3A_193, %add3A_542 : i32
        %add3A_544 = arith.addi %rem3A_54, %mul3A_193 : i32
        %add3A_545 = arith.constant 6 : i32
        %add3A_546 = arith.addi %add3A_544, %add3A_545 : i32
        %get3A_547 = arith.index_cast %add3A_546 : i32 to index
        %get3A_548 = arith.constant 16 : index
        %get3A_549 = tpu.vector_load %arg7[%get3A_547, %get3A_548] {strides = array<i32>} : memref<400x64xf32, #tpu.memory_space<vmem>>, vector<1x16xf32>,
        %get3A_550 = vector.shape_cast %get3A_549 : vector<1x16xf32> to vector<16xf32>
        %swap3A_551 = arith.index_cast %add3A_543 : i32 to index
        %swap3A_552 = arith.constant 16 : index
        %swap3A_553 = tpu.vector_load %arg8[%swap3A_551, %swap3A_552] {strides = array<i32>} : memref<128x64xf32, #tpu.memory_space<vmem>>, vector<1x16xf32>,
        %swap3A_554 = vector.shape_cast %swap3A_553 : vector<1x16xf32> to vector<16xf32>
        %swap3A_555 = vector.shape_cast %get3A_550 : vector<16xf32> to vector<1x16xf32>
        tpu.vector_store %arg8[%swap3A_551, %swap3A_552], %swap3A_555 {add = true, strides = array<i32>} : memref<128x64xf32, #tpu.memory_space<vmem>>, vector<1x16xf32>,
        %add3A_556 = arith.constant 6 : i32
        %add3A_557 = arith.addi %mul3A_193, %add3A_556 : i32
        %add3A_558 = arith.addi %rem3A_54, %mul3A_193 : i32
        %add3A_559 = arith.constant 6 : i32
        %add3A_560 = arith.addi %add3A_558, %add3A_559 : i32
        %get3A_561 = arith.index_cast %add3A_560 : i32 to index
        %get3A_562 = arith.constant 32 : index
        %get3A_563 = tpu.vector_load %arg7[%get3A_561, %get3A_562] {strides = array<i32>} : memref<400x64xf32, #tpu.memory_space<vmem>>, vector<1x16xf32>,
        %get3A_564 = vector.shape_cast %get3A_563 : vector<1x16xf32> to vector<16xf32>
        %swap3A_565 = arith.index_cast %add3A_557 : i32 to index
        %swap3A_566 = arith.constant 32 : index
        %swap3A_567 = tpu.vector_load %arg8[%swap3A_565, %swap3A_566] {strides = array<i32>} : memref<128x64xf32, #tpu.memory_space<vmem>>, vector<1x16xf32>,
        %swap3A_568 = vector.shape_cast %swap3A_567 : vector<1x16xf32> to vector<16xf32>
        %swap3A_569 = vector.shape_cast %get3A_564 : vector<16xf32> to vector<1x16xf32>
        tpu.vector_store %arg8[%swap3A_565, %swap3A_566], %swap3A_569 {add = true, strides = array<i32>} : memref<128x64xf32, #tpu.memory_space<vmem>>, vector<1x16xf32>,
        %add3A_570 = arith.constant 6 : i32
        %add3A_571 = arith.addi %mul3A_193, %add3A_570 : i32
        %add3A_572 = arith.addi %rem3A_54, %mul3A_193 : i32
        %add3A_573 = arith.constant 6 : i32
        %add3A_574 = arith.addi %add3A_572, %add3A_573 : i32
        %get3A_575 = arith.index_cast %add3A_574 : i32 to index
        %get3A_576 = arith.constant 48 : index
        %get3A_577 = tpu.vector_load %arg7[%get3A_575, %get3A_576] {strides = array<i32>} : memref<400x64xf32, #tpu.memory_space<vmem>>, vector<1x16xf32>,
        %get3A_578 = vector.shape_cast %get3A_577 : vector<1x16xf32> to vector<16xf32>
        %swap3A_579 = arith.index_cast %add3A_571 : i32 to index
        %swap3A_580 = arith.constant 48 : index
        %swap3A_581 = tpu.vector_load %arg8[%swap3A_579, %swap3A_580] {strides = array<i32>} : memref<128x64xf32, #tpu.memory_space<vmem>>, vector<1x16xf32>,
        %swap3A_582 = vector.shape_cast %swap3A_581 : vector<1x16xf32> to vector<16xf32>
        %swap3A_583 = vector.shape_cast %get3A_578 : vector<16xf32> to vector<1x16xf32>
        tpu.vector_store %arg8[%swap3A_579, %swap3A_580], %swap3A_583 {add = true, strides = array<i32>} : memref<128x64xf32, #tpu.memory_space<vmem>>, vector<1x16xf32>,
        %add3A_584 = arith.constant 7 : i32
        %add3A_585 = arith.addi %mul3A_193, %add3A_584 : i32
        %add3A_586 = arith.addi %rem3A_54, %mul3A_193 : i32
        %add3A_587 = arith.constant 7 : i32
        %add3A_588 = arith.addi %add3A_586, %add3A_587 : i32
        %get3A_589 = arith.index_cast %add3A_588 : i32 to index
        %get3A_590 = arith.constant 0 : index
        %get3A_591 = tpu.vector_load %arg7[%get3A_589, %get3A_590] {strides = array<i32>} : memref<400x64xf32, #tpu.memory_space<vmem>>, vector<1x16xf32>,
        %get3A_592 = vector.shape_cast %get3A_591 : vector<1x16xf32> to vector<16xf32>
        %swap3A_593 = arith.index_cast %add3A_585 : i32 to index
        %swap3A_594 = arith.constant 0 : index
        %swap3A_595 = tpu.vector_load %arg8[%swap3A_593, %swap3A_594] {strides = array<i32>} : memref<128x64xf32, #tpu.memory_space<vmem>>, vector<1x16xf32>,
        %swap3A_596 = vector.shape_cast %swap3A_595 : vector<1x16xf32> to vector<16xf32>
        %swap3A_597 = vector.shape_cast %get3A_592 : vector<16xf32> to vector<1x16xf32>
        tpu.vector_store %arg8[%swap3A_593, %swap3A_594], %swap3A_597 {add = true, strides = array<i32>} : memref<128x64xf32, #tpu.memory_space<vmem>>, vector<1x16xf32>,
        %add3A_598 = arith.constant 7 : i32
        %add3A_599 = arith.addi %mul3A_193, %add3A_598 : i32
        %add3A_600 = arith.addi %rem3A_54, %mul3A_193 : i32
        %add3A_601 = arith.constant 7 : i32
        %add3A_602 = arith.addi %add3A_600, %add3A_601 : i32
        %get3A_603 = arith.index_cast %add3A_602 : i32 to index
        %get3A_604 = arith.constant 16 : index
        %get3A_605 = tpu.vector_load %arg7[%get3A_603, %get3A_604] {strides = array<i32>} : memref<400x64xf32, #tpu.memory_space<vmem>>, vector<1x16xf32>,
        %get3A_606 = vector.shape_cast %get3A_605 : vector<1x16xf32> to vector<16xf32>
        %swap3A_607 = arith.index_cast %add3A_599 : i32 to index
        %swap3A_608 = arith.constant 16 : index
        %swap3A_609 = tpu.vector_load %arg8[%swap3A_607, %swap3A_608] {strides = array<i32>} : memref<128x64xf32, #tpu.memory_space<vmem>>, vector<1x16xf32>,
        %swap3A_610 = vector.shape_cast %swap3A_609 : vector<1x16xf32> to vector<16xf32>
        %swap3A_611 = vector.shape_cast %get3A_606 : vector<16xf32> to vector<1x16xf32>
        tpu.vector_store %arg8[%swap3A_607, %swap3A_608], %swap3A_611 {add = true, strides = array<i32>} : memref<128x64xf32, #tpu.memory_space<vmem>>, vector<1x16xf32>,
        %add3A_612 = arith.constant 7 : i32
        %add3A_613 = arith.addi %mul3A_193, %add3A_612 : i32
        %add3A_614 = arith.addi %rem3A_54, %mul3A_193 : i32
        %add3A_615 = arith.constant 7 : i32
        %add3A_616 = arith.addi %add3A_614, %add3A_615 : i32
        %get3A_617 = arith.index_cast %add3A_616 : i32 to index
        %get3A_618 = arith.constant 32 : index
        %get3A_619 = tpu.vector_load %arg7[%get3A_617, %get3A_618] {strides = array<i32>} : memref<400x64xf32, #tpu.memory_space<vmem>>, vector<1x16xf32>,
        %get3A_620 = vector.shape_cast %get3A_619 : vector<1x16xf32> to vector<16xf32>
        %swap3A_621 = arith.index_cast %add3A_613 : i32 to index
        %swap3A_622 = arith.constant 32 : index
        %swap3A_623 = tpu.vector_load %arg8[%swap3A_621, %swap3A_622] {strides = array<i32>} : memref<128x64xf32, #tpu.memory_space<vmem>>, vector<1x16xf32>,
        %swap3A_624 = vector.shape_cast %swap3A_623 : vector<1x16xf32> to vector<16xf32>
        %swap3A_625 = vector.shape_cast %get3A_620 : vector<16xf32> to vector<1x16xf32>
        tpu.vector_store %arg8[%swap3A_621, %swap3A_622], %swap3A_625 {add = true, strides = array<i32>} : memref<128x64xf32, #tpu.memory_space<vmem>>, vector<1x16xf32>,
        %add3A_626 = arith.constant 7 : i32
        %add3A_627 = arith.addi %mul3A_193, %add3A_626 : i32
        %add3A_628 = arith.addi %rem3A_54, %mul3A_193 : i32
        %add3A_629 = arith.constant 7 : i32
        %add3A_630 = arith.addi %add3A_628, %add3A_629 : i32
        %get3A_631 = arith.index_cast %add3A_630 : i32 to index
        %get3A_632 = arith.constant 48 : index
        %get3A_633 = tpu.vector_load %arg7[%get3A_631, %get3A_632] {strides = array<i32>} : memref<400x64xf32, #tpu.memory_space<vmem>>, vector<1x16xf32>,
        %get3A_634 = vector.shape_cast %get3A_633 : vector<1x16xf32> to vector<16xf32>
        %swap3A_635 = arith.index_cast %add3A_627 : i32 to index
        %swap3A_636 = arith.constant 48 : index
        %swap3A_637 = tpu.vector_load %arg8[%swap3A_635, %swap3A_636] {strides = array<i32>} : memref<128x64xf32, #tpu.memory_space<vmem>>, vector<1x16xf32>,
        %swap3A_638 = vector.shape_cast %swap3A_637 : vector<1x16xf32> to vector<16xf32>
        %swap3A_639 = vector.shape_cast %get3A_634 : vector<16xf32> to vector<1x16xf32>
        tpu.vector_store %arg8[%swap3A_635, %swap3A_636], %swap3A_639 {add = true, strides = array<i32>} : memref<128x64xf32, #tpu.memory_space<vmem>>, vector<1x16xf32>,
        %add3A_640 = arith.constant 8 : i32
        %add3A_641 = arith.addi %mul3A_193, %add3A_640 : i32
        %add3A_642 = arith.addi %rem3A_54, %mul3A_193 : i32
        %add3A_643 = arith.constant 8 : i32
        %add3A_644 = arith.addi %add3A_642, %add3A_643 : i32
        %get3A_645 = arith.index_cast %add3A_644 : i32 to index
        %get3A_646 = arith.constant 0 : index
        %get3A_647 = tpu.vector_load %arg7[%get3A_645, %get3A_646] {strides = array<i32>} : memref<400x64xf32, #tpu.memory_space<vmem>>, vector<1x16xf32>,
        %get3A_648 = vector.shape_cast %get3A_647 : vector<1x16xf32> to vector<16xf32>
        %swap3A_649 = arith.index_cast %add3A_641 : i32 to index
        %swap3A_650 = arith.constant 0 : index
        %swap3A_651 = tpu.vector_load %arg8[%swap3A_649, %swap3A_650] {strides = array<i32>} : memref<128x64xf32, #tpu.memory_space<vmem>>, vector<1x16xf32>,
        %swap3A_652 = vector.shape_cast %swap3A_651 : vector<1x16xf32> to vector<16xf32>
        %swap3A_653 = vector.shape_cast %get3A_648 : vector<16xf32> to vector<1x16xf32>
        tpu.vector_store %arg8[%swap3A_649, %swap3A_650], %swap3A_653 {add = true, strides = array<i32>} : memref<128x64xf32, #tpu.memory_space<vmem>>, vector<1x16xf32>,
        %add3A_654 = arith.constant 8 : i32
        %add3A_655 = arith.addi %mul3A_193, %add3A_654 : i32
        %add3A_656 = arith.addi %rem3A_54, %mul3A_193 : i32
        %add3A_657 = arith.constant 8 : i32
        %add3A_658 = arith.addi %add3A_656, %add3A_657 : i32
        %get3A_659 = arith.index_cast %add3A_658 : i32 to index
        %get3A_660 = arith.constant 16 : index
        %get3A_661 = tpu.vector_load %arg7[%get3A_659, %get3A_660] {strides = array<i32>} : memref<400x64xf32, #tpu.memory_space<vmem>>, vector<1x16xf32>,
        %get3A_662 = vector.shape_cast %get3A_661 : vector<1x16xf32> to vector<16xf32>
        %swap3A_663 = arith.index_cast %add3A_655 : i32 to index
        %swap3A_664 = arith.constant 16 : index
        %swap3A_665 = tpu.vector_load %arg8[%swap3A_663, %swap3A_664] {strides = array<i32>} : memref<128x64xf32, #tpu.memory_space<vmem>>, vector<1x16xf32>,
        %swap3A_666 = vector.shape_cast %swap3A_665 : vector<1x16xf32> to vector<16xf32>
        %swap3A_667 = vector.shape_cast %get3A_662 : vector<16xf32> to vector<1x16xf32>
        tpu.vector_store %arg8[%swap3A_663, %swap3A_664], %swap3A_667 {add = true, strides = array<i32>} : memref<128x64xf32, #tpu.memory_space<vmem>>, vector<1x16xf32>,
        %add3A_668 = arith.constant 8 : i32
        %add3A_669 = arith.addi %mul3A_193, %add3A_668 : i32
        %add3A_670 = arith.addi %rem3A_54, %mul3A_193 : i32
        %add3A_671 = arith.constant 8 : i32
        %add3A_672 = arith.addi %add3A_670, %add3A_671 : i32
        %get3A_673 = arith.index_cast %add3A_672 : i32 to index
        %get3A_674 = arith.constant 32 : index
        %get3A_675 = tpu.vector_load %arg7[%get3A_673, %get3A_674] {strides = array<i32>} : memref<400x64xf32, #tpu.memory_space<vmem>>, vector<1x16xf32>,
        %get3A_676 = vector.shape_cast %get3A_675 : vector<1x16xf32> to vector<16xf32>
        %swap3A_677 = arith.index_cast %add3A_669 : i32 to index
        %swap3A_678 = arith.constant 32 : index
        %swap3A_679 = tpu.vector_load %arg8[%swap3A_677, %swap3A_678] {strides = array<i32>} : memref<128x64xf32, #tpu.memory_space<vmem>>, vector<1x16xf32>,
        %swap3A_680 = vector.shape_cast %swap3A_679 : vector<1x16xf32> to vector<16xf32>
        %swap3A_681 = vector.shape_cast %get3A_676 : vector<16xf32> to vector<1x16xf32>
        tpu.vector_store %arg8[%swap3A_677, %swap3A_678], %swap3A_681 {add = true, strides = array<i32>} : memref<128x64xf32, #tpu.memory_space<vmem>>, vector<1x16xf32>,
        %add3A_682 = arith.constant 8 : i32
        %add3A_683 = arith.addi %mul3A_193, %add3A_682 : i32
        %add3A_684 = arith.addi %rem3A_54, %mul3A_193 : i32
        %add3A_685 = arith.constant 8 : i32
        %add3A_686 = arith.addi %add3A_684, %add3A_685 : i32
        %get3A_687 = arith.index_cast %add3A_686 : i32 to index
        %get3A_688 = arith.constant 48 : index
        %get3A_689 = tpu.vector_load %arg7[%get3A_687, %get3A_688] {strides = array<i32>} : memref<400x64xf32, #tpu.memory_space<vmem>>, vector<1x16xf32>,
        %get3A_690 = vector.shape_cast %get3A_689 : vector<1x16xf32> to vector<16xf32>
        %swap3A_691 = arith.index_cast %add3A_683 : i32 to index
        %swap3A_692 = arith.constant 48 : index
        %swap3A_693 = tpu.vector_load %arg8[%swap3A_691, %swap3A_692] {strides = array<i32>} : memref<128x64xf32, #tpu.memory_space<vmem>>, vector<1x16xf32>,
        %swap3A_694 = vector.shape_cast %swap3A_693 : vector<1x16xf32> to vector<16xf32>
        %swap3A_695 = vector.shape_cast %get3A_690 : vector<16xf32> to vector<1x16xf32>
        tpu.vector_store %arg8[%swap3A_691, %swap3A_692], %swap3A_695 {add = true, strides = array<i32>} : memref<128x64xf32, #tpu.memory_space<vmem>>, vector<1x16xf32>,
        %add3A_696 = arith.constant 9 : i32
        %add3A_697 = arith.addi %mul3A_193, %add3A_696 : i32
        %add3A_698 = arith.addi %rem3A_54, %mul3A_193 : i32
        %add3A_699 = arith.constant 9 : i32
        %add3A_700 = arith.addi %add3A_698, %add3A_699 : i32
        %get3A_701 = arith.index_cast %add3A_700 : i32 to index
        %get3A_702 = arith.constant 0 : index
        %get3A_703 = tpu.vector_load %arg7[%get3A_701, %get3A_702] {strides = array<i32>} : memref<400x64xf32, #tpu.memory_space<vmem>>, vector<1x16xf32>,
        %get3A_704 = vector.shape_cast %get3A_703 : vector<1x16xf32> to vector<16xf32>
        %swap3A_705 = arith.index_cast %add3A_697 : i32 to index
        %swap3A_706 = arith.constant 0 : index
        %swap3A_707 = tpu.vector_load %arg8[%swap3A_705, %swap3A_706] {strides = array<i32>} : memref<128x64xf32, #tpu.memory_space<vmem>>, vector<1x16xf32>,
        %swap3A_708 = vector.shape_cast %swap3A_707 : vector<1x16xf32> to vector<16xf32>
        %swap3A_709 = vector.shape_cast %get3A_704 : vector<16xf32> to vector<1x16xf32>
        tpu.vector_store %arg8[%swap3A_705, %swap3A_706], %swap3A_709 {add = true, strides = array<i32>} : memref<128x64xf32, #tpu.memory_space<vmem>>, vector<1x16xf32>,
        %add3A_710 = arith.constant 9 : i32
        %add3A_711 = arith.addi %mul3A_193, %add3A_710 : i32
        %add3A_712 = arith.addi %rem3A_54, %mul3A_193 : i32
        %add3A_713 = arith.constant 9 : i32
        %add3A_714 = arith.addi %add3A_712, %add3A_713 : i32
        %get3A_715 = arith.index_cast %add3A_714 : i32 to index
        %get3A_716 = arith.constant 16 : index
        %get3A_717 = tpu.vector_load %arg7[%get3A_715, %get3A_716] {strides = array<i32>} : memref<400x64xf32, #tpu.memory_space<vmem>>, vector<1x16xf32>,
        %get3A_718 = vector.shape_cast %get3A_717 : vector<1x16xf32> to vector<16xf32>
        %swap3A_719 = arith.index_cast %add3A_711 : i32 to index
        %swap3A_720 = arith.constant 16 : index
        %swap3A_721 = tpu.vector_load %arg8[%swap3A_719, %swap3A_720] {strides = array<i32>} : memref<128x64xf32, #tpu.memory_space<vmem>>, vector<1x16xf32>,
        %swap3A_722 = vector.shape_cast %swap3A_721 : vector<1x16xf32> to vector<16xf32>
        %swap3A_723 = vector.shape_cast %get3A_718 : vector<16xf32> to vector<1x16xf32>
        tpu.vector_store %arg8[%swap3A_719, %swap3A_720], %swap3A_723 {add = true, strides = array<i32>} : memref<128x64xf32, #tpu.memory_space<vmem>>, vector<1x16xf32>,
        %add3A_724 = arith.constant 9 : i32
        %add3A_725 = arith.addi %mul3A_193, %add3A_724 : i32
        %add3A_726 = arith.addi %rem3A_54, %mul3A_193 : i32
        %add3A_727 = arith.constant 9 : i32
        %add3A_728 = arith.addi %add3A_726, %add3A_727 : i32
        %get3A_729 = arith.index_cast %add3A_728 : i32 to index
        %get3A_730 = arith.constant 32 : index
        %get3A_731 = tpu.vector_load %arg7[%get3A_729, %get3A_730] {strides = array<i32>} : memref<400x64xf32, #tpu.memory_space<vmem>>, vector<1x16xf32>,
        %get3A_732 = vector.shape_cast %get3A_731 : vector<1x16xf32> to vector<16xf32>
        %swap3A_733 = arith.index_cast %add3A_725 : i32 to index
        %swap3A_734 = arith.constant 32 : index
        %swap3A_735 = tpu.vector_load %arg8[%swap3A_733, %swap3A_734] {strides = array<i32>} : memref<128x64xf32, #tpu.memory_space<vmem>>, vector<1x16xf32>,
        %swap3A_736 = vector.shape_cast %swap3A_735 : vector<1x16xf32> to vector<16xf32>
        %swap3A_737 = vector.shape_cast %get3A_732 : vector<16xf32> to vector<1x16xf32>
        tpu.vector_store %arg8[%swap3A_733, %swap3A_734], %swap3A_737 {add = true, strides = array<i32>} : memref<128x64xf32, #tpu.memory_space<vmem>>, vector<1x16xf32>,
        %add3A_738 = arith.constant 9 : i32
        %add3A_739 = arith.addi %mul3A_193, %add3A_738 : i32
        %add3A_740 = arith.addi %rem3A_54, %mul3A_193 : i32
        %add3A_741 = arith.constant 9 : i32
        %add3A_742 = arith.addi %add3A_740, %add3A_741 : i32
        %get3A_743 = arith.index_cast %add3A_742 : i32 to index
        %get3A_744 = arith.constant 48 : index
        %get3A_745 = tpu.vector_load %arg7[%get3A_743, %get3A_744] {strides = array<i32>} : memref<400x64xf32, #tpu.memory_space<vmem>>, vector<1x16xf32>,
        %get3A_746 = vector.shape_cast %get3A_745 : vector<1x16xf32> to vector<16xf32>
        %swap3A_747 = arith.index_cast %add3A_739 : i32 to index
        %swap3A_748 = arith.constant 48 : index
        %swap3A_749 = tpu.vector_load %arg8[%swap3A_747, %swap3A_748] {strides = array<i32>} : memref<128x64xf32, #tpu.memory_space<vmem>>, vector<1x16xf32>,
        %swap3A_750 = vector.shape_cast %swap3A_749 : vector<1x16xf32> to vector<16xf32>
        %swap3A_751 = vector.shape_cast %get3A_746 : vector<16xf32> to vector<1x16xf32>
        tpu.vector_store %arg8[%swap3A_747, %swap3A_748], %swap3A_751 {add = true, strides = array<i32>} : memref<128x64xf32, #tpu.memory_space<vmem>>, vector<1x16xf32>,
        %add3A_752 = arith.constant 10 : i32
        %add3A_753 = arith.addi %mul3A_193, %add3A_752 : i32
        %add3A_754 = arith.addi %rem3A_54, %mul3A_193 : i32
        %add3A_755 = arith.constant 10 : i32
        %add3A_756 = arith.addi %add3A_754, %add3A_755 : i32
        %get3A_757 = arith.index_cast %add3A_756 : i32 to index
        %get3A_758 = arith.constant 0 : index
        %get3A_759 = tpu.vector_load %arg7[%get3A_757, %get3A_758] {strides = array<i32>} : memref<400x64xf32, #tpu.memory_space<vmem>>, vector<1x16xf32>,
        %get3A_760 = vector.shape_cast %get3A_759 : vector<1x16xf32> to vector<16xf32>
        %swap3A_761 = arith.index_cast %add3A_753 : i32 to index
        %swap3A_762 = arith.constant 0 : index
        %swap3A_763 = tpu.vector_load %arg8[%swap3A_761, %swap3A_762] {strides = array<i32>} : memref<128x64xf32, #tpu.memory_space<vmem>>, vector<1x16xf32>,
        %swap3A_764 = vector.shape_cast %swap3A_763 : vector<1x16xf32> to vector<16xf32>
        %swap3A_765 = vector.shape_cast %get3A_760 : vector<16xf32> to vector<1x16xf32>
        tpu.vector_store %arg8[%swap3A_761, %swap3A_762], %swap3A_765 {add = true, strides = array<i32>} : memref<128x64xf32, #tpu.memory_space<vmem>>, vector<1x16xf32>,
        %add3A_766 = arith.constant 10 : i32
        %add3A_767 = arith.addi %mul3A_193, %add3A_766 : i32
        %add3A_768 = arith.addi %rem3A_54, %mul3A_193 : i32
        %add3A_769 = arith.constant 10 : i32
        %add3A_770 = arith.addi %add3A_768, %add3A_769 : i32
        %get3A_771 = arith.index_cast %add3A_770 : i32 to index
        %get3A_772 = arith.constant 16 : index
        %get3A_773 = tpu.vector_load %arg7[%get3A_771, %get3A_772] {strides = array<i32>} : memref<400x64xf32, #tpu.memory_space<vmem>>, vector<1x16xf32>,
        %get3A_774 = vector.shape_cast %get3A_773 : vector<1x16xf32> to vector<16xf32>
        %swap3A_775 = arith.index_cast %add3A_767 : i32 to index
        %swap3A_776 = arith.constant 16 : index
        %swap3A_777 = tpu.vector_load %arg8[%swap3A_775, %swap3A_776] {strides = array<i32>} : memref<128x64xf32, #tpu.memory_space<vmem>>, vector<1x16xf32>,
        %swap3A_778 = vector.shape_cast %swap3A_777 : vector<1x16xf32> to vector<16xf32>
        %swap3A_779 = vector.shape_cast %get3A_774 : vector<16xf32> to vector<1x16xf32>
        tpu.vector_store %arg8[%swap3A_775, %swap3A_776], %swap3A_779 {add = true, strides = array<i32>} : memref<128x64xf32, #tpu.memory_space<vmem>>, vector<1x16xf32>,
        %add3A_780 = arith.constant 10 : i32
        %add3A_781 = arith.addi %mul3A_193, %add3A_780 : i32
        %add3A_782 = arith.addi %rem3A_54, %mul3A_193 : i32
        %add3A_783 = arith.constant 10 : i32
        %add3A_784 = arith.addi %add3A_782, %add3A_783 : i32
        %get3A_785 = arith.index_cast %add3A_784 : i32 to index
        %get3A_786 = arith.constant 32 : index
        %get3A_787 = tpu.vector_load %arg7[%get3A_785, %get3A_786] {strides = array<i32>} : memref<400x64xf32, #tpu.memory_space<vmem>>, vector<1x16xf32>,
        %get3A_788 = vector.shape_cast %get3A_787 : vector<1x16xf32> to vector<16xf32>
        %swap3A_789 = arith.index_cast %add3A_781 : i32 to index
        %swap3A_790 = arith.constant 32 : index
        %swap3A_791 = tpu.vector_load %arg8[%swap3A_789, %swap3A_790] {strides = array<i32>} : memref<128x64xf32, #tpu.memory_space<vmem>>, vector<1x16xf32>,
        %swap3A_792 = vector.shape_cast %swap3A_791 : vector<1x16xf32> to vector<16xf32>
        %swap3A_793 = vector.shape_cast %get3A_788 : vector<16xf32> to vector<1x16xf32>
        tpu.vector_store %arg8[%swap3A_789, %swap3A_790], %swap3A_793 {add = true, strides = array<i32>} : memref<128x64xf32, #tpu.memory_space<vmem>>, vector<1x16xf32>,
        %add3A_794 = arith.constant 10 : i32
        %add3A_795 = arith.addi %mul3A_193, %add3A_794 : i32
        %add3A_796 = arith.addi %rem3A_54, %mul3A_193 : i32
        %add3A_797 = arith.constant 10 : i32
        %add3A_798 = arith.addi %add3A_796, %add3A_797 : i32
        %get3A_799 = arith.index_cast %add3A_798 : i32 to index
        %get3A_800 = arith.constant 48 : index
        %get3A_801 = tpu.vector_load %arg7[%get3A_799, %get3A_800] {strides = array<i32>} : memref<400x64xf32, #tpu.memory_space<vmem>>, vector<1x16xf32>,
        %get3A_802 = vector.shape_cast %get3A_801 : vector<1x16xf32> to vector<16xf32>
        %swap3A_803 = arith.index_cast %add3A_795 : i32 to index
        %swap3A_804 = arith.constant 48 : index
        %swap3A_805 = tpu.vector_load %arg8[%swap3A_803, %swap3A_804] {strides = array<i32>} : memref<128x64xf32, #tpu.memory_space<vmem>>, vector<1x16xf32>,
        %swap3A_806 = vector.shape_cast %swap3A_805 : vector<1x16xf32> to vector<16xf32>
        %swap3A_807 = vector.shape_cast %get3A_802 : vector<16xf32> to vector<1x16xf32>
        tpu.vector_store %arg8[%swap3A_803, %swap3A_804], %swap3A_807 {add = true, strides = array<i32>} : memref<128x64xf32, #tpu.memory_space<vmem>>, vector<1x16xf32>,
        %add3A_808 = arith.constant 11 : i32
        %add3A_809 = arith.addi %mul3A_193, %add3A_808 : i32
        %add3A_810 = arith.addi %rem3A_54, %mul3A_193 : i32
        %add3A_811 = arith.constant 11 : i32
        %add3A_812 = arith.addi %add3A_810, %add3A_811 : i32
        %get3A_813 = arith.index_cast %add3A_812 : i32 to index
        %get3A_814 = arith.constant 0 : index
        %get3A_815 = tpu.vector_load %arg7[%get3A_813, %get3A_814] {strides = array<i32>} : memref<400x64xf32, #tpu.memory_space<vmem>>, vector<1x16xf32>,
        %get3A_816 = vector.shape_cast %get3A_815 : vector<1x16xf32> to vector<16xf32>
        %swap3A_817 = arith.index_cast %add3A_809 : i32 to index
        %swap3A_818 = arith.constant 0 : index
        %swap3A_819 = tpu.vector_load %arg8[%swap3A_817, %swap3A_818] {strides = array<i32>} : memref<128x64xf32, #tpu.memory_space<vmem>>, vector<1x16xf32>,
        %swap3A_820 = vector.shape_cast %swap3A_819 : vector<1x16xf32> to vector<16xf32>
        %swap3A_821 = vector.shape_cast %get3A_816 : vector<16xf32> to vector<1x16xf32>
        tpu.vector_store %arg8[%swap3A_817, %swap3A_818], %swap3A_821 {add = true, strides = array<i32>} : memref<128x64xf32, #tpu.memory_space<vmem>>, vector<1x16xf32>,
        %add3A_822 = arith.constant 11 : i32
        %add3A_823 = arith.addi %mul3A_193, %add3A_822 : i32
        %add3A_824 = arith.addi %rem3A_54, %mul3A_193 : i32
        %add3A_825 = arith.constant 11 : i32
        %add3A_826 = arith.addi %add3A_824, %add3A_825 : i32
        %get3A_827 = arith.index_cast %add3A_826 : i32 to index
        %get3A_828 = arith.constant 16 : index
        %get3A_829 = tpu.vector_load %arg7[%get3A_827, %get3A_828] {strides = array<i32>} : memref<400x64xf32, #tpu.memory_space<vmem>>, vector<1x16xf32>,
        %get3A_830 = vector.shape_cast %get3A_829 : vector<1x16xf32> to vector<16xf32>
        %swap3A_831 = arith.index_cast %add3A_823 : i32 to index
        %swap3A_832 = arith.constant 16 : index
        %swap3A_833 = tpu.vector_load %arg8[%swap3A_831, %swap3A_832] {strides = array<i32>} : memref<128x64xf32, #tpu.memory_space<vmem>>, vector<1x16xf32>,
        %swap3A_834 = vector.shape_cast %swap3A_833 : vector<1x16xf32> to vector<16xf32>
        %swap3A_835 = vector.shape_cast %get3A_830 : vector<16xf32> to vector<1x16xf32>
        tpu.vector_store %arg8[%swap3A_831, %swap3A_832], %swap3A_835 {add = true, strides = array<i32>} : memref<128x64xf32, #tpu.memory_space<vmem>>, vector<1x16xf32>,
        %add3A_836 = arith.constant 11 : i32
        %add3A_837 = arith.addi %mul3A_193, %add3A_836 : i32
        %add3A_838 = arith.addi %rem3A_54, %mul3A_193 : i32
        %add3A_839 = arith.constant 11 : i32
        %add3A_840 = arith.addi %add3A_838, %add3A_839 : i32
        %get3A_841 = arith.index_cast %add3A_840 : i32 to index
        %get3A_842 = arith.constant 32 : index
        %get3A_843 = tpu.vector_load %arg7[%get3A_841, %get3A_842] {strides = array<i32>} : memref<400x64xf32, #tpu.memory_space<vmem>>, vector<1x16xf32>,
        %get3A_844 = vector.shape_cast %get3A_843 : vector<1x16xf32> to vector<16xf32>
        %swap3A_845 = arith.index_cast %add3A_837 : i32 to index
        %swap3A_846 = arith.constant 32 : index
        %swap3A_847 = tpu.vector_load %arg8[%swap3A_845, %swap3A_846] {strides = array<i32>} : memref<128x64xf32, #tpu.memory_space<vmem>>, vector<1x16xf32>,
        %swap3A_848 = vector.shape_cast %swap3A_847 : vector<1x16xf32> to vector<16xf32>
        %swap3A_849 = vector.shape_cast %get3A_844 : vector<16xf32> to vector<1x16xf32>
        tpu.vector_store %arg8[%swap3A_845, %swap3A_846], %swap3A_849 {add = true, strides = array<i32>} : memref<128x64xf32, #tpu.memory_space<vmem>>, vector<1x16xf32>,
        %add3A_850 = arith.constant 11 : i32
        %add3A_851 = arith.addi %mul3A_193, %add3A_850 : i32
        %add3A_852 = arith.addi %rem3A_54, %mul3A_193 : i32
        %add3A_853 = arith.constant 11 : i32
        %add3A_854 = arith.addi %add3A_852, %add3A_853 : i32
        %get3A_855 = arith.index_cast %add3A_854 : i32 to index
        %get3A_856 = arith.constant 48 : index
        %get3A_857 = tpu.vector_load %arg7[%get3A_855, %get3A_856] {strides = array<i32>} : memref<400x64xf32, #tpu.memory_space<vmem>>, vector<1x16xf32>,
        %get3A_858 = vector.shape_cast %get3A_857 : vector<1x16xf32> to vector<16xf32>
        %swap3A_859 = arith.index_cast %add3A_851 : i32 to index
        %swap3A_860 = arith.constant 48 : index
        %swap3A_861 = tpu.vector_load %arg8[%swap3A_859, %swap3A_860] {strides = array<i32>} : memref<128x64xf32, #tpu.memory_space<vmem>>, vector<1x16xf32>,
        %swap3A_862 = vector.shape_cast %swap3A_861 : vector<1x16xf32> to vector<16xf32>
        %swap3A_863 = vector.shape_cast %get3A_858 : vector<16xf32> to vector<1x16xf32>
        tpu.vector_store %arg8[%swap3A_859, %swap3A_860], %swap3A_863 {add = true, strides = array<i32>} : memref<128x64xf32, #tpu.memory_space<vmem>>, vector<1x16xf32>,
        %add3A_864 = arith.constant 12 : i32
        %add3A_865 = arith.addi %mul3A_193, %add3A_864 : i32
        %add3A_866 = arith.addi %rem3A_54, %mul3A_193 : i32
        %add3A_867 = arith.constant 12 : i32
        %add3A_868 = arith.addi %add3A_866, %add3A_867 : i32
        %get3A_869 = arith.index_cast %add3A_868 : i32 to index
        %get3A_870 = arith.constant 0 : index
        %get3A_871 = tpu.vector_load %arg7[%get3A_869, %get3A_870] {strides = array<i32>} : memref<400x64xf32, #tpu.memory_space<vmem>>, vector<1x16xf32>,
        %get3A_872 = vector.shape_cast %get3A_871 : vector<1x16xf32> to vector<16xf32>
        %swap3A_873 = arith.index_cast %add3A_865 : i32 to index
        %swap3A_874 = arith.constant 0 : index
        %swap3A_875 = tpu.vector_load %arg8[%swap3A_873, %swap3A_874] {strides = array<i32>} : memref<128x64xf32, #tpu.memory_space<vmem>>, vector<1x16xf32>,
        %swap3A_876 = vector.shape_cast %swap3A_875 : vector<1x16xf32> to vector<16xf32>
        %swap3A_877 = vector.shape_cast %get3A_872 : vector<16xf32> to vector<1x16xf32>
        tpu.vector_store %arg8[%swap3A_873, %swap3A_874], %swap3A_877 {add = true, strides = array<i32>} : memref<128x64xf32, #tpu.memory_space<vmem>>, vector<1x16xf32>,
        %add3A_878 = arith.constant 12 : i32
        %add3A_879 = arith.addi %mul3A_193, %add3A_878 : i32
        %add3A_880 = arith.addi %rem3A_54, %mul3A_193 : i32
        %add3A_881 = arith.constant 12 : i32
        %add3A_882 = arith.addi %add3A_880, %add3A_881 : i32
        %get3A_883 = arith.index_cast %add3A_882 : i32 to index
        %get3A_884 = arith.constant 16 : index
        %get3A_885 = tpu.vector_load %arg7[%get3A_883, %get3A_884] {strides = array<i32>} : memref<400x64xf32, #tpu.memory_space<vmem>>, vector<1x16xf32>,
        %get3A_886 = vector.shape_cast %get3A_885 : vector<1x16xf32> to vector<16xf32>
        %swap3A_887 = arith.index_cast %add3A_879 : i32 to index
        %swap3A_888 = arith.constant 16 : index
        %swap3A_889 = tpu.vector_load %arg8[%swap3A_887, %swap3A_888] {strides = array<i32>} : memref<128x64xf32, #tpu.memory_space<vmem>>, vector<1x16xf32>,
        %swap3A_890 = vector.shape_cast %swap3A_889 : vector<1x16xf32> to vector<16xf32>
        %swap3A_891 = vector.shape_cast %get3A_886 : vector<16xf32> to vector<1x16xf32>
        tpu.vector_store %arg8[%swap3A_887, %swap3A_888], %swap3A_891 {add = true, strides = array<i32>} : memref<128x64xf32, #tpu.memory_space<vmem>>, vector<1x16xf32>,
        %add3A_892 = arith.constant 12 : i32
        %add3A_893 = arith.addi %mul3A_193, %add3A_892 : i32
        %add3A_894 = arith.addi %rem3A_54, %mul3A_193 : i32
        %add3A_895 = arith.constant 12 : i32
        %add3A_896 = arith.addi %add3A_894, %add3A_895 : i32
        %get3A_897 = arith.index_cast %add3A_896 : i32 to index
        %get3A_898 = arith.constant 32 : index
        %get3A_899 = tpu.vector_load %arg7[%get3A_897, %get3A_898] {strides = array<i32>} : memref<400x64xf32, #tpu.memory_space<vmem>>, vector<1x16xf32>,
        %get3A_900 = vector.shape_cast %get3A_899 : vector<1x16xf32> to vector<16xf32>
        %swap3A_901 = arith.index_cast %add3A_893 : i32 to index
        %swap3A_902 = arith.constant 32 : index
        %swap3A_903 = tpu.vector_load %arg8[%swap3A_901, %swap3A_902] {strides = array<i32>} : memref<128x64xf32, #tpu.memory_space<vmem>>, vector<1x16xf32>,
        %swap3A_904 = vector.shape_cast %swap3A_903 : vector<1x16xf32> to vector<16xf32>
        %swap3A_905 = vector.shape_cast %get3A_900 : vector<16xf32> to vector<1x16xf32>
        tpu.vector_store %arg8[%swap3A_901, %swap3A_902], %swap3A_905 {add = true, strides = array<i32>} : memref<128x64xf32, #tpu.memory_space<vmem>>, vector<1x16xf32>,
        %add3A_906 = arith.constant 12 : i32
        %add3A_907 = arith.addi %mul3A_193, %add3A_906 : i32
        %add3A_908 = arith.addi %rem3A_54, %mul3A_193 : i32
        %add3A_909 = arith.constant 12 : i32
        %add3A_910 = arith.addi %add3A_908, %add3A_909 : i32
        %get3A_911 = arith.index_cast %add3A_910 : i32 to index
        %get3A_912 = arith.constant 48 : index
        %get3A_913 = tpu.vector_load %arg7[%get3A_911, %get3A_912] {strides = array<i32>} : memref<400x64xf32, #tpu.memory_space<vmem>>, vector<1x16xf32>,
        %get3A_914 = vector.shape_cast %get3A_913 : vector<1x16xf32> to vector<16xf32>
        %swap3A_915 = arith.index_cast %add3A_907 : i32 to index
        %swap3A_916 = arith.constant 48 : index
        %swap3A_917 = tpu.vector_load %arg8[%swap3A_915, %swap3A_916] {strides = array<i32>} : memref<128x64xf32, #tpu.memory_space<vmem>>, vector<1x16xf32>,
        %swap3A_918 = vector.shape_cast %swap3A_917 : vector<1x16xf32> to vector<16xf32>
        %swap3A_919 = vector.shape_cast %get3A_914 : vector<16xf32> to vector<1x16xf32>
        tpu.vector_store %arg8[%swap3A_915, %swap3A_916], %swap3A_919 {add = true, strides = array<i32>} : memref<128x64xf32, #tpu.memory_space<vmem>>, vector<1x16xf32>,
        %add3A_920 = arith.constant 13 : i32
        %add3A_921 = arith.addi %mul3A_193, %add3A_920 : i32
        %add3A_922 = arith.addi %rem3A_54, %mul3A_193 : i32
        %add3A_923 = arith.constant 13 : i32
        %add3A_924 = arith.addi %add3A_922, %add3A_923 : i32
        %get3A_925 = arith.index_cast %add3A_924 : i32 to index
        %get3A_926 = arith.constant 0 : index
        %get3A_927 = tpu.vector_load %arg7[%get3A_925, %get3A_926] {strides = array<i32>} : memref<400x64xf32, #tpu.memory_space<vmem>>, vector<1x16xf32>,
        %get3A_928 = vector.shape_cast %get3A_927 : vector<1x16xf32> to vector<16xf32>
        %swap3A_929 = arith.index_cast %add3A_921 : i32 to index
        %swap3A_930 = arith.constant 0 : index
        %swap3A_931 = tpu.vector_load %arg8[%swap3A_929, %swap3A_930] {strides = array<i32>} : memref<128x64xf32, #tpu.memory_space<vmem>>, vector<1x16xf32>,
        %swap3A_932 = vector.shape_cast %swap3A_931 : vector<1x16xf32> to vector<16xf32>
        %swap3A_933 = vector.shape_cast %get3A_928 : vector<16xf32> to vector<1x16xf32>
        tpu.vector_store %arg8[%swap3A_929, %swap3A_930], %swap3A_933 {add = true, strides = array<i32>} : memref<128x64xf32, #tpu.memory_space<vmem>>, vector<1x16xf32>,
        %add3A_934 = arith.constant 13 : i32
        %add3A_935 = arith.addi %mul3A_193, %add3A_934 : i32
        %add3A_936 = arith.addi %rem3A_54, %mul3A_193 : i32
        %add3A_937 = arith.constant 13 : i32
        %add3A_938 = arith.addi %add3A_936, %add3A_937 : i32
        %get3A_939 = arith.index_cast %add3A_938 : i32 to index
        %get3A_940 = arith.constant 16 : index
        %get3A_941 = tpu.vector_load %arg7[%get3A_939, %get3A_940] {strides = array<i32>} : memref<400x64xf32, #tpu.memory_space<vmem>>, vector<1x16xf32>,
        %get3A_942 = vector.shape_cast %get3A_941 : vector<1x16xf32> to vector<16xf32>
        %swap3A_943 = arith.index_cast %add3A_935 : i32 to index
        %swap3A_944 = arith.constant 16 : index
        %swap3A_945 = tpu.vector_load %arg8[%swap3A_943, %swap3A_944] {strides = array<i32>} : memref<128x64xf32, #tpu.memory_space<vmem>>, vector<1x16xf32>,
        %swap3A_946 = vector.shape_cast %swap3A_945 : vector<1x16xf32> to vector<16xf32>
        %swap3A_947 = vector.shape_cast %get3A_942 : vector<16xf32> to vector<1x16xf32>
        tpu.vector_store %arg8[%swap3A_943, %swap3A_944], %swap3A_947 {add = true, strides = array<i32>} : memref<128x64xf32, #tpu.memory_space<vmem>>, vector<1x16xf32>,
        %add3A_948 = arith.constant 13 : i32
        %add3A_949 = arith.addi %mul3A_193, %add3A_948 : i32
        %add3A_950 = arith.addi %rem3A_54, %mul3A_193 : i32
        %add3A_951 = arith.constant 13 : i32
        %add3A_952 = arith.addi %add3A_950, %add3A_951 : i32
        %get3A_953 = arith.index_cast %add3A_952 : i32 to index
        %get3A_954 = arith.constant 32 : index
        %get3A_955 = tpu.vector_load %arg7[%get3A_953, %get3A_954] {strides = array<i32>} : memref<400x64xf32, #tpu.memory_space<vmem>>, vector<1x16xf32>,
        %get3A_956 = vector.shape_cast %get3A_955 : vector<1x16xf32> to vector<16xf32>
        %swap3A_957 = arith.index_cast %add3A_949 : i32 to index
        %swap3A_958 = arith.constant 32 : index
        %swap3A_959 = tpu.vector_load %arg8[%swap3A_957, %swap3A_958] {strides = array<i32>} : memref<128x64xf32, #tpu.memory_space<vmem>>, vector<1x16xf32>,
        %swap3A_960 = vector.shape_cast %swap3A_959 : vector<1x16xf32> to vector<16xf32>
        %swap3A_961 = vector.shape_cast %get3A_956 : vector<16xf32> to vector<1x16xf32>
        tpu.vector_store %arg8[%swap3A_957, %swap3A_958], %swap3A_961 {add = true, strides = array<i32>} : memref<128x64xf32, #tpu.memory_space<vmem>>, vector<1x16xf32>,
        %add3A_962 = arith.constant 13 : i32
        %add3A_963 = arith.addi %mul3A_193, %add3A_962 : i32
        %add3A_964 = arith.addi %rem3A_54, %mul3A_193 : i32
        %add3A_965 = arith.constant 13 : i32
        %add3A_966 = arith.addi %add3A_964, %add3A_965 : i32
        %get3A_967 = arith.index_cast %add3A_966 : i32 to index
        %get3A_968 = arith.constant 48 : index
        %get3A_969 = tpu.vector_load %arg7[%get3A_967, %get3A_968] {strides = array<i32>} : memref<400x64xf32, #tpu.memory_space<vmem>>, vector<1x16xf32>,
        %get3A_970 = vector.shape_cast %get3A_969 : vector<1x16xf32> to vector<16xf32>
        %swap3A_971 = arith.index_cast %add3A_963 : i32 to index
        %swap3A_972 = arith.constant 48 : index
        %swap3A_973 = tpu.vector_load %arg8[%swap3A_971, %swap3A_972] {strides = array<i32>} : memref<128x64xf32, #tpu.memory_space<vmem>>, vector<1x16xf32>,
        %swap3A_974 = vector.shape_cast %swap3A_973 : vector<1x16xf32> to vector<16xf32>
        %swap3A_975 = vector.shape_cast %get3A_970 : vector<16xf32> to vector<1x16xf32>
        tpu.vector_store %arg8[%swap3A_971, %swap3A_972], %swap3A_975 {add = true, strides = array<i32>} : memref<128x64xf32, #tpu.memory_space<vmem>>, vector<1x16xf32>,
        %add3A_976 = arith.constant 14 : i32
        %add3A_977 = arith.addi %mul3A_193, %add3A_976 : i32
        %add3A_978 = arith.addi %rem3A_54, %mul3A_193 : i32
        %add3A_979 = arith.constant 14 : i32
        %add3A_980 = arith.addi %add3A_978, %add3A_979 : i32
        %get3A_981 = arith.index_cast %add3A_980 : i32 to index
        %get3A_982 = arith.constant 0 : index
        %get3A_983 = tpu.vector_load %arg7[%get3A_981, %get3A_982] {strides = array<i32>} : memref<400x64xf32, #tpu.memory_space<vmem>>, vector<1x16xf32>,
        %get3A_984 = vector.shape_cast %get3A_983 : vector<1x16xf32> to vector<16xf32>
        %swap3A_985 = arith.index_cast %add3A_977 : i32 to index
        %swap3A_986 = arith.constant 0 : index
        %swap3A_987 = tpu.vector_load %arg8[%swap3A_985, %swap3A_986] {strides = array<i32>} : memref<128x64xf32, #tpu.memory_space<vmem>>, vector<1x16xf32>,
        %swap3A_988 = vector.shape_cast %swap3A_987 : vector<1x16xf32> to vector<16xf32>
        %swap3A_989 = vector.shape_cast %get3A_984 : vector<16xf32> to vector<1x16xf32>
        tpu.vector_store %arg8[%swap3A_985, %swap3A_986], %swap3A_989 {add = true, strides = array<i32>} : memref<128x64xf32, #tpu.memory_space<vmem>>, vector<1x16xf32>,
        %add3A_990 = arith.constant 14 : i32
        %add3A_991 = arith.addi %mul3A_193, %add3A_990 : i32
        %add3A_992 = arith.addi %rem3A_54, %mul3A_193 : i32
        %add3A_993 = arith.constant 14 : i32
        %add3A_994 = arith.addi %add3A_992, %add3A_993 : i32
        %get3A_995 = arith.index_cast %add3A_994 : i32 to index
        %get3A_996 = arith.constant 16 : index
        %get3A_997 = tpu.vector_load %arg7[%get3A_995, %get3A_996] {strides = array<i32>} : memref<400x64xf32, #tpu.memory_space<vmem>>, vector<1x16xf32>,
        %get3A_998 = vector.shape_cast %get3A_997 : vector<1x16xf32> to vector<16xf32>
        %swap3A_999 = arith.index_cast %add3A_991 : i32 to index
        %swap3A_1000 = arith.constant 16 : index
        %swap3A_1001 = tpu.vector_load %arg8[%swap3A_999, %swap3A_1000] {strides = array<i32>} : memref<128x64xf32, #tpu.memory_space<vmem>>, vector<1x16xf32>,
        %swap3A_1002 = vector.shape_cast %swap3A_1001 : vector<1x16xf32> to vector<16xf32>
        %swap3A_1003 = vector.shape_cast %get3A_998 : vector<16xf32> to vector<1x16xf32>
        tpu.vector_store %arg8[%swap3A_999, %swap3A_1000], %swap3A_1003 {add = true, strides = array<i32>} : memref<128x64xf32, #tpu.memory_space<vmem>>, vector<1x16xf32>,
        %add3A_1004 = arith.constant 14 : i32
        %add3A_1005 = arith.addi %mul3A_193, %add3A_1004 : i32
        %add3A_1006 = arith.addi %rem3A_54, %mul3A_193 : i32
        %add3A_1007 = arith.constant 14 : i32
        %add3A_1008 = arith.addi %add3A_1006, %add3A_1007 : i32
        %get3A_1009 = arith.index_cast %add3A_1008 : i32 to index
        %get3A_1010 = arith.constant 32 : index
        %get3A_1011 = tpu.vector_load %arg7[%get3A_1009, %get3A_1010] {strides = array<i32>} : memref<400x64xf32, #tpu.memory_space<vmem>>, vector<1x16xf32>,
        %get3A_1012 = vector.shape_cast %get3A_1011 : vector<1x16xf32> to vector<16xf32>
        %swap3A_1013 = arith.index_cast %add3A_1005 : i32 to index
        %swap3A_1014 = arith.constant 32 : index
        %swap3A_1015 = tpu.vector_load %arg8[%swap3A_1013, %swap3A_1014] {strides = array<i32>} : memref<128x64xf32, #tpu.memory_space<vmem>>, vector<1x16xf32>,
        %swap3A_1016 = vector.shape_cast %swap3A_1015 : vector<1x16xf32> to vector<16xf32>
        %swap3A_1017 = vector.shape_cast %get3A_1012 : vector<16xf32> to vector<1x16xf32>
        tpu.vector_store %arg8[%swap3A_1013, %swap3A_1014], %swap3A_1017 {add = true, strides = array<i32>} : memref<128x64xf32, #tpu.memory_space<vmem>>, vector<1x16xf32>,
        %add3A_1018 = arith.constant 14 : i32
        %add3A_1019 = arith.addi %mul3A_193, %add3A_1018 : i32
        %add3A_1020 = arith.addi %rem3A_54, %mul3A_193 : i32
        %add3A_1021 = arith.constant 14 : i32
        %add3A_1022 = arith.addi %add3A_1020, %add3A_1021 : i32
        %get3A_1023 = arith.index_cast %add3A_1022 : i32 to index
        %get3A_1024 = arith.constant 48 : index
        %get3A_1025 = tpu.vector_load %arg7[%get3A_1023, %get3A_1024] {strides = array<i32>} : memref<400x64xf32, #tpu.memory_space<vmem>>, vector<1x16xf32>,
        %get3A_1026 = vector.shape_cast %get3A_1025 : vector<1x16xf32> to vector<16xf32>
        %swap3A_1027 = arith.index_cast %add3A_1019 : i32 to index
        %swap3A_1028 = arith.constant 48 : index
        %swap3A_1029 = tpu.vector_load %arg8[%swap3A_1027, %swap3A_1028] {strides = array<i32>} : memref<128x64xf32, #tpu.memory_space<vmem>>, vector<1x16xf32>,
        %swap3A_1030 = vector.shape_cast %swap3A_1029 : vector<1x16xf32> to vector<16xf32>
        %swap3A_1031 = vector.shape_cast %get3A_1026 : vector<16xf32> to vector<1x16xf32>
        tpu.vector_store %arg8[%swap3A_1027, %swap3A_1028], %swap3A_1031 {add = true, strides = array<i32>} : memref<128x64xf32, #tpu.memory_space<vmem>>, vector<1x16xf32>,
        %add3A_1032 = arith.constant 15 : i32
        %add3A_1033 = arith.addi %mul3A_193, %add3A_1032 : i32
        %add3A_1034 = arith.addi %rem3A_54, %mul3A_193 : i32
        %add3A_1035 = arith.constant 15 : i32
        %add3A_1036 = arith.addi %add3A_1034, %add3A_1035 : i32
        %get3A_1037 = arith.index_cast %add3A_1036 : i32 to index
        %get3A_1038 = arith.constant 0 : index
        %get3A_1039 = tpu.vector_load %arg7[%get3A_1037, %get3A_1038] {strides = array<i32>} : memref<400x64xf32, #tpu.memory_space<vmem>>, vector<1x16xf32>,
        %get3A_1040 = vector.shape_cast %get3A_1039 : vector<1x16xf32> to vector<16xf32>
        %swap3A_1041 = arith.index_cast %add3A_1033 : i32 to index
        %swap3A_1042 = arith.constant 0 : index
        %swap3A_1043 = tpu.vector_load %arg8[%swap3A_1041, %swap3A_1042] {strides = array<i32>} : memref<128x64xf32, #tpu.memory_space<vmem>>, vector<1x16xf32>,
        %swap3A_1044 = vector.shape_cast %swap3A_1043 : vector<1x16xf32> to vector<16xf32>
        %swap3A_1045 = vector.shape_cast %get3A_1040 : vector<16xf32> to vector<1x16xf32>
        tpu.vector_store %arg8[%swap3A_1041, %swap3A_1042], %swap3A_1045 {add = true, strides = array<i32>} : memref<128x64xf32, #tpu.memory_space<vmem>>, vector<1x16xf32>,
        %add3A_1046 = arith.constant 15 : i32
        %add3A_1047 = arith.addi %mul3A_193, %add3A_1046 : i32
        %add3A_1048 = arith.addi %rem3A_54, %mul3A_193 : i32
        %add3A_1049 = arith.constant 15 : i32
        %add3A_1050 = arith.addi %add3A_1048, %add3A_1049 : i32
        %get3A_1051 = arith.index_cast %add3A_1050 : i32 to index
        %get3A_1052 = arith.constant 16 : index
        %get3A_1053 = tpu.vector_load %arg7[%get3A_1051, %get3A_1052] {strides = array<i32>} : memref<400x64xf32, #tpu.memory_space<vmem>>, vector<1x16xf32>,
        %get3A_1054 = vector.shape_cast %get3A_1053 : vector<1x16xf32> to vector<16xf32>
        %swap3A_1055 = arith.index_cast %add3A_1047 : i32 to index
        %swap3A_1056 = arith.constant 16 : index
        %swap3A_1057 = tpu.vector_load %arg8[%swap3A_1055, %swap3A_1056] {strides = array<i32>} : memref<128x64xf32, #tpu.memory_space<vmem>>, vector<1x16xf32>,
        %swap3A_1058 = vector.shape_cast %swap3A_1057 : vector<1x16xf32> to vector<16xf32>
        %swap3A_1059 = vector.shape_cast %get3A_1054 : vector<16xf32> to vector<1x16xf32>
        tpu.vector_store %arg8[%swap3A_1055, %swap3A_1056], %swap3A_1059 {add = true, strides = array<i32>} : memref<128x64xf32, #tpu.memory_space<vmem>>, vector<1x16xf32>,
        %add3A_1060 = arith.constant 15 : i32
        %add3A_1061 = arith.addi %mul3A_193, %add3A_1060 : i32
        %add3A_1062 = arith.addi %rem3A_54, %mul3A_193 : i32
        %add3A_1063 = arith.constant 15 : i32
        %add3A_1064 = arith.addi %add3A_1062, %add3A_1063 : i32
        %get3A_1065 = arith.index_cast %add3A_1064 : i32 to index
        %get3A_1066 = arith.constant 32 : index
        %get3A_1067 = tpu.vector_load %arg7[%get3A_1065, %get3A_1066] {strides = array<i32>} : memref<400x64xf32, #tpu.memory_space<vmem>>, vector<1x16xf32>,
        %get3A_1068 = vector.shape_cast %get3A_1067 : vector<1x16xf32> to vector<16xf32>
        %swap3A_1069 = arith.index_cast %add3A_1061 : i32 to index
        %swap3A_1070 = arith.constant 32 : index
        %swap3A_1071 = tpu.vector_load %arg8[%swap3A_1069, %swap3A_1070] {strides = array<i32>} : memref<128x64xf32, #tpu.memory_space<vmem>>, vector<1x16xf32>,
        %swap3A_1072 = vector.shape_cast %swap3A_1071 : vector<1x16xf32> to vector<16xf32>
        %swap3A_1073 = vector.shape_cast %get3A_1068 : vector<16xf32> to vector<1x16xf32>
        tpu.vector_store %arg8[%swap3A_1069, %swap3A_1070], %swap3A_1073 {add = true, strides = array<i32>} : memref<128x64xf32, #tpu.memory_space<vmem>>, vector<1x16xf32>,
        %add3A_1074 = arith.constant 15 : i32
        %add3A_1075 = arith.addi %mul3A_193, %add3A_1074 : i32
        %add3A_1076 = arith.addi %rem3A_54, %mul3A_193 : i32
        %add3A_1077 = arith.constant 15 : i32
        %add3A_1078 = arith.addi %add3A_1076, %add3A_1077 : i32
        %get3A_1079 = arith.index_cast %add3A_1078 : i32 to index
        %get3A_1080 = arith.constant 48 : index
        %get3A_1081 = tpu.vector_load %arg7[%get3A_1079, %get3A_1080] {strides = array<i32>} : memref<400x64xf32, #tpu.memory_space<vmem>>, vector<1x16xf32>,
        %get3A_1082 = vector.shape_cast %get3A_1081 : vector<1x16xf32> to vector<16xf32>
        %swap3A_1083 = arith.index_cast %add3A_1075 : i32 to index
        %swap3A_1084 = arith.constant 48 : index
        %swap3A_1085 = tpu.vector_load %arg8[%swap3A_1083, %swap3A_1084] {strides = array<i32>} : memref<128x64xf32, #tpu.memory_space<vmem>>, vector<1x16xf32>,
        %swap3A_1086 = vector.shape_cast %swap3A_1085 : vector<1x16xf32> to vector<16xf32>
        %swap3A_1087 = vector.shape_cast %get3A_1082 : vector<16xf32> to vector<1x16xf32>
        tpu.vector_store %arg8[%swap3A_1083, %swap3A_1084], %swap3A_1087 {add = true, strides = array<i32>} : memref<128x64xf32, #tpu.memory_space<vmem>>, vector<1x16xf32>,
      }
      %scan3A_60 = arith.constant 8 : i32
      %mul3A_61 = arith.constant 128 : i32
      %mul3A_62 = arith.muli %add3A_36, %mul3A_61 : i32
      %add3A_63 = arith.addi %mul3A_2, %mul3A_62 : i32
      %dma_start3A_64 = arith.constant 0 : i32
      %dma_start3A_65 = tpu.memref_slice %arg5[%add3A_63, %dma_start3A_64] : memref<819200x64xf32, #tpu.memory_space<hbm>> -> memref<128x64xf32, #tpu.memory_space<hbm>>
      %dma_start3A_66 = arith.constant 0 : i32
      %dma_start3A_67 = tpu.memref_slice %arg5[%add3A_63, %dma_start3A_66] : memref<819200x64xf32, #tpu.memory_space<hbm>> -> memref<128x64xf32, #tpu.memory_space<hbm>>
      tpu.enqueue_dma source(%arg8 : memref<128x64xf32, #tpu.memory_space<vmem>>) target(%dma_start3A_67 : memref<128x64xf32, #tpu.memory_space<hbm>>) target_semaphore(%arg16 : memref<!tpu.dma_semaphore, #tpu.memory_space<semaphore_mem>>)
      %mul3A_68 = arith.constant 4 : i32
      %mul3A_69 = arith.muli %mul3A_68, %scan3A_32 : i32
      %add3A_70 = arith.constant 1 : i32
      %add3A_71 = arith.addi %mul3A_69, %add3A_70 : i32
      %ge3A_72 = arith.constant 2 : i32
      %ge3A_73 = arith.cmpi sge, %add3A_71, %ge3A_72 : i32
      %convert_element_type3A_74 = arith.extui %ge3A_73 : i1 to i32
      %cond3A_75 = arith.constant 0 : i32
      %cond3A_76 = arith.cmpi ne, %convert_element_type3A_74, %cond3A_75 : i32
      scf.if %cond3A_76 {
        %sub3A_191 = arith.constant 2 : i32
        %sub3A_192 = arith.subi %add3A_71, %sub3A_191 : i32
        %mul3A_193 = arith.constant 128 : i32
        %mul3A_194 = arith.muli %sub3A_192, %mul3A_193 : i32
        %add3A_195 = arith.addi %mul3A_2, %mul3A_194 : i32
        %dma_wait3A_196 = arith.constant 0 : i32
        %dma_wait3A_197 = tpu.memref_slice %arg5[%add3A_195, %dma_wait3A_196] : memref<819200x64xf32, #tpu.memory_space<hbm>> -> memref<128x64xf32, #tpu.memory_space<hbm>>
        %dma_wait3A_198 = arith.constant 0 : i32
        %dma_wait3A_199 = tpu.memref_slice %arg5[%add3A_195, %dma_wait3A_198] : memref<819200x64xf32, #tpu.memory_space<hbm>> -> memref<128x64xf32, #tpu.memory_space<hbm>>
        tpu.wait_dma2 semaphore(%arg19 : memref<!tpu.dma_semaphore, #tpu.memory_space<semaphore_mem>>) src(%arg11 : memref<128x64xf32, #tpu.memory_space<vmem>>) dst(%dma_wait3A_199 : memref<128x64xf32, #tpu.memory_space<hbm>>)
      } else {
      }
      %add3A_77 = arith.constant 4 : i32
      %add3A_78 = arith.addi %add3A_71, %add3A_77 : i32
      %sub3A_79 = arith.constant 2 : i32
      %sub3A_80 = arith.subi %add3A_78, %sub3A_79 : i32
      %lt3A_81 = arith.constant 200 : i32
      %lt3A_82 = arith.cmpi slt, %sub3A_80, %lt3A_81 : i32
      %convert_element_type3A_83 = arith.extui %lt3A_82 : i1 to i32
      %cond3A_84 = arith.constant 0 : i32
      %cond3A_85 = arith.cmpi ne, %convert_element_type3A_83, %cond3A_84 : i32
      scf.if %cond3A_85 {
        %add3A_191 = arith.constant 4 : i32
        %add3A_192 = arith.addi %add3A_71, %add3A_191 : i32
        %sub3A_193 = arith.constant 2 : i32
        %sub3A_194 = arith.subi %add3A_192, %sub3A_193 : i32
        %dma_start3A_195 = arith.constant 0 : i32
        %dma_start3A_196 = tpu.memref_slice %arg6[%sub3A_194, %dma_start3A_195] : memref<200x128xi32, #tpu.memory_space<vmem>> -> memref<1x128xi32, #tpu.memory_space<vmem>>
        %dma_start3A_197 = tpu.memref_squeeze %dma_start3A_196 : memref<1x128xi32, #tpu.memory_space<vmem>> -> memref<128xi32, #tpu.memory_space<vmem>>
        %dma_start3A_198 = arith.constant 0 : i32
        %dma_start3A_199 = arith.constant 0 : i32
        %dma_start3A_200 = tpu.memref_slice %arg3[%dma_start3A_198, %dma_start3A_199] : memref<1000000x64xf32, #tpu.memory_space<hbm>> -> memref<1000000x64xf32, #tpu.memory_space<hbm>>
        tpu.enqueue_indirect_dma source(%dma_start3A_200 : memref<1000000x64xf32, #tpu.memory_space<hbm>>) target(%arg11 : memref<128x64xf32, #tpu.memory_space<vmem>>) offsets(%dma_start3A_197 : memref<128xi32, #tpu.memory_space<vmem>>) semaphore(%arg15 : memref<!tpu.dma_semaphore, #tpu.memory_space<semaphore_mem>>)
      } else {
      }
      %dma_wait3A_86 = arith.constant 0 : i32
      %dma_wait3A_87 = tpu.memref_slice %arg6[%add3A_71, %dma_wait3A_86] : memref<200x128xi32, #tpu.memory_space<vmem>> -> memref<1x128xi32, #tpu.memory_space<vmem>>
      %dma_wait3A_88 = tpu.memref_squeeze %dma_wait3A_87 : memref<1x128xi32, #tpu.memory_space<vmem>> -> memref<128xi32, #tpu.memory_space<vmem>>
      %dma_wait3A_89 = arith.constant 0 : i32
      %dma_wait3A_90 = arith.constant 0 : i32
      %dma_wait3A_91 = tpu.memref_slice %arg3[%dma_wait3A_89, %dma_wait3A_90] : memref<1000000x64xf32, #tpu.memory_space<hbm>> -> memref<1000000x64xf32, #tpu.memory_space<hbm>>
      tpu.wait_indirect_dma semaphore(%arg13 : memref<!tpu.dma_semaphore, #tpu.memory_space<semaphore_mem>>) src(%dma_wait3A_91 : memref<1000000x64xf32, #tpu.memory_space<hbm>>) dst(%arg9 : memref<128x64xf32, #tpu.memory_space<vmem>>)
      %mul3A_92 = arith.constant 128 : i32
      %mul3A_93 = arith.muli %add3A_71, %mul3A_92 : i32
      %rem3A_94 = arith.constant 200 : i32
      %rem3A_95 = arith.remsi %mul3A_93, %rem3A_94 : i32
      %scan3A_96 = arith.constant 0 : i32
      %scan3A_97 = arith.constant 0 : i32
      %scan3A_98 = arith.constant 8 : i32
      %scan3A_99 = arith.addi %scan3A_97, %scan3A_98 : i32
      %scan3A_100 = arith.constant 1 : i32
      scf.for %scan3A_191 = %scan3A_97 to %scan3A_99 step %scan3A_100  : i32 {
        %mul3A_192 = arith.constant 16 : i32
        %mul3A_193 = arith.muli %scan3A_191, %mul3A_192 : i32
        %add3A_194 = arith.constant 0 : i32
        %add3A_195 = arith.addi %mul3A_193, %add3A_194 : i32
        %add3A_196 = arith.addi %rem3A_95, %mul3A_193 : i32
        %add3A_197 = arith.constant 0 : i32
        %add3A_198 = arith.addi %add3A_196, %add3A_197 : i32
        %get3A = arith.index_cast %add3A_198 : i32 to index
        %get3A_199 = arith.constant 0 : index
        %get3A_200 = tpu.vector_load %arg7[%get3A, %get3A_199] {strides = array<i32>} : memref<400x64xf32, #tpu.memory_space<vmem>>, vector<1x16xf32>,
        %get3A_201 = vector.shape_cast %get3A_200 : vector<1x16xf32> to vector<16xf32>
        %swap3A = arith.index_cast %add3A_195 : i32 to index
        %swap3A_202 = arith.constant 0 : index
        %swap3A_203 = tpu.vector_load %arg9[%swap3A, %swap3A_202] {strides = array<i32>} : memref<128x64xf32, #tpu.memory_space<vmem>>, vector<1x16xf32>,
        %swap3A_204 = vector.shape_cast %swap3A_203 : vector<1x16xf32> to vector<16xf32>
        %swap3A_205 = vector.shape_cast %get3A_201 : vector<16xf32> to vector<1x16xf32>
        tpu.vector_store %arg9[%swap3A, %swap3A_202], %swap3A_205 {add = true, strides = array<i32>} : memref<128x64xf32, #tpu.memory_space<vmem>>, vector<1x16xf32>,
        %add3A_206 = arith.constant 0 : i32
        %add3A_207 = arith.addi %mul3A_193, %add3A_206 : i32
        %add3A_208 = arith.addi %rem3A_95, %mul3A_193 : i32
        %add3A_209 = arith.constant 0 : i32
        %add3A_210 = arith.addi %add3A_208, %add3A_209 : i32
        %get3A_211 = arith.index_cast %add3A_210 : i32 to index
        %get3A_212 = arith.constant 16 : index
        %get3A_213 = tpu.vector_load %arg7[%get3A_211, %get3A_212] {strides = array<i32>} : memref<400x64xf32, #tpu.memory_space<vmem>>, vector<1x16xf32>,
        %get3A_214 = vector.shape_cast %get3A_213 : vector<1x16xf32> to vector<16xf32>
        %swap3A_215 = arith.index_cast %add3A_207 : i32 to index
        %swap3A_216 = arith.constant 16 : index
        %swap3A_217 = tpu.vector_load %arg9[%swap3A_215, %swap3A_216] {strides = array<i32>} : memref<128x64xf32, #tpu.memory_space<vmem>>, vector<1x16xf32>,
        %swap3A_218 = vector.shape_cast %swap3A_217 : vector<1x16xf32> to vector<16xf32>
        %swap3A_219 = vector.shape_cast %get3A_214 : vector<16xf32> to vector<1x16xf32>
        tpu.vector_store %arg9[%swap3A_215, %swap3A_216], %swap3A_219 {add = true, strides = array<i32>} : memref<128x64xf32, #tpu.memory_space<vmem>>, vector<1x16xf32>,
        %add3A_220 = arith.constant 0 : i32
        %add3A_221 = arith.addi %mul3A_193, %add3A_220 : i32
        %add3A_222 = arith.addi %rem3A_95, %mul3A_193 : i32
        %add3A_223 = arith.constant 0 : i32
        %add3A_224 = arith.addi %add3A_222, %add3A_223 : i32
        %get3A_225 = arith.index_cast %add3A_224 : i32 to index
        %get3A_226 = arith.constant 32 : index
        %get3A_227 = tpu.vector_load %arg7[%get3A_225, %get3A_226] {strides = array<i32>} : memref<400x64xf32, #tpu.memory_space<vmem>>, vector<1x16xf32>,
        %get3A_228 = vector.shape_cast %get3A_227 : vector<1x16xf32> to vector<16xf32>
        %swap3A_229 = arith.index_cast %add3A_221 : i32 to index
        %swap3A_230 = arith.constant 32 : index
        %swap3A_231 = tpu.vector_load %arg9[%swap3A_229, %swap3A_230] {strides = array<i32>} : memref<128x64xf32, #tpu.memory_space<vmem>>, vector<1x16xf32>,
        %swap3A_232 = vector.shape_cast %swap3A_231 : vector<1x16xf32> to vector<16xf32>
        %swap3A_233 = vector.shape_cast %get3A_228 : vector<16xf32> to vector<1x16xf32>
        tpu.vector_store %arg9[%swap3A_229, %swap3A_230], %swap3A_233 {add = true, strides = array<i32>} : memref<128x64xf32, #tpu.memory_space<vmem>>, vector<1x16xf32>,
        %add3A_234 = arith.constant 0 : i32
        %add3A_235 = arith.addi %mul3A_193, %add3A_234 : i32
        %add3A_236 = arith.addi %rem3A_95, %mul3A_193 : i32
        %add3A_237 = arith.constant 0 : i32
        %add3A_238 = arith.addi %add3A_236, %add3A_237 : i32
        %get3A_239 = arith.index_cast %add3A_238 : i32 to index
        %get3A_240 = arith.constant 48 : index
        %get3A_241 = tpu.vector_load %arg7[%get3A_239, %get3A_240] {strides = array<i32>} : memref<400x64xf32, #tpu.memory_space<vmem>>, vector<1x16xf32>,
        %get3A_242 = vector.shape_cast %get3A_241 : vector<1x16xf32> to vector<16xf32>
        %swap3A_243 = arith.index_cast %add3A_235 : i32 to index
        %swap3A_244 = arith.constant 48 : index
        %swap3A_245 = tpu.vector_load %arg9[%swap3A_243, %swap3A_244] {strides = array<i32>} : memref<128x64xf32, #tpu.memory_space<vmem>>, vector<1x16xf32>,
        %swap3A_246 = vector.shape_cast %swap3A_245 : vector<1x16xf32> to vector<16xf32>
        %swap3A_247 = vector.shape_cast %get3A_242 : vector<16xf32> to vector<1x16xf32>
        tpu.vector_store %arg9[%swap3A_243, %swap3A_244], %swap3A_247 {add = true, strides = array<i32>} : memref<128x64xf32, #tpu.memory_space<vmem>>, vector<1x16xf32>,
        %add3A_248 = arith.constant 1 : i32
        %add3A_249 = arith.addi %mul3A_193, %add3A_248 : i32
        %add3A_250 = arith.addi %rem3A_95, %mul3A_193 : i32
        %add3A_251 = arith.constant 1 : i32
        %add3A_252 = arith.addi %add3A_250, %add3A_251 : i32
        %get3A_253 = arith.index_cast %add3A_252 : i32 to index
        %get3A_254 = arith.constant 0 : index
        %get3A_255 = tpu.vector_load %arg7[%get3A_253, %get3A_254] {strides = array<i32>} : memref<400x64xf32, #tpu.memory_space<vmem>>, vector<1x16xf32>,
        %get3A_256 = vector.shape_cast %get3A_255 : vector<1x16xf32> to vector<16xf32>
        %swap3A_257 = arith.index_cast %add3A_249 : i32 to index
        %swap3A_258 = arith.constant 0 : index
        %swap3A_259 = tpu.vector_load %arg9[%swap3A_257, %swap3A_258] {strides = array<i32>} : memref<128x64xf32, #tpu.memory_space<vmem>>, vector<1x16xf32>,
        %swap3A_260 = vector.shape_cast %swap3A_259 : vector<1x16xf32> to vector<16xf32>
        %swap3A_261 = vector.shape_cast %get3A_256 : vector<16xf32> to vector<1x16xf32>
        tpu.vector_store %arg9[%swap3A_257, %swap3A_258], %swap3A_261 {add = true, strides = array<i32>} : memref<128x64xf32, #tpu.memory_space<vmem>>, vector<1x16xf32>,
        %add3A_262 = arith.constant 1 : i32
        %add3A_263 = arith.addi %mul3A_193, %add3A_262 : i32
        %add3A_264 = arith.addi %rem3A_95, %mul3A_193 : i32
        %add3A_265 = arith.constant 1 : i32
        %add3A_266 = arith.addi %add3A_264, %add3A_265 : i32
        %get3A_267 = arith.index_cast %add3A_266 : i32 to index
        %get3A_268 = arith.constant 16 : index
        %get3A_269 = tpu.vector_load %arg7[%get3A_267, %get3A_268] {strides = array<i32>} : memref<400x64xf32, #tpu.memory_space<vmem>>, vector<1x16xf32>,
        %get3A_270 = vector.shape_cast %get3A_269 : vector<1x16xf32> to vector<16xf32>
        %swap3A_271 = arith.index_cast %add3A_263 : i32 to index
        %swap3A_272 = arith.constant 16 : index
        %swap3A_273 = tpu.vector_load %arg9[%swap3A_271, %swap3A_272] {strides = array<i32>} : memref<128x64xf32, #tpu.memory_space<vmem>>, vector<1x16xf32>,
        %swap3A_274 = vector.shape_cast %swap3A_273 : vector<1x16xf32> to vector<16xf32>
        %swap3A_275 = vector.shape_cast %get3A_270 : vector<16xf32> to vector<1x16xf32>
        tpu.vector_store %arg9[%swap3A_271, %swap3A_272], %swap3A_275 {add = true, strides = array<i32>} : memref<128x64xf32, #tpu.memory_space<vmem>>, vector<1x16xf32>,
        %add3A_276 = arith.constant 1 : i32
        %add3A_277 = arith.addi %mul3A_193, %add3A_276 : i32
        %add3A_278 = arith.addi %rem3A_95, %mul3A_193 : i32
        %add3A_279 = arith.constant 1 : i32
        %add3A_280 = arith.addi %add3A_278, %add3A_279 : i32
        %get3A_281 = arith.index_cast %add3A_280 : i32 to index
        %get3A_282 = arith.constant 32 : index
        %get3A_283 = tpu.vector_load %arg7[%get3A_281, %get3A_282] {strides = array<i32>} : memref<400x64xf32, #tpu.memory_space<vmem>>, vector<1x16xf32>,
        %get3A_284 = vector.shape_cast %get3A_283 : vector<1x16xf32> to vector<16xf32>
        %swap3A_285 = arith.index_cast %add3A_277 : i32 to index
        %swap3A_286 = arith.constant 32 : index
        %swap3A_287 = tpu.vector_load %arg9[%swap3A_285, %swap3A_286] {strides = array<i32>} : memref<128x64xf32, #tpu.memory_space<vmem>>, vector<1x16xf32>,
        %swap3A_288 = vector.shape_cast %swap3A_287 : vector<1x16xf32> to vector<16xf32>
        %swap3A_289 = vector.shape_cast %get3A_284 : vector<16xf32> to vector<1x16xf32>
        tpu.vector_store %arg9[%swap3A_285, %swap3A_286], %swap3A_289 {add = true, strides = array<i32>} : memref<128x64xf32, #tpu.memory_space<vmem>>, vector<1x16xf32>,
        %add3A_290 = arith.constant 1 : i32
        %add3A_291 = arith.addi %mul3A_193, %add3A_290 : i32
        %add3A_292 = arith.addi %rem3A_95, %mul3A_193 : i32
        %add3A_293 = arith.constant 1 : i32
        %add3A_294 = arith.addi %add3A_292, %add3A_293 : i32
        %get3A_295 = arith.index_cast %add3A_294 : i32 to index
        %get3A_296 = arith.constant 48 : index
        %get3A_297 = tpu.vector_load %arg7[%get3A_295, %get3A_296] {strides = array<i32>} : memref<400x64xf32, #tpu.memory_space<vmem>>, vector<1x16xf32>,
        %get3A_298 = vector.shape_cast %get3A_297 : vector<1x16xf32> to vector<16xf32>
        %swap3A_299 = arith.index_cast %add3A_291 : i32 to index
        %swap3A_300 = arith.constant 48 : index
        %swap3A_301 = tpu.vector_load %arg9[%swap3A_299, %swap3A_300] {strides = array<i32>} : memref<128x64xf32, #tpu.memory_space<vmem>>, vector<1x16xf32>,
        %swap3A_302 = vector.shape_cast %swap3A_301 : vector<1x16xf32> to vector<16xf32>
        %swap3A_303 = vector.shape_cast %get3A_298 : vector<16xf32> to vector<1x16xf32>
        tpu.vector_store %arg9[%swap3A_299, %swap3A_300], %swap3A_303 {add = true, strides = array<i32>} : memref<128x64xf32, #tpu.memory_space<vmem>>, vector<1x16xf32>,
        %add3A_304 = arith.constant 2 : i32
        %add3A_305 = arith.addi %mul3A_193, %add3A_304 : i32
        %add3A_306 = arith.addi %rem3A_95, %mul3A_193 : i32
        %add3A_307 = arith.constant 2 : i32
        %add3A_308 = arith.addi %add3A_306, %add3A_307 : i32
        %get3A_309 = arith.index_cast %add3A_308 : i32 to index
        %get3A_310 = arith.constant 0 : index
        %get3A_311 = tpu.vector_load %arg7[%get3A_309, %get3A_310] {strides = array<i32>} : memref<400x64xf32, #tpu.memory_space<vmem>>, vector<1x16xf32>,
        %get3A_312 = vector.shape_cast %get3A_311 : vector<1x16xf32> to vector<16xf32>
        %swap3A_313 = arith.index_cast %add3A_305 : i32 to index
        %swap3A_314 = arith.constant 0 : index
        %swap3A_315 = tpu.vector_load %arg9[%swap3A_313, %swap3A_314] {strides = array<i32>} : memref<128x64xf32, #tpu.memory_space<vmem>>, vector<1x16xf32>,
        %swap3A_316 = vector.shape_cast %swap3A_315 : vector<1x16xf32> to vector<16xf32>
        %swap3A_317 = vector.shape_cast %get3A_312 : vector<16xf32> to vector<1x16xf32>
        tpu.vector_store %arg9[%swap3A_313, %swap3A_314], %swap3A_317 {add = true, strides = array<i32>} : memref<128x64xf32, #tpu.memory_space<vmem>>, vector<1x16xf32>,
        %add3A_318 = arith.constant 2 : i32
        %add3A_319 = arith.addi %mul3A_193, %add3A_318 : i32
        %add3A_320 = arith.addi %rem3A_95, %mul3A_193 : i32
        %add3A_321 = arith.constant 2 : i32
        %add3A_322 = arith.addi %add3A_320, %add3A_321 : i32
        %get3A_323 = arith.index_cast %add3A_322 : i32 to index
        %get3A_324 = arith.constant 16 : index
        %get3A_325 = tpu.vector_load %arg7[%get3A_323, %get3A_324] {strides = array<i32>} : memref<400x64xf32, #tpu.memory_space<vmem>>, vector<1x16xf32>,
        %get3A_326 = vector.shape_cast %get3A_325 : vector<1x16xf32> to vector<16xf32>
        %swap3A_327 = arith.index_cast %add3A_319 : i32 to index
        %swap3A_328 = arith.constant 16 : index
        %swap3A_329 = tpu.vector_load %arg9[%swap3A_327, %swap3A_328] {strides = array<i32>} : memref<128x64xf32, #tpu.memory_space<vmem>>, vector<1x16xf32>,
        %swap3A_330 = vector.shape_cast %swap3A_329 : vector<1x16xf32> to vector<16xf32>
        %swap3A_331 = vector.shape_cast %get3A_326 : vector<16xf32> to vector<1x16xf32>
        tpu.vector_store %arg9[%swap3A_327, %swap3A_328], %swap3A_331 {add = true, strides = array<i32>} : memref<128x64xf32, #tpu.memory_space<vmem>>, vector<1x16xf32>,
        %add3A_332 = arith.constant 2 : i32
        %add3A_333 = arith.addi %mul3A_193, %add3A_332 : i32
        %add3A_334 = arith.addi %rem3A_95, %mul3A_193 : i32
        %add3A_335 = arith.constant 2 : i32
        %add3A_336 = arith.addi %add3A_334, %add3A_335 : i32
        %get3A_337 = arith.index_cast %add3A_336 : i32 to index
        %get3A_338 = arith.constant 32 : index
        %get3A_339 = tpu.vector_load %arg7[%get3A_337, %get3A_338] {strides = array<i32>} : memref<400x64xf32, #tpu.memory_space<vmem>>, vector<1x16xf32>,
        %get3A_340 = vector.shape_cast %get3A_339 : vector<1x16xf32> to vector<16xf32>
        %swap3A_341 = arith.index_cast %add3A_333 : i32 to index
        %swap3A_342 = arith.constant 32 : index
        %swap3A_343 = tpu.vector_load %arg9[%swap3A_341, %swap3A_342] {strides = array<i32>} : memref<128x64xf32, #tpu.memory_space<vmem>>, vector<1x16xf32>,
        %swap3A_344 = vector.shape_cast %swap3A_343 : vector<1x16xf32> to vector<16xf32>
        %swap3A_345 = vector.shape_cast %get3A_340 : vector<16xf32> to vector<1x16xf32>
        tpu.vector_store %arg9[%swap3A_341, %swap3A_342], %swap3A_345 {add = true, strides = array<i32>} : memref<128x64xf32, #tpu.memory_space<vmem>>, vector<1x16xf32>,
        %add3A_346 = arith.constant 2 : i32
        %add3A_347 = arith.addi %mul3A_193, %add3A_346 : i32
        %add3A_348 = arith.addi %rem3A_95, %mul3A_193 : i32
        %add3A_349 = arith.constant 2 : i32
        %add3A_350 = arith.addi %add3A_348, %add3A_349 : i32
        %get3A_351 = arith.index_cast %add3A_350 : i32 to index
        %get3A_352 = arith.constant 48 : index
        %get3A_353 = tpu.vector_load %arg7[%get3A_351, %get3A_352] {strides = array<i32>} : memref<400x64xf32, #tpu.memory_space<vmem>>, vector<1x16xf32>,
        %get3A_354 = vector.shape_cast %get3A_353 : vector<1x16xf32> to vector<16xf32>
        %swap3A_355 = arith.index_cast %add3A_347 : i32 to index
        %swap3A_356 = arith.constant 48 : index
        %swap3A_357 = tpu.vector_load %arg9[%swap3A_355, %swap3A_356] {strides = array<i32>} : memref<128x64xf32, #tpu.memory_space<vmem>>, vector<1x16xf32>,
        %swap3A_358 = vector.shape_cast %swap3A_357 : vector<1x16xf32> to vector<16xf32>
        %swap3A_359 = vector.shape_cast %get3A_354 : vector<16xf32> to vector<1x16xf32>
        tpu.vector_store %arg9[%swap3A_355, %swap3A_356], %swap3A_359 {add = true, strides = array<i32>} : memref<128x64xf32, #tpu.memory_space<vmem>>, vector<1x16xf32>,
        %add3A_360 = arith.constant 3 : i32
        %add3A_361 = arith.addi %mul3A_193, %add3A_360 : i32
        %add3A_362 = arith.addi %rem3A_95, %mul3A_193 : i32
        %add3A_363 = arith.constant 3 : i32
        %add3A_364 = arith.addi %add3A_362, %add3A_363 : i32
        %get3A_365 = arith.index_cast %add3A_364 : i32 to index
        %get3A_366 = arith.constant 0 : index
        %get3A_367 = tpu.vector_load %arg7[%get3A_365, %get3A_366] {strides = array<i32>} : memref<400x64xf32, #tpu.memory_space<vmem>>, vector<1x16xf32>,
        %get3A_368 = vector.shape_cast %get3A_367 : vector<1x16xf32> to vector<16xf32>
        %swap3A_369 = arith.index_cast %add3A_361 : i32 to index
        %swap3A_370 = arith.constant 0 : index
        %swap3A_371 = tpu.vector_load %arg9[%swap3A_369, %swap3A_370] {strides = array<i32>} : memref<128x64xf32, #tpu.memory_space<vmem>>, vector<1x16xf32>,
        %swap3A_372 = vector.shape_cast %swap3A_371 : vector<1x16xf32> to vector<16xf32>
        %swap3A_373 = vector.shape_cast %get3A_368 : vector<16xf32> to vector<1x16xf32>
        tpu.vector_store %arg9[%swap3A_369, %swap3A_370], %swap3A_373 {add = true, strides = array<i32>} : memref<128x64xf32, #tpu.memory_space<vmem>>, vector<1x16xf32>,
        %add3A_374 = arith.constant 3 : i32
        %add3A_375 = arith.addi %mul3A_193, %add3A_374 : i32
        %add3A_376 = arith.addi %rem3A_95, %mul3A_193 : i32
        %add3A_377 = arith.constant 3 : i32
        %add3A_378 = arith.addi %add3A_376, %add3A_377 : i32
        %get3A_379 = arith.index_cast %add3A_378 : i32 to index
        %get3A_380 = arith.constant 16 : index
        %get3A_381 = tpu.vector_load %arg7[%get3A_379, %get3A_380] {strides = array<i32>} : memref<400x64xf32, #tpu.memory_space<vmem>>, vector<1x16xf32>,
        %get3A_382 = vector.shape_cast %get3A_381 : vector<1x16xf32> to vector<16xf32>
        %swap3A_383 = arith.index_cast %add3A_375 : i32 to index
        %swap3A_384 = arith.constant 16 : index
        %swap3A_385 = tpu.vector_load %arg9[%swap3A_383, %swap3A_384] {strides = array<i32>} : memref<128x64xf32, #tpu.memory_space<vmem>>, vector<1x16xf32>,
        %swap3A_386 = vector.shape_cast %swap3A_385 : vector<1x16xf32> to vector<16xf32>
        %swap3A_387 = vector.shape_cast %get3A_382 : vector<16xf32> to vector<1x16xf32>
        tpu.vector_store %arg9[%swap3A_383, %swap3A_384], %swap3A_387 {add = true, strides = array<i32>} : memref<128x64xf32, #tpu.memory_space<vmem>>, vector<1x16xf32>,
        %add3A_388 = arith.constant 3 : i32
        %add3A_389 = arith.addi %mul3A_193, %add3A_388 : i32
        %add3A_390 = arith.addi %rem3A_95, %mul3A_193 : i32
        %add3A_391 = arith.constant 3 : i32
        %add3A_392 = arith.addi %add3A_390, %add3A_391 : i32
        %get3A_393 = arith.index_cast %add3A_392 : i32 to index
        %get3A_394 = arith.constant 32 : index
        %get3A_395 = tpu.vector_load %arg7[%get3A_393, %get3A_394] {strides = array<i32>} : memref<400x64xf32, #tpu.memory_space<vmem>>, vector<1x16xf32>,
        %get3A_396 = vector.shape_cast %get3A_395 : vector<1x16xf32> to vector<16xf32>
        %swap3A_397 = arith.index_cast %add3A_389 : i32 to index
        %swap3A_398 = arith.constant 32 : index
        %swap3A_399 = tpu.vector_load %arg9[%swap3A_397, %swap3A_398] {strides = array<i32>} : memref<128x64xf32, #tpu.memory_space<vmem>>, vector<1x16xf32>,
        %swap3A_400 = vector.shape_cast %swap3A_399 : vector<1x16xf32> to vector<16xf32>
        %swap3A_401 = vector.shape_cast %get3A_396 : vector<16xf32> to vector<1x16xf32>
        tpu.vector_store %arg9[%swap3A_397, %swap3A_398], %swap3A_401 {add = true, strides = array<i32>} : memref<128x64xf32, #tpu.memory_space<vmem>>, vector<1x16xf32>,
        %add3A_402 = arith.constant 3 : i32
        %add3A_403 = arith.addi %mul3A_193, %add3A_402 : i32
        %add3A_404 = arith.addi %rem3A_95, %mul3A_193 : i32
        %add3A_405 = arith.constant 3 : i32
        %add3A_406 = arith.addi %add3A_404, %add3A_405 : i32
        %get3A_407 = arith.index_cast %add3A_406 : i32 to index
        %get3A_408 = arith.constant 48 : index
        %get3A_409 = tpu.vector_load %arg7[%get3A_407, %get3A_408] {strides = array<i32>} : memref<400x64xf32, #tpu.memory_space<vmem>>, vector<1x16xf32>,
        %get3A_410 = vector.shape_cast %get3A_409 : vector<1x16xf32> to vector<16xf32>
        %swap3A_411 = arith.index_cast %add3A_403 : i32 to index
        %swap3A_412 = arith.constant 48 : index
        %swap3A_413 = tpu.vector_load %arg9[%swap3A_411, %swap3A_412] {strides = array<i32>} : memref<128x64xf32, #tpu.memory_space<vmem>>, vector<1x16xf32>,
        %swap3A_414 = vector.shape_cast %swap3A_413 : vector<1x16xf32> to vector<16xf32>
        %swap3A_415 = vector.shape_cast %get3A_410 : vector<16xf32> to vector<1x16xf32>
        tpu.vector_store %arg9[%swap3A_411, %swap3A_412], %swap3A_415 {add = true, strides = array<i32>} : memref<128x64xf32, #tpu.memory_space<vmem>>, vector<1x16xf32>,
        %add3A_416 = arith.constant 4 : i32
        %add3A_417 = arith.addi %mul3A_193, %add3A_416 : i32
        %add3A_418 = arith.addi %rem3A_95, %mul3A_193 : i32
        %add3A_419 = arith.constant 4 : i32
        %add3A_420 = arith.addi %add3A_418, %add3A_419 : i32
        %get3A_421 = arith.index_cast %add3A_420 : i32 to index
        %get3A_422 = arith.constant 0 : index
        %get3A_423 = tpu.vector_load %arg7[%get3A_421, %get3A_422] {strides = array<i32>} : memref<400x64xf32, #tpu.memory_space<vmem>>, vector<1x16xf32>,
        %get3A_424 = vector.shape_cast %get3A_423 : vector<1x16xf32> to vector<16xf32>
        %swap3A_425 = arith.index_cast %add3A_417 : i32 to index
        %swap3A_426 = arith.constant 0 : index
        %swap3A_427 = tpu.vector_load %arg9[%swap3A_425, %swap3A_426] {strides = array<i32>} : memref<128x64xf32, #tpu.memory_space<vmem>>, vector<1x16xf32>,
        %swap3A_428 = vector.shape_cast %swap3A_427 : vector<1x16xf32> to vector<16xf32>
        %swap3A_429 = vector.shape_cast %get3A_424 : vector<16xf32> to vector<1x16xf32>
        tpu.vector_store %arg9[%swap3A_425, %swap3A_426], %swap3A_429 {add = true, strides = array<i32>} : memref<128x64xf32, #tpu.memory_space<vmem>>, vector<1x16xf32>,
        %add3A_430 = arith.constant 4 : i32
        %add3A_431 = arith.addi %mul3A_193, %add3A_430 : i32
        %add3A_432 = arith.addi %rem3A_95, %mul3A_193 : i32
        %add3A_433 = arith.constant 4 : i32
        %add3A_434 = arith.addi %add3A_432, %add3A_433 : i32
        %get3A_435 = arith.index_cast %add3A_434 : i32 to index
        %get3A_436 = arith.constant 16 : index
        %get3A_437 = tpu.vector_load %arg7[%get3A_435, %get3A_436] {strides = array<i32>} : memref<400x64xf32, #tpu.memory_space<vmem>>, vector<1x16xf32>,
        %get3A_438 = vector.shape_cast %get3A_437 : vector<1x16xf32> to vector<16xf32>
        %swap3A_439 = arith.index_cast %add3A_431 : i32 to index
        %swap3A_440 = arith.constant 16 : index
        %swap3A_441 = tpu.vector_load %arg9[%swap3A_439, %swap3A_440] {strides = array<i32>} : memref<128x64xf32, #tpu.memory_space<vmem>>, vector<1x16xf32>,
        %swap3A_442 = vector.shape_cast %swap3A_441 : vector<1x16xf32> to vector<16xf32>
        %swap3A_443 = vector.shape_cast %get3A_438 : vector<16xf32> to vector<1x16xf32>
        tpu.vector_store %arg9[%swap3A_439, %swap3A_440], %swap3A_443 {add = true, strides = array<i32>} : memref<128x64xf32, #tpu.memory_space<vmem>>, vector<1x16xf32>,
        %add3A_444 = arith.constant 4 : i32
        %add3A_445 = arith.addi %mul3A_193, %add3A_444 : i32
        %add3A_446 = arith.addi %rem3A_95, %mul3A_193 : i32
        %add3A_447 = arith.constant 4 : i32
        %add3A_448 = arith.addi %add3A_446, %add3A_447 : i32
        %get3A_449 = arith.index_cast %add3A_448 : i32 to index
        %get3A_450 = arith.constant 32 : index
        %get3A_451 = tpu.vector_load %arg7[%get3A_449, %get3A_450] {strides = array<i32>} : memref<400x64xf32, #tpu.memory_space<vmem>>, vector<1x16xf32>,
        %get3A_452 = vector.shape_cast %get3A_451 : vector<1x16xf32> to vector<16xf32>
        %swap3A_453 = arith.index_cast %add3A_445 : i32 to index
        %swap3A_454 = arith.constant 32 : index
        %swap3A_455 = tpu.vector_load %arg9[%swap3A_453, %swap3A_454] {strides = array<i32>} : memref<128x64xf32, #tpu.memory_space<vmem>>, vector<1x16xf32>,
        %swap3A_456 = vector.shape_cast %swap3A_455 : vector<1x16xf32> to vector<16xf32>
        %swap3A_457 = vector.shape_cast %get3A_452 : vector<16xf32> to vector<1x16xf32>
        tpu.vector_store %arg9[%swap3A_453, %swap3A_454], %swap3A_457 {add = true, strides = array<i32>} : memref<128x64xf32, #tpu.memory_space<vmem>>, vector<1x16xf32>,
        %add3A_458 = arith.constant 4 : i32
        %add3A_459 = arith.addi %mul3A_193, %add3A_458 : i32
        %add3A_460 = arith.addi %rem3A_95, %mul3A_193 : i32
        %add3A_461 = arith.constant 4 : i32
        %add3A_462 = arith.addi %add3A_460, %add3A_461 : i32
        %get3A_463 = arith.index_cast %add3A_462 : i32 to index
        %get3A_464 = arith.constant 48 : index
        %get3A_465 = tpu.vector_load %arg7[%get3A_463, %get3A_464] {strides = array<i32>} : memref<400x64xf32, #tpu.memory_space<vmem>>, vector<1x16xf32>,
        %get3A_466 = vector.shape_cast %get3A_465 : vector<1x16xf32> to vector<16xf32>
        %swap3A_467 = arith.index_cast %add3A_459 : i32 to index
        %swap3A_468 = arith.constant 48 : index
        %swap3A_469 = tpu.vector_load %arg9[%swap3A_467, %swap3A_468] {strides = array<i32>} : memref<128x64xf32, #tpu.memory_space<vmem>>, vector<1x16xf32>,
        %swap3A_470 = vector.shape_cast %swap3A_469 : vector<1x16xf32> to vector<16xf32>
        %swap3A_471 = vector.shape_cast %get3A_466 : vector<16xf32> to vector<1x16xf32>
        tpu.vector_store %arg9[%swap3A_467, %swap3A_468], %swap3A_471 {add = true, strides = array<i32>} : memref<128x64xf32, #tpu.memory_space<vmem>>, vector<1x16xf32>,
        %add3A_472 = arith.constant 5 : i32
        %add3A_473 = arith.addi %mul3A_193, %add3A_472 : i32
        %add3A_474 = arith.addi %rem3A_95, %mul3A_193 : i32
        %add3A_475 = arith.constant 5 : i32
        %add3A_476 = arith.addi %add3A_474, %add3A_475 : i32
        %get3A_477 = arith.index_cast %add3A_476 : i32 to index
        %get3A_478 = arith.constant 0 : index
        %get3A_479 = tpu.vector_load %arg7[%get3A_477, %get3A_478] {strides = array<i32>} : memref<400x64xf32, #tpu.memory_space<vmem>>, vector<1x16xf32>,
        %get3A_480 = vector.shape_cast %get3A_479 : vector<1x16xf32> to vector<16xf32>
        %swap3A_481 = arith.index_cast %add3A_473 : i32 to index
        %swap3A_482 = arith.constant 0 : index
        %swap3A_483 = tpu.vector_load %arg9[%swap3A_481, %swap3A_482] {strides = array<i32>} : memref<128x64xf32, #tpu.memory_space<vmem>>, vector<1x16xf32>,
        %swap3A_484 = vector.shape_cast %swap3A_483 : vector<1x16xf32> to vector<16xf32>
        %swap3A_485 = vector.shape_cast %get3A_480 : vector<16xf32> to vector<1x16xf32>
        tpu.vector_store %arg9[%swap3A_481, %swap3A_482], %swap3A_485 {add = true, strides = array<i32>} : memref<128x64xf32, #tpu.memory_space<vmem>>, vector<1x16xf32>,
        %add3A_486 = arith.constant 5 : i32
        %add3A_487 = arith.addi %mul3A_193, %add3A_486 : i32
        %add3A_488 = arith.addi %rem3A_95, %mul3A_193 : i32
        %add3A_489 = arith.constant 5 : i32
        %add3A_490 = arith.addi %add3A_488, %add3A_489 : i32
        %get3A_491 = arith.index_cast %add3A_490 : i32 to index
        %get3A_492 = arith.constant 16 : index
        %get3A_493 = tpu.vector_load %arg7[%get3A_491, %get3A_492] {strides = array<i32>} : memref<400x64xf32, #tpu.memory_space<vmem>>, vector<1x16xf32>,
        %get3A_494 = vector.shape_cast %get3A_493 : vector<1x16xf32> to vector<16xf32>
        %swap3A_495 = arith.index_cast %add3A_487 : i32 to index
        %swap3A_496 = arith.constant 16 : index
        %swap3A_497 = tpu.vector_load %arg9[%swap3A_495, %swap3A_496] {strides = array<i32>} : memref<128x64xf32, #tpu.memory_space<vmem>>, vector<1x16xf32>,
        %swap3A_498 = vector.shape_cast %swap3A_497 : vector<1x16xf32> to vector<16xf32>
        %swap3A_499 = vector.shape_cast %get3A_494 : vector<16xf32> to vector<1x16xf32>
        tpu.vector_store %arg9[%swap3A_495, %swap3A_496], %swap3A_499 {add = true, strides = array<i32>} : memref<128x64xf32, #tpu.memory_space<vmem>>, vector<1x16xf32>,
        %add3A_500 = arith.constant 5 : i32
        %add3A_501 = arith.addi %mul3A_193, %add3A_500 : i32
        %add3A_502 = arith.addi %rem3A_95, %mul3A_193 : i32
        %add3A_503 = arith.constant 5 : i32
        %add3A_504 = arith.addi %add3A_502, %add3A_503 : i32
        %get3A_505 = arith.index_cast %add3A_504 : i32 to index
        %get3A_506 = arith.constant 32 : index
        %get3A_507 = tpu.vector_load %arg7[%get3A_505, %get3A_506] {strides = array<i32>} : memref<400x64xf32, #tpu.memory_space<vmem>>, vector<1x16xf32>,
        %get3A_508 = vector.shape_cast %get3A_507 : vector<1x16xf32> to vector<16xf32>
        %swap3A_509 = arith.index_cast %add3A_501 : i32 to index
        %swap3A_510 = arith.constant 32 : index
        %swap3A_511 = tpu.vector_load %arg9[%swap3A_509, %swap3A_510] {strides = array<i32>} : memref<128x64xf32, #tpu.memory_space<vmem>>, vector<1x16xf32>,
        %swap3A_512 = vector.shape_cast %swap3A_511 : vector<1x16xf32> to vector<16xf32>
        %swap3A_513 = vector.shape_cast %get3A_508 : vector<16xf32> to vector<1x16xf32>
        tpu.vector_store %arg9[%swap3A_509, %swap3A_510], %swap3A_513 {add = true, strides = array<i32>} : memref<128x64xf32, #tpu.memory_space<vmem>>, vector<1x16xf32>,
        %add3A_514 = arith.constant 5 : i32
        %add3A_515 = arith.addi %mul3A_193, %add3A_514 : i32
        %add3A_516 = arith.addi %rem3A_95, %mul3A_193 : i32
        %add3A_517 = arith.constant 5 : i32
        %add3A_518 = arith.addi %add3A_516, %add3A_517 : i32
        %get3A_519 = arith.index_cast %add3A_518 : i32 to index
        %get3A_520 = arith.constant 48 : index
        %get3A_521 = tpu.vector_load %arg7[%get3A_519, %get3A_520] {strides = array<i32>} : memref<400x64xf32, #tpu.memory_space<vmem>>, vector<1x16xf32>,
        %get3A_522 = vector.shape_cast %get3A_521 : vector<1x16xf32> to vector<16xf32>
        %swap3A_523 = arith.index_cast %add3A_515 : i32 to index
        %swap3A_524 = arith.constant 48 : index
        %swap3A_525 = tpu.vector_load %arg9[%swap3A_523, %swap3A_524] {strides = array<i32>} : memref<128x64xf32, #tpu.memory_space<vmem>>, vector<1x16xf32>,
        %swap3A_526 = vector.shape_cast %swap3A_525 : vector<1x16xf32> to vector<16xf32>
        %swap3A_527 = vector.shape_cast %get3A_522 : vector<16xf32> to vector<1x16xf32>
        tpu.vector_store %arg9[%swap3A_523, %swap3A_524], %swap3A_527 {add = true, strides = array<i32>} : memref<128x64xf32, #tpu.memory_space<vmem>>, vector<1x16xf32>,
        %add3A_528 = arith.constant 6 : i32
        %add3A_529 = arith.addi %mul3A_193, %add3A_528 : i32
        %add3A_530 = arith.addi %rem3A_95, %mul3A_193 : i32
        %add3A_531 = arith.constant 6 : i32
        %add3A_532 = arith.addi %add3A_530, %add3A_531 : i32
        %get3A_533 = arith.index_cast %add3A_532 : i32 to index
        %get3A_534 = arith.constant 0 : index
        %get3A_535 = tpu.vector_load %arg7[%get3A_533, %get3A_534] {strides = array<i32>} : memref<400x64xf32, #tpu.memory_space<vmem>>, vector<1x16xf32>,
        %get3A_536 = vector.shape_cast %get3A_535 : vector<1x16xf32> to vector<16xf32>
        %swap3A_537 = arith.index_cast %add3A_529 : i32 to index
        %swap3A_538 = arith.constant 0 : index
        %swap3A_539 = tpu.vector_load %arg9[%swap3A_537, %swap3A_538] {strides = array<i32>} : memref<128x64xf32, #tpu.memory_space<vmem>>, vector<1x16xf32>,
        %swap3A_540 = vector.shape_cast %swap3A_539 : vector<1x16xf32> to vector<16xf32>
        %swap3A_541 = vector.shape_cast %get3A_536 : vector<16xf32> to vector<1x16xf32>
        tpu.vector_store %arg9[%swap3A_537, %swap3A_538], %swap3A_541 {add = true, strides = array<i32>} : memref<128x64xf32, #tpu.memory_space<vmem>>, vector<1x16xf32>,
        %add3A_542 = arith.constant 6 : i32
        %add3A_543 = arith.addi %mul3A_193, %add3A_542 : i32
        %add3A_544 = arith.addi %rem3A_95, %mul3A_193 : i32
        %add3A_545 = arith.constant 6 : i32
        %add3A_546 = arith.addi %add3A_544, %add3A_545 : i32
        %get3A_547 = arith.index_cast %add3A_546 : i32 to index
        %get3A_548 = arith.constant 16 : index
        %get3A_549 = tpu.vector_load %arg7[%get3A_547, %get3A_548] {strides = array<i32>} : memref<400x64xf32, #tpu.memory_space<vmem>>, vector<1x16xf32>,
        %get3A_550 = vector.shape_cast %get3A_549 : vector<1x16xf32> to vector<16xf32>
        %swap3A_551 = arith.index_cast %add3A_543 : i32 to index
        %swap3A_552 = arith.constant 16 : index
        %swap3A_553 = tpu.vector_load %arg9[%swap3A_551, %swap3A_552] {strides = array<i32>} : memref<128x64xf32, #tpu.memory_space<vmem>>, vector<1x16xf32>,
        %swap3A_554 = vector.shape_cast %swap3A_553 : vector<1x16xf32> to vector<16xf32>
        %swap3A_555 = vector.shape_cast %get3A_550 : vector<16xf32> to vector<1x16xf32>
        tpu.vector_store %arg9[%swap3A_551, %swap3A_552], %swap3A_555 {add = true, strides = array<i32>} : memref<128x64xf32, #tpu.memory_space<vmem>>, vector<1x16xf32>,
        %add3A_556 = arith.constant 6 : i32
        %add3A_557 = arith.addi %mul3A_193, %add3A_556 : i32
        %add3A_558 = arith.addi %rem3A_95, %mul3A_193 : i32
        %add3A_559 = arith.constant 6 : i32
        %add3A_560 = arith.addi %add3A_558, %add3A_559 : i32
        %get3A_561 = arith.index_cast %add3A_560 : i32 to index
        %get3A_562 = arith.constant 32 : index
        %get3A_563 = tpu.vector_load %arg7[%get3A_561, %get3A_562] {strides = array<i32>} : memref<400x64xf32, #tpu.memory_space<vmem>>, vector<1x16xf32>,
        %get3A_564 = vector.shape_cast %get3A_563 : vector<1x16xf32> to vector<16xf32>
        %swap3A_565 = arith.index_cast %add3A_557 : i32 to index
        %swap3A_566 = arith.constant 32 : index
        %swap3A_567 = tpu.vector_load %arg9[%swap3A_565, %swap3A_566] {strides = array<i32>} : memref<128x64xf32, #tpu.memory_space<vmem>>, vector<1x16xf32>,
        %swap3A_568 = vector.shape_cast %swap3A_567 : vector<1x16xf32> to vector<16xf32>
        %swap3A_569 = vector.shape_cast %get3A_564 : vector<16xf32> to vector<1x16xf32>
        tpu.vector_store %arg9[%swap3A_565, %swap3A_566], %swap3A_569 {add = true, strides = array<i32>} : memref<128x64xf32, #tpu.memory_space<vmem>>, vector<1x16xf32>,
        %add3A_570 = arith.constant 6 : i32
        %add3A_571 = arith.addi %mul3A_193, %add3A_570 : i32
        %add3A_572 = arith.addi %rem3A_95, %mul3A_193 : i32
        %add3A_573 = arith.constant 6 : i32
        %add3A_574 = arith.addi %add3A_572, %add3A_573 : i32
        %get3A_575 = arith.index_cast %add3A_574 : i32 to index
        %get3A_576 = arith.constant 48 : index
        %get3A_577 = tpu.vector_load %arg7[%get3A_575, %get3A_576] {strides = array<i32>} : memref<400x64xf32, #tpu.memory_space<vmem>>, vector<1x16xf32>,
        %get3A_578 = vector.shape_cast %get3A_577 : vector<1x16xf32> to vector<16xf32>
        %swap3A_579 = arith.index_cast %add3A_571 : i32 to index
        %swap3A_580 = arith.constant 48 : index
        %swap3A_581 = tpu.vector_load %arg9[%swap3A_579, %swap3A_580] {strides = array<i32>} : memref<128x64xf32, #tpu.memory_space<vmem>>, vector<1x16xf32>,
        %swap3A_582 = vector.shape_cast %swap3A_581 : vector<1x16xf32> to vector<16xf32>
        %swap3A_583 = vector.shape_cast %get3A_578 : vector<16xf32> to vector<1x16xf32>
        tpu.vector_store %arg9[%swap3A_579, %swap3A_580], %swap3A_583 {add = true, strides = array<i32>} : memref<128x64xf32, #tpu.memory_space<vmem>>, vector<1x16xf32>,
        %add3A_584 = arith.constant 7 : i32
        %add3A_585 = arith.addi %mul3A_193, %add3A_584 : i32
        %add3A_586 = arith.addi %rem3A_95, %mul3A_193 : i32
        %add3A_587 = arith.constant 7 : i32
        %add3A_588 = arith.addi %add3A_586, %add3A_587 : i32
        %get3A_589 = arith.index_cast %add3A_588 : i32 to index
        %get3A_590 = arith.constant 0 : index
        %get3A_591 = tpu.vector_load %arg7[%get3A_589, %get3A_590] {strides = array<i32>} : memref<400x64xf32, #tpu.memory_space<vmem>>, vector<1x16xf32>,
        %get3A_592 = vector.shape_cast %get3A_591 : vector<1x16xf32> to vector<16xf32>
        %swap3A_593 = arith.index_cast %add3A_585 : i32 to index
        %swap3A_594 = arith.constant 0 : index
        %swap3A_595 = tpu.vector_load %arg9[%swap3A_593, %swap3A_594] {strides = array<i32>} : memref<128x64xf32, #tpu.memory_space<vmem>>, vector<1x16xf32>,
        %swap3A_596 = vector.shape_cast %swap3A_595 : vector<1x16xf32> to vector<16xf32>
        %swap3A_597 = vector.shape_cast %get3A_592 : vector<16xf32> to vector<1x16xf32>
        tpu.vector_store %arg9[%swap3A_593, %swap3A_594], %swap3A_597 {add = true, strides = array<i32>} : memref<128x64xf32, #tpu.memory_space<vmem>>, vector<1x16xf32>,
        %add3A_598 = arith.constant 7 : i32
        %add3A_599 = arith.addi %mul3A_193, %add3A_598 : i32
        %add3A_600 = arith.addi %rem3A_95, %mul3A_193 : i32
        %add3A_601 = arith.constant 7 : i32
        %add3A_602 = arith.addi %add3A_600, %add3A_601 : i32
        %get3A_603 = arith.index_cast %add3A_602 : i32 to index
        %get3A_604 = arith.constant 16 : index
        %get3A_605 = tpu.vector_load %arg7[%get3A_603, %get3A_604] {strides = array<i32>} : memref<400x64xf32, #tpu.memory_space<vmem>>, vector<1x16xf32>,
        %get3A_606 = vector.shape_cast %get3A_605 : vector<1x16xf32> to vector<16xf32>
        %swap3A_607 = arith.index_cast %add3A_599 : i32 to index
        %swap3A_608 = arith.constant 16 : index
        %swap3A_609 = tpu.vector_load %arg9[%swap3A_607, %swap3A_608] {strides = array<i32>} : memref<128x64xf32, #tpu.memory_space<vmem>>, vector<1x16xf32>,
        %swap3A_610 = vector.shape_cast %swap3A_609 : vector<1x16xf32> to vector<16xf32>
        %swap3A_611 = vector.shape_cast %get3A_606 : vector<16xf32> to vector<1x16xf32>
        tpu.vector_store %arg9[%swap3A_607, %swap3A_608], %swap3A_611 {add = true, strides = array<i32>} : memref<128x64xf32, #tpu.memory_space<vmem>>, vector<1x16xf32>,
        %add3A_612 = arith.constant 7 : i32
        %add3A_613 = arith.addi %mul3A_193, %add3A_612 : i32
        %add3A_614 = arith.addi %rem3A_95, %mul3A_193 : i32
        %add3A_615 = arith.constant 7 : i32
        %add3A_616 = arith.addi %add3A_614, %add3A_615 : i32
        %get3A_617 = arith.index_cast %add3A_616 : i32 to index
        %get3A_618 = arith.constant 32 : index
        %get3A_619 = tpu.vector_load %arg7[%get3A_617, %get3A_618] {strides = array<i32>} : memref<400x64xf32, #tpu.memory_space<vmem>>, vector<1x16xf32>,
        %get3A_620 = vector.shape_cast %get3A_619 : vector<1x16xf32> to vector<16xf32>
        %swap3A_621 = arith.index_cast %add3A_613 : i32 to index
        %swap3A_622 = arith.constant 32 : index
        %swap3A_623 = tpu.vector_load %arg9[%swap3A_621, %swap3A_622] {strides = array<i32>} : memref<128x64xf32, #tpu.memory_space<vmem>>, vector<1x16xf32>,
        %swap3A_624 = vector.shape_cast %swap3A_623 : vector<1x16xf32> to vector<16xf32>
        %swap3A_625 = vector.shape_cast %get3A_620 : vector<16xf32> to vector<1x16xf32>
        tpu.vector_store %arg9[%swap3A_621, %swap3A_622], %swap3A_625 {add = true, strides = array<i32>} : memref<128x64xf32, #tpu.memory_space<vmem>>, vector<1x16xf32>,
        %add3A_626 = arith.constant 7 : i32
        %add3A_627 = arith.addi %mul3A_193, %add3A_626 : i32
        %add3A_628 = arith.addi %rem3A_95, %mul3A_193 : i32
        %add3A_629 = arith.constant 7 : i32
        %add3A_630 = arith.addi %add3A_628, %add3A_629 : i32
        %get3A_631 = arith.index_cast %add3A_630 : i32 to index
        %get3A_632 = arith.constant 48 : index
        %get3A_633 = tpu.vector_load %arg7[%get3A_631, %get3A_632] {strides = array<i32>} : memref<400x64xf32, #tpu.memory_space<vmem>>, vector<1x16xf32>,
        %get3A_634 = vector.shape_cast %get3A_633 : vector<1x16xf32> to vector<16xf32>
        %swap3A_635 = arith.index_cast %add3A_627 : i32 to index
        %swap3A_636 = arith.constant 48 : index
        %swap3A_637 = tpu.vector_load %arg9[%swap3A_635, %swap3A_636] {strides = array<i32>} : memref<128x64xf32, #tpu.memory_space<vmem>>, vector<1x16xf32>,
        %swap3A_638 = vector.shape_cast %swap3A_637 : vector<1x16xf32> to vector<16xf32>
        %swap3A_639 = vector.shape_cast %get3A_634 : vector<16xf32> to vector<1x16xf32>
        tpu.vector_store %arg9[%swap3A_635, %swap3A_636], %swap3A_639 {add = true, strides = array<i32>} : memref<128x64xf32, #tpu.memory_space<vmem>>, vector<1x16xf32>,
        %add3A_640 = arith.constant 8 : i32
        %add3A_641 = arith.addi %mul3A_193, %add3A_640 : i32
        %add3A_642 = arith.addi %rem3A_95, %mul3A_193 : i32
        %add3A_643 = arith.constant 8 : i32
        %add3A_644 = arith.addi %add3A_642, %add3A_643 : i32
        %get3A_645 = arith.index_cast %add3A_644 : i32 to index
        %get3A_646 = arith.constant 0 : index
        %get3A_647 = tpu.vector_load %arg7[%get3A_645, %get3A_646] {strides = array<i32>} : memref<400x64xf32, #tpu.memory_space<vmem>>, vector<1x16xf32>,
        %get3A_648 = vector.shape_cast %get3A_647 : vector<1x16xf32> to vector<16xf32>
        %swap3A_649 = arith.index_cast %add3A_641 : i32 to index
        %swap3A_650 = arith.constant 0 : index
        %swap3A_651 = tpu.vector_load %arg9[%swap3A_649, %swap3A_650] {strides = array<i32>} : memref<128x64xf32, #tpu.memory_space<vmem>>, vector<1x16xf32>,
        %swap3A_652 = vector.shape_cast %swap3A_651 : vector<1x16xf32> to vector<16xf32>
        %swap3A_653 = vector.shape_cast %get3A_648 : vector<16xf32> to vector<1x16xf32>
        tpu.vector_store %arg9[%swap3A_649, %swap3A_650], %swap3A_653 {add = true, strides = array<i32>} : memref<128x64xf32, #tpu.memory_space<vmem>>, vector<1x16xf32>,
        %add3A_654 = arith.constant 8 : i32
        %add3A_655 = arith.addi %mul3A_193, %add3A_654 : i32
        %add3A_656 = arith.addi %rem3A_95, %mul3A_193 : i32
        %add3A_657 = arith.constant 8 : i32
        %add3A_658 = arith.addi %add3A_656, %add3A_657 : i32
        %get3A_659 = arith.index_cast %add3A_658 : i32 to index
        %get3A_660 = arith.constant 16 : index
        %get3A_661 = tpu.vector_load %arg7[%get3A_659, %get3A_660] {strides = array<i32>} : memref<400x64xf32, #tpu.memory_space<vmem>>, vector<1x16xf32>,
        %get3A_662 = vector.shape_cast %get3A_661 : vector<1x16xf32> to vector<16xf32>
        %swap3A_663 = arith.index_cast %add3A_655 : i32 to index
        %swap3A_664 = arith.constant 16 : index
        %swap3A_665 = tpu.vector_load %arg9[%swap3A_663, %swap3A_664] {strides = array<i32>} : memref<128x64xf32, #tpu.memory_space<vmem>>, vector<1x16xf32>,
        %swap3A_666 = vector.shape_cast %swap3A_665 : vector<1x16xf32> to vector<16xf32>
        %swap3A_667 = vector.shape_cast %get3A_662 : vector<16xf32> to vector<1x16xf32>
        tpu.vector_store %arg9[%swap3A_663, %swap3A_664], %swap3A_667 {add = true, strides = array<i32>} : memref<128x64xf32, #tpu.memory_space<vmem>>, vector<1x16xf32>,
        %add3A_668 = arith.constant 8 : i32
        %add3A_669 = arith.addi %mul3A_193, %add3A_668 : i32
        %add3A_670 = arith.addi %rem3A_95, %mul3A_193 : i32
        %add3A_671 = arith.constant 8 : i32
        %add3A_672 = arith.addi %add3A_670, %add3A_671 : i32
        %get3A_673 = arith.index_cast %add3A_672 : i32 to index
        %get3A_674 = arith.constant 32 : index
        %get3A_675 = tpu.vector_load %arg7[%get3A_673, %get3A_674] {strides = array<i32>} : memref<400x64xf32, #tpu.memory_space<vmem>>, vector<1x16xf32>,
        %get3A_676 = vector.shape_cast %get3A_675 : vector<1x16xf32> to vector<16xf32>
        %swap3A_677 = arith.index_cast %add3A_669 : i32 to index
        %swap3A_678 = arith.constant 32 : index
        %swap3A_679 = tpu.vector_load %arg9[%swap3A_677, %swap3A_678] {strides = array<i32>} : memref<128x64xf32, #tpu.memory_space<vmem>>, vector<1x16xf32>,
        %swap3A_680 = vector.shape_cast %swap3A_679 : vector<1x16xf32> to vector<16xf32>
        %swap3A_681 = vector.shape_cast %get3A_676 : vector<16xf32> to vector<1x16xf32>
        tpu.vector_store %arg9[%swap3A_677, %swap3A_678], %swap3A_681 {add = true, strides = array<i32>} : memref<128x64xf32, #tpu.memory_space<vmem>>, vector<1x16xf32>,
        %add3A_682 = arith.constant 8 : i32
        %add3A_683 = arith.addi %mul3A_193, %add3A_682 : i32
        %add3A_684 = arith.addi %rem3A_95, %mul3A_193 : i32
        %add3A_685 = arith.constant 8 : i32
        %add3A_686 = arith.addi %add3A_684, %add3A_685 : i32
        %get3A_687 = arith.index_cast %add3A_686 : i32 to index
        %get3A_688 = arith.constant 48 : index
        %get3A_689 = tpu.vector_load %arg7[%get3A_687, %get3A_688] {strides = array<i32>} : memref<400x64xf32, #tpu.memory_space<vmem>>, vector<1x16xf32>,
        %get3A_690 = vector.shape_cast %get3A_689 : vector<1x16xf32> to vector<16xf32>
        %swap3A_691 = arith.index_cast %add3A_683 : i32 to index
        %swap3A_692 = arith.constant 48 : index
        %swap3A_693 = tpu.vector_load %arg9[%swap3A_691, %swap3A_692] {strides = array<i32>} : memref<128x64xf32, #tpu.memory_space<vmem>>, vector<1x16xf32>,
        %swap3A_694 = vector.shape_cast %swap3A_693 : vector<1x16xf32> to vector<16xf32>
        %swap3A_695 = vector.shape_cast %get3A_690 : vector<16xf32> to vector<1x16xf32>
        tpu.vector_store %arg9[%swap3A_691, %swap3A_692], %swap3A_695 {add = true, strides = array<i32>} : memref<128x64xf32, #tpu.memory_space<vmem>>, vector<1x16xf32>,
        %add3A_696 = arith.constant 9 : i32
        %add3A_697 = arith.addi %mul3A_193, %add3A_696 : i32
        %add3A_698 = arith.addi %rem3A_95, %mul3A_193 : i32
        %add3A_699 = arith.constant 9 : i32
        %add3A_700 = arith.addi %add3A_698, %add3A_699 : i32
        %get3A_701 = arith.index_cast %add3A_700 : i32 to index
        %get3A_702 = arith.constant 0 : index
        %get3A_703 = tpu.vector_load %arg7[%get3A_701, %get3A_702] {strides = array<i32>} : memref<400x64xf32, #tpu.memory_space<vmem>>, vector<1x16xf32>,
        %get3A_704 = vector.shape_cast %get3A_703 : vector<1x16xf32> to vector<16xf32>
        %swap3A_705 = arith.index_cast %add3A_697 : i32 to index
        %swap3A_706 = arith.constant 0 : index
        %swap3A_707 = tpu.vector_load %arg9[%swap3A_705, %swap3A_706] {strides = array<i32>} : memref<128x64xf32, #tpu.memory_space<vmem>>, vector<1x16xf32>,
        %swap3A_708 = vector.shape_cast %swap3A_707 : vector<1x16xf32> to vector<16xf32>
        %swap3A_709 = vector.shape_cast %get3A_704 : vector<16xf32> to vector<1x16xf32>
        tpu.vector_store %arg9[%swap3A_705, %swap3A_706], %swap3A_709 {add = true, strides = array<i32>} : memref<128x64xf32, #tpu.memory_space<vmem>>, vector<1x16xf32>,
        %add3A_710 = arith.constant 9 : i32
        %add3A_711 = arith.addi %mul3A_193, %add3A_710 : i32
        %add3A_712 = arith.addi %rem3A_95, %mul3A_193 : i32
        %add3A_713 = arith.constant 9 : i32
        %add3A_714 = arith.addi %add3A_712, %add3A_713 : i32
        %get3A_715 = arith.index_cast %add3A_714 : i32 to index
        %get3A_716 = arith.constant 16 : index
        %get3A_717 = tpu.vector_load %arg7[%get3A_715, %get3A_716] {strides = array<i32>} : memref<400x64xf32, #tpu.memory_space<vmem>>, vector<1x16xf32>,
        %get3A_718 = vector.shape_cast %get3A_717 : vector<1x16xf32> to vector<16xf32>
        %swap3A_719 = arith.index_cast %add3A_711 : i32 to index
        %swap3A_720 = arith.constant 16 : index
        %swap3A_721 = tpu.vector_load %arg9[%swap3A_719, %swap3A_720] {strides = array<i32>} : memref<128x64xf32, #tpu.memory_space<vmem>>, vector<1x16xf32>,
        %swap3A_722 = vector.shape_cast %swap3A_721 : vector<1x16xf32> to vector<16xf32>
        %swap3A_723 = vector.shape_cast %get3A_718 : vector<16xf32> to vector<1x16xf32>
        tpu.vector_store %arg9[%swap3A_719, %swap3A_720], %swap3A_723 {add = true, strides = array<i32>} : memref<128x64xf32, #tpu.memory_space<vmem>>, vector<1x16xf32>,
        %add3A_724 = arith.constant 9 : i32
        %add3A_725 = arith.addi %mul3A_193, %add3A_724 : i32
        %add3A_726 = arith.addi %rem3A_95, %mul3A_193 : i32
        %add3A_727 = arith.constant 9 : i32
        %add3A_728 = arith.addi %add3A_726, %add3A_727 : i32
        %get3A_729 = arith.index_cast %add3A_728 : i32 to index
        %get3A_730 = arith.constant 32 : index
        %get3A_731 = tpu.vector_load %arg7[%get3A_729, %get3A_730] {strides = array<i32>} : memref<400x64xf32, #tpu.memory_space<vmem>>, vector<1x16xf32>,
        %get3A_732 = vector.shape_cast %get3A_731 : vector<1x16xf32> to vector<16xf32>
        %swap3A_733 = arith.index_cast %add3A_725 : i32 to index
        %swap3A_734 = arith.constant 32 : index
        %swap3A_735 = tpu.vector_load %arg9[%swap3A_733, %swap3A_734] {strides = array<i32>} : memref<128x64xf32, #tpu.memory_space<vmem>>, vector<1x16xf32>,
        %swap3A_736 = vector.shape_cast %swap3A_735 : vector<1x16xf32> to vector<16xf32>
        %swap3A_737 = vector.shape_cast %get3A_732 : vector<16xf32> to vector<1x16xf32>
        tpu.vector_store %arg9[%swap3A_733, %swap3A_734], %swap3A_737 {add = true, strides = array<i32>} : memref<128x64xf32, #tpu.memory_space<vmem>>, vector<1x16xf32>,
        %add3A_738 = arith.constant 9 : i32
        %add3A_739 = arith.addi %mul3A_193, %add3A_738 : i32
        %add3A_740 = arith.addi %rem3A_95, %mul3A_193 : i32
        %add3A_741 = arith.constant 9 : i32
        %add3A_742 = arith.addi %add3A_740, %add3A_741 : i32
        %get3A_743 = arith.index_cast %add3A_742 : i32 to index
        %get3A_744 = arith.constant 48 : index
        %get3A_745 = tpu.vector_load %arg7[%get3A_743, %get3A_744] {strides = array<i32>} : memref<400x64xf32, #tpu.memory_space<vmem>>, vector<1x16xf32>,
        %get3A_746 = vector.shape_cast %get3A_745 : vector<1x16xf32> to vector<16xf32>
        %swap3A_747 = arith.index_cast %add3A_739 : i32 to index
        %swap3A_748 = arith.constant 48 : index
        %swap3A_749 = tpu.vector_load %arg9[%swap3A_747, %swap3A_748] {strides = array<i32>} : memref<128x64xf32, #tpu.memory_space<vmem>>, vector<1x16xf32>,
        %swap3A_750 = vector.shape_cast %swap3A_749 : vector<1x16xf32> to vector<16xf32>
        %swap3A_751 = vector.shape_cast %get3A_746 : vector<16xf32> to vector<1x16xf32>
        tpu.vector_store %arg9[%swap3A_747, %swap3A_748], %swap3A_751 {add = true, strides = array<i32>} : memref<128x64xf32, #tpu.memory_space<vmem>>, vector<1x16xf32>,
        %add3A_752 = arith.constant 10 : i32
        %add3A_753 = arith.addi %mul3A_193, %add3A_752 : i32
        %add3A_754 = arith.addi %rem3A_95, %mul3A_193 : i32
        %add3A_755 = arith.constant 10 : i32
        %add3A_756 = arith.addi %add3A_754, %add3A_755 : i32
        %get3A_757 = arith.index_cast %add3A_756 : i32 to index
        %get3A_758 = arith.constant 0 : index
        %get3A_759 = tpu.vector_load %arg7[%get3A_757, %get3A_758] {strides = array<i32>} : memref<400x64xf32, #tpu.memory_space<vmem>>, vector<1x16xf32>,
        %get3A_760 = vector.shape_cast %get3A_759 : vector<1x16xf32> to vector<16xf32>
        %swap3A_761 = arith.index_cast %add3A_753 : i32 to index
        %swap3A_762 = arith.constant 0 : index
        %swap3A_763 = tpu.vector_load %arg9[%swap3A_761, %swap3A_762] {strides = array<i32>} : memref<128x64xf32, #tpu.memory_space<vmem>>, vector<1x16xf32>,
        %swap3A_764 = vector.shape_cast %swap3A_763 : vector<1x16xf32> to vector<16xf32>
        %swap3A_765 = vector.shape_cast %get3A_760 : vector<16xf32> to vector<1x16xf32>
        tpu.vector_store %arg9[%swap3A_761, %swap3A_762], %swap3A_765 {add = true, strides = array<i32>} : memref<128x64xf32, #tpu.memory_space<vmem>>, vector<1x16xf32>,
        %add3A_766 = arith.constant 10 : i32
        %add3A_767 = arith.addi %mul3A_193, %add3A_766 : i32
        %add3A_768 = arith.addi %rem3A_95, %mul3A_193 : i32
        %add3A_769 = arith.constant 10 : i32
        %add3A_770 = arith.addi %add3A_768, %add3A_769 : i32
        %get3A_771 = arith.index_cast %add3A_770 : i32 to index
        %get3A_772 = arith.constant 16 : index
        %get3A_773 = tpu.vector_load %arg7[%get3A_771, %get3A_772] {strides = array<i32>} : memref<400x64xf32, #tpu.memory_space<vmem>>, vector<1x16xf32>,
        %get3A_774 = vector.shape_cast %get3A_773 : vector<1x16xf32> to vector<16xf32>
        %swap3A_775 = arith.index_cast %add3A_767 : i32 to index
        %swap3A_776 = arith.constant 16 : index
        %swap3A_777 = tpu.vector_load %arg9[%swap3A_775, %swap3A_776] {strides = array<i32>} : memref<128x64xf32, #tpu.memory_space<vmem>>, vector<1x16xf32>,
        %swap3A_778 = vector.shape_cast %swap3A_777 : vector<1x16xf32> to vector<16xf32>
        %swap3A_779 = vector.shape_cast %get3A_774 : vector<16xf32> to vector<1x16xf32>
        tpu.vector_store %arg9[%swap3A_775, %swap3A_776], %swap3A_779 {add = true, strides = array<i32>} : memref<128x64xf32, #tpu.memory_space<vmem>>, vector<1x16xf32>,
        %add3A_780 = arith.constant 10 : i32
        %add3A_781 = arith.addi %mul3A_193, %add3A_780 : i32
        %add3A_782 = arith.addi %rem3A_95, %mul3A_193 : i32
        %add3A_783 = arith.constant 10 : i32
        %add3A_784 = arith.addi %add3A_782, %add3A_783 : i32
        %get3A_785 = arith.index_cast %add3A_784 : i32 to index
        %get3A_786 = arith.constant 32 : index
        %get3A_787 = tpu.vector_load %arg7[%get3A_785, %get3A_786] {strides = array<i32>} : memref<400x64xf32, #tpu.memory_space<vmem>>, vector<1x16xf32>,
        %get3A_788 = vector.shape_cast %get3A_787 : vector<1x16xf32> to vector<16xf32>
        %swap3A_789 = arith.index_cast %add3A_781 : i32 to index
        %swap3A_790 = arith.constant 32 : index
        %swap3A_791 = tpu.vector_load %arg9[%swap3A_789, %swap3A_790] {strides = array<i32>} : memref<128x64xf32, #tpu.memory_space<vmem>>, vector<1x16xf32>,
        %swap3A_792 = vector.shape_cast %swap3A_791 : vector<1x16xf32> to vector<16xf32>
        %swap3A_793 = vector.shape_cast %get3A_788 : vector<16xf32> to vector<1x16xf32>
        tpu.vector_store %arg9[%swap3A_789, %swap3A_790], %swap3A_793 {add = true, strides = array<i32>} : memref<128x64xf32, #tpu.memory_space<vmem>>, vector<1x16xf32>,
        %add3A_794 = arith.constant 10 : i32
        %add3A_795 = arith.addi %mul3A_193, %add3A_794 : i32
        %add3A_796 = arith.addi %rem3A_95, %mul3A_193 : i32
        %add3A_797 = arith.constant 10 : i32
        %add3A_798 = arith.addi %add3A_796, %add3A_797 : i32
        %get3A_799 = arith.index_cast %add3A_798 : i32 to index
        %get3A_800 = arith.constant 48 : index
        %get3A_801 = tpu.vector_load %arg7[%get3A_799, %get3A_800] {strides = array<i32>} : memref<400x64xf32, #tpu.memory_space<vmem>>, vector<1x16xf32>,
        %get3A_802 = vector.shape_cast %get3A_801 : vector<1x16xf32> to vector<16xf32>
        %swap3A_803 = arith.index_cast %add3A_795 : i32 to index
        %swap3A_804 = arith.constant 48 : index
        %swap3A_805 = tpu.vector_load %arg9[%swap3A_803, %swap3A_804] {strides = array<i32>} : memref<128x64xf32, #tpu.memory_space<vmem>>, vector<1x16xf32>,
        %swap3A_806 = vector.shape_cast %swap3A_805 : vector<1x16xf32> to vector<16xf32>
        %swap3A_807 = vector.shape_cast %get3A_802 : vector<16xf32> to vector<1x16xf32>
        tpu.vector_store %arg9[%swap3A_803, %swap3A_804], %swap3A_807 {add = true, strides = array<i32>} : memref<128x64xf32, #tpu.memory_space<vmem>>, vector<1x16xf32>,
        %add3A_808 = arith.constant 11 : i32
        %add3A_809 = arith.addi %mul3A_193, %add3A_808 : i32
        %add3A_810 = arith.addi %rem3A_95, %mul3A_193 : i32
        %add3A_811 = arith.constant 11 : i32
        %add3A_812 = arith.addi %add3A_810, %add3A_811 : i32
        %get3A_813 = arith.index_cast %add3A_812 : i32 to index
        %get3A_814 = arith.constant 0 : index
        %get3A_815 = tpu.vector_load %arg7[%get3A_813, %get3A_814] {strides = array<i32>} : memref<400x64xf32, #tpu.memory_space<vmem>>, vector<1x16xf32>,
        %get3A_816 = vector.shape_cast %get3A_815 : vector<1x16xf32> to vector<16xf32>
        %swap3A_817 = arith.index_cast %add3A_809 : i32 to index
        %swap3A_818 = arith.constant 0 : index
        %swap3A_819 = tpu.vector_load %arg9[%swap3A_817, %swap3A_818] {strides = array<i32>} : memref<128x64xf32, #tpu.memory_space<vmem>>, vector<1x16xf32>,
        %swap3A_820 = vector.shape_cast %swap3A_819 : vector<1x16xf32> to vector<16xf32>
        %swap3A_821 = vector.shape_cast %get3A_816 : vector<16xf32> to vector<1x16xf32>
        tpu.vector_store %arg9[%swap3A_817, %swap3A_818], %swap3A_821 {add = true, strides = array<i32>} : memref<128x64xf32, #tpu.memory_space<vmem>>, vector<1x16xf32>,
        %add3A_822 = arith.constant 11 : i32
        %add3A_823 = arith.addi %mul3A_193, %add3A_822 : i32
        %add3A_824 = arith.addi %rem3A_95, %mul3A_193 : i32
        %add3A_825 = arith.constant 11 : i32
        %add3A_826 = arith.addi %add3A_824, %add3A_825 : i32
        %get3A_827 = arith.index_cast %add3A_826 : i32 to index
        %get3A_828 = arith.constant 16 : index
        %get3A_829 = tpu.vector_load %arg7[%get3A_827, %get3A_828] {strides = array<i32>} : memref<400x64xf32, #tpu.memory_space<vmem>>, vector<1x16xf32>,
        %get3A_830 = vector.shape_cast %get3A_829 : vector<1x16xf32> to vector<16xf32>
        %swap3A_831 = arith.index_cast %add3A_823 : i32 to index
        %swap3A_832 = arith.constant 16 : index
        %swap3A_833 = tpu.vector_load %arg9[%swap3A_831, %swap3A_832] {strides = array<i32>} : memref<128x64xf32, #tpu.memory_space<vmem>>, vector<1x16xf32>,
        %swap3A_834 = vector.shape_cast %swap3A_833 : vector<1x16xf32> to vector<16xf32>
        %swap3A_835 = vector.shape_cast %get3A_830 : vector<16xf32> to vector<1x16xf32>
        tpu.vector_store %arg9[%swap3A_831, %swap3A_832], %swap3A_835 {add = true, strides = array<i32>} : memref<128x64xf32, #tpu.memory_space<vmem>>, vector<1x16xf32>,
        %add3A_836 = arith.constant 11 : i32
        %add3A_837 = arith.addi %mul3A_193, %add3A_836 : i32
        %add3A_838 = arith.addi %rem3A_95, %mul3A_193 : i32
        %add3A_839 = arith.constant 11 : i32
        %add3A_840 = arith.addi %add3A_838, %add3A_839 : i32
        %get3A_841 = arith.index_cast %add3A_840 : i32 to index
        %get3A_842 = arith.constant 32 : index
        %get3A_843 = tpu.vector_load %arg7[%get3A_841, %get3A_842] {strides = array<i32>} : memref<400x64xf32, #tpu.memory_space<vmem>>, vector<1x16xf32>,
        %get3A_844 = vector.shape_cast %get3A_843 : vector<1x16xf32> to vector<16xf32>
        %swap3A_845 = arith.index_cast %add3A_837 : i32 to index
        %swap3A_846 = arith.constant 32 : index
        %swap3A_847 = tpu.vector_load %arg9[%swap3A_845, %swap3A_846] {strides = array<i32>} : memref<128x64xf32, #tpu.memory_space<vmem>>, vector<1x16xf32>,
        %swap3A_848 = vector.shape_cast %swap3A_847 : vector<1x16xf32> to vector<16xf32>
        %swap3A_849 = vector.shape_cast %get3A_844 : vector<16xf32> to vector<1x16xf32>
        tpu.vector_store %arg9[%swap3A_845, %swap3A_846], %swap3A_849 {add = true, strides = array<i32>} : memref<128x64xf32, #tpu.memory_space<vmem>>, vector<1x16xf32>,
        %add3A_850 = arith.constant 11 : i32
        %add3A_851 = arith.addi %mul3A_193, %add3A_850 : i32
        %add3A_852 = arith.addi %rem3A_95, %mul3A_193 : i32
        %add3A_853 = arith.constant 11 : i32
        %add3A_854 = arith.addi %add3A_852, %add3A_853 : i32
        %get3A_855 = arith.index_cast %add3A_854 : i32 to index
        %get3A_856 = arith.constant 48 : index
        %get3A_857 = tpu.vector_load %arg7[%get3A_855, %get3A_856] {strides = array<i32>} : memref<400x64xf32, #tpu.memory_space<vmem>>, vector<1x16xf32>,
        %get3A_858 = vector.shape_cast %get3A_857 : vector<1x16xf32> to vector<16xf32>
        %swap3A_859 = arith.index_cast %add3A_851 : i32 to index
        %swap3A_860 = arith.constant 48 : index
        %swap3A_861 = tpu.vector_load %arg9[%swap3A_859, %swap3A_860] {strides = array<i32>} : memref<128x64xf32, #tpu.memory_space<vmem>>, vector<1x16xf32>,
        %swap3A_862 = vector.shape_cast %swap3A_861 : vector<1x16xf32> to vector<16xf32>
        %swap3A_863 = vector.shape_cast %get3A_858 : vector<16xf32> to vector<1x16xf32>
        tpu.vector_store %arg9[%swap3A_859, %swap3A_860], %swap3A_863 {add = true, strides = array<i32>} : memref<128x64xf32, #tpu.memory_space<vmem>>, vector<1x16xf32>,
        %add3A_864 = arith.constant 12 : i32
        %add3A_865 = arith.addi %mul3A_193, %add3A_864 : i32
        %add3A_866 = arith.addi %rem3A_95, %mul3A_193 : i32
        %add3A_867 = arith.constant 12 : i32
        %add3A_868 = arith.addi %add3A_866, %add3A_867 : i32
        %get3A_869 = arith.index_cast %add3A_868 : i32 to index
        %get3A_870 = arith.constant 0 : index
        %get3A_871 = tpu.vector_load %arg7[%get3A_869, %get3A_870] {strides = array<i32>} : memref<400x64xf32, #tpu.memory_space<vmem>>, vector<1x16xf32>,
        %get3A_872 = vector.shape_cast %get3A_871 : vector<1x16xf32> to vector<16xf32>
        %swap3A_873 = arith.index_cast %add3A_865 : i32 to index
        %swap3A_874 = arith.constant 0 : index
        %swap3A_875 = tpu.vector_load %arg9[%swap3A_873, %swap3A_874] {strides = array<i32>} : memref<128x64xf32, #tpu.memory_space<vmem>>, vector<1x16xf32>,
        %swap3A_876 = vector.shape_cast %swap3A_875 : vector<1x16xf32> to vector<16xf32>
        %swap3A_877 = vector.shape_cast %get3A_872 : vector<16xf32> to vector<1x16xf32>
        tpu.vector_store %arg9[%swap3A_873, %swap3A_874], %swap3A_877 {add = true, strides = array<i32>} : memref<128x64xf32, #tpu.memory_space<vmem>>, vector<1x16xf32>,
        %add3A_878 = arith.constant 12 : i32
        %add3A_879 = arith.addi %mul3A_193, %add3A_878 : i32
        %add3A_880 = arith.addi %rem3A_95, %mul3A_193 : i32
        %add3A_881 = arith.constant 12 : i32
        %add3A_882 = arith.addi %add3A_880, %add3A_881 : i32
        %get3A_883 = arith.index_cast %add3A_882 : i32 to index
        %get3A_884 = arith.constant 16 : index
        %get3A_885 = tpu.vector_load %arg7[%get3A_883, %get3A_884] {strides = array<i32>} : memref<400x64xf32, #tpu.memory_space<vmem>>, vector<1x16xf32>,
        %get3A_886 = vector.shape_cast %get3A_885 : vector<1x16xf32> to vector<16xf32>
        %swap3A_887 = arith.index_cast %add3A_879 : i32 to index
        %swap3A_888 = arith.constant 16 : index
        %swap3A_889 = tpu.vector_load %arg9[%swap3A_887, %swap3A_888] {strides = array<i32>} : memref<128x64xf32, #tpu.memory_space<vmem>>, vector<1x16xf32>,
        %swap3A_890 = vector.shape_cast %swap3A_889 : vector<1x16xf32> to vector<16xf32>
        %swap3A_891 = vector.shape_cast %get3A_886 : vector<16xf32> to vector<1x16xf32>
        tpu.vector_store %arg9[%swap3A_887, %swap3A_888], %swap3A_891 {add = true, strides = array<i32>} : memref<128x64xf32, #tpu.memory_space<vmem>>, vector<1x16xf32>,
        %add3A_892 = arith.constant 12 : i32
        %add3A_893 = arith.addi %mul3A_193, %add3A_892 : i32
        %add3A_894 = arith.addi %rem3A_95, %mul3A_193 : i32
        %add3A_895 = arith.constant 12 : i32
        %add3A_896 = arith.addi %add3A_894, %add3A_895 : i32
        %get3A_897 = arith.index_cast %add3A_896 : i32 to index
        %get3A_898 = arith.constant 32 : index
        %get3A_899 = tpu.vector_load %arg7[%get3A_897, %get3A_898] {strides = array<i32>} : memref<400x64xf32, #tpu.memory_space<vmem>>, vector<1x16xf32>,
        %get3A_900 = vector.shape_cast %get3A_899 : vector<1x16xf32> to vector<16xf32>
        %swap3A_901 = arith.index_cast %add3A_893 : i32 to index
        %swap3A_902 = arith.constant 32 : index
        %swap3A_903 = tpu.vector_load %arg9[%swap3A_901, %swap3A_902] {strides = array<i32>} : memref<128x64xf32, #tpu.memory_space<vmem>>, vector<1x16xf32>,
        %swap3A_904 = vector.shape_cast %swap3A_903 : vector<1x16xf32> to vector<16xf32>
        %swap3A_905 = vector.shape_cast %get3A_900 : vector<16xf32> to vector<1x16xf32>
        tpu.vector_store %arg9[%swap3A_901, %swap3A_902], %swap3A_905 {add = true, strides = array<i32>} : memref<128x64xf32, #tpu.memory_space<vmem>>, vector<1x16xf32>,
        %add3A_906 = arith.constant 12 : i32
        %add3A_907 = arith.addi %mul3A_193, %add3A_906 : i32
        %add3A_908 = arith.addi %rem3A_95, %mul3A_193 : i32
        %add3A_909 = arith.constant 12 : i32
        %add3A_910 = arith.addi %add3A_908, %add3A_909 : i32
        %get3A_911 = arith.index_cast %add3A_910 : i32 to index
        %get3A_912 = arith.constant 48 : index
        %get3A_913 = tpu.vector_load %arg7[%get3A_911, %get3A_912] {strides = array<i32>} : memref<400x64xf32, #tpu.memory_space<vmem>>, vector<1x16xf32>,
        %get3A_914 = vector.shape_cast %get3A_913 : vector<1x16xf32> to vector<16xf32>
        %swap3A_915 = arith.index_cast %add3A_907 : i32 to index
        %swap3A_916 = arith.constant 48 : index
        %swap3A_917 = tpu.vector_load %arg9[%swap3A_915, %swap3A_916] {strides = array<i32>} : memref<128x64xf32, #tpu.memory_space<vmem>>, vector<1x16xf32>,
        %swap3A_918 = vector.shape_cast %swap3A_917 : vector<1x16xf32> to vector<16xf32>
        %swap3A_919 = vector.shape_cast %get3A_914 : vector<16xf32> to vector<1x16xf32>
        tpu.vector_store %arg9[%swap3A_915, %swap3A_916], %swap3A_919 {add = true, strides = array<i32>} : memref<128x64xf32, #tpu.memory_space<vmem>>, vector<1x16xf32>,
        %add3A_920 = arith.constant 13 : i32
        %add3A_921 = arith.addi %mul3A_193, %add3A_920 : i32
        %add3A_922 = arith.addi %rem3A_95, %mul3A_193 : i32
        %add3A_923 = arith.constant 13 : i32
        %add3A_924 = arith.addi %add3A_922, %add3A_923 : i32
        %get3A_925 = arith.index_cast %add3A_924 : i32 to index
        %get3A_926 = arith.constant 0 : index
        %get3A_927 = tpu.vector_load %arg7[%get3A_925, %get3A_926] {strides = array<i32>} : memref<400x64xf32, #tpu.memory_space<vmem>>, vector<1x16xf32>,
        %get3A_928 = vector.shape_cast %get3A_927 : vector<1x16xf32> to vector<16xf32>
        %swap3A_929 = arith.index_cast %add3A_921 : i32 to index
        %swap3A_930 = arith.constant 0 : index
        %swap3A_931 = tpu.vector_load %arg9[%swap3A_929, %swap3A_930] {strides = array<i32>} : memref<128x64xf32, #tpu.memory_space<vmem>>, vector<1x16xf32>,
        %swap3A_932 = vector.shape_cast %swap3A_931 : vector<1x16xf32> to vector<16xf32>
        %swap3A_933 = vector.shape_cast %get3A_928 : vector<16xf32> to vector<1x16xf32>
        tpu.vector_store %arg9[%swap3A_929, %swap3A_930], %swap3A_933 {add = true, strides = array<i32>} : memref<128x64xf32, #tpu.memory_space<vmem>>, vector<1x16xf32>,
        %add3A_934 = arith.constant 13 : i32
        %add3A_935 = arith.addi %mul3A_193, %add3A_934 : i32
        %add3A_936 = arith.addi %rem3A_95, %mul3A_193 : i32
        %add3A_937 = arith.constant 13 : i32
        %add3A_938 = arith.addi %add3A_936, %add3A_937 : i32
        %get3A_939 = arith.index_cast %add3A_938 : i32 to index
        %get3A_940 = arith.constant 16 : index
        %get3A_941 = tpu.vector_load %arg7[%get3A_939, %get3A_940] {strides = array<i32>} : memref<400x64xf32, #tpu.memory_space<vmem>>, vector<1x16xf32>,
        %get3A_942 = vector.shape_cast %get3A_941 : vector<1x16xf32> to vector<16xf32>
        %swap3A_943 = arith.index_cast %add3A_935 : i32 to index
        %swap3A_944 = arith.constant 16 : index
        %swap3A_945 = tpu.vector_load %arg9[%swap3A_943, %swap3A_944] {strides = array<i32>} : memref<128x64xf32, #tpu.memory_space<vmem>>, vector<1x16xf32>,
        %swap3A_946 = vector.shape_cast %swap3A_945 : vector<1x16xf32> to vector<16xf32>
        %swap3A_947 = vector.shape_cast %get3A_942 : vector<16xf32> to vector<1x16xf32>
        tpu.vector_store %arg9[%swap3A_943, %swap3A_944], %swap3A_947 {add = true, strides = array<i32>} : memref<128x64xf32, #tpu.memory_space<vmem>>, vector<1x16xf32>,
        %add3A_948 = arith.constant 13 : i32
        %add3A_949 = arith.addi %mul3A_193, %add3A_948 : i32
        %add3A_950 = arith.addi %rem3A_95, %mul3A_193 : i32
        %add3A_951 = arith.constant 13 : i32
        %add3A_952 = arith.addi %add3A_950, %add3A_951 : i32
        %get3A_953 = arith.index_cast %add3A_952 : i32 to index
        %get3A_954 = arith.constant 32 : index
        %get3A_955 = tpu.vector_load %arg7[%get3A_953, %get3A_954] {strides = array<i32>} : memref<400x64xf32, #tpu.memory_space<vmem>>, vector<1x16xf32>,
        %get3A_956 = vector.shape_cast %get3A_955 : vector<1x16xf32> to vector<16xf32>
        %swap3A_957 = arith.index_cast %add3A_949 : i32 to index
        %swap3A_958 = arith.constant 32 : index
        %swap3A_959 = tpu.vector_load %arg9[%swap3A_957, %swap3A_958] {strides = array<i32>} : memref<128x64xf32, #tpu.memory_space<vmem>>, vector<1x16xf32>,
        %swap3A_960 = vector.shape_cast %swap3A_959 : vector<1x16xf32> to vector<16xf32>
        %swap3A_961 = vector.shape_cast %get3A_956 : vector<16xf32> to vector<1x16xf32>
        tpu.vector_store %arg9[%swap3A_957, %swap3A_958], %swap3A_961 {add = true, strides = array<i32>} : memref<128x64xf32, #tpu.memory_space<vmem>>, vector<1x16xf32>,
        %add3A_962 = arith.constant 13 : i32
        %add3A_963 = arith.addi %mul3A_193, %add3A_962 : i32
        %add3A_964 = arith.addi %rem3A_95, %mul3A_193 : i32
        %add3A_965 = arith.constant 13 : i32
        %add3A_966 = arith.addi %add3A_964, %add3A_965 : i32
        %get3A_967 = arith.index_cast %add3A_966 : i32 to index
        %get3A_968 = arith.constant 48 : index
        %get3A_969 = tpu.vector_load %arg7[%get3A_967, %get3A_968] {strides = array<i32>} : memref<400x64xf32, #tpu.memory_space<vmem>>, vector<1x16xf32>,
        %get3A_970 = vector.shape_cast %get3A_969 : vector<1x16xf32> to vector<16xf32>
        %swap3A_971 = arith.index_cast %add3A_963 : i32 to index
        %swap3A_972 = arith.constant 48 : index
        %swap3A_973 = tpu.vector_load %arg9[%swap3A_971, %swap3A_972] {strides = array<i32>} : memref<128x64xf32, #tpu.memory_space<vmem>>, vector<1x16xf32>,
        %swap3A_974 = vector.shape_cast %swap3A_973 : vector<1x16xf32> to vector<16xf32>
        %swap3A_975 = vector.shape_cast %get3A_970 : vector<16xf32> to vector<1x16xf32>
        tpu.vector_store %arg9[%swap3A_971, %swap3A_972], %swap3A_975 {add = true, strides = array<i32>} : memref<128x64xf32, #tpu.memory_space<vmem>>, vector<1x16xf32>,
        %add3A_976 = arith.constant 14 : i32
        %add3A_977 = arith.addi %mul3A_193, %add3A_976 : i32
        %add3A_978 = arith.addi %rem3A_95, %mul3A_193 : i32
        %add3A_979 = arith.constant 14 : i32
        %add3A_980 = arith.addi %add3A_978, %add3A_979 : i32
        %get3A_981 = arith.index_cast %add3A_980 : i32 to index
        %get3A_982 = arith.constant 0 : index
        %get3A_983 = tpu.vector_load %arg7[%get3A_981, %get3A_982] {strides = array<i32>} : memref<400x64xf32, #tpu.memory_space<vmem>>, vector<1x16xf32>,
        %get3A_984 = vector.shape_cast %get3A_983 : vector<1x16xf32> to vector<16xf32>
        %swap3A_985 = arith.index_cast %add3A_977 : i32 to index
        %swap3A_986 = arith.constant 0 : index
        %swap3A_987 = tpu.vector_load %arg9[%swap3A_985, %swap3A_986] {strides = array<i32>} : memref<128x64xf32, #tpu.memory_space<vmem>>, vector<1x16xf32>,
        %swap3A_988 = vector.shape_cast %swap3A_987 : vector<1x16xf32> to vector<16xf32>
        %swap3A_989 = vector.shape_cast %get3A_984 : vector<16xf32> to vector<1x16xf32>
        tpu.vector_store %arg9[%swap3A_985, %swap3A_986], %swap3A_989 {add = true, strides = array<i32>} : memref<128x64xf32, #tpu.memory_space<vmem>>, vector<1x16xf32>,
        %add3A_990 = arith.constant 14 : i32
        %add3A_991 = arith.addi %mul3A_193, %add3A_990 : i32
        %add3A_992 = arith.addi %rem3A_95, %mul3A_193 : i32
        %add3A_993 = arith.constant 14 : i32
        %add3A_994 = arith.addi %add3A_992, %add3A_993 : i32
        %get3A_995 = arith.index_cast %add3A_994 : i32 to index
        %get3A_996 = arith.constant 16 : index
        %get3A_997 = tpu.vector_load %arg7[%get3A_995, %get3A_996] {strides = array<i32>} : memref<400x64xf32, #tpu.memory_space<vmem>>, vector<1x16xf32>,
        %get3A_998 = vector.shape_cast %get3A_997 : vector<1x16xf32> to vector<16xf32>
        %swap3A_999 = arith.index_cast %add3A_991 : i32 to index
        %swap3A_1000 = arith.constant 16 : index
        %swap3A_1001 = tpu.vector_load %arg9[%swap3A_999, %swap3A_1000] {strides = array<i32>} : memref<128x64xf32, #tpu.memory_space<vmem>>, vector<1x16xf32>,
        %swap3A_1002 = vector.shape_cast %swap3A_1001 : vector<1x16xf32> to vector<16xf32>
        %swap3A_1003 = vector.shape_cast %get3A_998 : vector<16xf32> to vector<1x16xf32>
        tpu.vector_store %arg9[%swap3A_999, %swap3A_1000], %swap3A_1003 {add = true, strides = array<i32>} : memref<128x64xf32, #tpu.memory_space<vmem>>, vector<1x16xf32>,
        %add3A_1004 = arith.constant 14 : i32
        %add3A_1005 = arith.addi %mul3A_193, %add3A_1004 : i32
        %add3A_1006 = arith.addi %rem3A_95, %mul3A_193 : i32
        %add3A_1007 = arith.constant 14 : i32
        %add3A_1008 = arith.addi %add3A_1006, %add3A_1007 : i32
        %get3A_1009 = arith.index_cast %add3A_1008 : i32 to index
        %get3A_1010 = arith.constant 32 : index
        %get3A_1011 = tpu.vector_load %arg7[%get3A_1009, %get3A_1010] {strides = array<i32>} : memref<400x64xf32, #tpu.memory_space<vmem>>, vector<1x16xf32>,
        %get3A_1012 = vector.shape_cast %get3A_1011 : vector<1x16xf32> to vector<16xf32>
        %swap3A_1013 = arith.index_cast %add3A_1005 : i32 to index
        %swap3A_1014 = arith.constant 32 : index
        %swap3A_1015 = tpu.vector_load %arg9[%swap3A_1013, %swap3A_1014] {strides = array<i32>} : memref<128x64xf32, #tpu.memory_space<vmem>>, vector<1x16xf32>,
        %swap3A_1016 = vector.shape_cast %swap3A_1015 : vector<1x16xf32> to vector<16xf32>
        %swap3A_1017 = vector.shape_cast %get3A_1012 : vector<16xf32> to vector<1x16xf32>
        tpu.vector_store %arg9[%swap3A_1013, %swap3A_1014], %swap3A_1017 {add = true, strides = array<i32>} : memref<128x64xf32, #tpu.memory_space<vmem>>, vector<1x16xf32>,
        %add3A_1018 = arith.constant 14 : i32
        %add3A_1019 = arith.addi %mul3A_193, %add3A_1018 : i32
        %add3A_1020 = arith.addi %rem3A_95, %mul3A_193 : i32
        %add3A_1021 = arith.constant 14 : i32
        %add3A_1022 = arith.addi %add3A_1020, %add3A_1021 : i32
        %get3A_1023 = arith.index_cast %add3A_1022 : i32 to index
        %get3A_1024 = arith.constant 48 : index
        %get3A_1025 = tpu.vector_load %arg7[%get3A_1023, %get3A_1024] {strides = array<i32>} : memref<400x64xf32, #tpu.memory_space<vmem>>, vector<1x16xf32>,
        %get3A_1026 = vector.shape_cast %get3A_1025 : vector<1x16xf32> to vector<16xf32>
        %swap3A_1027 = arith.index_cast %add3A_1019 : i32 to index
        %swap3A_1028 = arith.constant 48 : index
        %swap3A_1029 = tpu.vector_load %arg9[%swap3A_1027, %swap3A_1028] {strides = array<i32>} : memref<128x64xf32, #tpu.memory_space<vmem>>, vector<1x16xf32>,
        %swap3A_1030 = vector.shape_cast %swap3A_1029 : vector<1x16xf32> to vector<16xf32>
        %swap3A_1031 = vector.shape_cast %get3A_1026 : vector<16xf32> to vector<1x16xf32>
        tpu.vector_store %arg9[%swap3A_1027, %swap3A_1028], %swap3A_1031 {add = true, strides = array<i32>} : memref<128x64xf32, #tpu.memory_space<vmem>>, vector<1x16xf32>,
        %add3A_1032 = arith.constant 15 : i32
        %add3A_1033 = arith.addi %mul3A_193, %add3A_1032 : i32
        %add3A_1034 = arith.addi %rem3A_95, %mul3A_193 : i32
        %add3A_1035 = arith.constant 15 : i32
        %add3A_1036 = arith.addi %add3A_1034, %add3A_1035 : i32
        %get3A_1037 = arith.index_cast %add3A_1036 : i32 to index
        %get3A_1038 = arith.constant 0 : index
        %get3A_1039 = tpu.vector_load %arg7[%get3A_1037, %get3A_1038] {strides = array<i32>} : memref<400x64xf32, #tpu.memory_space<vmem>>, vector<1x16xf32>,
        %get3A_1040 = vector.shape_cast %get3A_1039 : vector<1x16xf32> to vector<16xf32>
        %swap3A_1041 = arith.index_cast %add3A_1033 : i32 to index
        %swap3A_1042 = arith.constant 0 : index
        %swap3A_1043 = tpu.vector_load %arg9[%swap3A_1041, %swap3A_1042] {strides = array<i32>} : memref<128x64xf32, #tpu.memory_space<vmem>>, vector<1x16xf32>,
        %swap3A_1044 = vector.shape_cast %swap3A_1043 : vector<1x16xf32> to vector<16xf32>
        %swap3A_1045 = vector.shape_cast %get3A_1040 : vector<16xf32> to vector<1x16xf32>
        tpu.vector_store %arg9[%swap3A_1041, %swap3A_1042], %swap3A_1045 {add = true, strides = array<i32>} : memref<128x64xf32, #tpu.memory_space<vmem>>, vector<1x16xf32>,
        %add3A_1046 = arith.constant 15 : i32
        %add3A_1047 = arith.addi %mul3A_193, %add3A_1046 : i32
        %add3A_1048 = arith.addi %rem3A_95, %mul3A_193 : i32
        %add3A_1049 = arith.constant 15 : i32
        %add3A_1050 = arith.addi %add3A_1048, %add3A_1049 : i32
        %get3A_1051 = arith.index_cast %add3A_1050 : i32 to index
        %get3A_1052 = arith.constant 16 : index
        %get3A_1053 = tpu.vector_load %arg7[%get3A_1051, %get3A_1052] {strides = array<i32>} : memref<400x64xf32, #tpu.memory_space<vmem>>, vector<1x16xf32>,
        %get3A_1054 = vector.shape_cast %get3A_1053 : vector<1x16xf32> to vector<16xf32>
        %swap3A_1055 = arith.index_cast %add3A_1047 : i32 to index
        %swap3A_1056 = arith.constant 16 : index
        %swap3A_1057 = tpu.vector_load %arg9[%swap3A_1055, %swap3A_1056] {strides = array<i32>} : memref<128x64xf32, #tpu.memory_space<vmem>>, vector<1x16xf32>,
        %swap3A_1058 = vector.shape_cast %swap3A_1057 : vector<1x16xf32> to vector<16xf32>
        %swap3A_1059 = vector.shape_cast %get3A_1054 : vector<16xf32> to vector<1x16xf32>
        tpu.vector_store %arg9[%swap3A_1055, %swap3A_1056], %swap3A_1059 {add = true, strides = array<i32>} : memref<128x64xf32, #tpu.memory_space<vmem>>, vector<1x16xf32>,
        %add3A_1060 = arith.constant 15 : i32
        %add3A_1061 = arith.addi %mul3A_193, %add3A_1060 : i32
        %add3A_1062 = arith.addi %rem3A_95, %mul3A_193 : i32
        %add3A_1063 = arith.constant 15 : i32
        %add3A_1064 = arith.addi %add3A_1062, %add3A_1063 : i32
        %get3A_1065 = arith.index_cast %add3A_1064 : i32 to index
        %get3A_1066 = arith.constant 32 : index
        %get3A_1067 = tpu.vector_load %arg7[%get3A_1065, %get3A_1066] {strides = array<i32>} : memref<400x64xf32, #tpu.memory_space<vmem>>, vector<1x16xf32>,
        %get3A_1068 = vector.shape_cast %get3A_1067 : vector<1x16xf32> to vector<16xf32>
        %swap3A_1069 = arith.index_cast %add3A_1061 : i32 to index
        %swap3A_1070 = arith.constant 32 : index
        %swap3A_1071 = tpu.vector_load %arg9[%swap3A_1069, %swap3A_1070] {strides = array<i32>} : memref<128x64xf32, #tpu.memory_space<vmem>>, vector<1x16xf32>,
        %swap3A_1072 = vector.shape_cast %swap3A_1071 : vector<1x16xf32> to vector<16xf32>
        %swap3A_1073 = vector.shape_cast %get3A_1068 : vector<16xf32> to vector<1x16xf32>
        tpu.vector_store %arg9[%swap3A_1069, %swap3A_1070], %swap3A_1073 {add = true, strides = array<i32>} : memref<128x64xf32, #tpu.memory_space<vmem>>, vector<1x16xf32>,
        %add3A_1074 = arith.constant 15 : i32
        %add3A_1075 = arith.addi %mul3A_193, %add3A_1074 : i32
        %add3A_1076 = arith.addi %rem3A_95, %mul3A_193 : i32
        %add3A_1077 = arith.constant 15 : i32
        %add3A_1078 = arith.addi %add3A_1076, %add3A_1077 : i32
        %get3A_1079 = arith.index_cast %add3A_1078 : i32 to index
        %get3A_1080 = arith.constant 48 : index
        %get3A_1081 = tpu.vector_load %arg7[%get3A_1079, %get3A_1080] {strides = array<i32>} : memref<400x64xf32, #tpu.memory_space<vmem>>, vector<1x16xf32>,
        %get3A_1082 = vector.shape_cast %get3A_1081 : vector<1x16xf32> to vector<16xf32>
        %swap3A_1083 = arith.index_cast %add3A_1075 : i32 to index
        %swap3A_1084 = arith.constant 48 : index
        %swap3A_1085 = tpu.vector_load %arg9[%swap3A_1083, %swap3A_1084] {strides = array<i32>} : memref<128x64xf32, #tpu.memory_space<vmem>>, vector<1x16xf32>,
        %swap3A_1086 = vector.shape_cast %swap3A_1085 : vector<1x16xf32> to vector<16xf32>
        %swap3A_1087 = vector.shape_cast %get3A_1082 : vector<16xf32> to vector<1x16xf32>
        tpu.vector_store %arg9[%swap3A_1083, %swap3A_1084], %swap3A_1087 {add = true, strides = array<i32>} : memref<128x64xf32, #tpu.memory_space<vmem>>, vector<1x16xf32>,
      }
      %scan3A_101 = arith.constant 8 : i32
      %mul3A_102 = arith.constant 128 : i32
      %mul3A_103 = arith.muli %add3A_71, %mul3A_102 : i32
      %add3A_104 = arith.addi %mul3A_2, %mul3A_103 : i32
      %dma_start3A_105 = arith.constant 0 : i32
      %dma_start3A_106 = tpu.memref_slice %arg5[%add3A_104, %dma_start3A_105] : memref<819200x64xf32, #tpu.memory_space<hbm>> -> memref<128x64xf32, #tpu.memory_space<hbm>>
      %dma_start3A_107 = arith.constant 0 : i32
      %dma_start3A_108 = tpu.memref_slice %arg5[%add3A_104, %dma_start3A_107] : memref<819200x64xf32, #tpu.memory_space<hbm>> -> memref<128x64xf32, #tpu.memory_space<hbm>>
      tpu.enqueue_dma source(%arg9 : memref<128x64xf32, #tpu.memory_space<vmem>>) target(%dma_start3A_108 : memref<128x64xf32, #tpu.memory_space<hbm>>) target_semaphore(%arg17 : memref<!tpu.dma_semaphore, #tpu.memory_space<semaphore_mem>>)
      %mul3A_109 = arith.constant 4 : i32
      %mul3A_110 = arith.muli %mul3A_109, %scan3A_32 : i32
      %add3A_111 = arith.constant 2 : i32
      %add3A_112 = arith.addi %mul3A_110, %add3A_111 : i32
      %ge3A_113 = arith.constant 2 : i32
      %ge3A_114 = arith.cmpi sge, %add3A_112, %ge3A_113 : i32
      %convert_element_type3A_115 = arith.extui %ge3A_114 : i1 to i32
      %cond3A_116 = arith.constant 0 : i32
      %cond3A_117 = arith.cmpi ne, %convert_element_type3A_115, %cond3A_116 : i32
      scf.if %cond3A_117 {
        %sub3A_191 = arith.constant 2 : i32
        %sub3A_192 = arith.subi %add3A_112, %sub3A_191 : i32
        %mul3A_193 = arith.constant 128 : i32
        %mul3A_194 = arith.muli %sub3A_192, %mul3A_193 : i32
        %add3A_195 = arith.addi %mul3A_2, %mul3A_194 : i32
        %dma_wait3A_196 = arith.constant 0 : i32
        %dma_wait3A_197 = tpu.memref_slice %arg5[%add3A_195, %dma_wait3A_196] : memref<819200x64xf32, #tpu.memory_space<hbm>> -> memref<128x64xf32, #tpu.memory_space<hbm>>
        %dma_wait3A_198 = arith.constant 0 : i32
        %dma_wait3A_199 = tpu.memref_slice %arg5[%add3A_195, %dma_wait3A_198] : memref<819200x64xf32, #tpu.memory_space<hbm>> -> memref<128x64xf32, #tpu.memory_space<hbm>>
        tpu.wait_dma2 semaphore(%arg16 : memref<!tpu.dma_semaphore, #tpu.memory_space<semaphore_mem>>) src(%arg8 : memref<128x64xf32, #tpu.memory_space<vmem>>) dst(%dma_wait3A_199 : memref<128x64xf32, #tpu.memory_space<hbm>>)
      } else {
      }
      %add3A_118 = arith.constant 4 : i32
      %add3A_119 = arith.addi %add3A_112, %add3A_118 : i32
      %sub3A_120 = arith.constant 2 : i32
      %sub3A_121 = arith.subi %add3A_119, %sub3A_120 : i32
      %lt3A_122 = arith.constant 200 : i32
      %lt3A_123 = arith.cmpi slt, %sub3A_121, %lt3A_122 : i32
      %convert_element_type3A_124 = arith.extui %lt3A_123 : i1 to i32
      %cond3A_125 = arith.constant 0 : i32
      %cond3A_126 = arith.cmpi ne, %convert_element_type3A_124, %cond3A_125 : i32
      scf.if %cond3A_126 {
        %add3A_191 = arith.constant 4 : i32
        %add3A_192 = arith.addi %add3A_112, %add3A_191 : i32
        %sub3A_193 = arith.constant 2 : i32
        %sub3A_194 = arith.subi %add3A_192, %sub3A_193 : i32
        %dma_start3A_195 = arith.constant 0 : i32
        %dma_start3A_196 = tpu.memref_slice %arg6[%sub3A_194, %dma_start3A_195] : memref<200x128xi32, #tpu.memory_space<vmem>> -> memref<1x128xi32, #tpu.memory_space<vmem>>
        %dma_start3A_197 = tpu.memref_squeeze %dma_start3A_196 : memref<1x128xi32, #tpu.memory_space<vmem>> -> memref<128xi32, #tpu.memory_space<vmem>>
        %dma_start3A_198 = arith.constant 0 : i32
        %dma_start3A_199 = arith.constant 0 : i32
        %dma_start3A_200 = tpu.memref_slice %arg3[%dma_start3A_198, %dma_start3A_199] : memref<1000000x64xf32, #tpu.memory_space<hbm>> -> memref<1000000x64xf32, #tpu.memory_space<hbm>>
        tpu.enqueue_indirect_dma source(%dma_start3A_200 : memref<1000000x64xf32, #tpu.memory_space<hbm>>) target(%arg8 : memref<128x64xf32, #tpu.memory_space<vmem>>) offsets(%dma_start3A_197 : memref<128xi32, #tpu.memory_space<vmem>>) semaphore(%arg12 : memref<!tpu.dma_semaphore, #tpu.memory_space<semaphore_mem>>)
      } else {
      }
      %dma_wait3A_127 = arith.constant 0 : i32
      %dma_wait3A_128 = tpu.memref_slice %arg6[%add3A_112, %dma_wait3A_127] : memref<200x128xi32, #tpu.memory_space<vmem>> -> memref<1x128xi32, #tpu.memory_space<vmem>>
      %dma_wait3A_129 = tpu.memref_squeeze %dma_wait3A_128 : memref<1x128xi32, #tpu.memory_space<vmem>> -> memref<128xi32, #tpu.memory_space<vmem>>
      %dma_wait3A_130 = arith.constant 0 : i32
      %dma_wait3A_131 = arith.constant 0 : i32
      %dma_wait3A_132 = tpu.memref_slice %arg3[%dma_wait3A_130, %dma_wait3A_131] : memref<1000000x64xf32, #tpu.memory_space<hbm>> -> memref<1000000x64xf32, #tpu.memory_space<hbm>>
      tpu.wait_indirect_dma semaphore(%arg14 : memref<!tpu.dma_semaphore, #tpu.memory_space<semaphore_mem>>) src(%dma_wait3A_132 : memref<1000000x64xf32, #tpu.memory_space<hbm>>) dst(%arg10 : memref<128x64xf32, #tpu.memory_space<vmem>>)
      %mul3A_133 = arith.constant 128 : i32
      %mul3A_134 = arith.muli %add3A_112, %mul3A_133 : i32
      %rem3A_135 = arith.constant 200 : i32
      %rem3A_136 = arith.remsi %mul3A_134, %rem3A_135 : i32
      %scan3A_137 = arith.constant 0 : i32
      %scan3A_138 = arith.constant 0 : i32
      %scan3A_139 = arith.constant 8 : i32
      %scan3A_140 = arith.addi %scan3A_138, %scan3A_139 : i32
      %scan3A_141 = arith.constant 1 : i32
      scf.for %scan3A_191 = %scan3A_138 to %scan3A_140 step %scan3A_141  : i32 {
        %mul3A_192 = arith.constant 16 : i32
        %mul3A_193 = arith.muli %scan3A_191, %mul3A_192 : i32
        %add3A_194 = arith.constant 0 : i32
        %add3A_195 = arith.addi %mul3A_193, %add3A_194 : i32
        %add3A_196 = arith.addi %rem3A_136, %mul3A_193 : i32
        %add3A_197 = arith.constant 0 : i32
        %add3A_198 = arith.addi %add3A_196, %add3A_197 : i32
        %get3A = arith.index_cast %add3A_198 : i32 to index
        %get3A_199 = arith.constant 0 : index
        %get3A_200 = tpu.vector_load %arg7[%get3A, %get3A_199] {strides = array<i32>} : memref<400x64xf32, #tpu.memory_space<vmem>>, vector<1x16xf32>,
        %get3A_201 = vector.shape_cast %get3A_200 : vector<1x16xf32> to vector<16xf32>
        %swap3A = arith.index_cast %add3A_195 : i32 to index
        %swap3A_202 = arith.constant 0 : index
        %swap3A_203 = tpu.vector_load %arg10[%swap3A, %swap3A_202] {strides = array<i32>} : memref<128x64xf32, #tpu.memory_space<vmem>>, vector<1x16xf32>,
        %swap3A_204 = vector.shape_cast %swap3A_203 : vector<1x16xf32> to vector<16xf32>
        %swap3A_205 = vector.shape_cast %get3A_201 : vector<16xf32> to vector<1x16xf32>
        tpu.vector_store %arg10[%swap3A, %swap3A_202], %swap3A_205 {add = true, strides = array<i32>} : memref<128x64xf32, #tpu.memory_space<vmem>>, vector<1x16xf32>,
        %add3A_206 = arith.constant 0 : i32
        %add3A_207 = arith.addi %mul3A_193, %add3A_206 : i32
        %add3A_208 = arith.addi %rem3A_136, %mul3A_193 : i32
        %add3A_209 = arith.constant 0 : i32
        %add3A_210 = arith.addi %add3A_208, %add3A_209 : i32
        %get3A_211 = arith.index_cast %add3A_210 : i32 to index
        %get3A_212 = arith.constant 16 : index
        %get3A_213 = tpu.vector_load %arg7[%get3A_211, %get3A_212] {strides = array<i32>} : memref<400x64xf32, #tpu.memory_space<vmem>>, vector<1x16xf32>,
        %get3A_214 = vector.shape_cast %get3A_213 : vector<1x16xf32> to vector<16xf32>
        %swap3A_215 = arith.index_cast %add3A_207 : i32 to index
        %swap3A_216 = arith.constant 16 : index
        %swap3A_217 = tpu.vector_load %arg10[%swap3A_215, %swap3A_216] {strides = array<i32>} : memref<128x64xf32, #tpu.memory_space<vmem>>, vector<1x16xf32>,
        %swap3A_218 = vector.shape_cast %swap3A_217 : vector<1x16xf32> to vector<16xf32>
        %swap3A_219 = vector.shape_cast %get3A_214 : vector<16xf32> to vector<1x16xf32>
        tpu.vector_store %arg10[%swap3A_215, %swap3A_216], %swap3A_219 {add = true, strides = array<i32>} : memref<128x64xf32, #tpu.memory_space<vmem>>, vector<1x16xf32>,
        %add3A_220 = arith.constant 0 : i32
        %add3A_221 = arith.addi %mul3A_193, %add3A_220 : i32
        %add3A_222 = arith.addi %rem3A_136, %mul3A_193 : i32
        %add3A_223 = arith.constant 0 : i32
        %add3A_224 = arith.addi %add3A_222, %add3A_223 : i32
        %get3A_225 = arith.index_cast %add3A_224 : i32 to index
        %get3A_226 = arith.constant 32 : index
        %get3A_227 = tpu.vector_load %arg7[%get3A_225, %get3A_226] {strides = array<i32>} : memref<400x64xf32, #tpu.memory_space<vmem>>, vector<1x16xf32>,
        %get3A_228 = vector.shape_cast %get3A_227 : vector<1x16xf32> to vector<16xf32>
        %swap3A_229 = arith.index_cast %add3A_221 : i32 to index
        %swap3A_230 = arith.constant 32 : index
        %swap3A_231 = tpu.vector_load %arg10[%swap3A_229, %swap3A_230] {strides = array<i32>} : memref<128x64xf32, #tpu.memory_space<vmem>>, vector<1x16xf32>,
        %swap3A_232 = vector.shape_cast %swap3A_231 : vector<1x16xf32> to vector<16xf32>
        %swap3A_233 = vector.shape_cast %get3A_228 : vector<16xf32> to vector<1x16xf32>
        tpu.vector_store %arg10[%swap3A_229, %swap3A_230], %swap3A_233 {add = true, strides = array<i32>} : memref<128x64xf32, #tpu.memory_space<vmem>>, vector<1x16xf32>,
        %add3A_234 = arith.constant 0 : i32
        %add3A_235 = arith.addi %mul3A_193, %add3A_234 : i32
        %add3A_236 = arith.addi %rem3A_136, %mul3A_193 : i32
        %add3A_237 = arith.constant 0 : i32
        %add3A_238 = arith.addi %add3A_236, %add3A_237 : i32
        %get3A_239 = arith.index_cast %add3A_238 : i32 to index
        %get3A_240 = arith.constant 48 : index
        %get3A_241 = tpu.vector_load %arg7[%get3A_239, %get3A_240] {strides = array<i32>} : memref<400x64xf32, #tpu.memory_space<vmem>>, vector<1x16xf32>,
        %get3A_242 = vector.shape_cast %get3A_241 : vector<1x16xf32> to vector<16xf32>
        %swap3A_243 = arith.index_cast %add3A_235 : i32 to index
        %swap3A_244 = arith.constant 48 : index
        %swap3A_245 = tpu.vector_load %arg10[%swap3A_243, %swap3A_244] {strides = array<i32>} : memref<128x64xf32, #tpu.memory_space<vmem>>, vector<1x16xf32>,
        %swap3A_246 = vector.shape_cast %swap3A_245 : vector<1x16xf32> to vector<16xf32>
        %swap3A_247 = vector.shape_cast %get3A_242 : vector<16xf32> to vector<1x16xf32>
        tpu.vector_store %arg10[%swap3A_243, %swap3A_244], %swap3A_247 {add = true, strides = array<i32>} : memref<128x64xf32, #tpu.memory_space<vmem>>, vector<1x16xf32>,
        %add3A_248 = arith.constant 1 : i32
        %add3A_249 = arith.addi %mul3A_193, %add3A_248 : i32
        %add3A_250 = arith.addi %rem3A_136, %mul3A_193 : i32
        %add3A_251 = arith.constant 1 : i32
        %add3A_252 = arith.addi %add3A_250, %add3A_251 : i32
        %get3A_253 = arith.index_cast %add3A_252 : i32 to index
        %get3A_254 = arith.constant 0 : index
        %get3A_255 = tpu.vector_load %arg7[%get3A_253, %get3A_254] {strides = array<i32>} : memref<400x64xf32, #tpu.memory_space<vmem>>, vector<1x16xf32>,
        %get3A_256 = vector.shape_cast %get3A_255 : vector<1x16xf32> to vector<16xf32>
        %swap3A_257 = arith.index_cast %add3A_249 : i32 to index
        %swap3A_258 = arith.constant 0 : index
        %swap3A_259 = tpu.vector_load %arg10[%swap3A_257, %swap3A_258] {strides = array<i32>} : memref<128x64xf32, #tpu.memory_space<vmem>>, vector<1x16xf32>,
        %swap3A_260 = vector.shape_cast %swap3A_259 : vector<1x16xf32> to vector<16xf32>
        %swap3A_261 = vector.shape_cast %get3A_256 : vector<16xf32> to vector<1x16xf32>
        tpu.vector_store %arg10[%swap3A_257, %swap3A_258], %swap3A_261 {add = true, strides = array<i32>} : memref<128x64xf32, #tpu.memory_space<vmem>>, vector<1x16xf32>,
        %add3A_262 = arith.constant 1 : i32
        %add3A_263 = arith.addi %mul3A_193, %add3A_262 : i32
        %add3A_264 = arith.addi %rem3A_136, %mul3A_193 : i32
        %add3A_265 = arith.constant 1 : i32
        %add3A_266 = arith.addi %add3A_264, %add3A_265 : i32
        %get3A_267 = arith.index_cast %add3A_266 : i32 to index
        %get3A_268 = arith.constant 16 : index
        %get3A_269 = tpu.vector_load %arg7[%get3A_267, %get3A_268] {strides = array<i32>} : memref<400x64xf32, #tpu.memory_space<vmem>>, vector<1x16xf32>,
        %get3A_270 = vector.shape_cast %get3A_269 : vector<1x16xf32> to vector<16xf32>
        %swap3A_271 = arith.index_cast %add3A_263 : i32 to index
        %swap3A_272 = arith.constant 16 : index
        %swap3A_273 = tpu.vector_load %arg10[%swap3A_271, %swap3A_272] {strides = array<i32>} : memref<128x64xf32, #tpu.memory_space<vmem>>, vector<1x16xf32>,
        %swap3A_274 = vector.shape_cast %swap3A_273 : vector<1x16xf32> to vector<16xf32>
        %swap3A_275 = vector.shape_cast %get3A_270 : vector<16xf32> to vector<1x16xf32>
        tpu.vector_store %arg10[%swap3A_271, %swap3A_272], %swap3A_275 {add = true, strides = array<i32>} : memref<128x64xf32, #tpu.memory_space<vmem>>, vector<1x16xf32>,
        %add3A_276 = arith.constant 1 : i32
        %add3A_277 = arith.addi %mul3A_193, %add3A_276 : i32
        %add3A_278 = arith.addi %rem3A_136, %mul3A_193 : i32
        %add3A_279 = arith.constant 1 : i32
        %add3A_280 = arith.addi %add3A_278, %add3A_279 : i32
        %get3A_281 = arith.index_cast %add3A_280 : i32 to index
        %get3A_282 = arith.constant 32 : index
        %get3A_283 = tpu.vector_load %arg7[%get3A_281, %get3A_282] {strides = array<i32>} : memref<400x64xf32, #tpu.memory_space<vmem>>, vector<1x16xf32>,
        %get3A_284 = vector.shape_cast %get3A_283 : vector<1x16xf32> to vector<16xf32>
        %swap3A_285 = arith.index_cast %add3A_277 : i32 to index
        %swap3A_286 = arith.constant 32 : index
        %swap3A_287 = tpu.vector_load %arg10[%swap3A_285, %swap3A_286] {strides = array<i32>} : memref<128x64xf32, #tpu.memory_space<vmem>>, vector<1x16xf32>,
        %swap3A_288 = vector.shape_cast %swap3A_287 : vector<1x16xf32> to vector<16xf32>
        %swap3A_289 = vector.shape_cast %get3A_284 : vector<16xf32> to vector<1x16xf32>
        tpu.vector_store %arg10[%swap3A_285, %swap3A_286], %swap3A_289 {add = true, strides = array<i32>} : memref<128x64xf32, #tpu.memory_space<vmem>>, vector<1x16xf32>,
        %add3A_290 = arith.constant 1 : i32
        %add3A_291 = arith.addi %mul3A_193, %add3A_290 : i32
        %add3A_292 = arith.addi %rem3A_136, %mul3A_193 : i32
        %add3A_293 = arith.constant 1 : i32
        %add3A_294 = arith.addi %add3A_292, %add3A_293 : i32
        %get3A_295 = arith.index_cast %add3A_294 : i32 to index
        %get3A_296 = arith.constant 48 : index
        %get3A_297 = tpu.vector_load %arg7[%get3A_295, %get3A_296] {strides = array<i32>} : memref<400x64xf32, #tpu.memory_space<vmem>>, vector<1x16xf32>,
        %get3A_298 = vector.shape_cast %get3A_297 : vector<1x16xf32> to vector<16xf32>
        %swap3A_299 = arith.index_cast %add3A_291 : i32 to index
        %swap3A_300 = arith.constant 48 : index
        %swap3A_301 = tpu.vector_load %arg10[%swap3A_299, %swap3A_300] {strides = array<i32>} : memref<128x64xf32, #tpu.memory_space<vmem>>, vector<1x16xf32>,
        %swap3A_302 = vector.shape_cast %swap3A_301 : vector<1x16xf32> to vector<16xf32>
        %swap3A_303 = vector.shape_cast %get3A_298 : vector<16xf32> to vector<1x16xf32>
        tpu.vector_store %arg10[%swap3A_299, %swap3A_300], %swap3A_303 {add = true, strides = array<i32>} : memref<128x64xf32, #tpu.memory_space<vmem>>, vector<1x16xf32>,
        %add3A_304 = arith.constant 2 : i32
        %add3A_305 = arith.addi %mul3A_193, %add3A_304 : i32
        %add3A_306 = arith.addi %rem3A_136, %mul3A_193 : i32
        %add3A_307 = arith.constant 2 : i32
        %add3A_308 = arith.addi %add3A_306, %add3A_307 : i32
        %get3A_309 = arith.index_cast %add3A_308 : i32 to index
        %get3A_310 = arith.constant 0 : index
        %get3A_311 = tpu.vector_load %arg7[%get3A_309, %get3A_310] {strides = array<i32>} : memref<400x64xf32, #tpu.memory_space<vmem>>, vector<1x16xf32>,
        %get3A_312 = vector.shape_cast %get3A_311 : vector<1x16xf32> to vector<16xf32>
        %swap3A_313 = arith.index_cast %add3A_305 : i32 to index
        %swap3A_314 = arith.constant 0 : index
        %swap3A_315 = tpu.vector_load %arg10[%swap3A_313, %swap3A_314] {strides = array<i32>} : memref<128x64xf32, #tpu.memory_space<vmem>>, vector<1x16xf32>,
        %swap3A_316 = vector.shape_cast %swap3A_315 : vector<1x16xf32> to vector<16xf32>
        %swap3A_317 = vector.shape_cast %get3A_312 : vector<16xf32> to vector<1x16xf32>
        tpu.vector_store %arg10[%swap3A_313, %swap3A_314], %swap3A_317 {add = true, strides = array<i32>} : memref<128x64xf32, #tpu.memory_space<vmem>>, vector<1x16xf32>,
        %add3A_318 = arith.constant 2 : i32
        %add3A_319 = arith.addi %mul3A_193, %add3A_318 : i32
        %add3A_320 = arith.addi %rem3A_136, %mul3A_193 : i32
        %add3A_321 = arith.constant 2 : i32
        %add3A_322 = arith.addi %add3A_320, %add3A_321 : i32
        %get3A_323 = arith.index_cast %add3A_322 : i32 to index
        %get3A_324 = arith.constant 16 : index
        %get3A_325 = tpu.vector_load %arg7[%get3A_323, %get3A_324] {strides = array<i32>} : memref<400x64xf32, #tpu.memory_space<vmem>>, vector<1x16xf32>,
        %get3A_326 = vector.shape_cast %get3A_325 : vector<1x16xf32> to vector<16xf32>
        %swap3A_327 = arith.index_cast %add3A_319 : i32 to index
        %swap3A_328 = arith.constant 16 : index
        %swap3A_329 = tpu.vector_load %arg10[%swap3A_327, %swap3A_328] {strides = array<i32>} : memref<128x64xf32, #tpu.memory_space<vmem>>, vector<1x16xf32>,
        %swap3A_330 = vector.shape_cast %swap3A_329 : vector<1x16xf32> to vector<16xf32>
        %swap3A_331 = vector.shape_cast %get3A_326 : vector<16xf32> to vector<1x16xf32>
        tpu.vector_store %arg10[%swap3A_327, %swap3A_328], %swap3A_331 {add = true, strides = array<i32>} : memref<128x64xf32, #tpu.memory_space<vmem>>, vector<1x16xf32>,
        %add3A_332 = arith.constant 2 : i32
        %add3A_333 = arith.addi %mul3A_193, %add3A_332 : i32
        %add3A_334 = arith.addi %rem3A_136, %mul3A_193 : i32
        %add3A_335 = arith.constant 2 : i32
        %add3A_336 = arith.addi %add3A_334, %add3A_335 : i32
        %get3A_337 = arith.index_cast %add3A_336 : i32 to index
        %get3A_338 = arith.constant 32 : index
        %get3A_339 = tpu.vector_load %arg7[%get3A_337, %get3A_338] {strides = array<i32>} : memref<400x64xf32, #tpu.memory_space<vmem>>, vector<1x16xf32>,
        %get3A_340 = vector.shape_cast %get3A_339 : vector<1x16xf32> to vector<16xf32>
        %swap3A_341 = arith.index_cast %add3A_333 : i32 to index
        %swap3A_342 = arith.constant 32 : index
        %swap3A_343 = tpu.vector_load %arg10[%swap3A_341, %swap3A_342] {strides = array<i32>} : memref<128x64xf32, #tpu.memory_space<vmem>>, vector<1x16xf32>,
        %swap3A_344 = vector.shape_cast %swap3A_343 : vector<1x16xf32> to vector<16xf32>
        %swap3A_345 = vector.shape_cast %get3A_340 : vector<16xf32> to vector<1x16xf32>
        tpu.vector_store %arg10[%swap3A_341, %swap3A_342], %swap3A_345 {add = true, strides = array<i32>} : memref<128x64xf32, #tpu.memory_space<vmem>>, vector<1x16xf32>,
        %add3A_346 = arith.constant 2 : i32
        %add3A_347 = arith.addi %mul3A_193, %add3A_346 : i32
        %add3A_348 = arith.addi %rem3A_136, %mul3A_193 : i32
        %add3A_349 = arith.constant 2 : i32
        %add3A_350 = arith.addi %add3A_348, %add3A_349 : i32
        %get3A_351 = arith.index_cast %add3A_350 : i32 to index
        %get3A_352 = arith.constant 48 : index
        %get3A_353 = tpu.vector_load %arg7[%get3A_351, %get3A_352] {strides = array<i32>} : memref<400x64xf32, #tpu.memory_space<vmem>>, vector<1x16xf32>,
        %get3A_354 = vector.shape_cast %get3A_353 : vector<1x16xf32> to vector<16xf32>
        %swap3A_355 = arith.index_cast %add3A_347 : i32 to index
        %swap3A_356 = arith.constant 48 : index
        %swap3A_357 = tpu.vector_load %arg10[%swap3A_355, %swap3A_356] {strides = array<i32>} : memref<128x64xf32, #tpu.memory_space<vmem>>, vector<1x16xf32>,
        %swap3A_358 = vector.shape_cast %swap3A_357 : vector<1x16xf32> to vector<16xf32>
        %swap3A_359 = vector.shape_cast %get3A_354 : vector<16xf32> to vector<1x16xf32>
        tpu.vector_store %arg10[%swap3A_355, %swap3A_356], %swap3A_359 {add = true, strides = array<i32>} : memref<128x64xf32, #tpu.memory_space<vmem>>, vector<1x16xf32>,
        %add3A_360 = arith.constant 3 : i32
        %add3A_361 = arith.addi %mul3A_193, %add3A_360 : i32
        %add3A_362 = arith.addi %rem3A_136, %mul3A_193 : i32
        %add3A_363 = arith.constant 3 : i32
        %add3A_364 = arith.addi %add3A_362, %add3A_363 : i32
        %get3A_365 = arith.index_cast %add3A_364 : i32 to index
        %get3A_366 = arith.constant 0 : index
        %get3A_367 = tpu.vector_load %arg7[%get3A_365, %get3A_366] {strides = array<i32>} : memref<400x64xf32, #tpu.memory_space<vmem>>, vector<1x16xf32>,
        %get3A_368 = vector.shape_cast %get3A_367 : vector<1x16xf32> to vector<16xf32>
        %swap3A_369 = arith.index_cast %add3A_361 : i32 to index
        %swap3A_370 = arith.constant 0 : index
        %swap3A_371 = tpu.vector_load %arg10[%swap3A_369, %swap3A_370] {strides = array<i32>} : memref<128x64xf32, #tpu.memory_space<vmem>>, vector<1x16xf32>,
        %swap3A_372 = vector.shape_cast %swap3A_371 : vector<1x16xf32> to vector<16xf32>
        %swap3A_373 = vector.shape_cast %get3A_368 : vector<16xf32> to vector<1x16xf32>
        tpu.vector_store %arg10[%swap3A_369, %swap3A_370], %swap3A_373 {add = true, strides = array<i32>} : memref<128x64xf32, #tpu.memory_space<vmem>>, vector<1x16xf32>,
        %add3A_374 = arith.constant 3 : i32
        %add3A_375 = arith.addi %mul3A_193, %add3A_374 : i32
        %add3A_376 = arith.addi %rem3A_136, %mul3A_193 : i32
        %add3A_377 = arith.constant 3 : i32
        %add3A_378 = arith.addi %add3A_376, %add3A_377 : i32
        %get3A_379 = arith.index_cast %add3A_378 : i32 to index
        %get3A_380 = arith.constant 16 : index
        %get3A_381 = tpu.vector_load %arg7[%get3A_379, %get3A_380] {strides = array<i32>} : memref<400x64xf32, #tpu.memory_space<vmem>>, vector<1x16xf32>,
        %get3A_382 = vector.shape_cast %get3A_381 : vector<1x16xf32> to vector<16xf32>
        %swap3A_383 = arith.index_cast %add3A_375 : i32 to index
        %swap3A_384 = arith.constant 16 : index
        %swap3A_385 = tpu.vector_load %arg10[%swap3A_383, %swap3A_384] {strides = array<i32>} : memref<128x64xf32, #tpu.memory_space<vmem>>, vector<1x16xf32>,
        %swap3A_386 = vector.shape_cast %swap3A_385 : vector<1x16xf32> to vector<16xf32>
        %swap3A_387 = vector.shape_cast %get3A_382 : vector<16xf32> to vector<1x16xf32>
        tpu.vector_store %arg10[%swap3A_383, %swap3A_384], %swap3A_387 {add = true, strides = array<i32>} : memref<128x64xf32, #tpu.memory_space<vmem>>, vector<1x16xf32>,
        %add3A_388 = arith.constant 3 : i32
        %add3A_389 = arith.addi %mul3A_193, %add3A_388 : i32
        %add3A_390 = arith.addi %rem3A_136, %mul3A_193 : i32
        %add3A_391 = arith.constant 3 : i32
        %add3A_392 = arith.addi %add3A_390, %add3A_391 : i32
        %get3A_393 = arith.index_cast %add3A_392 : i32 to index
        %get3A_394 = arith.constant 32 : index
        %get3A_395 = tpu.vector_load %arg7[%get3A_393, %get3A_394] {strides = array<i32>} : memref<400x64xf32, #tpu.memory_space<vmem>>, vector<1x16xf32>,
        %get3A_396 = vector.shape_cast %get3A_395 : vector<1x16xf32> to vector<16xf32>
        %swap3A_397 = arith.index_cast %add3A_389 : i32 to index
        %swap3A_398 = arith.constant 32 : index
        %swap3A_399 = tpu.vector_load %arg10[%swap3A_397, %swap3A_398] {strides = array<i32>} : memref<128x64xf32, #tpu.memory_space<vmem>>, vector<1x16xf32>,
        %swap3A_400 = vector.shape_cast %swap3A_399 : vector<1x16xf32> to vector<16xf32>
        %swap3A_401 = vector.shape_cast %get3A_396 : vector<16xf32> to vector<1x16xf32>
        tpu.vector_store %arg10[%swap3A_397, %swap3A_398], %swap3A_401 {add = true, strides = array<i32>} : memref<128x64xf32, #tpu.memory_space<vmem>>, vector<1x16xf32>,
        %add3A_402 = arith.constant 3 : i32
        %add3A_403 = arith.addi %mul3A_193, %add3A_402 : i32
        %add3A_404 = arith.addi %rem3A_136, %mul3A_193 : i32
        %add3A_405 = arith.constant 3 : i32
        %add3A_406 = arith.addi %add3A_404, %add3A_405 : i32
        %get3A_407 = arith.index_cast %add3A_406 : i32 to index
        %get3A_408 = arith.constant 48 : index
        %get3A_409 = tpu.vector_load %arg7[%get3A_407, %get3A_408] {strides = array<i32>} : memref<400x64xf32, #tpu.memory_space<vmem>>, vector<1x16xf32>,
        %get3A_410 = vector.shape_cast %get3A_409 : vector<1x16xf32> to vector<16xf32>
        %swap3A_411 = arith.index_cast %add3A_403 : i32 to index
        %swap3A_412 = arith.constant 48 : index
        %swap3A_413 = tpu.vector_load %arg10[%swap3A_411, %swap3A_412] {strides = array<i32>} : memref<128x64xf32, #tpu.memory_space<vmem>>, vector<1x16xf32>,
        %swap3A_414 = vector.shape_cast %swap3A_413 : vector<1x16xf32> to vector<16xf32>
        %swap3A_415 = vector.shape_cast %get3A_410 : vector<16xf32> to vector<1x16xf32>
        tpu.vector_store %arg10[%swap3A_411, %swap3A_412], %swap3A_415 {add = true, strides = array<i32>} : memref<128x64xf32, #tpu.memory_space<vmem>>, vector<1x16xf32>,
        %add3A_416 = arith.constant 4 : i32
        %add3A_417 = arith.addi %mul3A_193, %add3A_416 : i32
        %add3A_418 = arith.addi %rem3A_136, %mul3A_193 : i32
        %add3A_419 = arith.constant 4 : i32
        %add3A_420 = arith.addi %add3A_418, %add3A_419 : i32
        %get3A_421 = arith.index_cast %add3A_420 : i32 to index
        %get3A_422 = arith.constant 0 : index
        %get3A_423 = tpu.vector_load %arg7[%get3A_421, %get3A_422] {strides = array<i32>} : memref<400x64xf32, #tpu.memory_space<vmem>>, vector<1x16xf32>,
        %get3A_424 = vector.shape_cast %get3A_423 : vector<1x16xf32> to vector<16xf32>
        %swap3A_425 = arith.index_cast %add3A_417 : i32 to index
        %swap3A_426 = arith.constant 0 : index
        %swap3A_427 = tpu.vector_load %arg10[%swap3A_425, %swap3A_426] {strides = array<i32>} : memref<128x64xf32, #tpu.memory_space<vmem>>, vector<1x16xf32>,
        %swap3A_428 = vector.shape_cast %swap3A_427 : vector<1x16xf32> to vector<16xf32>
        %swap3A_429 = vector.shape_cast %get3A_424 : vector<16xf32> to vector<1x16xf32>
        tpu.vector_store %arg10[%swap3A_425, %swap3A_426], %swap3A_429 {add = true, strides = array<i32>} : memref<128x64xf32, #tpu.memory_space<vmem>>, vector<1x16xf32>,
        %add3A_430 = arith.constant 4 : i32
        %add3A_431 = arith.addi %mul3A_193, %add3A_430 : i32
        %add3A_432 = arith.addi %rem3A_136, %mul3A_193 : i32
        %add3A_433 = arith.constant 4 : i32
        %add3A_434 = arith.addi %add3A_432, %add3A_433 : i32
        %get3A_435 = arith.index_cast %add3A_434 : i32 to index
        %get3A_436 = arith.constant 16 : index
        %get3A_437 = tpu.vector_load %arg7[%get3A_435, %get3A_436] {strides = array<i32>} : memref<400x64xf32, #tpu.memory_space<vmem>>, vector<1x16xf32>,
        %get3A_438 = vector.shape_cast %get3A_437 : vector<1x16xf32> to vector<16xf32>
        %swap3A_439 = arith.index_cast %add3A_431 : i32 to index
        %swap3A_440 = arith.constant 16 : index
        %swap3A_441 = tpu.vector_load %arg10[%swap3A_439, %swap3A_440] {strides = array<i32>} : memref<128x64xf32, #tpu.memory_space<vmem>>, vector<1x16xf32>,
        %swap3A_442 = vector.shape_cast %swap3A_441 : vector<1x16xf32> to vector<16xf32>
        %swap3A_443 = vector.shape_cast %get3A_438 : vector<16xf32> to vector<1x16xf32>
        tpu.vector_store %arg10[%swap3A_439, %swap3A_440], %swap3A_443 {add = true, strides = array<i32>} : memref<128x64xf32, #tpu.memory_space<vmem>>, vector<1x16xf32>,
        %add3A_444 = arith.constant 4 : i32
        %add3A_445 = arith.addi %mul3A_193, %add3A_444 : i32
        %add3A_446 = arith.addi %rem3A_136, %mul3A_193 : i32
        %add3A_447 = arith.constant 4 : i32
        %add3A_448 = arith.addi %add3A_446, %add3A_447 : i32
        %get3A_449 = arith.index_cast %add3A_448 : i32 to index
        %get3A_450 = arith.constant 32 : index
        %get3A_451 = tpu.vector_load %arg7[%get3A_449, %get3A_450] {strides = array<i32>} : memref<400x64xf32, #tpu.memory_space<vmem>>, vector<1x16xf32>,
        %get3A_452 = vector.shape_cast %get3A_451 : vector<1x16xf32> to vector<16xf32>
        %swap3A_453 = arith.index_cast %add3A_445 : i32 to index
        %swap3A_454 = arith.constant 32 : index
        %swap3A_455 = tpu.vector_load %arg10[%swap3A_453, %swap3A_454] {strides = array<i32>} : memref<128x64xf32, #tpu.memory_space<vmem>>, vector<1x16xf32>,
        %swap3A_456 = vector.shape_cast %swap3A_455 : vector<1x16xf32> to vector<16xf32>
        %swap3A_457 = vector.shape_cast %get3A_452 : vector<16xf32> to vector<1x16xf32>
        tpu.vector_store %arg10[%swap3A_453, %swap3A_454], %swap3A_457 {add = true, strides = array<i32>} : memref<128x64xf32, #tpu.memory_space<vmem>>, vector<1x16xf32>,
        %add3A_458 = arith.constant 4 : i32
        %add3A_459 = arith.addi %mul3A_193, %add3A_458 : i32
        %add3A_460 = arith.addi %rem3A_136, %mul3A_193 : i32
        %add3A_461 = arith.constant 4 : i32
        %add3A_462 = arith.addi %add3A_460, %add3A_461 : i32
        %get3A_463 = arith.index_cast %add3A_462 : i32 to index
        %get3A_464 = arith.constant 48 : index
        %get3A_465 = tpu.vector_load %arg7[%get3A_463, %get3A_464] {strides = array<i32>} : memref<400x64xf32, #tpu.memory_space<vmem>>, vector<1x16xf32>,
        %get3A_466 = vector.shape_cast %get3A_465 : vector<1x16xf32> to vector<16xf32>
        %swap3A_467 = arith.index_cast %add3A_459 : i32 to index
        %swap3A_468 = arith.constant 48 : index
        %swap3A_469 = tpu.vector_load %arg10[%swap3A_467, %swap3A_468] {strides = array<i32>} : memref<128x64xf32, #tpu.memory_space<vmem>>, vector<1x16xf32>,
        %swap3A_470 = vector.shape_cast %swap3A_469 : vector<1x16xf32> to vector<16xf32>
        %swap3A_471 = vector.shape_cast %get3A_466 : vector<16xf32> to vector<1x16xf32>
        tpu.vector_store %arg10[%swap3A_467, %swap3A_468], %swap3A_471 {add = true, strides = array<i32>} : memref<128x64xf32, #tpu.memory_space<vmem>>, vector<1x16xf32>,
        %add3A_472 = arith.constant 5 : i32
        %add3A_473 = arith.addi %mul3A_193, %add3A_472 : i32
        %add3A_474 = arith.addi %rem3A_136, %mul3A_193 : i32
        %add3A_475 = arith.constant 5 : i32
        %add3A_476 = arith.addi %add3A_474, %add3A_475 : i32
        %get3A_477 = arith.index_cast %add3A_476 : i32 to index
        %get3A_478 = arith.constant 0 : index
        %get3A_479 = tpu.vector_load %arg7[%get3A_477, %get3A_478] {strides = array<i32>} : memref<400x64xf32, #tpu.memory_space<vmem>>, vector<1x16xf32>,
        %get3A_480 = vector.shape_cast %get3A_479 : vector<1x16xf32> to vector<16xf32>
        %swap3A_481 = arith.index_cast %add3A_473 : i32 to index
        %swap3A_482 = arith.constant 0 : index
        %swap3A_483 = tpu.vector_load %arg10[%swap3A_481, %swap3A_482] {strides = array<i32>} : memref<128x64xf32, #tpu.memory_space<vmem>>, vector<1x16xf32>,
        %swap3A_484 = vector.shape_cast %swap3A_483 : vector<1x16xf32> to vector<16xf32>
        %swap3A_485 = vector.shape_cast %get3A_480 : vector<16xf32> to vector<1x16xf32>
        tpu.vector_store %arg10[%swap3A_481, %swap3A_482], %swap3A_485 {add = true, strides = array<i32>} : memref<128x64xf32, #tpu.memory_space<vmem>>, vector<1x16xf32>,
        %add3A_486 = arith.constant 5 : i32
        %add3A_487 = arith.addi %mul3A_193, %add3A_486 : i32
        %add3A_488 = arith.addi %rem3A_136, %mul3A_193 : i32
        %add3A_489 = arith.constant 5 : i32
        %add3A_490 = arith.addi %add3A_488, %add3A_489 : i32
        %get3A_491 = arith.index_cast %add3A_490 : i32 to index
        %get3A_492 = arith.constant 16 : index
        %get3A_493 = tpu.vector_load %arg7[%get3A_491, %get3A_492] {strides = array<i32>} : memref<400x64xf32, #tpu.memory_space<vmem>>, vector<1x16xf32>,
        %get3A_494 = vector.shape_cast %get3A_493 : vector<1x16xf32> to vector<16xf32>
        %swap3A_495 = arith.index_cast %add3A_487 : i32 to index
        %swap3A_496 = arith.constant 16 : index
        %swap3A_497 = tpu.vector_load %arg10[%swap3A_495, %swap3A_496] {strides = array<i32>} : memref<128x64xf32, #tpu.memory_space<vmem>>, vector<1x16xf32>,
        %swap3A_498 = vector.shape_cast %swap3A_497 : vector<1x16xf32> to vector<16xf32>
        %swap3A_499 = vector.shape_cast %get3A_494 : vector<16xf32> to vector<1x16xf32>
        tpu.vector_store %arg10[%swap3A_495, %swap3A_496], %swap3A_499 {add = true, strides = array<i32>} : memref<128x64xf32, #tpu.memory_space<vmem>>, vector<1x16xf32>,
        %add3A_500 = arith.constant 5 : i32
        %add3A_501 = arith.addi %mul3A_193, %add3A_500 : i32
        %add3A_502 = arith.addi %rem3A_136, %mul3A_193 : i32
        %add3A_503 = arith.constant 5 : i32
        %add3A_504 = arith.addi %add3A_502, %add3A_503 : i32
        %get3A_505 = arith.index_cast %add3A_504 : i32 to index
        %get3A_506 = arith.constant 32 : index
        %get3A_507 = tpu.vector_load %arg7[%get3A_505, %get3A_506] {strides = array<i32>} : memref<400x64xf32, #tpu.memory_space<vmem>>, vector<1x16xf32>,
        %get3A_508 = vector.shape_cast %get3A_507 : vector<1x16xf32> to vector<16xf32>
        %swap3A_509 = arith.index_cast %add3A_501 : i32 to index
        %swap3A_510 = arith.constant 32 : index
        %swap3A_511 = tpu.vector_load %arg10[%swap3A_509, %swap3A_510] {strides = array<i32>} : memref<128x64xf32, #tpu.memory_space<vmem>>, vector<1x16xf32>,
        %swap3A_512 = vector.shape_cast %swap3A_511 : vector<1x16xf32> to vector<16xf32>
        %swap3A_513 = vector.shape_cast %get3A_508 : vector<16xf32> to vector<1x16xf32>
        tpu.vector_store %arg10[%swap3A_509, %swap3A_510], %swap3A_513 {add = true, strides = array<i32>} : memref<128x64xf32, #tpu.memory_space<vmem>>, vector<1x16xf32>,
        %add3A_514 = arith.constant 5 : i32
        %add3A_515 = arith.addi %mul3A_193, %add3A_514 : i32
        %add3A_516 = arith.addi %rem3A_136, %mul3A_193 : i32
        %add3A_517 = arith.constant 5 : i32
        %add3A_518 = arith.addi %add3A_516, %add3A_517 : i32
        %get3A_519 = arith.index_cast %add3A_518 : i32 to index
        %get3A_520 = arith.constant 48 : index
        %get3A_521 = tpu.vector_load %arg7[%get3A_519, %get3A_520] {strides = array<i32>} : memref<400x64xf32, #tpu.memory_space<vmem>>, vector<1x16xf32>,
        %get3A_522 = vector.shape_cast %get3A_521 : vector<1x16xf32> to vector<16xf32>
        %swap3A_523 = arith.index_cast %add3A_515 : i32 to index
        %swap3A_524 = arith.constant 48 : index
        %swap3A_525 = tpu.vector_load %arg10[%swap3A_523, %swap3A_524] {strides = array<i32>} : memref<128x64xf32, #tpu.memory_space<vmem>>, vector<1x16xf32>,
        %swap3A_526 = vector.shape_cast %swap3A_525 : vector<1x16xf32> to vector<16xf32>
        %swap3A_527 = vector.shape_cast %get3A_522 : vector<16xf32> to vector<1x16xf32>
        tpu.vector_store %arg10[%swap3A_523, %swap3A_524], %swap3A_527 {add = true, strides = array<i32>} : memref<128x64xf32, #tpu.memory_space<vmem>>, vector<1x16xf32>,
        %add3A_528 = arith.constant 6 : i32
        %add3A_529 = arith.addi %mul3A_193, %add3A_528 : i32
        %add3A_530 = arith.addi %rem3A_136, %mul3A_193 : i32
        %add3A_531 = arith.constant 6 : i32
        %add3A_532 = arith.addi %add3A_530, %add3A_531 : i32
        %get3A_533 = arith.index_cast %add3A_532 : i32 to index
        %get3A_534 = arith.constant 0 : index
        %get3A_535 = tpu.vector_load %arg7[%get3A_533, %get3A_534] {strides = array<i32>} : memref<400x64xf32, #tpu.memory_space<vmem>>, vector<1x16xf32>,
        %get3A_536 = vector.shape_cast %get3A_535 : vector<1x16xf32> to vector<16xf32>
        %swap3A_537 = arith.index_cast %add3A_529 : i32 to index
        %swap3A_538 = arith.constant 0 : index
        %swap3A_539 = tpu.vector_load %arg10[%swap3A_537, %swap3A_538] {strides = array<i32>} : memref<128x64xf32, #tpu.memory_space<vmem>>, vector<1x16xf32>,
        %swap3A_540 = vector.shape_cast %swap3A_539 : vector<1x16xf32> to vector<16xf32>
        %swap3A_541 = vector.shape_cast %get3A_536 : vector<16xf32> to vector<1x16xf32>
        tpu.vector_store %arg10[%swap3A_537, %swap3A_538], %swap3A_541 {add = true, strides = array<i32>} : memref<128x64xf32, #tpu.memory_space<vmem>>, vector<1x16xf32>,
        %add3A_542 = arith.constant 6 : i32
        %add3A_543 = arith.addi %mul3A_193, %add3A_542 : i32
        %add3A_544 = arith.addi %rem3A_136, %mul3A_193 : i32
        %add3A_545 = arith.constant 6 : i32
        %add3A_546 = arith.addi %add3A_544, %add3A_545 : i32
        %get3A_547 = arith.index_cast %add3A_546 : i32 to index
        %get3A_548 = arith.constant 16 : index
        %get3A_549 = tpu.vector_load %arg7[%get3A_547, %get3A_548] {strides = array<i32>} : memref<400x64xf32, #tpu.memory_space<vmem>>, vector<1x16xf32>,
        %get3A_550 = vector.shape_cast %get3A_549 : vector<1x16xf32> to vector<16xf32>
        %swap3A_551 = arith.index_cast %add3A_543 : i32 to index
        %swap3A_552 = arith.constant 16 : index
        %swap3A_553 = tpu.vector_load %arg10[%swap3A_551, %swap3A_552] {strides = array<i32>} : memref<128x64xf32, #tpu.memory_space<vmem>>, vector<1x16xf32>,
        %swap3A_554 = vector.shape_cast %swap3A_553 : vector<1x16xf32> to vector<16xf32>
        %swap3A_555 = vector.shape_cast %get3A_550 : vector<16xf32> to vector<1x16xf32>
        tpu.vector_store %arg10[%swap3A_551, %swap3A_552], %swap3A_555 {add = true, strides = array<i32>} : memref<128x64xf32, #tpu.memory_space<vmem>>, vector<1x16xf32>,
        %add3A_556 = arith.constant 6 : i32
        %add3A_557 = arith.addi %mul3A_193, %add3A_556 : i32
        %add3A_558 = arith.addi %rem3A_136, %mul3A_193 : i32
        %add3A_559 = arith.constant 6 : i32
        %add3A_560 = arith.addi %add3A_558, %add3A_559 : i32
        %get3A_561 = arith.index_cast %add3A_560 : i32 to index
        %get3A_562 = arith.constant 32 : index
        %get3A_563 = tpu.vector_load %arg7[%get3A_561, %get3A_562] {strides = array<i32>} : memref<400x64xf32, #tpu.memory_space<vmem>>, vector<1x16xf32>,
        %get3A_564 = vector.shape_cast %get3A_563 : vector<1x16xf32> to vector<16xf32>
        %swap3A_565 = arith.index_cast %add3A_557 : i32 to index
        %swap3A_566 = arith.constant 32 : index
        %swap3A_567 = tpu.vector_load %arg10[%swap3A_565, %swap3A_566] {strides = array<i32>} : memref<128x64xf32, #tpu.memory_space<vmem>>, vector<1x16xf32>,
        %swap3A_568 = vector.shape_cast %swap3A_567 : vector<1x16xf32> to vector<16xf32>
        %swap3A_569 = vector.shape_cast %get3A_564 : vector<16xf32> to vector<1x16xf32>
        tpu.vector_store %arg10[%swap3A_565, %swap3A_566], %swap3A_569 {add = true, strides = array<i32>} : memref<128x64xf32, #tpu.memory_space<vmem>>, vector<1x16xf32>,
        %add3A_570 = arith.constant 6 : i32
        %add3A_571 = arith.addi %mul3A_193, %add3A_570 : i32
        %add3A_572 = arith.addi %rem3A_136, %mul3A_193 : i32
        %add3A_573 = arith.constant 6 : i32
        %add3A_574 = arith.addi %add3A_572, %add3A_573 : i32
        %get3A_575 = arith.index_cast %add3A_574 : i32 to index
        %get3A_576 = arith.constant 48 : index
        %get3A_577 = tpu.vector_load %arg7[%get3A_575, %get3A_576] {strides = array<i32>} : memref<400x64xf32, #tpu.memory_space<vmem>>, vector<1x16xf32>,
        %get3A_578 = vector.shape_cast %get3A_577 : vector<1x16xf32> to vector<16xf32>
        %swap3A_579 = arith.index_cast %add3A_571 : i32 to index
        %swap3A_580 = arith.constant 48 : index
        %swap3A_581 = tpu.vector_load %arg10[%swap3A_579, %swap3A_580] {strides = array<i32>} : memref<128x64xf32, #tpu.memory_space<vmem>>, vector<1x16xf32>,
        %swap3A_582 = vector.shape_cast %swap3A_581 : vector<1x16xf32> to vector<16xf32>
        %swap3A_583 = vector.shape_cast %get3A_578 : vector<16xf32> to vector<1x16xf32>
        tpu.vector_store %arg10[%swap3A_579, %swap3A_580], %swap3A_583 {add = true, strides = array<i32>} : memref<128x64xf32, #tpu.memory_space<vmem>>, vector<1x16xf32>,
        %add3A_584 = arith.constant 7 : i32
        %add3A_585 = arith.addi %mul3A_193, %add3A_584 : i32
        %add3A_586 = arith.addi %rem3A_136, %mul3A_193 : i32
        %add3A_587 = arith.constant 7 : i32
        %add3A_588 = arith.addi %add3A_586, %add3A_587 : i32
        %get3A_589 = arith.index_cast %add3A_588 : i32 to index
        %get3A_590 = arith.constant 0 : index
        %get3A_591 = tpu.vector_load %arg7[%get3A_589, %get3A_590] {strides = array<i32>} : memref<400x64xf32, #tpu.memory_space<vmem>>, vector<1x16xf32>,
        %get3A_592 = vector.shape_cast %get3A_591 : vector<1x16xf32> to vector<16xf32>
        %swap3A_593 = arith.index_cast %add3A_585 : i32 to index
        %swap3A_594 = arith.constant 0 : index
        %swap3A_595 = tpu.vector_load %arg10[%swap3A_593, %swap3A_594] {strides = array<i32>} : memref<128x64xf32, #tpu.memory_space<vmem>>, vector<1x16xf32>,
        %swap3A_596 = vector.shape_cast %swap3A_595 : vector<1x16xf32> to vector<16xf32>
        %swap3A_597 = vector.shape_cast %get3A_592 : vector<16xf32> to vector<1x16xf32>
        tpu.vector_store %arg10[%swap3A_593, %swap3A_594], %swap3A_597 {add = true, strides = array<i32>} : memref<128x64xf32, #tpu.memory_space<vmem>>, vector<1x16xf32>,
        %add3A_598 = arith.constant 7 : i32
        %add3A_599 = arith.addi %mul3A_193, %add3A_598 : i32
        %add3A_600 = arith.addi %rem3A_136, %mul3A_193 : i32
        %add3A_601 = arith.constant 7 : i32
        %add3A_602 = arith.addi %add3A_600, %add3A_601 : i32
        %get3A_603 = arith.index_cast %add3A_602 : i32 to index
        %get3A_604 = arith.constant 16 : index
        %get3A_605 = tpu.vector_load %arg7[%get3A_603, %get3A_604] {strides = array<i32>} : memref<400x64xf32, #tpu.memory_space<vmem>>, vector<1x16xf32>,
        %get3A_606 = vector.shape_cast %get3A_605 : vector<1x16xf32> to vector<16xf32>
        %swap3A_607 = arith.index_cast %add3A_599 : i32 to index
        %swap3A_608 = arith.constant 16 : index
        %swap3A_609 = tpu.vector_load %arg10[%swap3A_607, %swap3A_608] {strides = array<i32>} : memref<128x64xf32, #tpu.memory_space<vmem>>, vector<1x16xf32>,
        %swap3A_610 = vector.shape_cast %swap3A_609 : vector<1x16xf32> to vector<16xf32>
        %swap3A_611 = vector.shape_cast %get3A_606 : vector<16xf32> to vector<1x16xf32>
        tpu.vector_store %arg10[%swap3A_607, %swap3A_608], %swap3A_611 {add = true, strides = array<i32>} : memref<128x64xf32, #tpu.memory_space<vmem>>, vector<1x16xf32>,
        %add3A_612 = arith.constant 7 : i32
        %add3A_613 = arith.addi %mul3A_193, %add3A_612 : i32
        %add3A_614 = arith.addi %rem3A_136, %mul3A_193 : i32
        %add3A_615 = arith.constant 7 : i32
        %add3A_616 = arith.addi %add3A_614, %add3A_615 : i32
        %get3A_617 = arith.index_cast %add3A_616 : i32 to index
        %get3A_618 = arith.constant 32 : index
        %get3A_619 = tpu.vector_load %arg7[%get3A_617, %get3A_618] {strides = array<i32>} : memref<400x64xf32, #tpu.memory_space<vmem>>, vector<1x16xf32>,
        %get3A_620 = vector.shape_cast %get3A_619 : vector<1x16xf32> to vector<16xf32>
        %swap3A_621 = arith.index_cast %add3A_613 : i32 to index
        %swap3A_622 = arith.constant 32 : index
        %swap3A_623 = tpu.vector_load %arg10[%swap3A_621, %swap3A_622] {strides = array<i32>} : memref<128x64xf32, #tpu.memory_space<vmem>>, vector<1x16xf32>,
        %swap3A_624 = vector.shape_cast %swap3A_623 : vector<1x16xf32> to vector<16xf32>
        %swap3A_625 = vector.shape_cast %get3A_620 : vector<16xf32> to vector<1x16xf32>
        tpu.vector_store %arg10[%swap3A_621, %swap3A_622], %swap3A_625 {add = true, strides = array<i32>} : memref<128x64xf32, #tpu.memory_space<vmem>>, vector<1x16xf32>,
        %add3A_626 = arith.constant 7 : i32
        %add3A_627 = arith.addi %mul3A_193, %add3A_626 : i32
        %add3A_628 = arith.addi %rem3A_136, %mul3A_193 : i32
        %add3A_629 = arith.constant 7 : i32
        %add3A_630 = arith.addi %add3A_628, %add3A_629 : i32
        %get3A_631 = arith.index_cast %add3A_630 : i32 to index
        %get3A_632 = arith.constant 48 : index
        %get3A_633 = tpu.vector_load %arg7[%get3A_631, %get3A_632] {strides = array<i32>} : memref<400x64xf32, #tpu.memory_space<vmem>>, vector<1x16xf32>,
        %get3A_634 = vector.shape_cast %get3A_633 : vector<1x16xf32> to vector<16xf32>
        %swap3A_635 = arith.index_cast %add3A_627 : i32 to index
        %swap3A_636 = arith.constant 48 : index
        %swap3A_637 = tpu.vector_load %arg10[%swap3A_635, %swap3A_636] {strides = array<i32>} : memref<128x64xf32, #tpu.memory_space<vmem>>, vector<1x16xf32>,
        %swap3A_638 = vector.shape_cast %swap3A_637 : vector<1x16xf32> to vector<16xf32>
        %swap3A_639 = vector.shape_cast %get3A_634 : vector<16xf32> to vector<1x16xf32>
        tpu.vector_store %arg10[%swap3A_635, %swap3A_636], %swap3A_639 {add = true, strides = array<i32>} : memref<128x64xf32, #tpu.memory_space<vmem>>, vector<1x16xf32>,
        %add3A_640 = arith.constant 8 : i32
        %add3A_641 = arith.addi %mul3A_193, %add3A_640 : i32
        %add3A_642 = arith.addi %rem3A_136, %mul3A_193 : i32
        %add3A_643 = arith.constant 8 : i32
        %add3A_644 = arith.addi %add3A_642, %add3A_643 : i32
        %get3A_645 = arith.index_cast %add3A_644 : i32 to index
        %get3A_646 = arith.constant 0 : index
        %get3A_647 = tpu.vector_load %arg7[%get3A_645, %get3A_646] {strides = array<i32>} : memref<400x64xf32, #tpu.memory_space<vmem>>, vector<1x16xf32>,
        %get3A_648 = vector.shape_cast %get3A_647 : vector<1x16xf32> to vector<16xf32>
        %swap3A_649 = arith.index_cast %add3A_641 : i32 to index
        %swap3A_650 = arith.constant 0 : index
        %swap3A_651 = tpu.vector_load %arg10[%swap3A_649, %swap3A_650] {strides = array<i32>} : memref<128x64xf32, #tpu.memory_space<vmem>>, vector<1x16xf32>,
        %swap3A_652 = vector.shape_cast %swap3A_651 : vector<1x16xf32> to vector<16xf32>
        %swap3A_653 = vector.shape_cast %get3A_648 : vector<16xf32> to vector<1x16xf32>
        tpu.vector_store %arg10[%swap3A_649, %swap3A_650], %swap3A_653 {add = true, strides = array<i32>} : memref<128x64xf32, #tpu.memory_space<vmem>>, vector<1x16xf32>,
        %add3A_654 = arith.constant 8 : i32
        %add3A_655 = arith.addi %mul3A_193, %add3A_654 : i32
        %add3A_656 = arith.addi %rem3A_136, %mul3A_193 : i32
        %add3A_657 = arith.constant 8 : i32
        %add3A_658 = arith.addi %add3A_656, %add3A_657 : i32
        %get3A_659 = arith.index_cast %add3A_658 : i32 to index
        %get3A_660 = arith.constant 16 : index
        %get3A_661 = tpu.vector_load %arg7[%get3A_659, %get3A_660] {strides = array<i32>} : memref<400x64xf32, #tpu.memory_space<vmem>>, vector<1x16xf32>,
        %get3A_662 = vector.shape_cast %get3A_661 : vector<1x16xf32> to vector<16xf32>
        %swap3A_663 = arith.index_cast %add3A_655 : i32 to index
        %swap3A_664 = arith.constant 16 : index
        %swap3A_665 = tpu.vector_load %arg10[%swap3A_663, %swap3A_664] {strides = array<i32>} : memref<128x64xf32, #tpu.memory_space<vmem>>, vector<1x16xf32>,
        %swap3A_666 = vector.shape_cast %swap3A_665 : vector<1x16xf32> to vector<16xf32>
        %swap3A_667 = vector.shape_cast %get3A_662 : vector<16xf32> to vector<1x16xf32>
        tpu.vector_store %arg10[%swap3A_663, %swap3A_664], %swap3A_667 {add = true, strides = array<i32>} : memref<128x64xf32, #tpu.memory_space<vmem>>, vector<1x16xf32>,
        %add3A_668 = arith.constant 8 : i32
        %add3A_669 = arith.addi %mul3A_193, %add3A_668 : i32
        %add3A_670 = arith.addi %rem3A_136, %mul3A_193 : i32
        %add3A_671 = arith.constant 8 : i32
        %add3A_672 = arith.addi %add3A_670, %add3A_671 : i32
        %get3A_673 = arith.index_cast %add3A_672 : i32 to index
        %get3A_674 = arith.constant 32 : index
        %get3A_675 = tpu.vector_load %arg7[%get3A_673, %get3A_674] {strides = array<i32>} : memref<400x64xf32, #tpu.memory_space<vmem>>, vector<1x16xf32>,
        %get3A_676 = vector.shape_cast %get3A_675 : vector<1x16xf32> to vector<16xf32>
        %swap3A_677 = arith.index_cast %add3A_669 : i32 to index
        %swap3A_678 = arith.constant 32 : index
        %swap3A_679 = tpu.vector_load %arg10[%swap3A_677, %swap3A_678] {strides = array<i32>} : memref<128x64xf32, #tpu.memory_space<vmem>>, vector<1x16xf32>,
        %swap3A_680 = vector.shape_cast %swap3A_679 : vector<1x16xf32> to vector<16xf32>
        %swap3A_681 = vector.shape_cast %get3A_676 : vector<16xf32> to vector<1x16xf32>
        tpu.vector_store %arg10[%swap3A_677, %swap3A_678], %swap3A_681 {add = true, strides = array<i32>} : memref<128x64xf32, #tpu.memory_space<vmem>>, vector<1x16xf32>,
        %add3A_682 = arith.constant 8 : i32
        %add3A_683 = arith.addi %mul3A_193, %add3A_682 : i32
        %add3A_684 = arith.addi %rem3A_136, %mul3A_193 : i32
        %add3A_685 = arith.constant 8 : i32
        %add3A_686 = arith.addi %add3A_684, %add3A_685 : i32
        %get3A_687 = arith.index_cast %add3A_686 : i32 to index
        %get3A_688 = arith.constant 48 : index
        %get3A_689 = tpu.vector_load %arg7[%get3A_687, %get3A_688] {strides = array<i32>} : memref<400x64xf32, #tpu.memory_space<vmem>>, vector<1x16xf32>,
        %get3A_690 = vector.shape_cast %get3A_689 : vector<1x16xf32> to vector<16xf32>
        %swap3A_691 = arith.index_cast %add3A_683 : i32 to index
        %swap3A_692 = arith.constant 48 : index
        %swap3A_693 = tpu.vector_load %arg10[%swap3A_691, %swap3A_692] {strides = array<i32>} : memref<128x64xf32, #tpu.memory_space<vmem>>, vector<1x16xf32>,
        %swap3A_694 = vector.shape_cast %swap3A_693 : vector<1x16xf32> to vector<16xf32>
        %swap3A_695 = vector.shape_cast %get3A_690 : vector<16xf32> to vector<1x16xf32>
        tpu.vector_store %arg10[%swap3A_691, %swap3A_692], %swap3A_695 {add = true, strides = array<i32>} : memref<128x64xf32, #tpu.memory_space<vmem>>, vector<1x16xf32>,
        %add3A_696 = arith.constant 9 : i32
        %add3A_697 = arith.addi %mul3A_193, %add3A_696 : i32
        %add3A_698 = arith.addi %rem3A_136, %mul3A_193 : i32
        %add3A_699 = arith.constant 9 : i32
        %add3A_700 = arith.addi %add3A_698, %add3A_699 : i32
        %get3A_701 = arith.index_cast %add3A_700 : i32 to index
        %get3A_702 = arith.constant 0 : index
        %get3A_703 = tpu.vector_load %arg7[%get3A_701, %get3A_702] {strides = array<i32>} : memref<400x64xf32, #tpu.memory_space<vmem>>, vector<1x16xf32>,
        %get3A_704 = vector.shape_cast %get3A_703 : vector<1x16xf32> to vector<16xf32>
        %swap3A_705 = arith.index_cast %add3A_697 : i32 to index
        %swap3A_706 = arith.constant 0 : index
        %swap3A_707 = tpu.vector_load %arg10[%swap3A_705, %swap3A_706] {strides = array<i32>} : memref<128x64xf32, #tpu.memory_space<vmem>>, vector<1x16xf32>,
        %swap3A_708 = vector.shape_cast %swap3A_707 : vector<1x16xf32> to vector<16xf32>
        %swap3A_709 = vector.shape_cast %get3A_704 : vector<16xf32> to vector<1x16xf32>
        tpu.vector_store %arg10[%swap3A_705, %swap3A_706], %swap3A_709 {add = true, strides = array<i32>} : memref<128x64xf32, #tpu.memory_space<vmem>>, vector<1x16xf32>,
        %add3A_710 = arith.constant 9 : i32
        %add3A_711 = arith.addi %mul3A_193, %add3A_710 : i32
        %add3A_712 = arith.addi %rem3A_136, %mul3A_193 : i32
        %add3A_713 = arith.constant 9 : i32
        %add3A_714 = arith.addi %add3A_712, %add3A_713 : i32
        %get3A_715 = arith.index_cast %add3A_714 : i32 to index
        %get3A_716 = arith.constant 16 : index
        %get3A_717 = tpu.vector_load %arg7[%get3A_715, %get3A_716] {strides = array<i32>} : memref<400x64xf32, #tpu.memory_space<vmem>>, vector<1x16xf32>,
        %get3A_718 = vector.shape_cast %get3A_717 : vector<1x16xf32> to vector<16xf32>
        %swap3A_719 = arith.index_cast %add3A_711 : i32 to index
        %swap3A_720 = arith.constant 16 : index
        %swap3A_721 = tpu.vector_load %arg10[%swap3A_719, %swap3A_720] {strides = array<i32>} : memref<128x64xf32, #tpu.memory_space<vmem>>, vector<1x16xf32>,
        %swap3A_722 = vector.shape_cast %swap3A_721 : vector<1x16xf32> to vector<16xf32>
        %swap3A_723 = vector.shape_cast %get3A_718 : vector<16xf32> to vector<1x16xf32>
        tpu.vector_store %arg10[%swap3A_719, %swap3A_720], %swap3A_723 {add = true, strides = array<i32>} : memref<128x64xf32, #tpu.memory_space<vmem>>, vector<1x16xf32>,
        %add3A_724 = arith.constant 9 : i32
        %add3A_725 = arith.addi %mul3A_193, %add3A_724 : i32
        %add3A_726 = arith.addi %rem3A_136, %mul3A_193 : i32
        %add3A_727 = arith.constant 9 : i32
        %add3A_728 = arith.addi %add3A_726, %add3A_727 : i32
        %get3A_729 = arith.index_cast %add3A_728 : i32 to index
        %get3A_730 = arith.constant 32 : index
        %get3A_731 = tpu.vector_load %arg7[%get3A_729, %get3A_730] {strides = array<i32>} : memref<400x64xf32, #tpu.memory_space<vmem>>, vector<1x16xf32>,
        %get3A_732 = vector.shape_cast %get3A_731 : vector<1x16xf32> to vector<16xf32>
        %swap3A_733 = arith.index_cast %add3A_725 : i32 to index
        %swap3A_734 = arith.constant 32 : index
        %swap3A_735 = tpu.vector_load %arg10[%swap3A_733, %swap3A_734] {strides = array<i32>} : memref<128x64xf32, #tpu.memory_space<vmem>>, vector<1x16xf32>,
        %swap3A_736 = vector.shape_cast %swap3A_735 : vector<1x16xf32> to vector<16xf32>
        %swap3A_737 = vector.shape_cast %get3A_732 : vector<16xf32> to vector<1x16xf32>
        tpu.vector_store %arg10[%swap3A_733, %swap3A_734], %swap3A_737 {add = true, strides = array<i32>} : memref<128x64xf32, #tpu.memory_space<vmem>>, vector<1x16xf32>,
        %add3A_738 = arith.constant 9 : i32
        %add3A_739 = arith.addi %mul3A_193, %add3A_738 : i32
        %add3A_740 = arith.addi %rem3A_136, %mul3A_193 : i32
        %add3A_741 = arith.constant 9 : i32
        %add3A_742 = arith.addi %add3A_740, %add3A_741 : i32
        %get3A_743 = arith.index_cast %add3A_742 : i32 to index
        %get3A_744 = arith.constant 48 : index
        %get3A_745 = tpu.vector_load %arg7[%get3A_743, %get3A_744] {strides = array<i32>} : memref<400x64xf32, #tpu.memory_space<vmem>>, vector<1x16xf32>,
        %get3A_746 = vector.shape_cast %get3A_745 : vector<1x16xf32> to vector<16xf32>
        %swap3A_747 = arith.index_cast %add3A_739 : i32 to index
        %swap3A_748 = arith.constant 48 : index
        %swap3A_749 = tpu.vector_load %arg10[%swap3A_747, %swap3A_748] {strides = array<i32>} : memref<128x64xf32, #tpu.memory_space<vmem>>, vector<1x16xf32>,
        %swap3A_750 = vector.shape_cast %swap3A_749 : vector<1x16xf32> to vector<16xf32>
        %swap3A_751 = vector.shape_cast %get3A_746 : vector<16xf32> to vector<1x16xf32>
        tpu.vector_store %arg10[%swap3A_747, %swap3A_748], %swap3A_751 {add = true, strides = array<i32>} : memref<128x64xf32, #tpu.memory_space<vmem>>, vector<1x16xf32>,
        %add3A_752 = arith.constant 10 : i32
        %add3A_753 = arith.addi %mul3A_193, %add3A_752 : i32
        %add3A_754 = arith.addi %rem3A_136, %mul3A_193 : i32
        %add3A_755 = arith.constant 10 : i32
        %add3A_756 = arith.addi %add3A_754, %add3A_755 : i32
        %get3A_757 = arith.index_cast %add3A_756 : i32 to index
        %get3A_758 = arith.constant 0 : index
        %get3A_759 = tpu.vector_load %arg7[%get3A_757, %get3A_758] {strides = array<i32>} : memref<400x64xf32, #tpu.memory_space<vmem>>, vector<1x16xf32>,
        %get3A_760 = vector.shape_cast %get3A_759 : vector<1x16xf32> to vector<16xf32>
        %swap3A_761 = arith.index_cast %add3A_753 : i32 to index
        %swap3A_762 = arith.constant 0 : index
        %swap3A_763 = tpu.vector_load %arg10[%swap3A_761, %swap3A_762] {strides = array<i32>} : memref<128x64xf32, #tpu.memory_space<vmem>>, vector<1x16xf32>,
        %swap3A_764 = vector.shape_cast %swap3A_763 : vector<1x16xf32> to vector<16xf32>
        %swap3A_765 = vector.shape_cast %get3A_760 : vector<16xf32> to vector<1x16xf32>
        tpu.vector_store %arg10[%swap3A_761, %swap3A_762], %swap3A_765 {add = true, strides = array<i32>} : memref<128x64xf32, #tpu.memory_space<vmem>>, vector<1x16xf32>,
        %add3A_766 = arith.constant 10 : i32
        %add3A_767 = arith.addi %mul3A_193, %add3A_766 : i32
        %add3A_768 = arith.addi %rem3A_136, %mul3A_193 : i32
        %add3A_769 = arith.constant 10 : i32
        %add3A_770 = arith.addi %add3A_768, %add3A_769 : i32
        %get3A_771 = arith.index_cast %add3A_770 : i32 to index
        %get3A_772 = arith.constant 16 : index
        %get3A_773 = tpu.vector_load %arg7[%get3A_771, %get3A_772] {strides = array<i32>} : memref<400x64xf32, #tpu.memory_space<vmem>>, vector<1x16xf32>,
        %get3A_774 = vector.shape_cast %get3A_773 : vector<1x16xf32> to vector<16xf32>
        %swap3A_775 = arith.index_cast %add3A_767 : i32 to index
        %swap3A_776 = arith.constant 16 : index
        %swap3A_777 = tpu.vector_load %arg10[%swap3A_775, %swap3A_776] {strides = array<i32>} : memref<128x64xf32, #tpu.memory_space<vmem>>, vector<1x16xf32>,
        %swap3A_778 = vector.shape_cast %swap3A_777 : vector<1x16xf32> to vector<16xf32>
        %swap3A_779 = vector.shape_cast %get3A_774 : vector<16xf32> to vector<1x16xf32>
        tpu.vector_store %arg10[%swap3A_775, %swap3A_776], %swap3A_779 {add = true, strides = array<i32>} : memref<128x64xf32, #tpu.memory_space<vmem>>, vector<1x16xf32>,
        %add3A_780 = arith.constant 10 : i32
        %add3A_781 = arith.addi %mul3A_193, %add3A_780 : i32
        %add3A_782 = arith.addi %rem3A_136, %mul3A_193 : i32
        %add3A_783 = arith.constant 10 : i32
        %add3A_784 = arith.addi %add3A_782, %add3A_783 : i32
        %get3A_785 = arith.index_cast %add3A_784 : i32 to index
        %get3A_786 = arith.constant 32 : index
        %get3A_787 = tpu.vector_load %arg7[%get3A_785, %get3A_786] {strides = array<i32>} : memref<400x64xf32, #tpu.memory_space<vmem>>, vector<1x16xf32>,
        %get3A_788 = vector.shape_cast %get3A_787 : vector<1x16xf32> to vector<16xf32>
        %swap3A_789 = arith.index_cast %add3A_781 : i32 to index
        %swap3A_790 = arith.constant 32 : index
        %swap3A_791 = tpu.vector_load %arg10[%swap3A_789, %swap3A_790] {strides = array<i32>} : memref<128x64xf32, #tpu.memory_space<vmem>>, vector<1x16xf32>,
        %swap3A_792 = vector.shape_cast %swap3A_791 : vector<1x16xf32> to vector<16xf32>
        %swap3A_793 = vector.shape_cast %get3A_788 : vector<16xf32> to vector<1x16xf32>
        tpu.vector_store %arg10[%swap3A_789, %swap3A_790], %swap3A_793 {add = true, strides = array<i32>} : memref<128x64xf32, #tpu.memory_space<vmem>>, vector<1x16xf32>,
        %add3A_794 = arith.constant 10 : i32
        %add3A_795 = arith.addi %mul3A_193, %add3A_794 : i32
        %add3A_796 = arith.addi %rem3A_136, %mul3A_193 : i32
        %add3A_797 = arith.constant 10 : i32
        %add3A_798 = arith.addi %add3A_796, %add3A_797 : i32
        %get3A_799 = arith.index_cast %add3A_798 : i32 to index
        %get3A_800 = arith.constant 48 : index
        %get3A_801 = tpu.vector_load %arg7[%get3A_799, %get3A_800] {strides = array<i32>} : memref<400x64xf32, #tpu.memory_space<vmem>>, vector<1x16xf32>,
        %get3A_802 = vector.shape_cast %get3A_801 : vector<1x16xf32> to vector<16xf32>
        %swap3A_803 = arith.index_cast %add3A_795 : i32 to index
        %swap3A_804 = arith.constant 48 : index
        %swap3A_805 = tpu.vector_load %arg10[%swap3A_803, %swap3A_804] {strides = array<i32>} : memref<128x64xf32, #tpu.memory_space<vmem>>, vector<1x16xf32>,
        %swap3A_806 = vector.shape_cast %swap3A_805 : vector<1x16xf32> to vector<16xf32>
        %swap3A_807 = vector.shape_cast %get3A_802 : vector<16xf32> to vector<1x16xf32>
        tpu.vector_store %arg10[%swap3A_803, %swap3A_804], %swap3A_807 {add = true, strides = array<i32>} : memref<128x64xf32, #tpu.memory_space<vmem>>, vector<1x16xf32>,
        %add3A_808 = arith.constant 11 : i32
        %add3A_809 = arith.addi %mul3A_193, %add3A_808 : i32
        %add3A_810 = arith.addi %rem3A_136, %mul3A_193 : i32
        %add3A_811 = arith.constant 11 : i32
        %add3A_812 = arith.addi %add3A_810, %add3A_811 : i32
        %get3A_813 = arith.index_cast %add3A_812 : i32 to index
        %get3A_814 = arith.constant 0 : index
        %get3A_815 = tpu.vector_load %arg7[%get3A_813, %get3A_814] {strides = array<i32>} : memref<400x64xf32, #tpu.memory_space<vmem>>, vector<1x16xf32>,
        %get3A_816 = vector.shape_cast %get3A_815 : vector<1x16xf32> to vector<16xf32>
        %swap3A_817 = arith.index_cast %add3A_809 : i32 to index
        %swap3A_818 = arith.constant 0 : index
        %swap3A_819 = tpu.vector_load %arg10[%swap3A_817, %swap3A_818] {strides = array<i32>} : memref<128x64xf32, #tpu.memory_space<vmem>>, vector<1x16xf32>,
        %swap3A_820 = vector.shape_cast %swap3A_819 : vector<1x16xf32> to vector<16xf32>
        %swap3A_821 = vector.shape_cast %get3A_816 : vector<16xf32> to vector<1x16xf32>
        tpu.vector_store %arg10[%swap3A_817, %swap3A_818], %swap3A_821 {add = true, strides = array<i32>} : memref<128x64xf32, #tpu.memory_space<vmem>>, vector<1x16xf32>,
        %add3A_822 = arith.constant 11 : i32
        %add3A_823 = arith.addi %mul3A_193, %add3A_822 : i32
        %add3A_824 = arith.addi %rem3A_136, %mul3A_193 : i32
        %add3A_825 = arith.constant 11 : i32
        %add3A_826 = arith.addi %add3A_824, %add3A_825 : i32
        %get3A_827 = arith.index_cast %add3A_826 : i32 to index
        %get3A_828 = arith.constant 16 : index
        %get3A_829 = tpu.vector_load %arg7[%get3A_827, %get3A_828] {strides = array<i32>} : memref<400x64xf32, #tpu.memory_space<vmem>>, vector<1x16xf32>,
        %get3A_830 = vector.shape_cast %get3A_829 : vector<1x16xf32> to vector<16xf32>
        %swap3A_831 = arith.index_cast %add3A_823 : i32 to index
        %swap3A_832 = arith.constant 16 : index
        %swap3A_833 = tpu.vector_load %arg10[%swap3A_831, %swap3A_832] {strides = array<i32>} : memref<128x64xf32, #tpu.memory_space<vmem>>, vector<1x16xf32>,
        %swap3A_834 = vector.shape_cast %swap3A_833 : vector<1x16xf32> to vector<16xf32>
        %swap3A_835 = vector.shape_cast %get3A_830 : vector<16xf32> to vector<1x16xf32>
        tpu.vector_store %arg10[%swap3A_831, %swap3A_832], %swap3A_835 {add = true, strides = array<i32>} : memref<128x64xf32, #tpu.memory_space<vmem>>, vector<1x16xf32>,
        %add3A_836 = arith.constant 11 : i32
        %add3A_837 = arith.addi %mul3A_193, %add3A_836 : i32
        %add3A_838 = arith.addi %rem3A_136, %mul3A_193 : i32
        %add3A_839 = arith.constant 11 : i32
        %add3A_840 = arith.addi %add3A_838, %add3A_839 : i32
        %get3A_841 = arith.index_cast %add3A_840 : i32 to index
        %get3A_842 = arith.constant 32 : index
        %get3A_843 = tpu.vector_load %arg7[%get3A_841, %get3A_842] {strides = array<i32>} : memref<400x64xf32, #tpu.memory_space<vmem>>, vector<1x16xf32>,
        %get3A_844 = vector.shape_cast %get3A_843 : vector<1x16xf32> to vector<16xf32>
        %swap3A_845 = arith.index_cast %add3A_837 : i32 to index
        %swap3A_846 = arith.constant 32 : index
        %swap3A_847 = tpu.vector_load %arg10[%swap3A_845, %swap3A_846] {strides = array<i32>} : memref<128x64xf32, #tpu.memory_space<vmem>>, vector<1x16xf32>,
        %swap3A_848 = vector.shape_cast %swap3A_847 : vector<1x16xf32> to vector<16xf32>
        %swap3A_849 = vector.shape_cast %get3A_844 : vector<16xf32> to vector<1x16xf32>
        tpu.vector_store %arg10[%swap3A_845, %swap3A_846], %swap3A_849 {add = true, strides = array<i32>} : memref<128x64xf32, #tpu.memory_space<vmem>>, vector<1x16xf32>,
        %add3A_850 = arith.constant 11 : i32
        %add3A_851 = arith.addi %mul3A_193, %add3A_850 : i32
        %add3A_852 = arith.addi %rem3A_136, %mul3A_193 : i32
        %add3A_853 = arith.constant 11 : i32
        %add3A_854 = arith.addi %add3A_852, %add3A_853 : i32
        %get3A_855 = arith.index_cast %add3A_854 : i32 to index
        %get3A_856 = arith.constant 48 : index
        %get3A_857 = tpu.vector_load %arg7[%get3A_855, %get3A_856] {strides = array<i32>} : memref<400x64xf32, #tpu.memory_space<vmem>>, vector<1x16xf32>,
        %get3A_858 = vector.shape_cast %get3A_857 : vector<1x16xf32> to vector<16xf32>
        %swap3A_859 = arith.index_cast %add3A_851 : i32 to index
        %swap3A_860 = arith.constant 48 : index
        %swap3A_861 = tpu.vector_load %arg10[%swap3A_859, %swap3A_860] {strides = array<i32>} : memref<128x64xf32, #tpu.memory_space<vmem>>, vector<1x16xf32>,
        %swap3A_862 = vector.shape_cast %swap3A_861 : vector<1x16xf32> to vector<16xf32>
        %swap3A_863 = vector.shape_cast %get3A_858 : vector<16xf32> to vector<1x16xf32>
        tpu.vector_store %arg10[%swap3A_859, %swap3A_860], %swap3A_863 {add = true, strides = array<i32>} : memref<128x64xf32, #tpu.memory_space<vmem>>, vector<1x16xf32>,
        %add3A_864 = arith.constant 12 : i32
        %add3A_865 = arith.addi %mul3A_193, %add3A_864 : i32
        %add3A_866 = arith.addi %rem3A_136, %mul3A_193 : i32
        %add3A_867 = arith.constant 12 : i32
        %add3A_868 = arith.addi %add3A_866, %add3A_867 : i32
        %get3A_869 = arith.index_cast %add3A_868 : i32 to index
        %get3A_870 = arith.constant 0 : index
        %get3A_871 = tpu.vector_load %arg7[%get3A_869, %get3A_870] {strides = array<i32>} : memref<400x64xf32, #tpu.memory_space<vmem>>, vector<1x16xf32>,
        %get3A_872 = vector.shape_cast %get3A_871 : vector<1x16xf32> to vector<16xf32>
        %swap3A_873 = arith.index_cast %add3A_865 : i32 to index
        %swap3A_874 = arith.constant 0 : index
        %swap3A_875 = tpu.vector_load %arg10[%swap3A_873, %swap3A_874] {strides = array<i32>} : memref<128x64xf32, #tpu.memory_space<vmem>>, vector<1x16xf32>,
        %swap3A_876 = vector.shape_cast %swap3A_875 : vector<1x16xf32> to vector<16xf32>
        %swap3A_877 = vector.shape_cast %get3A_872 : vector<16xf32> to vector<1x16xf32>
        tpu.vector_store %arg10[%swap3A_873, %swap3A_874], %swap3A_877 {add = true, strides = array<i32>} : memref<128x64xf32, #tpu.memory_space<vmem>>, vector<1x16xf32>,
        %add3A_878 = arith.constant 12 : i32
        %add3A_879 = arith.addi %mul3A_193, %add3A_878 : i32
        %add3A_880 = arith.addi %rem3A_136, %mul3A_193 : i32
        %add3A_881 = arith.constant 12 : i32
        %add3A_882 = arith.addi %add3A_880, %add3A_881 : i32
        %get3A_883 = arith.index_cast %add3A_882 : i32 to index
        %get3A_884 = arith.constant 16 : index
        %get3A_885 = tpu.vector_load %arg7[%get3A_883, %get3A_884] {strides = array<i32>} : memref<400x64xf32, #tpu.memory_space<vmem>>, vector<1x16xf32>,
        %get3A_886 = vector.shape_cast %get3A_885 : vector<1x16xf32> to vector<16xf32>
        %swap3A_887 = arith.index_cast %add3A_879 : i32 to index
        %swap3A_888 = arith.constant 16 : index
        %swap3A_889 = tpu.vector_load %arg10[%swap3A_887, %swap3A_888] {strides = array<i32>} : memref<128x64xf32, #tpu.memory_space<vmem>>, vector<1x16xf32>,
        %swap3A_890 = vector.shape_cast %swap3A_889 : vector<1x16xf32> to vector<16xf32>
        %swap3A_891 = vector.shape_cast %get3A_886 : vector<16xf32> to vector<1x16xf32>
        tpu.vector_store %arg10[%swap3A_887, %swap3A_888], %swap3A_891 {add = true, strides = array<i32>} : memref<128x64xf32, #tpu.memory_space<vmem>>, vector<1x16xf32>,
        %add3A_892 = arith.constant 12 : i32
        %add3A_893 = arith.addi %mul3A_193, %add3A_892 : i32
        %add3A_894 = arith.addi %rem3A_136, %mul3A_193 : i32
        %add3A_895 = arith.constant 12 : i32
        %add3A_896 = arith.addi %add3A_894, %add3A_895 : i32
        %get3A_897 = arith.index_cast %add3A_896 : i32 to index
        %get3A_898 = arith.constant 32 : index
        %get3A_899 = tpu.vector_load %arg7[%get3A_897, %get3A_898] {strides = array<i32>} : memref<400x64xf32, #tpu.memory_space<vmem>>, vector<1x16xf32>,
        %get3A_900 = vector.shape_cast %get3A_899 : vector<1x16xf32> to vector<16xf32>
        %swap3A_901 = arith.index_cast %add3A_893 : i32 to index
        %swap3A_902 = arith.constant 32 : index
        %swap3A_903 = tpu.vector_load %arg10[%swap3A_901, %swap3A_902] {strides = array<i32>} : memref<128x64xf32, #tpu.memory_space<vmem>>, vector<1x16xf32>,
        %swap3A_904 = vector.shape_cast %swap3A_903 : vector<1x16xf32> to vector<16xf32>
        %swap3A_905 = vector.shape_cast %get3A_900 : vector<16xf32> to vector<1x16xf32>
        tpu.vector_store %arg10[%swap3A_901, %swap3A_902], %swap3A_905 {add = true, strides = array<i32>} : memref<128x64xf32, #tpu.memory_space<vmem>>, vector<1x16xf32>,
        %add3A_906 = arith.constant 12 : i32
        %add3A_907 = arith.addi %mul3A_193, %add3A_906 : i32
        %add3A_908 = arith.addi %rem3A_136, %mul3A_193 : i32
        %add3A_909 = arith.constant 12 : i32
        %add3A_910 = arith.addi %add3A_908, %add3A_909 : i32
        %get3A_911 = arith.index_cast %add3A_910 : i32 to index
        %get3A_912 = arith.constant 48 : index
        %get3A_913 = tpu.vector_load %arg7[%get3A_911, %get3A_912] {strides = array<i32>} : memref<400x64xf32, #tpu.memory_space<vmem>>, vector<1x16xf32>,
        %get3A_914 = vector.shape_cast %get3A_913 : vector<1x16xf32> to vector<16xf32>
        %swap3A_915 = arith.index_cast %add3A_907 : i32 to index
        %swap3A_916 = arith.constant 48 : index
        %swap3A_917 = tpu.vector_load %arg10[%swap3A_915, %swap3A_916] {strides = array<i32>} : memref<128x64xf32, #tpu.memory_space<vmem>>, vector<1x16xf32>,
        %swap3A_918 = vector.shape_cast %swap3A_917 : vector<1x16xf32> to vector<16xf32>
        %swap3A_919 = vector.shape_cast %get3A_914 : vector<16xf32> to vector<1x16xf32>
        tpu.vector_store %arg10[%swap3A_915, %swap3A_916], %swap3A_919 {add = true, strides = array<i32>} : memref<128x64xf32, #tpu.memory_space<vmem>>, vector<1x16xf32>,
        %add3A_920 = arith.constant 13 : i32
        %add3A_921 = arith.addi %mul3A_193, %add3A_920 : i32
        %add3A_922 = arith.addi %rem3A_136, %mul3A_193 : i32
        %add3A_923 = arith.constant 13 : i32
        %add3A_924 = arith.addi %add3A_922, %add3A_923 : i32
        %get3A_925 = arith.index_cast %add3A_924 : i32 to index
        %get3A_926 = arith.constant 0 : index
        %get3A_927 = tpu.vector_load %arg7[%get3A_925, %get3A_926] {strides = array<i32>} : memref<400x64xf32, #tpu.memory_space<vmem>>, vector<1x16xf32>,
        %get3A_928 = vector.shape_cast %get3A_927 : vector<1x16xf32> to vector<16xf32>
        %swap3A_929 = arith.index_cast %add3A_921 : i32 to index
        %swap3A_930 = arith.constant 0 : index
        %swap3A_931 = tpu.vector_load %arg10[%swap3A_929, %swap3A_930] {strides = array<i32>} : memref<128x64xf32, #tpu.memory_space<vmem>>, vector<1x16xf32>,
        %swap3A_932 = vector.shape_cast %swap3A_931 : vector<1x16xf32> to vector<16xf32>
        %swap3A_933 = vector.shape_cast %get3A_928 : vector<16xf32> to vector<1x16xf32>
        tpu.vector_store %arg10[%swap3A_929, %swap3A_930], %swap3A_933 {add = true, strides = array<i32>} : memref<128x64xf32, #tpu.memory_space<vmem>>, vector<1x16xf32>,
        %add3A_934 = arith.constant 13 : i32
        %add3A_935 = arith.addi %mul3A_193, %add3A_934 : i32
        %add3A_936 = arith.addi %rem3A_136, %mul3A_193 : i32
        %add3A_937 = arith.constant 13 : i32
        %add3A_938 = arith.addi %add3A_936, %add3A_937 : i32
        %get3A_939 = arith.index_cast %add3A_938 : i32 to index
        %get3A_940 = arith.constant 16 : index
        %get3A_941 = tpu.vector_load %arg7[%get3A_939, %get3A_940] {strides = array<i32>} : memref<400x64xf32, #tpu.memory_space<vmem>>, vector<1x16xf32>,
        %get3A_942 = vector.shape_cast %get3A_941 : vector<1x16xf32> to vector<16xf32>
        %swap3A_943 = arith.index_cast %add3A_935 : i32 to index
        %swap3A_944 = arith.constant 16 : index
        %swap3A_945 = tpu.vector_load %arg10[%swap3A_943, %swap3A_944] {strides = array<i32>} : memref<128x64xf32, #tpu.memory_space<vmem>>, vector<1x16xf32>,
        %swap3A_946 = vector.shape_cast %swap3A_945 : vector<1x16xf32> to vector<16xf32>
        %swap3A_947 = vector.shape_cast %get3A_942 : vector<16xf32> to vector<1x16xf32>
        tpu.vector_store %arg10[%swap3A_943, %swap3A_944], %swap3A_947 {add = true, strides = array<i32>} : memref<128x64xf32, #tpu.memory_space<vmem>>, vector<1x16xf32>,
        %add3A_948 = arith.constant 13 : i32
        %add3A_949 = arith.addi %mul3A_193, %add3A_948 : i32
        %add3A_950 = arith.addi %rem3A_136, %mul3A_193 : i32
        %add3A_951 = arith.constant 13 : i32
        %add3A_952 = arith.addi %add3A_950, %add3A_951 : i32
        %get3A_953 = arith.index_cast %add3A_952 : i32 to index
        %get3A_954 = arith.constant 32 : index
        %get3A_955 = tpu.vector_load %arg7[%get3A_953, %get3A_954] {strides = array<i32>} : memref<400x64xf32, #tpu.memory_space<vmem>>, vector<1x16xf32>,
        %get3A_956 = vector.shape_cast %get3A_955 : vector<1x16xf32> to vector<16xf32>
        %swap3A_957 = arith.index_cast %add3A_949 : i32 to index
        %swap3A_958 = arith.constant 32 : index
        %swap3A_959 = tpu.vector_load %arg10[%swap3A_957, %swap3A_958] {strides = array<i32>} : memref<128x64xf32, #tpu.memory_space<vmem>>, vector<1x16xf32>,
        %swap3A_960 = vector.shape_cast %swap3A_959 : vector<1x16xf32> to vector<16xf32>
        %swap3A_961 = vector.shape_cast %get3A_956 : vector<16xf32> to vector<1x16xf32>
        tpu.vector_store %arg10[%swap3A_957, %swap3A_958], %swap3A_961 {add = true, strides = array<i32>} : memref<128x64xf32, #tpu.memory_space<vmem>>, vector<1x16xf32>,
        %add3A_962 = arith.constant 13 : i32
        %add3A_963 = arith.addi %mul3A_193, %add3A_962 : i32
        %add3A_964 = arith.addi %rem3A_136, %mul3A_193 : i32
        %add3A_965 = arith.constant 13 : i32
        %add3A_966 = arith.addi %add3A_964, %add3A_965 : i32
        %get3A_967 = arith.index_cast %add3A_966 : i32 to index
        %get3A_968 = arith.constant 48 : index
        %get3A_969 = tpu.vector_load %arg7[%get3A_967, %get3A_968] {strides = array<i32>} : memref<400x64xf32, #tpu.memory_space<vmem>>, vector<1x16xf32>,
        %get3A_970 = vector.shape_cast %get3A_969 : vector<1x16xf32> to vector<16xf32>
        %swap3A_971 = arith.index_cast %add3A_963 : i32 to index
        %swap3A_972 = arith.constant 48 : index
        %swap3A_973 = tpu.vector_load %arg10[%swap3A_971, %swap3A_972] {strides = array<i32>} : memref<128x64xf32, #tpu.memory_space<vmem>>, vector<1x16xf32>,
        %swap3A_974 = vector.shape_cast %swap3A_973 : vector<1x16xf32> to vector<16xf32>
        %swap3A_975 = vector.shape_cast %get3A_970 : vector<16xf32> to vector<1x16xf32>
        tpu.vector_store %arg10[%swap3A_971, %swap3A_972], %swap3A_975 {add = true, strides = array<i32>} : memref<128x64xf32, #tpu.memory_space<vmem>>, vector<1x16xf32>,
        %add3A_976 = arith.constant 14 : i32
        %add3A_977 = arith.addi %mul3A_193, %add3A_976 : i32
        %add3A_978 = arith.addi %rem3A_136, %mul3A_193 : i32
        %add3A_979 = arith.constant 14 : i32
        %add3A_980 = arith.addi %add3A_978, %add3A_979 : i32
        %get3A_981 = arith.index_cast %add3A_980 : i32 to index
        %get3A_982 = arith.constant 0 : index
        %get3A_983 = tpu.vector_load %arg7[%get3A_981, %get3A_982] {strides = array<i32>} : memref<400x64xf32, #tpu.memory_space<vmem>>, vector<1x16xf32>,
        %get3A_984 = vector.shape_cast %get3A_983 : vector<1x16xf32> to vector<16xf32>
        %swap3A_985 = arith.index_cast %add3A_977 : i32 to index
        %swap3A_986 = arith.constant 0 : index
        %swap3A_987 = tpu.vector_load %arg10[%swap3A_985, %swap3A_986] {strides = array<i32>} : memref<128x64xf32, #tpu.memory_space<vmem>>, vector<1x16xf32>,
        %swap3A_988 = vector.shape_cast %swap3A_987 : vector<1x16xf32> to vector<16xf32>
        %swap3A_989 = vector.shape_cast %get3A_984 : vector<16xf32> to vector<1x16xf32>
        tpu.vector_store %arg10[%swap3A_985, %swap3A_986], %swap3A_989 {add = true, strides = array<i32>} : memref<128x64xf32, #tpu.memory_space<vmem>>, vector<1x16xf32>,
        %add3A_990 = arith.constant 14 : i32
        %add3A_991 = arith.addi %mul3A_193, %add3A_990 : i32
        %add3A_992 = arith.addi %rem3A_136, %mul3A_193 : i32
        %add3A_993 = arith.constant 14 : i32
        %add3A_994 = arith.addi %add3A_992, %add3A_993 : i32
        %get3A_995 = arith.index_cast %add3A_994 : i32 to index
        %get3A_996 = arith.constant 16 : index
        %get3A_997 = tpu.vector_load %arg7[%get3A_995, %get3A_996] {strides = array<i32>} : memref<400x64xf32, #tpu.memory_space<vmem>>, vector<1x16xf32>,
        %get3A_998 = vector.shape_cast %get3A_997 : vector<1x16xf32> to vector<16xf32>
        %swap3A_999 = arith.index_cast %add3A_991 : i32 to index
        %swap3A_1000 = arith.constant 16 : index
        %swap3A_1001 = tpu.vector_load %arg10[%swap3A_999, %swap3A_1000] {strides = array<i32>} : memref<128x64xf32, #tpu.memory_space<vmem>>, vector<1x16xf32>,
        %swap3A_1002 = vector.shape_cast %swap3A_1001 : vector<1x16xf32> to vector<16xf32>
        %swap3A_1003 = vector.shape_cast %get3A_998 : vector<16xf32> to vector<1x16xf32>
        tpu.vector_store %arg10[%swap3A_999, %swap3A_1000], %swap3A_1003 {add = true, strides = array<i32>} : memref<128x64xf32, #tpu.memory_space<vmem>>, vector<1x16xf32>,
        %add3A_1004 = arith.constant 14 : i32
        %add3A_1005 = arith.addi %mul3A_193, %add3A_1004 : i32
        %add3A_1006 = arith.addi %rem3A_136, %mul3A_193 : i32
        %add3A_1007 = arith.constant 14 : i32
        %add3A_1008 = arith.addi %add3A_1006, %add3A_1007 : i32
        %get3A_1009 = arith.index_cast %add3A_1008 : i32 to index
        %get3A_1010 = arith.constant 32 : index
        %get3A_1011 = tpu.vector_load %arg7[%get3A_1009, %get3A_1010] {strides = array<i32>} : memref<400x64xf32, #tpu.memory_space<vmem>>, vector<1x16xf32>,
        %get3A_1012 = vector.shape_cast %get3A_1011 : vector<1x16xf32> to vector<16xf32>
        %swap3A_1013 = arith.index_cast %add3A_1005 : i32 to index
        %swap3A_1014 = arith.constant 32 : index
        %swap3A_1015 = tpu.vector_load %arg10[%swap3A_1013, %swap3A_1014] {strides = array<i32>} : memref<128x64xf32, #tpu.memory_space<vmem>>, vector<1x16xf32>,
        %swap3A_1016 = vector.shape_cast %swap3A_1015 : vector<1x16xf32> to vector<16xf32>
        %swap3A_1017 = vector.shape_cast %get3A_1012 : vector<16xf32> to vector<1x16xf32>
        tpu.vector_store %arg10[%swap3A_1013, %swap3A_1014], %swap3A_1017 {add = true, strides = array<i32>} : memref<128x64xf32, #tpu.memory_space<vmem>>, vector<1x16xf32>,
        %add3A_1018 = arith.constant 14 : i32
        %add3A_1019 = arith.addi %mul3A_193, %add3A_1018 : i32
        %add3A_1020 = arith.addi %rem3A_136, %mul3A_193 : i32
        %add3A_1021 = arith.constant 14 : i32
        %add3A_1022 = arith.addi %add3A_1020, %add3A_1021 : i32
        %get3A_1023 = arith.index_cast %add3A_1022 : i32 to index
        %get3A_1024 = arith.constant 48 : index
        %get3A_1025 = tpu.vector_load %arg7[%get3A_1023, %get3A_1024] {strides = array<i32>} : memref<400x64xf32, #tpu.memory_space<vmem>>, vector<1x16xf32>,
        %get3A_1026 = vector.shape_cast %get3A_1025 : vector<1x16xf32> to vector<16xf32>
        %swap3A_1027 = arith.index_cast %add3A_1019 : i32 to index
        %swap3A_1028 = arith.constant 48 : index
        %swap3A_1029 = tpu.vector_load %arg10[%swap3A_1027, %swap3A_1028] {strides = array<i32>} : memref<128x64xf32, #tpu.memory_space<vmem>>, vector<1x16xf32>,
        %swap3A_1030 = vector.shape_cast %swap3A_1029 : vector<1x16xf32> to vector<16xf32>
        %swap3A_1031 = vector.shape_cast %get3A_1026 : vector<16xf32> to vector<1x16xf32>
        tpu.vector_store %arg10[%swap3A_1027, %swap3A_1028], %swap3A_1031 {add = true, strides = array<i32>} : memref<128x64xf32, #tpu.memory_space<vmem>>, vector<1x16xf32>,
        %add3A_1032 = arith.constant 15 : i32
        %add3A_1033 = arith.addi %mul3A_193, %add3A_1032 : i32
        %add3A_1034 = arith.addi %rem3A_136, %mul3A_193 : i32
        %add3A_1035 = arith.constant 15 : i32
        %add3A_1036 = arith.addi %add3A_1034, %add3A_1035 : i32
        %get3A_1037 = arith.index_cast %add3A_1036 : i32 to index
        %get3A_1038 = arith.constant 0 : index
        %get3A_1039 = tpu.vector_load %arg7[%get3A_1037, %get3A_1038] {strides = array<i32>} : memref<400x64xf32, #tpu.memory_space<vmem>>, vector<1x16xf32>,
        %get3A_1040 = vector.shape_cast %get3A_1039 : vector<1x16xf32> to vector<16xf32>
        %swap3A_1041 = arith.index_cast %add3A_1033 : i32 to index
        %swap3A_1042 = arith.constant 0 : index
        %swap3A_1043 = tpu.vector_load %arg10[%swap3A_1041, %swap3A_1042] {strides = array<i32>} : memref<128x64xf32, #tpu.memory_space<vmem>>, vector<1x16xf32>,
        %swap3A_1044 = vector.shape_cast %swap3A_1043 : vector<1x16xf32> to vector<16xf32>
        %swap3A_1045 = vector.shape_cast %get3A_1040 : vector<16xf32> to vector<1x16xf32>
        tpu.vector_store %arg10[%swap3A_1041, %swap3A_1042], %swap3A_1045 {add = true, strides = array<i32>} : memref<128x64xf32, #tpu.memory_space<vmem>>, vector<1x16xf32>,
        %add3A_1046 = arith.constant 15 : i32
        %add3A_1047 = arith.addi %mul3A_193, %add3A_1046 : i32
        %add3A_1048 = arith.addi %rem3A_136, %mul3A_193 : i32
        %add3A_1049 = arith.constant 15 : i32
        %add3A_1050 = arith.addi %add3A_1048, %add3A_1049 : i32
        %get3A_1051 = arith.index_cast %add3A_1050 : i32 to index
        %get3A_1052 = arith.constant 16 : index
        %get3A_1053 = tpu.vector_load %arg7[%get3A_1051, %get3A_1052] {strides = array<i32>} : memref<400x64xf32, #tpu.memory_space<vmem>>, vector<1x16xf32>,
        %get3A_1054 = vector.shape_cast %get3A_1053 : vector<1x16xf32> to vector<16xf32>
        %swap3A_1055 = arith.index_cast %add3A_1047 : i32 to index
        %swap3A_1056 = arith.constant 16 : index
        %swap3A_1057 = tpu.vector_load %arg10[%swap3A_1055, %swap3A_1056] {strides = array<i32>} : memref<128x64xf32, #tpu.memory_space<vmem>>, vector<1x16xf32>,
        %swap3A_1058 = vector.shape_cast %swap3A_1057 : vector<1x16xf32> to vector<16xf32>
        %swap3A_1059 = vector.shape_cast %get3A_1054 : vector<16xf32> to vector<1x16xf32>
        tpu.vector_store %arg10[%swap3A_1055, %swap3A_1056], %swap3A_1059 {add = true, strides = array<i32>} : memref<128x64xf32, #tpu.memory_space<vmem>>, vector<1x16xf32>,
        %add3A_1060 = arith.constant 15 : i32
        %add3A_1061 = arith.addi %mul3A_193, %add3A_1060 : i32
        %add3A_1062 = arith.addi %rem3A_136, %mul3A_193 : i32
        %add3A_1063 = arith.constant 15 : i32
        %add3A_1064 = arith.addi %add3A_1062, %add3A_1063 : i32
        %get3A_1065 = arith.index_cast %add3A_1064 : i32 to index
        %get3A_1066 = arith.constant 32 : index
        %get3A_1067 = tpu.vector_load %arg7[%get3A_1065, %get3A_1066] {strides = array<i32>} : memref<400x64xf32, #tpu.memory_space<vmem>>, vector<1x16xf32>,
        %get3A_1068 = vector.shape_cast %get3A_1067 : vector<1x16xf32> to vector<16xf32>
        %swap3A_1069 = arith.index_cast %add3A_1061 : i32 to index
        %swap3A_1070 = arith.constant 32 : index
        %swap3A_1071 = tpu.vector_load %arg10[%swap3A_1069, %swap3A_1070] {strides = array<i32>} : memref<128x64xf32, #tpu.memory_space<vmem>>, vector<1x16xf32>,
        %swap3A_1072 = vector.shape_cast %swap3A_1071 : vector<1x16xf32> to vector<16xf32>
        %swap3A_1073 = vector.shape_cast %get3A_1068 : vector<16xf32> to vector<1x16xf32>
        tpu.vector_store %arg10[%swap3A_1069, %swap3A_1070], %swap3A_1073 {add = true, strides = array<i32>} : memref<128x64xf32, #tpu.memory_space<vmem>>, vector<1x16xf32>,
        %add3A_1074 = arith.constant 15 : i32
        %add3A_1075 = arith.addi %mul3A_193, %add3A_1074 : i32
        %add3A_1076 = arith.addi %rem3A_136, %mul3A_193 : i32
        %add3A_1077 = arith.constant 15 : i32
        %add3A_1078 = arith.addi %add3A_1076, %add3A_1077 : i32
        %get3A_1079 = arith.index_cast %add3A_1078 : i32 to index
        %get3A_1080 = arith.constant 48 : index
        %get3A_1081 = tpu.vector_load %arg7[%get3A_1079, %get3A_1080] {strides = array<i32>} : memref<400x64xf32, #tpu.memory_space<vmem>>, vector<1x16xf32>,
        %get3A_1082 = vector.shape_cast %get3A_1081 : vector<1x16xf32> to vector<16xf32>
        %swap3A_1083 = arith.index_cast %add3A_1075 : i32 to index
        %swap3A_1084 = arith.constant 48 : index
        %swap3A_1085 = tpu.vector_load %arg10[%swap3A_1083, %swap3A_1084] {strides = array<i32>} : memref<128x64xf32, #tpu.memory_space<vmem>>, vector<1x16xf32>,
        %swap3A_1086 = vector.shape_cast %swap3A_1085 : vector<1x16xf32> to vector<16xf32>
        %swap3A_1087 = vector.shape_cast %get3A_1082 : vector<16xf32> to vector<1x16xf32>
        tpu.vector_store %arg10[%swap3A_1083, %swap3A_1084], %swap3A_1087 {add = true, strides = array<i32>} : memref<128x64xf32, #tpu.memory_space<vmem>>, vector<1x16xf32>,
      }
      %scan3A_142 = arith.constant 8 : i32
      %mul3A_143 = arith.constant 128 : i32
      %mul3A_144 = arith.muli %add3A_112, %mul3A_143 : i32
      %add3A_145 = arith.addi %mul3A_2, %mul3A_144 : i32
      %dma_start3A_146 = arith.constant 0 : i32
      %dma_start3A_147 = tpu.memref_slice %arg5[%add3A_145, %dma_start3A_146] : memref<819200x64xf32, #tpu.memory_space<hbm>> -> memref<128x64xf32, #tpu.memory_space<hbm>>
      %dma_start3A_148 = arith.constant 0 : i32
      %dma_start3A_149 = tpu.memref_slice %arg5[%add3A_145, %dma_start3A_148] : memref<819200x64xf32, #tpu.memory_space<hbm>> -> memref<128x64xf32, #tpu.memory_space<hbm>>
      tpu.enqueue_dma source(%arg10 : memref<128x64xf32, #tpu.memory_space<vmem>>) target(%dma_start3A_149 : memref<128x64xf32, #tpu.memory_space<hbm>>) target_semaphore(%arg18 : memref<!tpu.dma_semaphore, #tpu.memory_space<semaphore_mem>>)
      %mul3A_150 = arith.constant 4 : i32
      %mul3A_151 = arith.muli %mul3A_150, %scan3A_32 : i32
      %add3A_152 = arith.constant 3 : i32
      %add3A_153 = arith.addi %mul3A_151, %add3A_152 : i32
      %ge3A_154 = arith.constant 2 : i32
      %ge3A_155 = arith.cmpi sge, %add3A_153, %ge3A_154 : i32
      %convert_element_type3A_156 = arith.extui %ge3A_155 : i1 to i32
      %cond3A_157 = arith.constant 0 : i32
      %cond3A_158 = arith.cmpi ne, %convert_element_type3A_156, %cond3A_157 : i32
      scf.if %cond3A_158 {
        %sub3A_191 = arith.constant 2 : i32
        %sub3A_192 = arith.subi %add3A_153, %sub3A_191 : i32
        %mul3A_193 = arith.constant 128 : i32
        %mul3A_194 = arith.muli %sub3A_192, %mul3A_193 : i32
        %add3A_195 = arith.addi %mul3A_2, %mul3A_194 : i32
        %dma_wait3A_196 = arith.constant 0 : i32
        %dma_wait3A_197 = tpu.memref_slice %arg5[%add3A_195, %dma_wait3A_196] : memref<819200x64xf32, #tpu.memory_space<hbm>> -> memref<128x64xf32, #tpu.memory_space<hbm>>
        %dma_wait3A_198 = arith.constant 0 : i32
        %dma_wait3A_199 = tpu.memref_slice %arg5[%add3A_195, %dma_wait3A_198] : memref<819200x64xf32, #tpu.memory_space<hbm>> -> memref<128x64xf32, #tpu.memory_space<hbm>>
        tpu.wait_dma2 semaphore(%arg17 : memref<!tpu.dma_semaphore, #tpu.memory_space<semaphore_mem>>) src(%arg9 : memref<128x64xf32, #tpu.memory_space<vmem>>) dst(%dma_wait3A_199 : memref<128x64xf32, #tpu.memory_space<hbm>>)
      } else {
      }
      %add3A_159 = arith.constant 4 : i32
      %add3A_160 = arith.addi %add3A_153, %add3A_159 : i32
      %sub3A_161 = arith.constant 2 : i32
      %sub3A_162 = arith.subi %add3A_160, %sub3A_161 : i32
      %lt3A_163 = arith.constant 200 : i32
      %lt3A_164 = arith.cmpi slt, %sub3A_162, %lt3A_163 : i32
      %convert_element_type3A_165 = arith.extui %lt3A_164 : i1 to i32
      %cond3A_166 = arith.constant 0 : i32
      %cond3A_167 = arith.cmpi ne, %convert_element_type3A_165, %cond3A_166 : i32
      scf.if %cond3A_167 {
        %add3A_191 = arith.constant 4 : i32
        %add3A_192 = arith.addi %add3A_153, %add3A_191 : i32
        %sub3A_193 = arith.constant 2 : i32
        %sub3A_194 = arith.subi %add3A_192, %sub3A_193 : i32
        %dma_start3A_195 = arith.constant 0 : i32
        %dma_start3A_196 = tpu.memref_slice %arg6[%sub3A_194, %dma_start3A_195] : memref<200x128xi32, #tpu.memory_space<vmem>> -> memref<1x128xi32, #tpu.memory_space<vmem>>
        %dma_start3A_197 = tpu.memref_squeeze %dma_start3A_196 : memref<1x128xi32, #tpu.memory_space<vmem>> -> memref<128xi32, #tpu.memory_space<vmem>>
        %dma_start3A_198 = arith.constant 0 : i32
        %dma_start3A_199 = arith.constant 0 : i32
        %dma_start3A_200 = tpu.memref_slice %arg3[%dma_start3A_198, %dma_start3A_199] : memref<1000000x64xf32, #tpu.memory_space<hbm>> -> memref<1000000x64xf32, #tpu.memory_space<hbm>>
        tpu.enqueue_indirect_dma source(%dma_start3A_200 : memref<1000000x64xf32, #tpu.memory_space<hbm>>) target(%arg9 : memref<128x64xf32, #tpu.memory_space<vmem>>) offsets(%dma_start3A_197 : memref<128xi32, #tpu.memory_space<vmem>>) semaphore(%arg13 : memref<!tpu.dma_semaphore, #tpu.memory_space<semaphore_mem>>)
      } else {
      }
      %dma_wait3A_168 = arith.constant 0 : i32
      %dma_wait3A_169 = tpu.memref_slice %arg6[%add3A_153, %dma_wait3A_168] : memref<200x128xi32, #tpu.memory_space<vmem>> -> memref<1x128xi32, #tpu.memory_space<vmem>>
      %dma_wait3A_170 = tpu.memref_squeeze %dma_wait3A_169 : memref<1x128xi32, #tpu.memory_space<vmem>> -> memref<128xi32, #tpu.memory_space<vmem>>
      %dma_wait3A_171 = arith.constant 0 : i32
      %dma_wait3A_172 = arith.constant 0 : i32
      %dma_wait3A_173 = tpu.memref_slice %arg3[%dma_wait3A_171, %dma_wait3A_172] : memref<1000000x64xf32, #tpu.memory_space<hbm>> -> memref<1000000x64xf32, #tpu.memory_space<hbm>>
      tpu.wait_indirect_dma semaphore(%arg15 : memref<!tpu.dma_semaphore, #tpu.memory_space<semaphore_mem>>) src(%dma_wait3A_173 : memref<1000000x64xf32, #tpu.memory_space<hbm>>) dst(%arg11 : memref<128x64xf32, #tpu.memory_space<vmem>>)
      %mul3A_174 = arith.constant 128 : i32
      %mul3A_175 = arith.muli %add3A_153, %mul3A_174 : i32
      %rem3A_176 = arith.constant 200 : i32
      %rem3A_177 = arith.remsi %mul3A_175, %rem3A_176 : i32
      %scan3A_178 = arith.constant 0 : i32
      %scan3A_179 = arith.constant 0 : i32
      %scan3A_180 = arith.constant 8 : i32
      %scan3A_181 = arith.addi %scan3A_179, %scan3A_180 : i32
      %scan3A_182 = arith.constant 1 : i32
      scf.for %scan3A_191 = %scan3A_179 to %scan3A_181 step %scan3A_182  : i32 {
        %mul3A_192 = arith.constant 16 : i32
        %mul3A_193 = arith.muli %scan3A_191, %mul3A_192 : i32
        %add3A_194 = arith.constant 0 : i32
        %add3A_195 = arith.addi %mul3A_193, %add3A_194 : i32
        %add3A_196 = arith.addi %rem3A_177, %mul3A_193 : i32
        %add3A_197 = arith.constant 0 : i32
        %add3A_198 = arith.addi %add3A_196, %add3A_197 : i32
        %get3A = arith.index_cast %add3A_198 : i32 to index
        %get3A_199 = arith.constant 0 : index
        %get3A_200 = tpu.vector_load %arg7[%get3A, %get3A_199] {strides = array<i32>} : memref<400x64xf32, #tpu.memory_space<vmem>>, vector<1x16xf32>,
        %get3A_201 = vector.shape_cast %get3A_200 : vector<1x16xf32> to vector<16xf32>
        %swap3A = arith.index_cast %add3A_195 : i32 to index
        %swap3A_202 = arith.constant 0 : index
        %swap3A_203 = tpu.vector_load %arg11[%swap3A, %swap3A_202] {strides = array<i32>} : memref<128x64xf32, #tpu.memory_space<vmem>>, vector<1x16xf32>,
        %swap3A_204 = vector.shape_cast %swap3A_203 : vector<1x16xf32> to vector<16xf32>
        %swap3A_205 = vector.shape_cast %get3A_201 : vector<16xf32> to vector<1x16xf32>
        tpu.vector_store %arg11[%swap3A, %swap3A_202], %swap3A_205 {add = true, strides = array<i32>} : memref<128x64xf32, #tpu.memory_space<vmem>>, vector<1x16xf32>,
        %add3A_206 = arith.constant 0 : i32
        %add3A_207 = arith.addi %mul3A_193, %add3A_206 : i32
        %add3A_208 = arith.addi %rem3A_177, %mul3A_193 : i32
        %add3A_209 = arith.constant 0 : i32
        %add3A_210 = arith.addi %add3A_208, %add3A_209 : i32
        %get3A_211 = arith.index_cast %add3A_210 : i32 to index
        %get3A_212 = arith.constant 16 : index
        %get3A_213 = tpu.vector_load %arg7[%get3A_211, %get3A_212] {strides = array<i32>} : memref<400x64xf32, #tpu.memory_space<vmem>>, vector<1x16xf32>,
        %get3A_214 = vector.shape_cast %get3A_213 : vector<1x16xf32> to vector<16xf32>
        %swap3A_215 = arith.index_cast %add3A_207 : i32 to index
        %swap3A_216 = arith.constant 16 : index
        %swap3A_217 = tpu.vector_load %arg11[%swap3A_215, %swap3A_216] {strides = array<i32>} : memref<128x64xf32, #tpu.memory_space<vmem>>, vector<1x16xf32>,
        %swap3A_218 = vector.shape_cast %swap3A_217 : vector<1x16xf32> to vector<16xf32>
        %swap3A_219 = vector.shape_cast %get3A_214 : vector<16xf32> to vector<1x16xf32>
        tpu.vector_store %arg11[%swap3A_215, %swap3A_216], %swap3A_219 {add = true, strides = array<i32>} : memref<128x64xf32, #tpu.memory_space<vmem>>, vector<1x16xf32>,
        %add3A_220 = arith.constant 0 : i32
        %add3A_221 = arith.addi %mul3A_193, %add3A_220 : i32
        %add3A_222 = arith.addi %rem3A_177, %mul3A_193 : i32
        %add3A_223 = arith.constant 0 : i32
        %add3A_224 = arith.addi %add3A_222, %add3A_223 : i32
        %get3A_225 = arith.index_cast %add3A_224 : i32 to index
        %get3A_226 = arith.constant 32 : index
        %get3A_227 = tpu.vector_load %arg7[%get3A_225, %get3A_226] {strides = array<i32>} : memref<400x64xf32, #tpu.memory_space<vmem>>, vector<1x16xf32>,
        %get3A_228 = vector.shape_cast %get3A_227 : vector<1x16xf32> to vector<16xf32>
        %swap3A_229 = arith.index_cast %add3A_221 : i32 to index
        %swap3A_230 = arith.constant 32 : index
        %swap3A_231 = tpu.vector_load %arg11[%swap3A_229, %swap3A_230] {strides = array<i32>} : memref<128x64xf32, #tpu.memory_space<vmem>>, vector<1x16xf32>,
        %swap3A_232 = vector.shape_cast %swap3A_231 : vector<1x16xf32> to vector<16xf32>
        %swap3A_233 = vector.shape_cast %get3A_228 : vector<16xf32> to vector<1x16xf32>
        tpu.vector_store %arg11[%swap3A_229, %swap3A_230], %swap3A_233 {add = true, strides = array<i32>} : memref<128x64xf32, #tpu.memory_space<vmem>>, vector<1x16xf32>,
        %add3A_234 = arith.constant 0 : i32
        %add3A_235 = arith.addi %mul3A_193, %add3A_234 : i32
        %add3A_236 = arith.addi %rem3A_177, %mul3A_193 : i32
        %add3A_237 = arith.constant 0 : i32
        %add3A_238 = arith.addi %add3A_236, %add3A_237 : i32
        %get3A_239 = arith.index_cast %add3A_238 : i32 to index
        %get3A_240 = arith.constant 48 : index
        %get3A_241 = tpu.vector_load %arg7[%get3A_239, %get3A_240] {strides = array<i32>} : memref<400x64xf32, #tpu.memory_space<vmem>>, vector<1x16xf32>,
        %get3A_242 = vector.shape_cast %get3A_241 : vector<1x16xf32> to vector<16xf32>
        %swap3A_243 = arith.index_cast %add3A_235 : i32 to index
        %swap3A_244 = arith.constant 48 : index
        %swap3A_245 = tpu.vector_load %arg11[%swap3A_243, %swap3A_244] {strides = array<i32>} : memref<128x64xf32, #tpu.memory_space<vmem>>, vector<1x16xf32>,
        %swap3A_246 = vector.shape_cast %swap3A_245 : vector<1x16xf32> to vector<16xf32>
        %swap3A_247 = vector.shape_cast %get3A_242 : vector<16xf32> to vector<1x16xf32>
        tpu.vector_store %arg11[%swap3A_243, %swap3A_244], %swap3A_247 {add = true, strides = array<i32>} : memref<128x64xf32, #tpu.memory_space<vmem>>, vector<1x16xf32>,
        %add3A_248 = arith.constant 1 : i32
        %add3A_249 = arith.addi %mul3A_193, %add3A_248 : i32
        %add3A_250 = arith.addi %rem3A_177, %mul3A_193 : i32
        %add3A_251 = arith.constant 1 : i32
        %add3A_252 = arith.addi %add3A_250, %add3A_251 : i32
        %get3A_253 = arith.index_cast %add3A_252 : i32 to index
        %get3A_254 = arith.constant 0 : index
        %get3A_255 = tpu.vector_load %arg7[%get3A_253, %get3A_254] {strides = array<i32>} : memref<400x64xf32, #tpu.memory_space<vmem>>, vector<1x16xf32>,
        %get3A_256 = vector.shape_cast %get3A_255 : vector<1x16xf32> to vector<16xf32>
        %swap3A_257 = arith.index_cast %add3A_249 : i32 to index
        %swap3A_258 = arith.constant 0 : index
        %swap3A_259 = tpu.vector_load %arg11[%swap3A_257, %swap3A_258] {strides = array<i32>} : memref<128x64xf32, #tpu.memory_space<vmem>>, vector<1x16xf32>,
        %swap3A_260 = vector.shape_cast %swap3A_259 : vector<1x16xf32> to vector<16xf32>
        %swap3A_261 = vector.shape_cast %get3A_256 : vector<16xf32> to vector<1x16xf32>
        tpu.vector_store %arg11[%swap3A_257, %swap3A_258], %swap3A_261 {add = true, strides = array<i32>} : memref<128x64xf32, #tpu.memory_space<vmem>>, vector<1x16xf32>,
        %add3A_262 = arith.constant 1 : i32
        %add3A_263 = arith.addi %mul3A_193, %add3A_262 : i32
        %add3A_264 = arith.addi %rem3A_177, %mul3A_193 : i32
        %add3A_265 = arith.constant 1 : i32
        %add3A_266 = arith.addi %add3A_264, %add3A_265 : i32
        %get3A_267 = arith.index_cast %add3A_266 : i32 to index
        %get3A_268 = arith.constant 16 : index
        %get3A_269 = tpu.vector_load %arg7[%get3A_267, %get3A_268] {strides = array<i32>} : memref<400x64xf32, #tpu.memory_space<vmem>>, vector<1x16xf32>,
        %get3A_270 = vector.shape_cast %get3A_269 : vector<1x16xf32> to vector<16xf32>
        %swap3A_271 = arith.index_cast %add3A_263 : i32 to index
        %swap3A_272 = arith.constant 16 : index
        %swap3A_273 = tpu.vector_load %arg11[%swap3A_271, %swap3A_272] {strides = array<i32>} : memref<128x64xf32, #tpu.memory_space<vmem>>, vector<1x16xf32>,
        %swap3A_274 = vector.shape_cast %swap3A_273 : vector<1x16xf32> to vector<16xf32>
        %swap3A_275 = vector.shape_cast %get3A_270 : vector<16xf32> to vector<1x16xf32>
        tpu.vector_store %arg11[%swap3A_271, %swap3A_272], %swap3A_275 {add = true, strides = array<i32>} : memref<128x64xf32, #tpu.memory_space<vmem>>, vector<1x16xf32>,
        %add3A_276 = arith.constant 1 : i32
        %add3A_277 = arith.addi %mul3A_193, %add3A_276 : i32
        %add3A_278 = arith.addi %rem3A_177, %mul3A_193 : i32
        %add3A_279 = arith.constant 1 : i32
        %add3A_280 = arith.addi %add3A_278, %add3A_279 : i32
        %get3A_281 = arith.index_cast %add3A_280 : i32 to index
        %get3A_282 = arith.constant 32 : index
        %get3A_283 = tpu.vector_load %arg7[%get3A_281, %get3A_282] {strides = array<i32>} : memref<400x64xf32, #tpu.memory_space<vmem>>, vector<1x16xf32>,
        %get3A_284 = vector.shape_cast %get3A_283 : vector<1x16xf32> to vector<16xf32>
        %swap3A_285 = arith.index_cast %add3A_277 : i32 to index
        %swap3A_286 = arith.constant 32 : index
        %swap3A_287 = tpu.vector_load %arg11[%swap3A_285, %swap3A_286] {strides = array<i32>} : memref<128x64xf32, #tpu.memory_space<vmem>>, vector<1x16xf32>,
        %swap3A_288 = vector.shape_cast %swap3A_287 : vector<1x16xf32> to vector<16xf32>
        %swap3A_289 = vector.shape_cast %get3A_284 : vector<16xf32> to vector<1x16xf32>
        tpu.vector_store %arg11[%swap3A_285, %swap3A_286], %swap3A_289 {add = true, strides = array<i32>} : memref<128x64xf32, #tpu.memory_space<vmem>>, vector<1x16xf32>,
        %add3A_290 = arith.constant 1 : i32
        %add3A_291 = arith.addi %mul3A_193, %add3A_290 : i32
        %add3A_292 = arith.addi %rem3A_177, %mul3A_193 : i32
        %add3A_293 = arith.constant 1 : i32
        %add3A_294 = arith.addi %add3A_292, %add3A_293 : i32
        %get3A_295 = arith.index_cast %add3A_294 : i32 to index
        %get3A_296 = arith.constant 48 : index
        %get3A_297 = tpu.vector_load %arg7[%get3A_295, %get3A_296] {strides = array<i32>} : memref<400x64xf32, #tpu.memory_space<vmem>>, vector<1x16xf32>,
        %get3A_298 = vector.shape_cast %get3A_297 : vector<1x16xf32> to vector<16xf32>
        %swap3A_299 = arith.index_cast %add3A_291 : i32 to index
        %swap3A_300 = arith.constant 48 : index
        %swap3A_301 = tpu.vector_load %arg11[%swap3A_299, %swap3A_300] {strides = array<i32>} : memref<128x64xf32, #tpu.memory_space<vmem>>, vector<1x16xf32>,
        %swap3A_302 = vector.shape_cast %swap3A_301 : vector<1x16xf32> to vector<16xf32>
        %swap3A_303 = vector.shape_cast %get3A_298 : vector<16xf32> to vector<1x16xf32>
        tpu.vector_store %arg11[%swap3A_299, %swap3A_300], %swap3A_303 {add = true, strides = array<i32>} : memref<128x64xf32, #tpu.memory_space<vmem>>, vector<1x16xf32>,
        %add3A_304 = arith.constant 2 : i32
        %add3A_305 = arith.addi %mul3A_193, %add3A_304 : i32
        %add3A_306 = arith.addi %rem3A_177, %mul3A_193 : i32
        %add3A_307 = arith.constant 2 : i32
        %add3A_308 = arith.addi %add3A_306, %add3A_307 : i32
        %get3A_309 = arith.index_cast %add3A_308 : i32 to index
        %get3A_310 = arith.constant 0 : index
        %get3A_311 = tpu.vector_load %arg7[%get3A_309, %get3A_310] {strides = array<i32>} : memref<400x64xf32, #tpu.memory_space<vmem>>, vector<1x16xf32>,
        %get3A_312 = vector.shape_cast %get3A_311 : vector<1x16xf32> to vector<16xf32>
        %swap3A_313 = arith.index_cast %add3A_305 : i32 to index
        %swap3A_314 = arith.constant 0 : index
        %swap3A_315 = tpu.vector_load %arg11[%swap3A_313, %swap3A_314] {strides = array<i32>} : memref<128x64xf32, #tpu.memory_space<vmem>>, vector<1x16xf32>,
        %swap3A_316 = vector.shape_cast %swap3A_315 : vector<1x16xf32> to vector<16xf32>
        %swap3A_317 = vector.shape_cast %get3A_312 : vector<16xf32> to vector<1x16xf32>
        tpu.vector_store %arg11[%swap3A_313, %swap3A_314], %swap3A_317 {add = true, strides = array<i32>} : memref<128x64xf32, #tpu.memory_space<vmem>>, vector<1x16xf32>,
        %add3A_318 = arith.constant 2 : i32
        %add3A_319 = arith.addi %mul3A_193, %add3A_318 : i32
        %add3A_320 = arith.addi %rem3A_177, %mul3A_193 : i32
        %add3A_321 = arith.constant 2 : i32
        %add3A_322 = arith.addi %add3A_320, %add3A_321 : i32
        %get3A_323 = arith.index_cast %add3A_322 : i32 to index
        %get3A_324 = arith.constant 16 : index
        %get3A_325 = tpu.vector_load %arg7[%get3A_323, %get3A_324] {strides = array<i32>} : memref<400x64xf32, #tpu.memory_space<vmem>>, vector<1x16xf32>,
        %get3A_326 = vector.shape_cast %get3A_325 : vector<1x16xf32> to vector<16xf32>
        %swap3A_327 = arith.index_cast %add3A_319 : i32 to index
        %swap3A_328 = arith.constant 16 : index
        %swap3A_329 = tpu.vector_load %arg11[%swap3A_327, %swap3A_328] {strides = array<i32>} : memref<128x64xf32, #tpu.memory_space<vmem>>, vector<1x16xf32>,
        %swap3A_330 = vector.shape_cast %swap3A_329 : vector<1x16xf32> to vector<16xf32>
        %swap3A_331 = vector.shape_cast %get3A_326 : vector<16xf32> to vector<1x16xf32>
        tpu.vector_store %arg11[%swap3A_327, %swap3A_328], %swap3A_331 {add = true, strides = array<i32>} : memref<128x64xf32, #tpu.memory_space<vmem>>, vector<1x16xf32>,
        %add3A_332 = arith.constant 2 : i32
        %add3A_333 = arith.addi %mul3A_193, %add3A_332 : i32
        %add3A_334 = arith.addi %rem3A_177, %mul3A_193 : i32
        %add3A_335 = arith.constant 2 : i32
        %add3A_336 = arith.addi %add3A_334, %add3A_335 : i32
        %get3A_337 = arith.index_cast %add3A_336 : i32 to index
        %get3A_338 = arith.constant 32 : index
        %get3A_339 = tpu.vector_load %arg7[%get3A_337, %get3A_338] {strides = array<i32>} : memref<400x64xf32, #tpu.memory_space<vmem>>, vector<1x16xf32>,
        %get3A_340 = vector.shape_cast %get3A_339 : vector<1x16xf32> to vector<16xf32>
        %swap3A_341 = arith.index_cast %add3A_333 : i32 to index
        %swap3A_342 = arith.constant 32 : index
        %swap3A_343 = tpu.vector_load %arg11[%swap3A_341, %swap3A_342] {strides = array<i32>} : memref<128x64xf32, #tpu.memory_space<vmem>>, vector<1x16xf32>,
        %swap3A_344 = vector.shape_cast %swap3A_343 : vector<1x16xf32> to vector<16xf32>
        %swap3A_345 = vector.shape_cast %get3A_340 : vector<16xf32> to vector<1x16xf32>
        tpu.vector_store %arg11[%swap3A_341, %swap3A_342], %swap3A_345 {add = true, strides = array<i32>} : memref<128x64xf32, #tpu.memory_space<vmem>>, vector<1x16xf32>,
        %add3A_346 = arith.constant 2 : i32
        %add3A_347 = arith.addi %mul3A_193, %add3A_346 : i32
        %add3A_348 = arith.addi %rem3A_177, %mul3A_193 : i32
        %add3A_349 = arith.constant 2 : i32
        %add3A_350 = arith.addi %add3A_348, %add3A_349 : i32
        %get3A_351 = arith.index_cast %add3A_350 : i32 to index
        %get3A_352 = arith.constant 48 : index
        %get3A_353 = tpu.vector_load %arg7[%get3A_351, %get3A_352] {strides = array<i32>} : memref<400x64xf32, #tpu.memory_space<vmem>>, vector<1x16xf32>,
        %get3A_354 = vector.shape_cast %get3A_353 : vector<1x16xf32> to vector<16xf32>
        %swap3A_355 = arith.index_cast %add3A_347 : i32 to index
        %swap3A_356 = arith.constant 48 : index
        %swap3A_357 = tpu.vector_load %arg11[%swap3A_355, %swap3A_356] {strides = array<i32>} : memref<128x64xf32, #tpu.memory_space<vmem>>, vector<1x16xf32>,
        %swap3A_358 = vector.shape_cast %swap3A_357 : vector<1x16xf32> to vector<16xf32>
        %swap3A_359 = vector.shape_cast %get3A_354 : vector<16xf32> to vector<1x16xf32>
        tpu.vector_store %arg11[%swap3A_355, %swap3A_356], %swap3A_359 {add = true, strides = array<i32>} : memref<128x64xf32, #tpu.memory_space<vmem>>, vector<1x16xf32>,
        %add3A_360 = arith.constant 3 : i32
        %add3A_361 = arith.addi %mul3A_193, %add3A_360 : i32
        %add3A_362 = arith.addi %rem3A_177, %mul3A_193 : i32
        %add3A_363 = arith.constant 3 : i32
        %add3A_364 = arith.addi %add3A_362, %add3A_363 : i32
        %get3A_365 = arith.index_cast %add3A_364 : i32 to index
        %get3A_366 = arith.constant 0 : index
        %get3A_367 = tpu.vector_load %arg7[%get3A_365, %get3A_366] {strides = array<i32>} : memref<400x64xf32, #tpu.memory_space<vmem>>, vector<1x16xf32>,
        %get3A_368 = vector.shape_cast %get3A_367 : vector<1x16xf32> to vector<16xf32>
        %swap3A_369 = arith.index_cast %add3A_361 : i32 to index
        %swap3A_370 = arith.constant 0 : index
        %swap3A_371 = tpu.vector_load %arg11[%swap3A_369, %swap3A_370] {strides = array<i32>} : memref<128x64xf32, #tpu.memory_space<vmem>>, vector<1x16xf32>,
        %swap3A_372 = vector.shape_cast %swap3A_371 : vector<1x16xf32> to vector<16xf32>
        %swap3A_373 = vector.shape_cast %get3A_368 : vector<16xf32> to vector<1x16xf32>
        tpu.vector_store %arg11[%swap3A_369, %swap3A_370], %swap3A_373 {add = true, strides = array<i32>} : memref<128x64xf32, #tpu.memory_space<vmem>>, vector<1x16xf32>,
        %add3A_374 = arith.constant 3 : i32
        %add3A_375 = arith.addi %mul3A_193, %add3A_374 : i32
        %add3A_376 = arith.addi %rem3A_177, %mul3A_193 : i32
        %add3A_377 = arith.constant 3 : i32
        %add3A_378 = arith.addi %add3A_376, %add3A_377 : i32
        %get3A_379 = arith.index_cast %add3A_378 : i32 to index
        %get3A_380 = arith.constant 16 : index
        %get3A_381 = tpu.vector_load %arg7[%get3A_379, %get3A_380] {strides = array<i32>} : memref<400x64xf32, #tpu.memory_space<vmem>>, vector<1x16xf32>,
        %get3A_382 = vector.shape_cast %get3A_381 : vector<1x16xf32> to vector<16xf32>
        %swap3A_383 = arith.index_cast %add3A_375 : i32 to index
        %swap3A_384 = arith.constant 16 : index
        %swap3A_385 = tpu.vector_load %arg11[%swap3A_383, %swap3A_384] {strides = array<i32>} : memref<128x64xf32, #tpu.memory_space<vmem>>, vector<1x16xf32>,
        %swap3A_386 = vector.shape_cast %swap3A_385 : vector<1x16xf32> to vector<16xf32>
        %swap3A_387 = vector.shape_cast %get3A_382 : vector<16xf32> to vector<1x16xf32>
        tpu.vector_store %arg11[%swap3A_383, %swap3A_384], %swap3A_387 {add = true, strides = array<i32>} : memref<128x64xf32, #tpu.memory_space<vmem>>, vector<1x16xf32>,
        %add3A_388 = arith.constant 3 : i32
        %add3A_389 = arith.addi %mul3A_193, %add3A_388 : i32
        %add3A_390 = arith.addi %rem3A_177, %mul3A_193 : i32
        %add3A_391 = arith.constant 3 : i32
        %add3A_392 = arith.addi %add3A_390, %add3A_391 : i32
        %get3A_393 = arith.index_cast %add3A_392 : i32 to index
        %get3A_394 = arith.constant 32 : index
        %get3A_395 = tpu.vector_load %arg7[%get3A_393, %get3A_394] {strides = array<i32>} : memref<400x64xf32, #tpu.memory_space<vmem>>, vector<1x16xf32>,
        %get3A_396 = vector.shape_cast %get3A_395 : vector<1x16xf32> to vector<16xf32>
        %swap3A_397 = arith.index_cast %add3A_389 : i32 to index
        %swap3A_398 = arith.constant 32 : index
        %swap3A_399 = tpu.vector_load %arg11[%swap3A_397, %swap3A_398] {strides = array<i32>} : memref<128x64xf32, #tpu.memory_space<vmem>>, vector<1x16xf32>,
        %swap3A_400 = vector.shape_cast %swap3A_399 : vector<1x16xf32> to vector<16xf32>
        %swap3A_401 = vector.shape_cast %get3A_396 : vector<16xf32> to vector<1x16xf32>
        tpu.vector_store %arg11[%swap3A_397, %swap3A_398], %swap3A_401 {add = true, strides = array<i32>} : memref<128x64xf32, #tpu.memory_space<vmem>>, vector<1x16xf32>,
        %add3A_402 = arith.constant 3 : i32
        %add3A_403 = arith.addi %mul3A_193, %add3A_402 : i32
        %add3A_404 = arith.addi %rem3A_177, %mul3A_193 : i32
        %add3A_405 = arith.constant 3 : i32
        %add3A_406 = arith.addi %add3A_404, %add3A_405 : i32
        %get3A_407 = arith.index_cast %add3A_406 : i32 to index
        %get3A_408 = arith.constant 48 : index
        %get3A_409 = tpu.vector_load %arg7[%get3A_407, %get3A_408] {strides = array<i32>} : memref<400x64xf32, #tpu.memory_space<vmem>>, vector<1x16xf32>,
        %get3A_410 = vector.shape_cast %get3A_409 : vector<1x16xf32> to vector<16xf32>
        %swap3A_411 = arith.index_cast %add3A_403 : i32 to index
        %swap3A_412 = arith.constant 48 : index
        %swap3A_413 = tpu.vector_load %arg11[%swap3A_411, %swap3A_412] {strides = array<i32>} : memref<128x64xf32, #tpu.memory_space<vmem>>, vector<1x16xf32>,
        %swap3A_414 = vector.shape_cast %swap3A_413 : vector<1x16xf32> to vector<16xf32>
        %swap3A_415 = vector.shape_cast %get3A_410 : vector<16xf32> to vector<1x16xf32>
        tpu.vector_store %arg11[%swap3A_411, %swap3A_412], %swap3A_415 {add = true, strides = array<i32>} : memref<128x64xf32, #tpu.memory_space<vmem>>, vector<1x16xf32>,
        %add3A_416 = arith.constant 4 : i32
        %add3A_417 = arith.addi %mul3A_193, %add3A_416 : i32
        %add3A_418 = arith.addi %rem3A_177, %mul3A_193 : i32
        %add3A_419 = arith.constant 4 : i32
        %add3A_420 = arith.addi %add3A_418, %add3A_419 : i32
        %get3A_421 = arith.index_cast %add3A_420 : i32 to index
        %get3A_422 = arith.constant 0 : index
        %get3A_423 = tpu.vector_load %arg7[%get3A_421, %get3A_422] {strides = array<i32>} : memref<400x64xf32, #tpu.memory_space<vmem>>, vector<1x16xf32>,
        %get3A_424 = vector.shape_cast %get3A_423 : vector<1x16xf32> to vector<16xf32>
        %swap3A_425 = arith.index_cast %add3A_417 : i32 to index
        %swap3A_426 = arith.constant 0 : index
        %swap3A_427 = tpu.vector_load %arg11[%swap3A_425, %swap3A_426] {strides = array<i32>} : memref<128x64xf32, #tpu.memory_space<vmem>>, vector<1x16xf32>,
        %swap3A_428 = vector.shape_cast %swap3A_427 : vector<1x16xf32> to vector<16xf32>
        %swap3A_429 = vector.shape_cast %get3A_424 : vector<16xf32> to vector<1x16xf32>
        tpu.vector_store %arg11[%swap3A_425, %swap3A_426], %swap3A_429 {add = true, strides = array<i32>} : memref<128x64xf32, #tpu.memory_space<vmem>>, vector<1x16xf32>,
        %add3A_430 = arith.constant 4 : i32
        %add3A_431 = arith.addi %mul3A_193, %add3A_430 : i32
        %add3A_432 = arith.addi %rem3A_177, %mul3A_193 : i32
        %add3A_433 = arith.constant 4 : i32
        %add3A_434 = arith.addi %add3A_432, %add3A_433 : i32
        %get3A_435 = arith.index_cast %add3A_434 : i32 to index
        %get3A_436 = arith.constant 16 : index
        %get3A_437 = tpu.vector_load %arg7[%get3A_435, %get3A_436] {strides = array<i32>} : memref<400x64xf32, #tpu.memory_space<vmem>>, vector<1x16xf32>,
        %get3A_438 = vector.shape_cast %get3A_437 : vector<1x16xf32> to vector<16xf32>
        %swap3A_439 = arith.index_cast %add3A_431 : i32 to index
        %swap3A_440 = arith.constant 16 : index
        %swap3A_441 = tpu.vector_load %arg11[%swap3A_439, %swap3A_440] {strides = array<i32>} : memref<128x64xf32, #tpu.memory_space<vmem>>, vector<1x16xf32>,
        %swap3A_442 = vector.shape_cast %swap3A_441 : vector<1x16xf32> to vector<16xf32>
        %swap3A_443 = vector.shape_cast %get3A_438 : vector<16xf32> to vector<1x16xf32>
        tpu.vector_store %arg11[%swap3A_439, %swap3A_440], %swap3A_443 {add = true, strides = array<i32>} : memref<128x64xf32, #tpu.memory_space<vmem>>, vector<1x16xf32>,
        %add3A_444 = arith.constant 4 : i32
        %add3A_445 = arith.addi %mul3A_193, %add3A_444 : i32
        %add3A_446 = arith.addi %rem3A_177, %mul3A_193 : i32
        %add3A_447 = arith.constant 4 : i32
        %add3A_448 = arith.addi %add3A_446, %add3A_447 : i32
        %get3A_449 = arith.index_cast %add3A_448 : i32 to index
        %get3A_450 = arith.constant 32 : index
        %get3A_451 = tpu.vector_load %arg7[%get3A_449, %get3A_450] {strides = array<i32>} : memref<400x64xf32, #tpu.memory_space<vmem>>, vector<1x16xf32>,
        %get3A_452 = vector.shape_cast %get3A_451 : vector<1x16xf32> to vector<16xf32>
        %swap3A_453 = arith.index_cast %add3A_445 : i32 to index
        %swap3A_454 = arith.constant 32 : index
        %swap3A_455 = tpu.vector_load %arg11[%swap3A_453, %swap3A_454] {strides = array<i32>} : memref<128x64xf32, #tpu.memory_space<vmem>>, vector<1x16xf32>,
        %swap3A_456 = vector.shape_cast %swap3A_455 : vector<1x16xf32> to vector<16xf32>
        %swap3A_457 = vector.shape_cast %get3A_452 : vector<16xf32> to vector<1x16xf32>
        tpu.vector_store %arg11[%swap3A_453, %swap3A_454], %swap3A_457 {add = true, strides = array<i32>} : memref<128x64xf32, #tpu.memory_space<vmem>>, vector<1x16xf32>,
        %add3A_458 = arith.constant 4 : i32
        %add3A_459 = arith.addi %mul3A_193, %add3A_458 : i32
        %add3A_460 = arith.addi %rem3A_177, %mul3A_193 : i32
        %add3A_461 = arith.constant 4 : i32
        %add3A_462 = arith.addi %add3A_460, %add3A_461 : i32
        %get3A_463 = arith.index_cast %add3A_462 : i32 to index
        %get3A_464 = arith.constant 48 : index
        %get3A_465 = tpu.vector_load %arg7[%get3A_463, %get3A_464] {strides = array<i32>} : memref<400x64xf32, #tpu.memory_space<vmem>>, vector<1x16xf32>,
        %get3A_466 = vector.shape_cast %get3A_465 : vector<1x16xf32> to vector<16xf32>
        %swap3A_467 = arith.index_cast %add3A_459 : i32 to index
        %swap3A_468 = arith.constant 48 : index
        %swap3A_469 = tpu.vector_load %arg11[%swap3A_467, %swap3A_468] {strides = array<i32>} : memref<128x64xf32, #tpu.memory_space<vmem>>, vector<1x16xf32>,
        %swap3A_470 = vector.shape_cast %swap3A_469 : vector<1x16xf32> to vector<16xf32>
        %swap3A_471 = vector.shape_cast %get3A_466 : vector<16xf32> to vector<1x16xf32>
        tpu.vector_store %arg11[%swap3A_467, %swap3A_468], %swap3A_471 {add = true, strides = array<i32>} : memref<128x64xf32, #tpu.memory_space<vmem>>, vector<1x16xf32>,
        %add3A_472 = arith.constant 5 : i32
        %add3A_473 = arith.addi %mul3A_193, %add3A_472 : i32
        %add3A_474 = arith.addi %rem3A_177, %mul3A_193 : i32
        %add3A_475 = arith.constant 5 : i32
        %add3A_476 = arith.addi %add3A_474, %add3A_475 : i32
        %get3A_477 = arith.index_cast %add3A_476 : i32 to index
        %get3A_478 = arith.constant 0 : index
        %get3A_479 = tpu.vector_load %arg7[%get3A_477, %get3A_478] {strides = array<i32>} : memref<400x64xf32, #tpu.memory_space<vmem>>, vector<1x16xf32>,
        %get3A_480 = vector.shape_cast %get3A_479 : vector<1x16xf32> to vector<16xf32>
        %swap3A_481 = arith.index_cast %add3A_473 : i32 to index
        %swap3A_482 = arith.constant 0 : index
        %swap3A_483 = tpu.vector_load %arg11[%swap3A_481, %swap3A_482] {strides = array<i32>} : memref<128x64xf32, #tpu.memory_space<vmem>>, vector<1x16xf32>,
        %swap3A_484 = vector.shape_cast %swap3A_483 : vector<1x16xf32> to vector<16xf32>
        %swap3A_485 = vector.shape_cast %get3A_480 : vector<16xf32> to vector<1x16xf32>
        tpu.vector_store %arg11[%swap3A_481, %swap3A_482], %swap3A_485 {add = true, strides = array<i32>} : memref<128x64xf32, #tpu.memory_space<vmem>>, vector<1x16xf32>,
        %add3A_486 = arith.constant 5 : i32
        %add3A_487 = arith.addi %mul3A_193, %add3A_486 : i32
        %add3A_488 = arith.addi %rem3A_177, %mul3A_193 : i32
        %add3A_489 = arith.constant 5 : i32
        %add3A_490 = arith.addi %add3A_488, %add3A_489 : i32
        %get3A_491 = arith.index_cast %add3A_490 : i32 to index
        %get3A_492 = arith.constant 16 : index
        %get3A_493 = tpu.vector_load %arg7[%get3A_491, %get3A_492] {strides = array<i32>} : memref<400x64xf32, #tpu.memory_space<vmem>>, vector<1x16xf32>,
        %get3A_494 = vector.shape_cast %get3A_493 : vector<1x16xf32> to vector<16xf32>
        %swap3A_495 = arith.index_cast %add3A_487 : i32 to index
        %swap3A_496 = arith.constant 16 : index
        %swap3A_497 = tpu.vector_load %arg11[%swap3A_495, %swap3A_496] {strides = array<i32>} : memref<128x64xf32, #tpu.memory_space<vmem>>, vector<1x16xf32>,
        %swap3A_498 = vector.shape_cast %swap3A_497 : vector<1x16xf32> to vector<16xf32>
        %swap3A_499 = vector.shape_cast %get3A_494 : vector<16xf32> to vector<1x16xf32>
        tpu.vector_store %arg11[%swap3A_495, %swap3A_496], %swap3A_499 {add = true, strides = array<i32>} : memref<128x64xf32, #tpu.memory_space<vmem>>, vector<1x16xf32>,
        %add3A_500 = arith.constant 5 : i32
        %add3A_501 = arith.addi %mul3A_193, %add3A_500 : i32
        %add3A_502 = arith.addi %rem3A_177, %mul3A_193 : i32
        %add3A_503 = arith.constant 5 : i32
        %add3A_504 = arith.addi %add3A_502, %add3A_503 : i32
        %get3A_505 = arith.index_cast %add3A_504 : i32 to index
        %get3A_506 = arith.constant 32 : index
        %get3A_507 = tpu.vector_load %arg7[%get3A_505, %get3A_506] {strides = array<i32>} : memref<400x64xf32, #tpu.memory_space<vmem>>, vector<1x16xf32>,
        %get3A_508 = vector.shape_cast %get3A_507 : vector<1x16xf32> to vector<16xf32>
        %swap3A_509 = arith.index_cast %add3A_501 : i32 to index
        %swap3A_510 = arith.constant 32 : index
        %swap3A_511 = tpu.vector_load %arg11[%swap3A_509, %swap3A_510] {strides = array<i32>} : memref<128x64xf32, #tpu.memory_space<vmem>>, vector<1x16xf32>,
        %swap3A_512 = vector.shape_cast %swap3A_511 : vector<1x16xf32> to vector<16xf32>
        %swap3A_513 = vector.shape_cast %get3A_508 : vector<16xf32> to vector<1x16xf32>
        tpu.vector_store %arg11[%swap3A_509, %swap3A_510], %swap3A_513 {add = true, strides = array<i32>} : memref<128x64xf32, #tpu.memory_space<vmem>>, vector<1x16xf32>,
        %add3A_514 = arith.constant 5 : i32
        %add3A_515 = arith.addi %mul3A_193, %add3A_514 : i32
        %add3A_516 = arith.addi %rem3A_177, %mul3A_193 : i32
        %add3A_517 = arith.constant 5 : i32
        %add3A_518 = arith.addi %add3A_516, %add3A_517 : i32
        %get3A_519 = arith.index_cast %add3A_518 : i32 to index
        %get3A_520 = arith.constant 48 : index
        %get3A_521 = tpu.vector_load %arg7[%get3A_519, %get3A_520] {strides = array<i32>} : memref<400x64xf32, #tpu.memory_space<vmem>>, vector<1x16xf32>,
        %get3A_522 = vector.shape_cast %get3A_521 : vector<1x16xf32> to vector<16xf32>
        %swap3A_523 = arith.index_cast %add3A_515 : i32 to index
        %swap3A_524 = arith.constant 48 : index
        %swap3A_525 = tpu.vector_load %arg11[%swap3A_523, %swap3A_524] {strides = array<i32>} : memref<128x64xf32, #tpu.memory_space<vmem>>, vector<1x16xf32>,
        %swap3A_526 = vector.shape_cast %swap3A_525 : vector<1x16xf32> to vector<16xf32>
        %swap3A_527 = vector.shape_cast %get3A_522 : vector<16xf32> to vector<1x16xf32>
        tpu.vector_store %arg11[%swap3A_523, %swap3A_524], %swap3A_527 {add = true, strides = array<i32>} : memref<128x64xf32, #tpu.memory_space<vmem>>, vector<1x16xf32>,
        %add3A_528 = arith.constant 6 : i32
        %add3A_529 = arith.addi %mul3A_193, %add3A_528 : i32
        %add3A_530 = arith.addi %rem3A_177, %mul3A_193 : i32
        %add3A_531 = arith.constant 6 : i32
        %add3A_532 = arith.addi %add3A_530, %add3A_531 : i32
        %get3A_533 = arith.index_cast %add3A_532 : i32 to index
        %get3A_534 = arith.constant 0 : index
        %get3A_535 = tpu.vector_load %arg7[%get3A_533, %get3A_534] {strides = array<i32>} : memref<400x64xf32, #tpu.memory_space<vmem>>, vector<1x16xf32>,
        %get3A_536 = vector.shape_cast %get3A_535 : vector<1x16xf32> to vector<16xf32>
        %swap3A_537 = arith.index_cast %add3A_529 : i32 to index
        %swap3A_538 = arith.constant 0 : index
        %swap3A_539 = tpu.vector_load %arg11[%swap3A_537, %swap3A_538] {strides = array<i32>} : memref<128x64xf32, #tpu.memory_space<vmem>>, vector<1x16xf32>,
        %swap3A_540 = vector.shape_cast %swap3A_539 : vector<1x16xf32> to vector<16xf32>
        %swap3A_541 = vector.shape_cast %get3A_536 : vector<16xf32> to vector<1x16xf32>
        tpu.vector_store %arg11[%swap3A_537, %swap3A_538], %swap3A_541 {add = true, strides = array<i32>} : memref<128x64xf32, #tpu.memory_space<vmem>>, vector<1x16xf32>,
        %add3A_542 = arith.constant 6 : i32
        %add3A_543 = arith.addi %mul3A_193, %add3A_542 : i32
        %add3A_544 = arith.addi %rem3A_177, %mul3A_193 : i32
        %add3A_545 = arith.constant 6 : i32
        %add3A_546 = arith.addi %add3A_544, %add3A_545 : i32
        %get3A_547 = arith.index_cast %add3A_546 : i32 to index
        %get3A_548 = arith.constant 16 : index
        %get3A_549 = tpu.vector_load %arg7[%get3A_547, %get3A_548] {strides = array<i32>} : memref<400x64xf32, #tpu.memory_space<vmem>>, vector<1x16xf32>,
        %get3A_550 = vector.shape_cast %get3A_549 : vector<1x16xf32> to vector<16xf32>
        %swap3A_551 = arith.index_cast %add3A_543 : i32 to index
        %swap3A_552 = arith.constant 16 : index
        %swap3A_553 = tpu.vector_load %arg11[%swap3A_551, %swap3A_552] {strides = array<i32>} : memref<128x64xf32, #tpu.memory_space<vmem>>, vector<1x16xf32>,
        %swap3A_554 = vector.shape_cast %swap3A_553 : vector<1x16xf32> to vector<16xf32>
        %swap3A_555 = vector.shape_cast %get3A_550 : vector<16xf32> to vector<1x16xf32>
        tpu.vector_store %arg11[%swap3A_551, %swap3A_552], %swap3A_555 {add = true, strides = array<i32>} : memref<128x64xf32, #tpu.memory_space<vmem>>, vector<1x16xf32>,
        %add3A_556 = arith.constant 6 : i32
        %add3A_557 = arith.addi %mul3A_193, %add3A_556 : i32
        %add3A_558 = arith.addi %rem3A_177, %mul3A_193 : i32
        %add3A_559 = arith.constant 6 : i32
        %add3A_560 = arith.addi %add3A_558, %add3A_559 : i32
        %get3A_561 = arith.index_cast %add3A_560 : i32 to index
        %get3A_562 = arith.constant 32 : index
        %get3A_563 = tpu.vector_load %arg7[%get3A_561, %get3A_562] {strides = array<i32>} : memref<400x64xf32, #tpu.memory_space<vmem>>, vector<1x16xf32>,
        %get3A_564 = vector.shape_cast %get3A_563 : vector<1x16xf32> to vector<16xf32>
        %swap3A_565 = arith.index_cast %add3A_557 : i32 to index
        %swap3A_566 = arith.constant 32 : index
        %swap3A_567 = tpu.vector_load %arg11[%swap3A_565, %swap3A_566] {strides = array<i32>} : memref<128x64xf32, #tpu.memory_space<vmem>>, vector<1x16xf32>,
        %swap3A_568 = vector.shape_cast %swap3A_567 : vector<1x16xf32> to vector<16xf32>
        %swap3A_569 = vector.shape_cast %get3A_564 : vector<16xf32> to vector<1x16xf32>
        tpu.vector_store %arg11[%swap3A_565, %swap3A_566], %swap3A_569 {add = true, strides = array<i32>} : memref<128x64xf32, #tpu.memory_space<vmem>>, vector<1x16xf32>,
        %add3A_570 = arith.constant 6 : i32
        %add3A_571 = arith.addi %mul3A_193, %add3A_570 : i32
        %add3A_572 = arith.addi %rem3A_177, %mul3A_193 : i32
        %add3A_573 = arith.constant 6 : i32
        %add3A_574 = arith.addi %add3A_572, %add3A_573 : i32
        %get3A_575 = arith.index_cast %add3A_574 : i32 to index
        %get3A_576 = arith.constant 48 : index
        %get3A_577 = tpu.vector_load %arg7[%get3A_575, %get3A_576] {strides = array<i32>} : memref<400x64xf32, #tpu.memory_space<vmem>>, vector<1x16xf32>,
        %get3A_578 = vector.shape_cast %get3A_577 : vector<1x16xf32> to vector<16xf32>
        %swap3A_579 = arith.index_cast %add3A_571 : i32 to index
        %swap3A_580 = arith.constant 48 : index
        %swap3A_581 = tpu.vector_load %arg11[%swap3A_579, %swap3A_580] {strides = array<i32>} : memref<128x64xf32, #tpu.memory_space<vmem>>, vector<1x16xf32>,
        %swap3A_582 = vector.shape_cast %swap3A_581 : vector<1x16xf32> to vector<16xf32>
        %swap3A_583 = vector.shape_cast %get3A_578 : vector<16xf32> to vector<1x16xf32>
        tpu.vector_store %arg11[%swap3A_579, %swap3A_580], %swap3A_583 {add = true, strides = array<i32>} : memref<128x64xf32, #tpu.memory_space<vmem>>, vector<1x16xf32>,
        %add3A_584 = arith.constant 7 : i32
        %add3A_585 = arith.addi %mul3A_193, %add3A_584 : i32
        %add3A_586 = arith.addi %rem3A_177, %mul3A_193 : i32
        %add3A_587 = arith.constant 7 : i32
        %add3A_588 = arith.addi %add3A_586, %add3A_587 : i32
        %get3A_589 = arith.index_cast %add3A_588 : i32 to index
        %get3A_590 = arith.constant 0 : index
        %get3A_591 = tpu.vector_load %arg7[%get3A_589, %get3A_590] {strides = array<i32>} : memref<400x64xf32, #tpu.memory_space<vmem>>, vector<1x16xf32>,
        %get3A_592 = vector.shape_cast %get3A_591 : vector<1x16xf32> to vector<16xf32>
        %swap3A_593 = arith.index_cast %add3A_585 : i32 to index
        %swap3A_594 = arith.constant 0 : index
        %swap3A_595 = tpu.vector_load %arg11[%swap3A_593, %swap3A_594] {strides = array<i32>} : memref<128x64xf32, #tpu.memory_space<vmem>>, vector<1x16xf32>,
        %swap3A_596 = vector.shape_cast %swap3A_595 : vector<1x16xf32> to vector<16xf32>
        %swap3A_597 = vector.shape_cast %get3A_592 : vector<16xf32> to vector<1x16xf32>
        tpu.vector_store %arg11[%swap3A_593, %swap3A_594], %swap3A_597 {add = true, strides = array<i32>} : memref<128x64xf32, #tpu.memory_space<vmem>>, vector<1x16xf32>,
        %add3A_598 = arith.constant 7 : i32
        %add3A_599 = arith.addi %mul3A_193, %add3A_598 : i32
        %add3A_600 = arith.addi %rem3A_177, %mul3A_193 : i32
        %add3A_601 = arith.constant 7 : i32
        %add3A_602 = arith.addi %add3A_600, %add3A_601 : i32
        %get3A_603 = arith.index_cast %add3A_602 : i32 to index
        %get3A_604 = arith.constant 16 : index
        %get3A_605 = tpu.vector_load %arg7[%get3A_603, %get3A_604] {strides = array<i32>} : memref<400x64xf32, #tpu.memory_space<vmem>>, vector<1x16xf32>,
        %get3A_606 = vector.shape_cast %get3A_605 : vector<1x16xf32> to vector<16xf32>
        %swap3A_607 = arith.index_cast %add3A_599 : i32 to index
        %swap3A_608 = arith.constant 16 : index
        %swap3A_609 = tpu.vector_load %arg11[%swap3A_607, %swap3A_608] {strides = array<i32>} : memref<128x64xf32, #tpu.memory_space<vmem>>, vector<1x16xf32>,
        %swap3A_610 = vector.shape_cast %swap3A_609 : vector<1x16xf32> to vector<16xf32>
        %swap3A_611 = vector.shape_cast %get3A_606 : vector<16xf32> to vector<1x16xf32>
        tpu.vector_store %arg11[%swap3A_607, %swap3A_608], %swap3A_611 {add = true, strides = array<i32>} : memref<128x64xf32, #tpu.memory_space<vmem>>, vector<1x16xf32>,
        %add3A_612 = arith.constant 7 : i32
        %add3A_613 = arith.addi %mul3A_193, %add3A_612 : i32
        %add3A_614 = arith.addi %rem3A_177, %mul3A_193 : i32
        %add3A_615 = arith.constant 7 : i32
        %add3A_616 = arith.addi %add3A_614, %add3A_615 : i32
        %get3A_617 = arith.index_cast %add3A_616 : i32 to index
        %get3A_618 = arith.constant 32 : index
        %get3A_619 = tpu.vector_load %arg7[%get3A_617, %get3A_618] {strides = array<i32>} : memref<400x64xf32, #tpu.memory_space<vmem>>, vector<1x16xf32>,
        %get3A_620 = vector.shape_cast %get3A_619 : vector<1x16xf32> to vector<16xf32>
        %swap3A_621 = arith.index_cast %add3A_613 : i32 to index
        %swap3A_622 = arith.constant 32 : index
        %swap3A_623 = tpu.vector_load %arg11[%swap3A_621, %swap3A_622] {strides = array<i32>} : memref<128x64xf32, #tpu.memory_space<vmem>>, vector<1x16xf32>,
        %swap3A_624 = vector.shape_cast %swap3A_623 : vector<1x16xf32> to vector<16xf32>
        %swap3A_625 = vector.shape_cast %get3A_620 : vector<16xf32> to vector<1x16xf32>
        tpu.vector_store %arg11[%swap3A_621, %swap3A_622], %swap3A_625 {add = true, strides = array<i32>} : memref<128x64xf32, #tpu.memory_space<vmem>>, vector<1x16xf32>,
        %add3A_626 = arith.constant 7 : i32
        %add3A_627 = arith.addi %mul3A_193, %add3A_626 : i32
        %add3A_628 = arith.addi %rem3A_177, %mul3A_193 : i32
        %add3A_629 = arith.constant 7 : i32
        %add3A_630 = arith.addi %add3A_628, %add3A_629 : i32
        %get3A_631 = arith.index_cast %add3A_630 : i32 to index
        %get3A_632 = arith.constant 48 : index
        %get3A_633 = tpu.vector_load %arg7[%get3A_631, %get3A_632] {strides = array<i32>} : memref<400x64xf32, #tpu.memory_space<vmem>>, vector<1x16xf32>,
        %get3A_634 = vector.shape_cast %get3A_633 : vector<1x16xf32> to vector<16xf32>
        %swap3A_635 = arith.index_cast %add3A_627 : i32 to index
        %swap3A_636 = arith.constant 48 : index
        %swap3A_637 = tpu.vector_load %arg11[%swap3A_635, %swap3A_636] {strides = array<i32>} : memref<128x64xf32, #tpu.memory_space<vmem>>, vector<1x16xf32>,
        %swap3A_638 = vector.shape_cast %swap3A_637 : vector<1x16xf32> to vector<16xf32>
        %swap3A_639 = vector.shape_cast %get3A_634 : vector<16xf32> to vector<1x16xf32>
        tpu.vector_store %arg11[%swap3A_635, %swap3A_636], %swap3A_639 {add = true, strides = array<i32>} : memref<128x64xf32, #tpu.memory_space<vmem>>, vector<1x16xf32>,
        %add3A_640 = arith.constant 8 : i32
        %add3A_641 = arith.addi %mul3A_193, %add3A_640 : i32
        %add3A_642 = arith.addi %rem3A_177, %mul3A_193 : i32
        %add3A_643 = arith.constant 8 : i32
        %add3A_644 = arith.addi %add3A_642, %add3A_643 : i32
        %get3A_645 = arith.index_cast %add3A_644 : i32 to index
        %get3A_646 = arith.constant 0 : index
        %get3A_647 = tpu.vector_load %arg7[%get3A_645, %get3A_646] {strides = array<i32>} : memref<400x64xf32, #tpu.memory_space<vmem>>, vector<1x16xf32>,
        %get3A_648 = vector.shape_cast %get3A_647 : vector<1x16xf32> to vector<16xf32>
        %swap3A_649 = arith.index_cast %add3A_641 : i32 to index
        %swap3A_650 = arith.constant 0 : index
        %swap3A_651 = tpu.vector_load %arg11[%swap3A_649, %swap3A_650] {strides = array<i32>} : memref<128x64xf32, #tpu.memory_space<vmem>>, vector<1x16xf32>,
        %swap3A_652 = vector.shape_cast %swap3A_651 : vector<1x16xf32> to vector<16xf32>
        %swap3A_653 = vector.shape_cast %get3A_648 : vector<16xf32> to vector<1x16xf32>
        tpu.vector_store %arg11[%swap3A_649, %swap3A_650], %swap3A_653 {add = true, strides = array<i32>} : memref<128x64xf32, #tpu.memory_space<vmem>>, vector<1x16xf32>,
        %add3A_654 = arith.constant 8 : i32
        %add3A_655 = arith.addi %mul3A_193, %add3A_654 : i32
        %add3A_656 = arith.addi %rem3A_177, %mul3A_193 : i32
        %add3A_657 = arith.constant 8 : i32
        %add3A_658 = arith.addi %add3A_656, %add3A_657 : i32
        %get3A_659 = arith.index_cast %add3A_658 : i32 to index
        %get3A_660 = arith.constant 16 : index
        %get3A_661 = tpu.vector_load %arg7[%get3A_659, %get3A_660] {strides = array<i32>} : memref<400x64xf32, #tpu.memory_space<vmem>>, vector<1x16xf32>,
        %get3A_662 = vector.shape_cast %get3A_661 : vector<1x16xf32> to vector<16xf32>
        %swap3A_663 = arith.index_cast %add3A_655 : i32 to index
        %swap3A_664 = arith.constant 16 : index
        %swap3A_665 = tpu.vector_load %arg11[%swap3A_663, %swap3A_664] {strides = array<i32>} : memref<128x64xf32, #tpu.memory_space<vmem>>, vector<1x16xf32>,
        %swap3A_666 = vector.shape_cast %swap3A_665 : vector<1x16xf32> to vector<16xf32>
        %swap3A_667 = vector.shape_cast %get3A_662 : vector<16xf32> to vector<1x16xf32>
        tpu.vector_store %arg11[%swap3A_663, %swap3A_664], %swap3A_667 {add = true, strides = array<i32>} : memref<128x64xf32, #tpu.memory_space<vmem>>, vector<1x16xf32>,
        %add3A_668 = arith.constant 8 : i32
        %add3A_669 = arith.addi %mul3A_193, %add3A_668 : i32
        %add3A_670 = arith.addi %rem3A_177, %mul3A_193 : i32
        %add3A_671 = arith.constant 8 : i32
        %add3A_672 = arith.addi %add3A_670, %add3A_671 : i32
        %get3A_673 = arith.index_cast %add3A_672 : i32 to index
        %get3A_674 = arith.constant 32 : index
        %get3A_675 = tpu.vector_load %arg7[%get3A_673, %get3A_674] {strides = array<i32>} : memref<400x64xf32, #tpu.memory_space<vmem>>, vector<1x16xf32>,
        %get3A_676 = vector.shape_cast %get3A_675 : vector<1x16xf32> to vector<16xf32>
        %swap3A_677 = arith.index_cast %add3A_669 : i32 to index
        %swap3A_678 = arith.constant 32 : index
        %swap3A_679 = tpu.vector_load %arg11[%swap3A_677, %swap3A_678] {strides = array<i32>} : memref<128x64xf32, #tpu.memory_space<vmem>>, vector<1x16xf32>,
        %swap3A_680 = vector.shape_cast %swap3A_679 : vector<1x16xf32> to vector<16xf32>
        %swap3A_681 = vector.shape_cast %get3A_676 : vector<16xf32> to vector<1x16xf32>
        tpu.vector_store %arg11[%swap3A_677, %swap3A_678], %swap3A_681 {add = true, strides = array<i32>} : memref<128x64xf32, #tpu.memory_space<vmem>>, vector<1x16xf32>,
        %add3A_682 = arith.constant 8 : i32
        %add3A_683 = arith.addi %mul3A_193, %add3A_682 : i32
        %add3A_684 = arith.addi %rem3A_177, %mul3A_193 : i32
        %add3A_685 = arith.constant 8 : i32
        %add3A_686 = arith.addi %add3A_684, %add3A_685 : i32
        %get3A_687 = arith.index_cast %add3A_686 : i32 to index
        %get3A_688 = arith.constant 48 : index
        %get3A_689 = tpu.vector_load %arg7[%get3A_687, %get3A_688] {strides = array<i32>} : memref<400x64xf32, #tpu.memory_space<vmem>>, vector<1x16xf32>,
        %get3A_690 = vector.shape_cast %get3A_689 : vector<1x16xf32> to vector<16xf32>
        %swap3A_691 = arith.index_cast %add3A_683 : i32 to index
        %swap3A_692 = arith.constant 48 : index
        %swap3A_693 = tpu.vector_load %arg11[%swap3A_691, %swap3A_692] {strides = array<i32>} : memref<128x64xf32, #tpu.memory_space<vmem>>, vector<1x16xf32>,
        %swap3A_694 = vector.shape_cast %swap3A_693 : vector<1x16xf32> to vector<16xf32>
        %swap3A_695 = vector.shape_cast %get3A_690 : vector<16xf32> to vector<1x16xf32>
        tpu.vector_store %arg11[%swap3A_691, %swap3A_692], %swap3A_695 {add = true, strides = array<i32>} : memref<128x64xf32, #tpu.memory_space<vmem>>, vector<1x16xf32>,
        %add3A_696 = arith.constant 9 : i32
        %add3A_697 = arith.addi %mul3A_193, %add3A_696 : i32
        %add3A_698 = arith.addi %rem3A_177, %mul3A_193 : i32
        %add3A_699 = arith.constant 9 : i32
        %add3A_700 = arith.addi %add3A_698, %add3A_699 : i32
        %get3A_701 = arith.index_cast %add3A_700 : i32 to index
        %get3A_702 = arith.constant 0 : index
        %get3A_703 = tpu.vector_load %arg7[%get3A_701, %get3A_702] {strides = array<i32>} : memref<400x64xf32, #tpu.memory_space<vmem>>, vector<1x16xf32>,
        %get3A_704 = vector.shape_cast %get3A_703 : vector<1x16xf32> to vector<16xf32>
        %swap3A_705 = arith.index_cast %add3A_697 : i32 to index
        %swap3A_706 = arith.constant 0 : index
        %swap3A_707 = tpu.vector_load %arg11[%swap3A_705, %swap3A_706] {strides = array<i32>} : memref<128x64xf32, #tpu.memory_space<vmem>>, vector<1x16xf32>,
        %swap3A_708 = vector.shape_cast %swap3A_707 : vector<1x16xf32> to vector<16xf32>
        %swap3A_709 = vector.shape_cast %get3A_704 : vector<16xf32> to vector<1x16xf32>
        tpu.vector_store %arg11[%swap3A_705, %swap3A_706], %swap3A_709 {add = true, strides = array<i32>} : memref<128x64xf32, #tpu.memory_space<vmem>>, vector<1x16xf32>,
        %add3A_710 = arith.constant 9 : i32
        %add3A_711 = arith.addi %mul3A_193, %add3A_710 : i32
        %add3A_712 = arith.addi %rem3A_177, %mul3A_193 : i32
        %add3A_713 = arith.constant 9 : i32
        %add3A_714 = arith.addi %add3A_712, %add3A_713 : i32
        %get3A_715 = arith.index_cast %add3A_714 : i32 to index
        %get3A_716 = arith.constant 16 : index
        %get3A_717 = tpu.vector_load %arg7[%get3A_715, %get3A_716] {strides = array<i32>} : memref<400x64xf32, #tpu.memory_space<vmem>>, vector<1x16xf32>,
        %get3A_718 = vector.shape_cast %get3A_717 : vector<1x16xf32> to vector<16xf32>
        %swap3A_719 = arith.index_cast %add3A_711 : i32 to index
        %swap3A_720 = arith.constant 16 : index
        %swap3A_721 = tpu.vector_load %arg11[%swap3A_719, %swap3A_720] {strides = array<i32>} : memref<128x64xf32, #tpu.memory_space<vmem>>, vector<1x16xf32>,
        %swap3A_722 = vector.shape_cast %swap3A_721 : vector<1x16xf32> to vector<16xf32>
        %swap3A_723 = vector.shape_cast %get3A_718 : vector<16xf32> to vector<1x16xf32>
        tpu.vector_store %arg11[%swap3A_719, %swap3A_720], %swap3A_723 {add = true, strides = array<i32>} : memref<128x64xf32, #tpu.memory_space<vmem>>, vector<1x16xf32>,
        %add3A_724 = arith.constant 9 : i32
        %add3A_725 = arith.addi %mul3A_193, %add3A_724 : i32
        %add3A_726 = arith.addi %rem3A_177, %mul3A_193 : i32
        %add3A_727 = arith.constant 9 : i32
        %add3A_728 = arith.addi %add3A_726, %add3A_727 : i32
        %get3A_729 = arith.index_cast %add3A_728 : i32 to index
        %get3A_730 = arith.constant 32 : index
        %get3A_731 = tpu.vector_load %arg7[%get3A_729, %get3A_730] {strides = array<i32>} : memref<400x64xf32, #tpu.memory_space<vmem>>, vector<1x16xf32>,
        %get3A_732 = vector.shape_cast %get3A_731 : vector<1x16xf32> to vector<16xf32>
        %swap3A_733 = arith.index_cast %add3A_725 : i32 to index
        %swap3A_734 = arith.constant 32 : index
        %swap3A_735 = tpu.vector_load %arg11[%swap3A_733, %swap3A_734] {strides = array<i32>} : memref<128x64xf32, #tpu.memory_space<vmem>>, vector<1x16xf32>,
        %swap3A_736 = vector.shape_cast %swap3A_735 : vector<1x16xf32> to vector<16xf32>
        %swap3A_737 = vector.shape_cast %get3A_732 : vector<16xf32> to vector<1x16xf32>
        tpu.vector_store %arg11[%swap3A_733, %swap3A_734], %swap3A_737 {add = true, strides = array<i32>} : memref<128x64xf32, #tpu.memory_space<vmem>>, vector<1x16xf32>,
        %add3A_738 = arith.constant 9 : i32
        %add3A_739 = arith.addi %mul3A_193, %add3A_738 : i32
        %add3A_740 = arith.addi %rem3A_177, %mul3A_193 : i32
        %add3A_741 = arith.constant 9 : i32
        %add3A_742 = arith.addi %add3A_740, %add3A_741 : i32
        %get3A_743 = arith.index_cast %add3A_742 : i32 to index
        %get3A_744 = arith.constant 48 : index
        %get3A_745 = tpu.vector_load %arg7[%get3A_743, %get3A_744] {strides = array<i32>} : memref<400x64xf32, #tpu.memory_space<vmem>>, vector<1x16xf32>,
        %get3A_746 = vector.shape_cast %get3A_745 : vector<1x16xf32> to vector<16xf32>
        %swap3A_747 = arith.index_cast %add3A_739 : i32 to index
        %swap3A_748 = arith.constant 48 : index
        %swap3A_749 = tpu.vector_load %arg11[%swap3A_747, %swap3A_748] {strides = array<i32>} : memref<128x64xf32, #tpu.memory_space<vmem>>, vector<1x16xf32>,
        %swap3A_750 = vector.shape_cast %swap3A_749 : vector<1x16xf32> to vector<16xf32>
        %swap3A_751 = vector.shape_cast %get3A_746 : vector<16xf32> to vector<1x16xf32>
        tpu.vector_store %arg11[%swap3A_747, %swap3A_748], %swap3A_751 {add = true, strides = array<i32>} : memref<128x64xf32, #tpu.memory_space<vmem>>, vector<1x16xf32>,
        %add3A_752 = arith.constant 10 : i32
        %add3A_753 = arith.addi %mul3A_193, %add3A_752 : i32
        %add3A_754 = arith.addi %rem3A_177, %mul3A_193 : i32
        %add3A_755 = arith.constant 10 : i32
        %add3A_756 = arith.addi %add3A_754, %add3A_755 : i32
        %get3A_757 = arith.index_cast %add3A_756 : i32 to index
        %get3A_758 = arith.constant 0 : index
        %get3A_759 = tpu.vector_load %arg7[%get3A_757, %get3A_758] {strides = array<i32>} : memref<400x64xf32, #tpu.memory_space<vmem>>, vector<1x16xf32>,
        %get3A_760 = vector.shape_cast %get3A_759 : vector<1x16xf32> to vector<16xf32>
        %swap3A_761 = arith.index_cast %add3A_753 : i32 to index
        %swap3A_762 = arith.constant 0 : index
        %swap3A_763 = tpu.vector_load %arg11[%swap3A_761, %swap3A_762] {strides = array<i32>} : memref<128x64xf32, #tpu.memory_space<vmem>>, vector<1x16xf32>,
        %swap3A_764 = vector.shape_cast %swap3A_763 : vector<1x16xf32> to vector<16xf32>
        %swap3A_765 = vector.shape_cast %get3A_760 : vector<16xf32> to vector<1x16xf32>
        tpu.vector_store %arg11[%swap3A_761, %swap3A_762], %swap3A_765 {add = true, strides = array<i32>} : memref<128x64xf32, #tpu.memory_space<vmem>>, vector<1x16xf32>,
        %add3A_766 = arith.constant 10 : i32
        %add3A_767 = arith.addi %mul3A_193, %add3A_766 : i32
        %add3A_768 = arith.addi %rem3A_177, %mul3A_193 : i32
        %add3A_769 = arith.constant 10 : i32
        %add3A_770 = arith.addi %add3A_768, %add3A_769 : i32
        %get3A_771 = arith.index_cast %add3A_770 : i32 to index
        %get3A_772 = arith.constant 16 : index
        %get3A_773 = tpu.vector_load %arg7[%get3A_771, %get3A_772] {strides = array<i32>} : memref<400x64xf32, #tpu.memory_space<vmem>>, vector<1x16xf32>,
        %get3A_774 = vector.shape_cast %get3A_773 : vector<1x16xf32> to vector<16xf32>
        %swap3A_775 = arith.index_cast %add3A_767 : i32 to index
        %swap3A_776 = arith.constant 16 : index
        %swap3A_777 = tpu.vector_load %arg11[%swap3A_775, %swap3A_776] {strides = array<i32>} : memref<128x64xf32, #tpu.memory_space<vmem>>, vector<1x16xf32>,
        %swap3A_778 = vector.shape_cast %swap3A_777 : vector<1x16xf32> to vector<16xf32>
        %swap3A_779 = vector.shape_cast %get3A_774 : vector<16xf32> to vector<1x16xf32>
        tpu.vector_store %arg11[%swap3A_775, %swap3A_776], %swap3A_779 {add = true, strides = array<i32>} : memref<128x64xf32, #tpu.memory_space<vmem>>, vector<1x16xf32>,
        %add3A_780 = arith.constant 10 : i32
        %add3A_781 = arith.addi %mul3A_193, %add3A_780 : i32
        %add3A_782 = arith.addi %rem3A_177, %mul3A_193 : i32
        %add3A_783 = arith.constant 10 : i32
        %add3A_784 = arith.addi %add3A_782, %add3A_783 : i32
        %get3A_785 = arith.index_cast %add3A_784 : i32 to index
        %get3A_786 = arith.constant 32 : index
        %get3A_787 = tpu.vector_load %arg7[%get3A_785, %get3A_786] {strides = array<i32>} : memref<400x64xf32, #tpu.memory_space<vmem>>, vector<1x16xf32>,
        %get3A_788 = vector.shape_cast %get3A_787 : vector<1x16xf32> to vector<16xf32>
        %swap3A_789 = arith.index_cast %add3A_781 : i32 to index
        %swap3A_790 = arith.constant 32 : index
        %swap3A_791 = tpu.vector_load %arg11[%swap3A_789, %swap3A_790] {strides = array<i32>} : memref<128x64xf32, #tpu.memory_space<vmem>>, vector<1x16xf32>,
        %swap3A_792 = vector.shape_cast %swap3A_791 : vector<1x16xf32> to vector<16xf32>
        %swap3A_793 = vector.shape_cast %get3A_788 : vector<16xf32> to vector<1x16xf32>
        tpu.vector_store %arg11[%swap3A_789, %swap3A_790], %swap3A_793 {add = true, strides = array<i32>} : memref<128x64xf32, #tpu.memory_space<vmem>>, vector<1x16xf32>,
        %add3A_794 = arith.constant 10 : i32
        %add3A_795 = arith.addi %mul3A_193, %add3A_794 : i32
        %add3A_796 = arith.addi %rem3A_177, %mul3A_193 : i32
        %add3A_797 = arith.constant 10 : i32
        %add3A_798 = arith.addi %add3A_796, %add3A_797 : i32
        %get3A_799 = arith.index_cast %add3A_798 : i32 to index
        %get3A_800 = arith.constant 48 : index
        %get3A_801 = tpu.vector_load %arg7[%get3A_799, %get3A_800] {strides = array<i32>} : memref<400x64xf32, #tpu.memory_space<vmem>>, vector<1x16xf32>,
        %get3A_802 = vector.shape_cast %get3A_801 : vector<1x16xf32> to vector<16xf32>
        %swap3A_803 = arith.index_cast %add3A_795 : i32 to index
        %swap3A_804 = arith.constant 48 : index
        %swap3A_805 = tpu.vector_load %arg11[%swap3A_803, %swap3A_804] {strides = array<i32>} : memref<128x64xf32, #tpu.memory_space<vmem>>, vector<1x16xf32>,
        %swap3A_806 = vector.shape_cast %swap3A_805 : vector<1x16xf32> to vector<16xf32>
        %swap3A_807 = vector.shape_cast %get3A_802 : vector<16xf32> to vector<1x16xf32>
        tpu.vector_store %arg11[%swap3A_803, %swap3A_804], %swap3A_807 {add = true, strides = array<i32>} : memref<128x64xf32, #tpu.memory_space<vmem>>, vector<1x16xf32>,
        %add3A_808 = arith.constant 11 : i32
        %add3A_809 = arith.addi %mul3A_193, %add3A_808 : i32
        %add3A_810 = arith.addi %rem3A_177, %mul3A_193 : i32
        %add3A_811 = arith.constant 11 : i32
        %add3A_812 = arith.addi %add3A_810, %add3A_811 : i32
        %get3A_813 = arith.index_cast %add3A_812 : i32 to index
        %get3A_814 = arith.constant 0 : index
        %get3A_815 = tpu.vector_load %arg7[%get3A_813, %get3A_814] {strides = array<i32>} : memref<400x64xf32, #tpu.memory_space<vmem>>, vector<1x16xf32>,
        %get3A_816 = vector.shape_cast %get3A_815 : vector<1x16xf32> to vector<16xf32>
        %swap3A_817 = arith.index_cast %add3A_809 : i32 to index
        %swap3A_818 = arith.constant 0 : index
        %swap3A_819 = tpu.vector_load %arg11[%swap3A_817, %swap3A_818] {strides = array<i32>} : memref<128x64xf32, #tpu.memory_space<vmem>>, vector<1x16xf32>,
        %swap3A_820 = vector.shape_cast %swap3A_819 : vector<1x16xf32> to vector<16xf32>
        %swap3A_821 = vector.shape_cast %get3A_816 : vector<16xf32> to vector<1x16xf32>
        tpu.vector_store %arg11[%swap3A_817, %swap3A_818], %swap3A_821 {add = true, strides = array<i32>} : memref<128x64xf32, #tpu.memory_space<vmem>>, vector<1x16xf32>,
        %add3A_822 = arith.constant 11 : i32
        %add3A_823 = arith.addi %mul3A_193, %add3A_822 : i32
        %add3A_824 = arith.addi %rem3A_177, %mul3A_193 : i32
        %add3A_825 = arith.constant 11 : i32
        %add3A_826 = arith.addi %add3A_824, %add3A_825 : i32
        %get3A_827 = arith.index_cast %add3A_826 : i32 to index
        %get3A_828 = arith.constant 16 : index
        %get3A_829 = tpu.vector_load %arg7[%get3A_827, %get3A_828] {strides = array<i32>} : memref<400x64xf32, #tpu.memory_space<vmem>>, vector<1x16xf32>,
        %get3A_830 = vector.shape_cast %get3A_829 : vector<1x16xf32> to vector<16xf32>
        %swap3A_831 = arith.index_cast %add3A_823 : i32 to index
        %swap3A_832 = arith.constant 16 : index
        %swap3A_833 = tpu.vector_load %arg11[%swap3A_831, %swap3A_832] {strides = array<i32>} : memref<128x64xf32, #tpu.memory_space<vmem>>, vector<1x16xf32>,
        %swap3A_834 = vector.shape_cast %swap3A_833 : vector<1x16xf32> to vector<16xf32>
        %swap3A_835 = vector.shape_cast %get3A_830 : vector<16xf32> to vector<1x16xf32>
        tpu.vector_store %arg11[%swap3A_831, %swap3A_832], %swap3A_835 {add = true, strides = array<i32>} : memref<128x64xf32, #tpu.memory_space<vmem>>, vector<1x16xf32>,
        %add3A_836 = arith.constant 11 : i32
        %add3A_837 = arith.addi %mul3A_193, %add3A_836 : i32
        %add3A_838 = arith.addi %rem3A_177, %mul3A_193 : i32
        %add3A_839 = arith.constant 11 : i32
        %add3A_840 = arith.addi %add3A_838, %add3A_839 : i32
        %get3A_841 = arith.index_cast %add3A_840 : i32 to index
        %get3A_842 = arith.constant 32 : index
        %get3A_843 = tpu.vector_load %arg7[%get3A_841, %get3A_842] {strides = array<i32>} : memref<400x64xf32, #tpu.memory_space<vmem>>, vector<1x16xf32>,
        %get3A_844 = vector.shape_cast %get3A_843 : vector<1x16xf32> to vector<16xf32>
        %swap3A_845 = arith.index_cast %add3A_837 : i32 to index
        %swap3A_846 = arith.constant 32 : index
        %swap3A_847 = tpu.vector_load %arg11[%swap3A_845, %swap3A_846] {strides = array<i32>} : memref<128x64xf32, #tpu.memory_space<vmem>>, vector<1x16xf32>,
        %swap3A_848 = vector.shape_cast %swap3A_847 : vector<1x16xf32> to vector<16xf32>
        %swap3A_849 = vector.shape_cast %get3A_844 : vector<16xf32> to vector<1x16xf32>
        tpu.vector_store %arg11[%swap3A_845, %swap3A_846], %swap3A_849 {add = true, strides = array<i32>} : memref<128x64xf32, #tpu.memory_space<vmem>>, vector<1x16xf32>,
        %add3A_850 = arith.constant 11 : i32
        %add3A_851 = arith.addi %mul3A_193, %add3A_850 : i32
        %add3A_852 = arith.addi %rem3A_177, %mul3A_193 : i32
        %add3A_853 = arith.constant 11 : i32
        %add3A_854 = arith.addi %add3A_852, %add3A_853 : i32
        %get3A_855 = arith.index_cast %add3A_854 : i32 to index
        %get3A_856 = arith.constant 48 : index
        %get3A_857 = tpu.vector_load %arg7[%get3A_855, %get3A_856] {strides = array<i32>} : memref<400x64xf32, #tpu.memory_space<vmem>>, vector<1x16xf32>,
        %get3A_858 = vector.shape_cast %get3A_857 : vector<1x16xf32> to vector<16xf32>
        %swap3A_859 = arith.index_cast %add3A_851 : i32 to index
        %swap3A_860 = arith.constant 48 : index
        %swap3A_861 = tpu.vector_load %arg11[%swap3A_859, %swap3A_860] {strides = array<i32>} : memref<128x64xf32, #tpu.memory_space<vmem>>, vector<1x16xf32>,
        %swap3A_862 = vector.shape_cast %swap3A_861 : vector<1x16xf32> to vector<16xf32>
        %swap3A_863 = vector.shape_cast %get3A_858 : vector<16xf32> to vector<1x16xf32>
        tpu.vector_store %arg11[%swap3A_859, %swap3A_860], %swap3A_863 {add = true, strides = array<i32>} : memref<128x64xf32, #tpu.memory_space<vmem>>, vector<1x16xf32>,
        %add3A_864 = arith.constant 12 : i32
        %add3A_865 = arith.addi %mul3A_193, %add3A_864 : i32
        %add3A_866 = arith.addi %rem3A_177, %mul3A_193 : i32
        %add3A_867 = arith.constant 12 : i32
        %add3A_868 = arith.addi %add3A_866, %add3A_867 : i32
        %get3A_869 = arith.index_cast %add3A_868 : i32 to index
        %get3A_870 = arith.constant 0 : index
        %get3A_871 = tpu.vector_load %arg7[%get3A_869, %get3A_870] {strides = array<i32>} : memref<400x64xf32, #tpu.memory_space<vmem>>, vector<1x16xf32>,
        %get3A_872 = vector.shape_cast %get3A_871 : vector<1x16xf32> to vector<16xf32>
        %swap3A_873 = arith.index_cast %add3A_865 : i32 to index
        %swap3A_874 = arith.constant 0 : index
        %swap3A_875 = tpu.vector_load %arg11[%swap3A_873, %swap3A_874] {strides = array<i32>} : memref<128x64xf32, #tpu.memory_space<vmem>>, vector<1x16xf32>,
        %swap3A_876 = vector.shape_cast %swap3A_875 : vector<1x16xf32> to vector<16xf32>
        %swap3A_877 = vector.shape_cast %get3A_872 : vector<16xf32> to vector<1x16xf32>
        tpu.vector_store %arg11[%swap3A_873, %swap3A_874], %swap3A_877 {add = true, strides = array<i32>} : memref<128x64xf32, #tpu.memory_space<vmem>>, vector<1x16xf32>,
        %add3A_878 = arith.constant 12 : i32
        %add3A_879 = arith.addi %mul3A_193, %add3A_878 : i32
        %add3A_880 = arith.addi %rem3A_177, %mul3A_193 : i32
        %add3A_881 = arith.constant 12 : i32
        %add3A_882 = arith.addi %add3A_880, %add3A_881 : i32
        %get3A_883 = arith.index_cast %add3A_882 : i32 to index
        %get3A_884 = arith.constant 16 : index
        %get3A_885 = tpu.vector_load %arg7[%get3A_883, %get3A_884] {strides = array<i32>} : memref<400x64xf32, #tpu.memory_space<vmem>>, vector<1x16xf32>,
        %get3A_886 = vector.shape_cast %get3A_885 : vector<1x16xf32> to vector<16xf32>
        %swap3A_887 = arith.index_cast %add3A_879 : i32 to index
        %swap3A_888 = arith.constant 16 : index
        %swap3A_889 = tpu.vector_load %arg11[%swap3A_887, %swap3A_888] {strides = array<i32>} : memref<128x64xf32, #tpu.memory_space<vmem>>, vector<1x16xf32>,
        %swap3A_890 = vector.shape_cast %swap3A_889 : vector<1x16xf32> to vector<16xf32>
        %swap3A_891 = vector.shape_cast %get3A_886 : vector<16xf32> to vector<1x16xf32>
        tpu.vector_store %arg11[%swap3A_887, %swap3A_888], %swap3A_891 {add = true, strides = array<i32>} : memref<128x64xf32, #tpu.memory_space<vmem>>, vector<1x16xf32>,
        %add3A_892 = arith.constant 12 : i32
        %add3A_893 = arith.addi %mul3A_193, %add3A_892 : i32
        %add3A_894 = arith.addi %rem3A_177, %mul3A_193 : i32
        %add3A_895 = arith.constant 12 : i32
        %add3A_896 = arith.addi %add3A_894, %add3A_895 : i32
        %get3A_897 = arith.index_cast %add3A_896 : i32 to index
        %get3A_898 = arith.constant 32 : index
        %get3A_899 = tpu.vector_load %arg7[%get3A_897, %get3A_898] {strides = array<i32>} : memref<400x64xf32, #tpu.memory_space<vmem>>, vector<1x16xf32>,
        %get3A_900 = vector.shape_cast %get3A_899 : vector<1x16xf32> to vector<16xf32>
        %swap3A_901 = arith.index_cast %add3A_893 : i32 to index
        %swap3A_902 = arith.constant 32 : index
        %swap3A_903 = tpu.vector_load %arg11[%swap3A_901, %swap3A_902] {strides = array<i32>} : memref<128x64xf32, #tpu.memory_space<vmem>>, vector<1x16xf32>,
        %swap3A_904 = vector.shape_cast %swap3A_903 : vector<1x16xf32> to vector<16xf32>
        %swap3A_905 = vector.shape_cast %get3A_900 : vector<16xf32> to vector<1x16xf32>
        tpu.vector_store %arg11[%swap3A_901, %swap3A_902], %swap3A_905 {add = true, strides = array<i32>} : memref<128x64xf32, #tpu.memory_space<vmem>>, vector<1x16xf32>,
        %add3A_906 = arith.constant 12 : i32
        %add3A_907 = arith.addi %mul3A_193, %add3A_906 : i32
        %add3A_908 = arith.addi %rem3A_177, %mul3A_193 : i32
        %add3A_909 = arith.constant 12 : i32
        %add3A_910 = arith.addi %add3A_908, %add3A_909 : i32
        %get3A_911 = arith.index_cast %add3A_910 : i32 to index
        %get3A_912 = arith.constant 48 : index
        %get3A_913 = tpu.vector_load %arg7[%get3A_911, %get3A_912] {strides = array<i32>} : memref<400x64xf32, #tpu.memory_space<vmem>>, vector<1x16xf32>,
        %get3A_914 = vector.shape_cast %get3A_913 : vector<1x16xf32> to vector<16xf32>
        %swap3A_915 = arith.index_cast %add3A_907 : i32 to index
        %swap3A_916 = arith.constant 48 : index
        %swap3A_917 = tpu.vector_load %arg11[%swap3A_915, %swap3A_916] {strides = array<i32>} : memref<128x64xf32, #tpu.memory_space<vmem>>, vector<1x16xf32>,
        %swap3A_918 = vector.shape_cast %swap3A_917 : vector<1x16xf32> to vector<16xf32>
        %swap3A_919 = vector.shape_cast %get3A_914 : vector<16xf32> to vector<1x16xf32>
        tpu.vector_store %arg11[%swap3A_915, %swap3A_916], %swap3A_919 {add = true, strides = array<i32>} : memref<128x64xf32, #tpu.memory_space<vmem>>, vector<1x16xf32>,
        %add3A_920 = arith.constant 13 : i32
        %add3A_921 = arith.addi %mul3A_193, %add3A_920 : i32
        %add3A_922 = arith.addi %rem3A_177, %mul3A_193 : i32
        %add3A_923 = arith.constant 13 : i32
        %add3A_924 = arith.addi %add3A_922, %add3A_923 : i32
        %get3A_925 = arith.index_cast %add3A_924 : i32 to index
        %get3A_926 = arith.constant 0 : index
        %get3A_927 = tpu.vector_load %arg7[%get3A_925, %get3A_926] {strides = array<i32>} : memref<400x64xf32, #tpu.memory_space<vmem>>, vector<1x16xf32>,
        %get3A_928 = vector.shape_cast %get3A_927 : vector<1x16xf32> to vector<16xf32>
        %swap3A_929 = arith.index_cast %add3A_921 : i32 to index
        %swap3A_930 = arith.constant 0 : index
        %swap3A_931 = tpu.vector_load %arg11[%swap3A_929, %swap3A_930] {strides = array<i32>} : memref<128x64xf32, #tpu.memory_space<vmem>>, vector<1x16xf32>,
        %swap3A_932 = vector.shape_cast %swap3A_931 : vector<1x16xf32> to vector<16xf32>
        %swap3A_933 = vector.shape_cast %get3A_928 : vector<16xf32> to vector<1x16xf32>
        tpu.vector_store %arg11[%swap3A_929, %swap3A_930], %swap3A_933 {add = true, strides = array<i32>} : memref<128x64xf32, #tpu.memory_space<vmem>>, vector<1x16xf32>,
        %add3A_934 = arith.constant 13 : i32
        %add3A_935 = arith.addi %mul3A_193, %add3A_934 : i32
        %add3A_936 = arith.addi %rem3A_177, %mul3A_193 : i32
        %add3A_937 = arith.constant 13 : i32
        %add3A_938 = arith.addi %add3A_936, %add3A_937 : i32
        %get3A_939 = arith.index_cast %add3A_938 : i32 to index
        %get3A_940 = arith.constant 16 : index
        %get3A_941 = tpu.vector_load %arg7[%get3A_939, %get3A_940] {strides = array<i32>} : memref<400x64xf32, #tpu.memory_space<vmem>>, vector<1x16xf32>,
        %get3A_942 = vector.shape_cast %get3A_941 : vector<1x16xf32> to vector<16xf32>
        %swap3A_943 = arith.index_cast %add3A_935 : i32 to index
        %swap3A_944 = arith.constant 16 : index
        %swap3A_945 = tpu.vector_load %arg11[%swap3A_943, %swap3A_944] {strides = array<i32>} : memref<128x64xf32, #tpu.memory_space<vmem>>, vector<1x16xf32>,
        %swap3A_946 = vector.shape_cast %swap3A_945 : vector<1x16xf32> to vector<16xf32>
        %swap3A_947 = vector.shape_cast %get3A_942 : vector<16xf32> to vector<1x16xf32>
        tpu.vector_store %arg11[%swap3A_943, %swap3A_944], %swap3A_947 {add = true, strides = array<i32>} : memref<128x64xf32, #tpu.memory_space<vmem>>, vector<1x16xf32>,
        %add3A_948 = arith.constant 13 : i32
        %add3A_949 = arith.addi %mul3A_193, %add3A_948 : i32
        %add3A_950 = arith.addi %rem3A_177, %mul3A_193 : i32
        %add3A_951 = arith.constant 13 : i32
        %add3A_952 = arith.addi %add3A_950, %add3A_951 : i32
        %get3A_953 = arith.index_cast %add3A_952 : i32 to index
        %get3A_954 = arith.constant 32 : index
        %get3A_955 = tpu.vector_load %arg7[%get3A_953, %get3A_954] {strides = array<i32>} : memref<400x64xf32, #tpu.memory_space<vmem>>, vector<1x16xf32>,
        %get3A_956 = vector.shape_cast %get3A_955 : vector<1x16xf32> to vector<16xf32>
        %swap3A_957 = arith.index_cast %add3A_949 : i32 to index
        %swap3A_958 = arith.constant 32 : index
        %swap3A_959 = tpu.vector_load %arg11[%swap3A_957, %swap3A_958] {strides = array<i32>} : memref<128x64xf32, #tpu.memory_space<vmem>>, vector<1x16xf32>,
        %swap3A_960 = vector.shape_cast %swap3A_959 : vector<1x16xf32> to vector<16xf32>
        %swap3A_961 = vector.shape_cast %get3A_956 : vector<16xf32> to vector<1x16xf32>
        tpu.vector_store %arg11[%swap3A_957, %swap3A_958], %swap3A_961 {add = true, strides = array<i32>} : memref<128x64xf32, #tpu.memory_space<vmem>>, vector<1x16xf32>,
        %add3A_962 = arith.constant 13 : i32
        %add3A_963 = arith.addi %mul3A_193, %add3A_962 : i32
        %add3A_964 = arith.addi %rem3A_177, %mul3A_193 : i32
        %add3A_965 = arith.constant 13 : i32
        %add3A_966 = arith.addi %add3A_964, %add3A_965 : i32
        %get3A_967 = arith.index_cast %add3A_966 : i32 to index
        %get3A_968 = arith.constant 48 : index
        %get3A_969 = tpu.vector_load %arg7[%get3A_967, %get3A_968] {strides = array<i32>} : memref<400x64xf32, #tpu.memory_space<vmem>>, vector<1x16xf32>,
        %get3A_970 = vector.shape_cast %get3A_969 : vector<1x16xf32> to vector<16xf32>
        %swap3A_971 = arith.index_cast %add3A_963 : i32 to index
        %swap3A_972 = arith.constant 48 : index
        %swap3A_973 = tpu.vector_load %arg11[%swap3A_971, %swap3A_972] {strides = array<i32>} : memref<128x64xf32, #tpu.memory_space<vmem>>, vector<1x16xf32>,
        %swap3A_974 = vector.shape_cast %swap3A_973 : vector<1x16xf32> to vector<16xf32>
        %swap3A_975 = vector.shape_cast %get3A_970 : vector<16xf32> to vector<1x16xf32>
        tpu.vector_store %arg11[%swap3A_971, %swap3A_972], %swap3A_975 {add = true, strides = array<i32>} : memref<128x64xf32, #tpu.memory_space<vmem>>, vector<1x16xf32>,
        %add3A_976 = arith.constant 14 : i32
        %add3A_977 = arith.addi %mul3A_193, %add3A_976 : i32
        %add3A_978 = arith.addi %rem3A_177, %mul3A_193 : i32
        %add3A_979 = arith.constant 14 : i32
        %add3A_980 = arith.addi %add3A_978, %add3A_979 : i32
        %get3A_981 = arith.index_cast %add3A_980 : i32 to index
        %get3A_982 = arith.constant 0 : index
        %get3A_983 = tpu.vector_load %arg7[%get3A_981, %get3A_982] {strides = array<i32>} : memref<400x64xf32, #tpu.memory_space<vmem>>, vector<1x16xf32>,
        %get3A_984 = vector.shape_cast %get3A_983 : vector<1x16xf32> to vector<16xf32>
        %swap3A_985 = arith.index_cast %add3A_977 : i32 to index
        %swap3A_986 = arith.constant 0 : index
        %swap3A_987 = tpu.vector_load %arg11[%swap3A_985, %swap3A_986] {strides = array<i32>} : memref<128x64xf32, #tpu.memory_space<vmem>>, vector<1x16xf32>,
        %swap3A_988 = vector.shape_cast %swap3A_987 : vector<1x16xf32> to vector<16xf32>
        %swap3A_989 = vector.shape_cast %get3A_984 : vector<16xf32> to vector<1x16xf32>
        tpu.vector_store %arg11[%swap3A_985, %swap3A_986], %swap3A_989 {add = true, strides = array<i32>} : memref<128x64xf32, #tpu.memory_space<vmem>>, vector<1x16xf32>,
        %add3A_990 = arith.constant 14 : i32
        %add3A_991 = arith.addi %mul3A_193, %add3A_990 : i32
        %add3A_992 = arith.addi %rem3A_177, %mul3A_193 : i32
        %add3A_993 = arith.constant 14 : i32
        %add3A_994 = arith.addi %add3A_992, %add3A_993 : i32
        %get3A_995 = arith.index_cast %add3A_994 : i32 to index
        %get3A_996 = arith.constant 16 : index
        %get3A_997 = tpu.vector_load %arg7[%get3A_995, %get3A_996] {strides = array<i32>} : memref<400x64xf32, #tpu.memory_space<vmem>>, vector<1x16xf32>,
        %get3A_998 = vector.shape_cast %get3A_997 : vector<1x16xf32> to vector<16xf32>
        %swap3A_999 = arith.index_cast %add3A_991 : i32 to index
        %swap3A_1000 = arith.constant 16 : index
        %swap3A_1001 = tpu.vector_load %arg11[%swap3A_999, %swap3A_1000] {strides = array<i32>} : memref<128x64xf32, #tpu.memory_space<vmem>>, vector<1x16xf32>,
        %swap3A_1002 = vector.shape_cast %swap3A_1001 : vector<1x16xf32> to vector<16xf32>
        %swap3A_1003 = vector.shape_cast %get3A_998 : vector<16xf32> to vector<1x16xf32>
        tpu.vector_store %arg11[%swap3A_999, %swap3A_1000], %swap3A_1003 {add = true, strides = array<i32>} : memref<128x64xf32, #tpu.memory_space<vmem>>, vector<1x16xf32>,
        %add3A_1004 = arith.constant 14 : i32
        %add3A_1005 = arith.addi %mul3A_193, %add3A_1004 : i32
        %add3A_1006 = arith.addi %rem3A_177, %mul3A_193 : i32
        %add3A_1007 = arith.constant 14 : i32
        %add3A_1008 = arith.addi %add3A_1006, %add3A_1007 : i32
        %get3A_1009 = arith.index_cast %add3A_1008 : i32 to index
        %get3A_1010 = arith.constant 32 : index
        %get3A_1011 = tpu.vector_load %arg7[%get3A_1009, %get3A_1010] {strides = array<i32>} : memref<400x64xf32, #tpu.memory_space<vmem>>, vector<1x16xf32>,
        %get3A_1012 = vector.shape_cast %get3A_1011 : vector<1x16xf32> to vector<16xf32>
        %swap3A_1013 = arith.index_cast %add3A_1005 : i32 to index
        %swap3A_1014 = arith.constant 32 : index
        %swap3A_1015 = tpu.vector_load %arg11[%swap3A_1013, %swap3A_1014] {strides = array<i32>} : memref<128x64xf32, #tpu.memory_space<vmem>>, vector<1x16xf32>,
        %swap3A_1016 = vector.shape_cast %swap3A_1015 : vector<1x16xf32> to vector<16xf32>
        %swap3A_1017 = vector.shape_cast %get3A_1012 : vector<16xf32> to vector<1x16xf32>
        tpu.vector_store %arg11[%swap3A_1013, %swap3A_1014], %swap3A_1017 {add = true, strides = array<i32>} : memref<128x64xf32, #tpu.memory_space<vmem>>, vector<1x16xf32>,
        %add3A_1018 = arith.constant 14 : i32
        %add3A_1019 = arith.addi %mul3A_193, %add3A_1018 : i32
        %add3A_1020 = arith.addi %rem3A_177, %mul3A_193 : i32
        %add3A_1021 = arith.constant 14 : i32
        %add3A_1022 = arith.addi %add3A_1020, %add3A_1021 : i32
        %get3A_1023 = arith.index_cast %add3A_1022 : i32 to index
        %get3A_1024 = arith.constant 48 : index
        %get3A_1025 = tpu.vector_load %arg7[%get3A_1023, %get3A_1024] {strides = array<i32>} : memref<400x64xf32, #tpu.memory_space<vmem>>, vector<1x16xf32>,
        %get3A_1026 = vector.shape_cast %get3A_1025 : vector<1x16xf32> to vector<16xf32>
        %swap3A_1027 = arith.index_cast %add3A_1019 : i32 to index
        %swap3A_1028 = arith.constant 48 : index
        %swap3A_1029 = tpu.vector_load %arg11[%swap3A_1027, %swap3A_1028] {strides = array<i32>} : memref<128x64xf32, #tpu.memory_space<vmem>>, vector<1x16xf32>,
        %swap3A_1030 = vector.shape_cast %swap3A_1029 : vector<1x16xf32> to vector<16xf32>
        %swap3A_1031 = vector.shape_cast %get3A_1026 : vector<16xf32> to vector<1x16xf32>
        tpu.vector_store %arg11[%swap3A_1027, %swap3A_1028], %swap3A_1031 {add = true, strides = array<i32>} : memref<128x64xf32, #tpu.memory_space<vmem>>, vector<1x16xf32>,
        %add3A_1032 = arith.constant 15 : i32
        %add3A_1033 = arith.addi %mul3A_193, %add3A_1032 : i32
        %add3A_1034 = arith.addi %rem3A_177, %mul3A_193 : i32
        %add3A_1035 = arith.constant 15 : i32
        %add3A_1036 = arith.addi %add3A_1034, %add3A_1035 : i32
        %get3A_1037 = arith.index_cast %add3A_1036 : i32 to index
        %get3A_1038 = arith.constant 0 : index
        %get3A_1039 = tpu.vector_load %arg7[%get3A_1037, %get3A_1038] {strides = array<i32>} : memref<400x64xf32, #tpu.memory_space<vmem>>, vector<1x16xf32>,
        %get3A_1040 = vector.shape_cast %get3A_1039 : vector<1x16xf32> to vector<16xf32>
        %swap3A_1041 = arith.index_cast %add3A_1033 : i32 to index
        %swap3A_1042 = arith.constant 0 : index
        %swap3A_1043 = tpu.vector_load %arg11[%swap3A_1041, %swap3A_1042] {strides = array<i32>} : memref<128x64xf32, #tpu.memory_space<vmem>>, vector<1x16xf32>,
        %swap3A_1044 = vector.shape_cast %swap3A_1043 : vector<1x16xf32> to vector<16xf32>
        %swap3A_1045 = vector.shape_cast %get3A_1040 : vector<16xf32> to vector<1x16xf32>
        tpu.vector_store %arg11[%swap3A_1041, %swap3A_1042], %swap3A_1045 {add = true, strides = array<i32>} : memref<128x64xf32, #tpu.memory_space<vmem>>, vector<1x16xf32>,
        %add3A_1046 = arith.constant 15 : i32
        %add3A_1047 = arith.addi %mul3A_193, %add3A_1046 : i32
        %add3A_1048 = arith.addi %rem3A_177, %mul3A_193 : i32
        %add3A_1049 = arith.constant 15 : i32
        %add3A_1050 = arith.addi %add3A_1048, %add3A_1049 : i32
        %get3A_1051 = arith.index_cast %add3A_1050 : i32 to index
        %get3A_1052 = arith.constant 16 : index
        %get3A_1053 = tpu.vector_load %arg7[%get3A_1051, %get3A_1052] {strides = array<i32>} : memref<400x64xf32, #tpu.memory_space<vmem>>, vector<1x16xf32>,
        %get3A_1054 = vector.shape_cast %get3A_1053 : vector<1x16xf32> to vector<16xf32>
        %swap3A_1055 = arith.index_cast %add3A_1047 : i32 to index
        %swap3A_1056 = arith.constant 16 : index
        %swap3A_1057 = tpu.vector_load %arg11[%swap3A_1055, %swap3A_1056] {strides = array<i32>} : memref<128x64xf32, #tpu.memory_space<vmem>>, vector<1x16xf32>,
        %swap3A_1058 = vector.shape_cast %swap3A_1057 : vector<1x16xf32> to vector<16xf32>
        %swap3A_1059 = vector.shape_cast %get3A_1054 : vector<16xf32> to vector<1x16xf32>
        tpu.vector_store %arg11[%swap3A_1055, %swap3A_1056], %swap3A_1059 {add = true, strides = array<i32>} : memref<128x64xf32, #tpu.memory_space<vmem>>, vector<1x16xf32>,
        %add3A_1060 = arith.constant 15 : i32
        %add3A_1061 = arith.addi %mul3A_193, %add3A_1060 : i32
        %add3A_1062 = arith.addi %rem3A_177, %mul3A_193 : i32
        %add3A_1063 = arith.constant 15 : i32
        %add3A_1064 = arith.addi %add3A_1062, %add3A_1063 : i32
        %get3A_1065 = arith.index_cast %add3A_1064 : i32 to index
        %get3A_1066 = arith.constant 32 : index
        %get3A_1067 = tpu.vector_load %arg7[%get3A_1065, %get3A_1066] {strides = array<i32>} : memref<400x64xf32, #tpu.memory_space<vmem>>, vector<1x16xf32>,
        %get3A_1068 = vector.shape_cast %get3A_1067 : vector<1x16xf32> to vector<16xf32>
        %swap3A_1069 = arith.index_cast %add3A_1061 : i32 to index
        %swap3A_1070 = arith.constant 32 : index
        %swap3A_1071 = tpu.vector_load %arg11[%swap3A_1069, %swap3A_1070] {strides = array<i32>} : memref<128x64xf32, #tpu.memory_space<vmem>>, vector<1x16xf32>,
        %swap3A_1072 = vector.shape_cast %swap3A_1071 : vector<1x16xf32> to vector<16xf32>
        %swap3A_1073 = vector.shape_cast %get3A_1068 : vector<16xf32> to vector<1x16xf32>
        tpu.vector_store %arg11[%swap3A_1069, %swap3A_1070], %swap3A_1073 {add = true, strides = array<i32>} : memref<128x64xf32, #tpu.memory_space<vmem>>, vector<1x16xf32>,
        %add3A_1074 = arith.constant 15 : i32
        %add3A_1075 = arith.addi %mul3A_193, %add3A_1074 : i32
        %add3A_1076 = arith.addi %rem3A_177, %mul3A_193 : i32
        %add3A_1077 = arith.constant 15 : i32
        %add3A_1078 = arith.addi %add3A_1076, %add3A_1077 : i32
        %get3A_1079 = arith.index_cast %add3A_1078 : i32 to index
        %get3A_1080 = arith.constant 48 : index
        %get3A_1081 = tpu.vector_load %arg7[%get3A_1079, %get3A_1080] {strides = array<i32>} : memref<400x64xf32, #tpu.memory_space<vmem>>, vector<1x16xf32>,
        %get3A_1082 = vector.shape_cast %get3A_1081 : vector<1x16xf32> to vector<16xf32>
        %swap3A_1083 = arith.index_cast %add3A_1075 : i32 to index
        %swap3A_1084 = arith.constant 48 : index
        %swap3A_1085 = tpu.vector_load %arg11[%swap3A_1083, %swap3A_1084] {strides = array<i32>} : memref<128x64xf32, #tpu.memory_space<vmem>>, vector<1x16xf32>,
        %swap3A_1086 = vector.shape_cast %swap3A_1085 : vector<1x16xf32> to vector<16xf32>
        %swap3A_1087 = vector.shape_cast %get3A_1082 : vector<16xf32> to vector<1x16xf32>
        tpu.vector_store %arg11[%swap3A_1083, %swap3A_1084], %swap3A_1087 {add = true, strides = array<i32>} : memref<128x64xf32, #tpu.memory_space<vmem>>, vector<1x16xf32>,
      }
      %scan3A_183 = arith.constant 8 : i32
      %mul3A_184 = arith.constant 128 : i32
      %mul3A_185 = arith.muli %add3A_153, %mul3A_184 : i32
      %add3A_186 = arith.addi %mul3A_2, %mul3A_185 : i32
      %dma_start3A_187 = arith.constant 0 : i32
      %dma_start3A_188 = tpu.memref_slice %arg5[%add3A_186, %dma_start3A_187] : memref<819200x64xf32, #tpu.memory_space<hbm>> -> memref<128x64xf32, #tpu.memory_space<hbm>>
      %dma_start3A_189 = arith.constant 0 : i32
      %dma_start3A_190 = tpu.memref_slice %arg5[%add3A_186, %dma_start3A_189] : memref<819200x64xf32, #tpu.memory_space<hbm>> -> memref<128x64xf32, #tpu.memory_space<hbm>>
      tpu.enqueue_dma source(%arg11 : memref<128x64xf32, #tpu.memory_space<vmem>>) target(%dma_start3A_190 : memref<128x64xf32, #tpu.memory_space<hbm>>) target_semaphore(%arg19 : memref<!tpu.dma_semaphore, #tpu.memory_space<semaphore_mem>>)
    }
    %scan3A_20 = arith.constant 50 : i32
    %add3A_21 = arith.constant 25344 : i32
    %add3A_22 = arith.addi %mul3A_2, %add3A_21 : i32
    %dma_wait3A = arith.constant 0 : i32
    %dma_wait3A_23 = tpu.memref_slice %arg5[%add3A_22, %dma_wait3A] : memref<819200x64xf32, #tpu.memory_space<hbm>> -> memref<128x64xf32, #tpu.memory_space<hbm>>
    %dma_wait3A_24 = arith.constant 0 : i32
    %dma_wait3A_25 = tpu.memref_slice %arg5[%add3A_22, %dma_wait3A_24] : memref<819200x64xf32, #tpu.memory_space<hbm>> -> memref<128x64xf32, #tpu.memory_space<hbm>>
    tpu.wait_dma2 semaphore(%arg18 : memref<!tpu.dma_semaphore, #tpu.memory_space<semaphore_mem>>) src(%arg10 : memref<128x64xf32, #tpu.memory_space<vmem>>) dst(%dma_wait3A_25 : memref<128x64xf32, #tpu.memory_space<hbm>>)
    %add3A_26 = arith.constant 25472 : i32
    %add3A_27 = arith.addi %mul3A_2, %add3A_26 : i32
    %dma_wait3A_28 = arith.constant 0 : i32
    %dma_wait3A_29 = tpu.memref_slice %arg5[%add3A_27, %dma_wait3A_28] : memref<819200x64xf32, #tpu.memory_space<hbm>> -> memref<128x64xf32, #tpu.memory_space<hbm>>
    %dma_wait3A_30 = arith.constant 0 : i32
    %dma_wait3A_31 = tpu.memref_slice %arg5[%add3A_27, %dma_wait3A_30] : memref<819200x64xf32, #tpu.memory_space<hbm>> -> memref<128x64xf32, #tpu.memory_space<hbm>>
    tpu.wait_dma2 semaphore(%arg19 : memref<!tpu.dma_semaphore, #tpu.memory_space<semaphore_mem>>) src(%arg11 : memref<128x64xf32, #tpu.memory_space<vmem>>) dst(%dma_wait3A_31 : memref<128x64xf32, #tpu.memory_space<hbm>>)
    return
  }
}

</mosaic_0001>

<sc_bundles>
// kernel: kernel.3.cloned.1.call-start
scs
__scs_entry_jumppad:
0x0: {  	(pc) =	sbr.rel $0x88, $3  }
0x1: {  	(tag) =	ssettag $0x0;
	lr =	simm.s32 $0x1  }
0x2: {  	[smem:$0x3F9F] =	sst lr;
	_ =	strace $0xD0000000  }
0x3: {  	_ = 	snop  }
0x4: {  	_ = 	snop  }
0x5: {  	_ = 	snop  }
0x6: {  	_ = 	snop  }
0x7: {  	_ = 	snop  }
__scs_overlays_trampoline_lowered:
0x8: {  	[smem:$0x3FAE] =	sst s0  }
0x9: {  	[smem:$0x3FAF] =	sst s1  }
0xa: {  	[smem:$0x3FB0] =	sst s2  }
0xb: {  	[smem:$0x3FB1] =	sst s3  }
0xc: {  	[smem:$0x3FB2] =	sst s4  }
0xd: {  	[smem:$0x3FB3] =	sst s5  }
0xe: {  	[smem:$0x3FB4] =	sst s6  }
0xf: {  	[smem:$0x3FB5] =	sst s7  }
0x10: {  	[smem:$0x3FB6] =	sst s8  }
0x11: {  	[smem:$0x3FB7] =	sst s9;
	s0 =	simm.s32 @!p0 $0x0  }
0x12: {  	s1 =	sld [smem:$0x3F9D];
	s0 =	simm.s32 @p0 $0x1  }
0x13: {  	[smem:$0x3FB8] =	sst s0;
	s0 =	simm.s32 @!p1 $0x0  }
0x14: {  	s2 =	sld [smem:$0x3F9C];
	s0 =	simm.s32 @p1 $0x1  }
0x15: {  	[smem:$0x3FB9] =	sst s0;
	s0 =	simm.s32 @!p2 $0x0  }
0x16: {  	s3 =	sld [smem:$0x3FDB];
	s0 =	simm.s32 @p2 $0x1  }
0x17: {  	s4 =	simm.s32 $0x1BF5;
	[smem:$0x3FBB] =	sst s0  }
0x18: {  	s0 =	sld [smem:$0x3F9E];
	_ =	swait.ge [sflag:s4], $0x0  }
0x19: {  	s7 =	sld [smem:$0x3F9F]  }
0x1a: {  	s8 =	sadd.s32 $0xFFFFE003, lr  }
0x1b: {  	s9 =	sadd.s32 $0xFFFFFEF7, lr;
	s5 =	simm.s32 $0xFFFFFFFF;
	p2 =	slt.u32 s8, $0xFFFFF086  }
0x1c: {  	p1 =	slt.u32 s9, $0xF7A;
	s5 =	simm.s32 @!p2 $0x0  }
0x1d: {  	s5 =	simm.s32 @p1 $0x1;
	p0 =	seq.s32 s7, s2  }
0x1e: {  	s7 =	smul.u32 @!p0 $0xF7A, s2;
	p2 =	seq.s32 @!p0 s5, $0x0  }
0x1f: {  	s9 =	smul.u32 $0xF7A, s1;
	s8 =	simm.s32 @!p0 $0x1BF5;
	p2 =	por !p2, p0  }
0x20: {  	[sflag:s8] =	ssyncset.s32 @!p0 $0xFFFFF086;
	s6 =	sadd.s32 @!p0 s3, s7;
	s7 =	simm.s32 @!p0 $0x108  }
0x21: {  	s3 =	sadd.s32 s3, s9;
	s6 =	sadd.s32 @!p0 $0x88, s6;
	s7 =	simm.s32 @p2 $0x1082  }
0x22: {  	[simem:s7], [sflag:s8] =	dma.local @!p0 [hbm:s6], $0xF7A  }
0x23: {  	s9 =	sor.u32 $0xD0000000, s2;
	s6 =	simm.s32 $0x108;
	_ =	swait.ge @!p0 [sflag:s8], $0x0  }
0x24: {  	s3 =	sadd.s32 $0x88, s3;
	s6 =	simm.s32 @!p1 $0x1082;
	[sflag:s4] =	ssyncset.s32 $0xFFFFF086  }
0x25: {  	[simem:s6], [sflag:s4] =	dma.local [hbm:s3], $0xF7A  }
0x26: {  	[smem:$0x3F9F] =	sst s1;
	(tag) =	ssettag s2;
	_ =	strace s9  }
0x27: {  	s1 =	sld [smem:$0x3FAF]  }
0x28: {  	s2 =	sld [smem:$0x3FB0]  }
0x29: {  	s4 =	sld [smem:$0x3FB2]  }
0x2a: {  	p0 =	seq.s32 s5, $0x0;
	s5 =	sld [smem:$0x3FB3]  }
0x2b: {  	s6 =	sld [smem:$0x3FB4]  }
0x2c: {  	s7 =	sld [smem:$0x3FB5]  }
0x2d: {  	s3 =	simm.s32 $0x108;
	s8 =	sld [smem:$0x3FB6]  }
0x2e: {  	s3 =	simm.s32 @!p0 $0x1082;
	s9 =	sld [smem:$0x3FB7]  }
0x2f: {  	lr =	sadd.s32 s0, s3;
	s0 =	sld [smem:$0x3FAE]  }
0x30: {  	s3 =	sld [smem:$0x3FB1]  }
0x31: {  	[smem:$0x3FBA] =	sst s10  }
0x32: {  	s10 =	sld [smem:$0x3FB8];
	_ =	sdelay $0x3  }
0x33: {  	p0 =	seq.s32 s10, $0x1;
	s10 =	sld [smem:$0x3FBA];
	_ =	sdelay $0x3  }
0x34: {  	[smem:$0x3FBA] =	sst s10  }
0x35: {  	s10 =	sld [smem:$0x3FB9];
	_ =	sdelay $0x3  }
0x36: {  	p1 =	seq.s32 s10, $0x1;
	s10 =	sld [smem:$0x3FBA];
	_ =	sdelay $0x3  }
0x37: {  	[smem:$0x3FBA] =	sst s10  }
0x38: {  	s10 =	sld [smem:$0x3FBB]  }
0x39: {  	_ = 	snop;
	(pc) =	sbr.ind lr, $3  }
0x3a: {  	_ = 	snop  }
0x3b: {  	_ = 	snop  }
0x3c: {  	p2 =	seq.s32 s10, $0x1;
	s10 =	sld [smem:$0x3FBA]  }
0x3d: {  	_ =	shalt  }
0x3e: {  	_ =	shalt  }
0x3f: {  	_ =	shalt  }
0x40: {  	_ =	shalt  }
0x41: {  	_ =	shalt  }
0x42: {  	_ =	shalt  }
0x43: {  	_ =	shalt  }
0x44: {  	_ =	shalt  }
0x45: {  	_ =	shalt  }
0x46: {  	_ =	shalt  }
0x47: {  	_ =	shalt  }
0x48: {  	_ =	shalt  }
0x49: {  	_ =	shalt  }
0x4a: {  	_ =	shalt  }
0x4b: {  	_ =	shalt  }
0x4c: {  	_ =	shalt  }
0x4d: {  	_ =	shalt  }
0x4e: {  	_ =	shalt  }
0x4f: {  	_ =	shalt  }
0x50: {  	_ =	shalt  }
0x51: {  	_ =	shalt  }
0x52: {  	_ =	shalt  }
0x53: {  	_ =	shalt  }
0x54: {  	_ =	shalt  }
0x55: {  	_ =	shalt  }
0x56: {  	_ =	shalt  }
0x57: {  	_ =	shalt  }
0x58: {  	_ =	shalt  }
0x59: {  	_ =	shalt  }
0x5a: {  	_ =	shalt  }
0x5b: {  	_ =	shalt  }
0x5c: {  	_ =	shalt  }
0x5d: {  	_ =	shalt  }
0x5e: {  	_ =	shalt  }
0x5f: {  	_ =	shalt  }
0x60: {  	_ =	shalt  }
0x61: {  	_ =	shalt  }
0x62: {  	_ =	shalt  }
0x63: {  	_ =	shalt  }
0x64: {  	_ =	shalt  }
0x65: {  	_ =	shalt  }
0x66: {  	_ =	shalt  }
0x67: {  	_ =	shalt  }
0x68: {  	_ =	shalt  }
0x69: {  	_ =	shalt  }
0x6a: {  	_ =	shalt  }
0x6b: {  	_ =	shalt  }
0x6c: {  	_ =	shalt  }
0x6d: {  	_ =	shalt  }
0x6e: {  	_ =	shalt  }
0x6f: {  	_ =	shalt  }
0x70: {  	_ =	shalt  }
0x71: {  	_ =	shalt  }
0x72: {  	_ =	shalt  }
0x73: {  	_ =	shalt  }
0x74: {  	_ =	shalt  }
0x75: {  	_ =	shalt  }
0x76: {  	_ =	shalt  }
0x77: {  	_ =	shalt  }
0x78: {  	_ =	shalt  }
0x79: {  	_ =	shalt  }
0x7a: {  	_ =	shalt  }
0x7b: {  	_ =	shalt  }
0x7c: {  	_ =	shalt  }
0x7d: {  	_ =	shalt  }
0x7e: {  	_ =	shalt  }
0x7f: {  	_ =	shalt  }
0x80: {  	_ =	shalt  }
0x81: {  	_ =	shalt  }
0x82: {  	_ =	shalt  }
0x83: {  	_ =	shalt  }
0x84: {  	_ =	shalt  }
0x85: {  	_ =	shalt  }
0x86: {  	_ =	shalt  }
0x87: {  	_ =	shalt  }
.Lfunc_end0:
.L_simem_size_0:
called_computation.1_lowered:
.L_overlay_start_0:
0x88: {  	s2 =	sld [smem:$0x3FD9]  }
0x89: {  	s3 =	sld [smem:$0x3FFE];
	_ =	sdelay $0x1  }
0x8a: {  	s1 =	srdreg.scid  }
0x8b: {  	s0 =	sand.u32 $0x1, s1  }
0x8c: {  	s17 =	sshll.u32 s0, $0xA;
	s2 =	sadd.s32 s3, s2  }
0x8d: {  	s2 =	sadd.s32 s2, s17  }
0x8e: {  	[smem:$0x3FC6] =	sst s2  }
0x8f: {  	_ = 	snop  }
0x90: {  	s2 =	sld [smem:$0x3FD0];
	(tm) =	ssettm $0x1  }
0x91: {  	s18 =	sld [smem:$0x3FFB];
	_ =	sdelay $0x3  }
0x92: {  	_ =	strace s18  }
0x93: {  	s3 =	sld [smem:$0x3FFC];
	_ =	sdelay $0x3  }
0x94: {  	_ =	strace s3  }
0x95: {  	s3 =	sld [smem:$0x3FFD];
	_ =	sdelay $0x3  }
0x96: {  	_ =	strace s3  }
0x97: {  	_ =	strace $0x8FFFFFFF  }
0x98: {  	s19 =	sld [smem:$0x3FDB];
	_ =	sdelay $0x1  }
0x99: {  	s4 =	simm.s32 $_scs_section_size  }
0x9a: {  	s5 =	simm.s32 $_size__tile_overlayer_lowered;
	s6 =	simm.s32 $_tile_overlayer_lowered  }
0x9b: {  	s22 =	simm.s32 $0x1BFF;
	s21 =	sshll.u32 s6, $0x1;
	s3 =	sadd.s32 s4, s19  }
0x9c: {  	s7 =	simm.s32 $0x0;
	s20 =	sshll.u32 s5, $0x1;
	s5 =	sadd.s32 s21, s3  }
0x9d: {  	[timem:s7], [sflag:s22] =	dma.local [hbm:s5], s20  }
0x9e: {  	_ =	swait.ge [sflag:s22], s20  }
0x9f: {  	s4 =	ssub.s32 $0x0, s20;
	[sflag:s22] =	ssyncset.done $0x0  }
0xa0: {  	[sflag:s22] =	ssyncadd.s32 s4;
	_ =	sdelay $0x1  }
0xa1: {  	s23 =	simm.s32 $0x1B8B  }
0xa2: {  	_ =	swait.ge [sflag:s23], $0x1  }
0xa3: {  	[sflag:s23] =	ssyncset.done $0x0  }
0xa4: {  	s25 =	simm.s32 $0x1B8E;
	s24 =	sld [smem:$0x3FFE];
	[sflag:s23] =	ssyncadd.s32 $0xFFFFFFFF  }
0xa5: {  	s26 =	simm.s32 $execute0_lowered;
	[smem:$0x3FD2] =	sst s25  }
0xa6: {  	s5 =	sshll.u32 s26, $0x1;
	_ =	strace $0x80000046;
	[dreg:$0x1] =	wrdreg $0xFFFFFFFF  }
0xa7: {  	s28 =	simm.s32 $_size_execute0_lowered;
	s3 =	sadd.s32 s3, s5;
	[dreg:$0x0] =	wrdreg $0x0  }
0xa8: {  	s5 =	sshll.u32 s28, $0x1;
	[dreg:$0x2] =	wrdreg s3  }
0xa9: {  	[dreg:$0x3] =	wrdreg s5  }
0xaa: {  	[dreg:$0x4] =	wrdreg $0xC0  }
0xab: {  	_ =	task [dreg:s7], $0x5FFFF  }
0xac: {  	[dreg:$0x1] =	wrdreg $0xFFFFFFFF  }
0xad: {  	[dreg:$0x0] =	wrdreg $0x60  }
0xae: {  	[dreg:$0x2] =	wrdreg s24  }
0xaf: {  	[dreg:$0x3] =	wrdreg s2  }
0xb0: {  	[dreg:$0x4] =	wrdreg $0x9  }
0xb1: {  	_ =	task.clear_ibuf [dreg:s7], $0x5FFFF;
	_ =	strace $0x90000046  }
0xb2: {  	s29 =	simm.s32 $0x9;
	_ =	strace $0x80000048  }
0xb3: {  	_ =	swait.ge [sflag:s29], $0x1  }
0xb4: {  	[sflag:s29] =	ssyncadd.s32 $0xFFFFFFFF  }
0xb5: {  	_ =	strace $0x90000048  }
0xb6: {  	_ =	sfence  }
0xb7: {  	s30 =	sld [smem:$0x0];
	_ =	sdelay $0x2  }
0xb8: {  	s31 =	sshll.u32 s1, $0xD;
	s1 =	sshrl.u32 s1, $0x2  }
0xb9: {  	s3 =	sand.u32 $0x4000, s31;
	s1 =	sadd.s32 s1, s30  }
0xba: {  	s0 =	sor.u32 s3, s0;
	s1 =	sshll.u32 s1, $0x11  }
0xbb: {  	s0 =	sor.u32 s1, s0  }
0xbc: {  	s0 =	sadd.s32 $0x8F2B, s0  }
0xbd: {  	[sflag:s0] =	ssyncadd.remote.s32 $0x1  }
0xbe: {  	_ =	sfence.sel $0xFFFF  }
0xbf: {  	[dreg:$0x0] =	wrdreg $0xFFFFFFFF;
	(pc) =	sbr.abs _section_cstart, $3  }
0xc0: {  	[dreg:$0x1] =	wrdreg $0xFFFFFFFF  }
0xc1: {  	_ =	task.clear_ibuf [dreg:s7], $0x2FFFF;
	_ =	strace $0x9FFFFFFF  }
0xc2: {  	(tm) =	ssettm $0x7FFFFFFF  }
0xc3: {  	_ =	shalt  }
tec
execute0_lowered:
.L_overlay_start_1:
0x0: {  	(tag) =	ssettag $0x1  }
0x1: {  	s0 =	srdreg.scid;
	s6 =	rddreg [dreg:$0x0]  }
0x2: {  	s1 =	stileid.u32;
	s2 =	rddreg [dreg:$0x1]  }
0x3: {  	s4 =	simm.s32 $0x0;
	s12 =	simm.s32 $0xE800;
	s13 =	simm.s32 $0x80  }
0x4: {  	s14 =	simm.s32 $0x10800;
	s15 =	simm.s32 $0x1;
	s16 =	simm.s32 $0x12800  }
0x5: {  	s17 =	simm.s32 $0x2;
	s0 =	sand.u32 $0x1, s0;
	s1 =	sshll.u32 s1, $0x1  }
0x6: {  	s18 =	simm.s32 $0x5;
	s1 =	sor.u32 s0, s1;
	s0 =	ssub.s32 $0x2, s0  }
0x7: {  	s19 =	simm.s32 $0x3;
	s3 =	smul.u32 $0x6400, s1;
	s7 =	sshrl.u32 s0, $0x1  }
0x8: {  	[smem:$0x7FF] =	sst s4;
	s5 =	sadd.s32 $0xF43400, s6;
	s0 =	ssub.s32 s0, s7  }
0x9: {  	_ =	strace $0x80000047;
	s1 =	sshrl.u32 s3, $0x3;
	s0 =	smax.u32 s0, $0x1  }
0xa: {  	s1 =	sadd.s32 s1, s6;
	s6 =	sadd.s32 $0x1A000, s6;
	[dreg:$0x5] =	wrdreg s0  }
0xb: {  	s20 =	simm.s32 $0x6;
	[dreg:$0x3] =	wrdreg s6;
	s1 =	sadd.s32 $0x1000, s1  }
0xc: {  	s21 =	simm.s32 $0x4;
	s6 =	simm.s32 $0x0;
	[dreg:$0x4] =	wrdreg s1  }
.LBB2_1:
0xd: {  	[dreg:$0x6] =	wrdreg s6  }
0xe: {  	s0 =	rddreg [dreg:$0x4];
	s1 =	simm.s32 $0x9  }
0xf: {  	[tilespmem:s4], [sflag:$0x9] =	stream.linear.gather [hbm4b:s0+s4], $0x6400, $0x38;
	[tilespmem:$0x14800] =	vst v63  }
0x10: {  	_ =	swait.ge [sflag:s1], $0x6400  }
0x11: {  	s25 =	simm.s32 $0x6400;
	[sflag:s1] =	ssyncset.done $0x0  }
0x12: {  	s26 =	simm.s32 $0xC800;
	s24 =	rddreg [dreg:$0x3];
	[sflag:s1] =	ssyncadd.s32 $0xFFFF9C00  }
0x13: {  	[tilespmem:s25], [sflag:$0x9] =	stream.linear.gather [hbm4b:s24+s4], $0x6400, $0x38;
	[tilespmem:$0x14800] =	vst v63  }
0x14: {  	s28 =	simm.s32 $0x100;
	s29 =	simm.s32 $0xC7F0;
	_ =	swait.ge [sflag:s1], $0x6400  }
0x15: {  	s30 =	simm.s32 $0x180;
	s31 =	simm.s32 $0x80;
	[sflag:s1] =	ssyncset.done $0x0  }
0x16: {  	s10 =	simm.s32 $0x0;
	s0 =	simm.s32 $0x0;
	[sflag:s1] =	ssyncadd.s32 $0xFFFF9C00  }
0x17: {  	[tilespmem:s26], [sflag:$0x1] =	stream.indirect.gather [hbm4b:s5+s13], $0x40, s4, s13, $0xb8;
	[tilespmem:$0x14800] =	vst v63  }
0x18: {  	s25 =	simm.s32 $0x87F0;
	s1 =	simm.s32 $0x0;
	s26 =	simm.s32 $0xA7F0  }
0x19: {  	[tilespmem:s12], [sflag:$0x2] =	stream.indirect.gather [hbm4b:s5+s13], $0x40, s13, s13, $0xb8;
	[tilespmem:$0x14800] =	vst v63  }
.LBB2_2:
0x1a: {  	s7 =	smulhi.u32 $0x51EB851F, s28;
	_ =	sdelay $0x1  }
0x1b: {  	s7 =	sshrl.u32 s7, $0x6  }
0x1c: {  	s7 =	smul.u32 $0xFFFF3800, s7  }
0x1d: {  	s8 =	smulhi.u32 $0x51EB851F, s31;
	s23 =	sand.u32 $0xFFF8, s1;
	p0 =	seq.s32 s10, $0x0  }
0x1e: {  	s22 =	simm.s32 @!p0 $0x7;
	s9 =	sshra.s32 s7, $0x2;
	s7 =	sshrl.u32 s23, $0x3  }
0x1f: {  	s11 =	sshrl.u32 s8, $0x6;
	s8 =	sshll.u32 s10, $0x2;
	s7 =	smul.u32 $0x147B, s7  }
0x20: {  	s6 =	smulhi.u32 $0x51EB851F, s30;
	_ =	swait.ge @!p0 [sflag:s22], $0x2000;
	s23 =	sor.u32 $0x2, s8  }
0x21: {  	[sflag:s22] =	ssyncset.done @!p0 $0x0;
	s24 =	sshrl.u32 s7, $0x11;
	s7 =	sshll.u32 s23, $0x7  }
0x22: {  	[sflag:s22] =	ssyncadd.s32 @!p0 $0xFFFFE000;
	s23 =	smul.u32 $0x3200, s24;
	s24 =	sand.u32 $0x3FFFFF80, s7  }
0x23: {  	[tilespmem:s14], [sflag:$0x3] =	stream.indirect.gather [hbm4b:s5+s13], $0x40, s24, s13, $0xb8;
	[tilespmem:$0x14800] =	vst v63  }
0x24: {  	s23 =	ssub.s32 s0, s23  }
0x25: {  	s6 =	sshrl.u32 s6, $0x6;
	s22 =	sadd.s32 s9, s26;
	s9 =	sand.u32 $0xFFFF, s23  }
0x26: {  	s6 =	smul.u32 $0xFFFF3800, s6;
	s24 =	sadd.s32 $0x6600, s9  }
0x27: {  	s11 =	smul.u32 $0xFFFF3800, s11;
	v0 =	vmov s24  }
0x28: {  	s6 =	sshra.s32 s6, $0x2  }
0x29: {  	s11 =	sshra.s32 s11, $0x2;
	s6 =	sadd.s32 s6, s29;
	_ =	swait.ge [sflag:s15], $0x2000  }
0x2a: {  	[sflag:s15] =	ssyncset.done $0x0;
	s23 =	sadd.s32 s11, s25;
	s11 =	simm.s32 $0x1000  }
0x2b: {  	[sflag:s15] =	ssyncadd.s32 $0xFFFFE000;
	s9 =	sshll.u32 s10, $0x9;
	s24 =	simm.s32 $0x0  }
.LBB2_3:
0x2c: {  	p1 =	sne.s32 s11, $0x7000;
	v1 =	vld.idx.msk [tilespmem:v0+s24+$0xFFFFFE00 ss:$0x1], $0xffff;
	_ =	sdelay $0x5  }
0x2d: {  	[tilespmem:s24+$0xC800] =	vst.add.f32.msk $0xffff, v1  }
0x2e: {  	v1 =	vld.idx.msk [tilespmem:v0+s24+$0xFFFFFE10 ss:$0x1], $0xffff;
	_ =	sdelay $0x5  }
0x2f: {  	[tilespmem:s24+$0xC810] =	vst.add.f32.msk $0xffff, v1  }
0x30: {  	v1 =	vld.idx.msk [tilespmem:v0+s24+$0xFFFFFE20 ss:$0x1], $0xffff;
	_ =	sdelay $0x5  }
0x31: {  	[tilespmem:s24+$0xC820] =	vst.add.f32.msk $0xffff, v1  }
0x32: {  	v1 =	vld.idx.msk [tilespmem:v0+s24+$0xFFFFFE30 ss:$0x1], $0xffff;
	_ =	sdelay $0x5  }
0x33: {  	[tilespmem:s24+$0xC830] =	vst.add.f32.msk $0xffff, v1  }
0x34: {  	v1 =	vld.idx.msk [tilespmem:v0+s24+$0xFFFFFE40 ss:$0x1], $0xffff;
	_ =	sdelay $0x5  }
0x35: {  	[tilespmem:s24+$0xC840] =	vst.add.f32.msk $0xffff, v1  }
0x36: {  	v1 =	vld.idx.msk [tilespmem:v0+s24+$0xFFFFFE50 ss:$0x1], $0xffff;
	_ =	sdelay $0x5  }
0x37: {  	[tilespmem:s24+$0xC850] =	vst.add.f32.msk $0xffff, v1  }
0x38: {  	v1 =	vld.idx.msk [tilespmem:v0+s24+$0xFFFFFE60 ss:$0x1], $0xffff;
	_ =	sdelay $0x5  }
0x39: {  	[tilespmem:s24+$0xC860] =	vst.add.f32.msk $0xffff, v1  }
0x3a: {  	v1 =	vld.idx.msk [tilespmem:v0+s24+$0xFFFFFE70 ss:$0x1], $0xffff;
	_ =	sdelay $0x5  }
0x3b: {  	[tilespmem:s24+$0xC870] =	vst.add.f32.msk $0xffff, v1  }
0x3c: {  	v1 =	vld.idx.msk [tilespmem:v0+s24+$0xFFFFFE80 ss:$0x1], $0xffff;
	_ =	sdelay $0x5  }
0x3d: {  	[tilespmem:s24+$0xC880] =	vst.add.f32.msk $0xffff, v1  }
0x3e: {  	v1 =	vld.idx.msk [tilespmem:v0+s24+$0xFFFFFE90 ss:$0x1], $0xffff;
	_ =	sdelay $0x5  }
0x3f: {  	[tilespmem:s24+$0xC890] =	vst.add.f32.msk $0xffff, v1  }
0x40: {  	v1 =	vld.idx.msk [tilespmem:v0+s24+$0xFFFFFEA0 ss:$0x1], $0xffff;
	_ =	sdelay $0x5  }
0x41: {  	[tilespmem:s24+$0xC8A0] =	vst.add.f32.msk $0xffff, v1  }
0x42: {  	v1 =	vld.idx.msk [tilespmem:v0+s24+$0xFFFFFEB0 ss:$0x1], $0xffff;
	_ =	sdelay $0x5  }
0x43: {  	[tilespmem:s24+$0xC8B0] =	vst.add.f32.msk $0xffff, v1  }
0x44: {  	v1 =	vld.idx.msk [tilespmem:v0+s24+$0xFFFFFEC0 ss:$0x1], $0xffff;
	_ =	sdelay $0x5  }
0x45: {  	[tilespmem:s24+$0xC8C0] =	vst.add.f32.msk $0xffff, v1  }
0x46: {  	v1 =	vld.idx.msk [tilespmem:v0+s24+$0xFFFFFED0 ss:$0x1], $0xffff;
	_ =	sdelay $0x5  }
0x47: {  	[tilespmem:s24+$0xC8D0] =	vst.add.f32.msk $0xffff, v1  }
0x48: {  	v1 =	vld.idx.msk [tilespmem:v0+s24+$0xFFFFFEE0 ss:$0x1], $0xffff;
	_ =	sdelay $0x5  }
0x49: {  	[tilespmem:s24+$0xC8E0] =	vst.add.f32.msk $0xffff, v1  }
0x4a: {  	v1 =	vld.idx.msk [tilespmem:v0+s24+$0xFFFFFEF0 ss:$0x1], $0xffff;
	_ =	sdelay $0x5  }
0x4b: {  	[tilespmem:s24+$0xC8F0] =	vst.add.f32.msk $0xffff, v1  }
0x4c: {  	v1 =	vld.idx.msk [tilespmem:v0+s24+$0xFFFFFF00 ss:$0x1], $0xffff;
	_ =	sdelay $0x5  }
0x4d: {  	[tilespmem:s24+$0xC900] =	vst.add.f32.msk $0xffff, v1  }
0x4e: {  	v1 =	vld.idx.msk [tilespmem:v0+s24+$0xFFFFFF10 ss:$0x1], $0xffff;
	_ =	sdelay $0x5  }
0x4f: {  	[tilespmem:s24+$0xC910] =	vst.add.f32.msk $0xffff, v1  }
0x50: {  	v1 =	vld.idx.msk [tilespmem:v0+s24+$0xFFFFFF20 ss:$0x1], $0xffff;
	_ =	sdelay $0x5  }
0x51: {  	[tilespmem:s24+$0xC920] =	vst.add.f32.msk $0xffff, v1  }
0x52: {  	v1 =	vld.idx.msk [tilespmem:v0+s24+$0xFFFFFF30 ss:$0x1], $0xffff;
	_ =	sdelay $0x5  }
0x53: {  	[tilespmem:s24+$0xC930] =	vst.add.f32.msk $0xffff, v1  }
0x54: {  	v1 =	vld.idx.msk [tilespmem:v0+s24+$0xFFFFFF40 ss:$0x1], $0xffff;
	_ =	sdelay $0x5  }
0x55: {  	[tilespmem:s24+$0xC940] =	vst.add.f32.msk $0xffff, v1  }
0x56: {  	v1 =	vld.idx.msk [tilespmem:v0+s24+$0xFFFFFF50 ss:$0x1], $0xffff;
	_ =	sdelay $0x5  }
0x57: {  	[tilespmem:s24+$0xC950] =	vst.add.f32.msk $0xffff, v1  }
0x58: {  	v1 =	vld.idx.msk [tilespmem:v0+s24+$0xFFFFFF60 ss:$0x1], $0xffff;
	_ =	sdelay $0x5  }
0x59: {  	[tilespmem:s24+$0xC960] =	vst.add.f32.msk $0xffff, v1  }
0x5a: {  	v1 =	vld.idx.msk [tilespmem:v0+s24+$0xFFFFFF70 ss:$0x1], $0xffff;
	_ =	sdelay $0x5  }
0x5b: {  	[tilespmem:s24+$0xC970] =	vst.add.f32.msk $0xffff, v1  }
0x5c: {  	v1 =	vld.idx.msk [tilespmem:v0+s24+$0xFFFFFF80 ss:$0x1], $0xffff;
	_ =	sdelay $0x5  }
0x5d: {  	[tilespmem:s24+$0xC980] =	vst.add.f32.msk $0xffff, v1  }
0x5e: {  	v1 =	vld.idx.msk [tilespmem:v0+s24+$0xFFFFFF90 ss:$0x1], $0xffff;
	_ =	sdelay $0x5  }
0x5f: {  	[tilespmem:s24+$0xC990] =	vst.add.f32.msk $0xffff, v1  }
0x60: {  	v1 =	vld.idx.msk [tilespmem:v0+s24+$0xFFFFFFA0 ss:$0x1], $0xffff;
	_ =	sdelay $0x5  }
0x61: {  	[tilespmem:s24+$0xC9A0] =	vst.add.f32.msk $0xffff, v1  }
0x62: {  	v1 =	vld.idx.msk [tilespmem:v0+s24+$0xFFFFFFB0 ss:$0x1], $0xffff;
	_ =	sdelay $0x5  }
0x63: {  	[tilespmem:s24+$0xC9B0] =	vst.add.f32.msk $0xffff, v1  }
0x64: {  	v1 =	vld.idx.msk [tilespmem:v0+s24+$0xFFFFFFC0 ss:$0x1], $0xffff;
	_ =	sdelay $0x5  }
0x65: {  	[tilespmem:s24+$0xC9C0] =	vst.add.f32.msk $0xffff, v1  }
0x66: {  	v1 =	vld.idx.msk [tilespmem:v0+s24+$0xFFFFFFD0 ss:$0x1], $0xffff;
	_ =	sdelay $0x5  }
0x67: {  	[tilespmem:s24+$0xC9D0] =	vst.add.f32.msk $0xffff, v1  }
0x68: {  	v1 =	vld.idx.msk [tilespmem:v0+s24+$0xFFFFFFE0 ss:$0x1], $0xffff;
	_ =	sdelay $0x5  }
0x69: {  	[tilespmem:s24+$0xC9E0] =	vst.add.f32.msk $0xffff, v1  }
0x6a: {  	v1 =	vld.idx.msk [tilespmem:v0+s24+$0xFFFFFFF0 ss:$0x1], $0xffff;
	_ =	sdelay $0x5  }
0x6b: {  	[tilespmem:s24+$0xC9F0] =	vst.add.f32.msk $0xffff, v1  }
0x6c: {  	v1 =	vld.idx.msk [tilespmem:v0+s24+$0x0 ss:$0x1], $0xffff;
	_ =	sdelay $0x5  }
0x6d: {  	[tilespmem:s24+$0xCA00] =	vst.add.f32.msk $0xffff, v1  }
0x6e: {  	v1 =	vld.idx.msk [tilespmem:v0+s24+$0x10 ss:$0x1], $0xffff;
	_ =	sdelay $0x5  }
0x6f: {  	[tilespmem:s24+$0xCA10] =	vst.add.f32.msk $0xffff, v1  }
0x70: {  	v1 =	vld.idx.msk [tilespmem:v0+s24+$0x20 ss:$0x1], $0xffff;
	_ =	sdelay $0x5  }
0x71: {  	[tilespmem:s24+$0xCA20] =	vst.add.f32.msk $0xffff, v1  }
0x72: {  	v1 =	vld.idx.msk [tilespmem:v0+s24+$0x30 ss:$0x1], $0xffff;
	_ =	sdelay $0x5  }
0x73: {  	[tilespmem:s24+$0xCA30] =	vst.add.f32.msk $0xffff, v1  }
0x74: {  	v1 =	vld.idx.msk [tilespmem:v0+s24+$0x40 ss:$0x1], $0xffff;
	_ =	sdelay $0x5  }
0x75: {  	[tilespmem:s24+$0xCA40] =	vst.add.f32.msk $0xffff, v1  }
0x76: {  	v1 =	vld.idx.msk [tilespmem:v0+s24+$0x50 ss:$0x1], $0xffff;
	_ =	sdelay $0x5  }
0x77: {  	[tilespmem:s24+$0xCA50] =	vst.add.f32.msk $0xffff, v1  }
0x78: {  	v1 =	vld.idx.msk [tilespmem:v0+s24+$0x60 ss:$0x1], $0xffff;
	_ =	sdelay $0x5  }
0x79: {  	[tilespmem:s24+$0xCA60] =	vst.add.f32.msk $0xffff, v1  }
0x7a: {  	v1 =	vld.idx.msk [tilespmem:v0+s24+$0x70 ss:$0x1], $0xffff;
	_ =	sdelay $0x5  }
0x7b: {  	[tilespmem:s24+$0xCA70] =	vst.add.f32.msk $0xffff, v1  }
0x7c: {  	v1 =	vld.idx.msk [tilespmem:v0+s24+$0x80 ss:$0x1], $0xffff;
	_ =	sdelay $0x5  }
0x7d: {  	[tilespmem:s24+$0xCA80] =	vst.add.f32.msk $0xffff, v1  }
0x7e: {  	v1 =	vld.idx.msk [tilespmem:v0+s24+$0x90 ss:$0x1], $0xffff;
	_ =	sdelay $0x5  }
0x7f: {  	[tilespmem:s24+$0xCA90] =	vst.add.f32.msk $0xffff, v1  }
0x80: {  	v1 =	vld.idx.msk [tilespmem:v0+s24+$0xA0 ss:$0x1], $0xffff;
	_ =	sdelay $0x5  }
0x81: {  	[tilespmem:s24+$0xCAA0] =	vst.add.f32.msk $0xffff, v1  }
0x82: {  	v1 =	vld.idx.msk [tilespmem:v0+s24+$0xB0 ss:$0x1], $0xffff;
	_ =	sdelay $0x5  }
0x83: {  	[tilespmem:s24+$0xCAB0] =	vst.add.f32.msk $0xffff, v1  }
0x84: {  	v1 =	vld.idx.msk [tilespmem:v0+s24+$0xC0 ss:$0x1], $0xffff;
	_ =	sdelay $0x5  }
0x85: {  	[tilespmem:s24+$0xCAC0] =	vst.add.f32.msk $0xffff, v1  }
0x86: {  	v1 =	vld.idx.msk [tilespmem:v0+s24+$0xD0 ss:$0x1], $0xffff;
	_ =	sdelay $0x5  }
0x87: {  	[tilespmem:s24+$0xCAD0] =	vst.add.f32.msk $0xffff, v1  }
0x88: {  	v1 =	vld.idx.msk [tilespmem:v0+s24+$0xE0 ss:$0x1], $0xffff;
	_ =	sdelay $0x5  }
0x89: {  	[tilespmem:s24+$0xCAE0] =	vst.add.f32.msk $0xffff, v1  }
0x8a: {  	v1 =	vld.idx.msk [tilespmem:v0+s24+$0xF0 ss:$0x1], $0xffff;
	_ =	sdelay $0x5  }
0x8b: {  	[tilespmem:s24+$0xCAF0] =	vst.add.f32.msk $0xffff, v1  }
0x8c: {  	v1 =	vld.idx.msk [tilespmem:v0+s24+$0x100 ss:$0x1], $0xffff;
	_ =	sdelay $0x5  }
0x8d: {  	[tilespmem:s24+$0xCB00] =	vst.add.f32.msk $0xffff, v1  }
0x8e: {  	v1 =	vld.idx.msk [tilespmem:v0+s24+$0x110 ss:$0x1], $0xffff;
	_ =	sdelay $0x5  }
0x8f: {  	[tilespmem:s24+$0xCB10] =	vst.add.f32.msk $0xffff, v1  }
0x90: {  	v1 =	vld.idx.msk [tilespmem:v0+s24+$0x120 ss:$0x1], $0xffff;
	_ =	sdelay $0x5  }
0x91: {  	[tilespmem:s24+$0xCB20] =	vst.add.f32.msk $0xffff, v1  }
0x92: {  	v1 =	vld.idx.msk [tilespmem:v0+s24+$0x130 ss:$0x1], $0xffff;
	_ =	sdelay $0x5  }
0x93: {  	[tilespmem:s24+$0xCB30] =	vst.add.f32.msk $0xffff, v1  }
0x94: {  	v1 =	vld.idx.msk [tilespmem:v0+s24+$0x140 ss:$0x1], $0xffff;
	_ =	sdelay $0x5  }
0x95: {  	[tilespmem:s24+$0xCB40] =	vst.add.f32.msk $0xffff, v1  }
0x96: {  	v1 =	vld.idx.msk [tilespmem:v0+s24+$0x150 ss:$0x1], $0xffff;
	_ =	sdelay $0x5  }
0x97: {  	[tilespmem:s24+$0xCB50] =	vst.add.f32.msk $0xffff, v1  }
0x98: {  	v1 =	vld.idx.msk [tilespmem:v0+s24+$0x160 ss:$0x1], $0xffff;
	_ =	sdelay $0x5  }
0x99: {  	[tilespmem:s24+$0xCB60] =	vst.add.f32.msk $0xffff, v1  }
0x9a: {  	v1 =	vld.idx.msk [tilespmem:v0+s24+$0x170 ss:$0x1], $0xffff;
	_ =	sdelay $0x5  }
0x9b: {  	[tilespmem:s24+$0xCB70] =	vst.add.f32.msk $0xffff, v1  }
0x9c: {  	v1 =	vld.idx.msk [tilespmem:v0+s24+$0x180 ss:$0x1], $0xffff;
	_ =	sdelay $0x5  }
0x9d: {  	[tilespmem:s24+$0xCB80] =	vst.add.f32.msk $0xffff, v1  }
0x9e: {  	v1 =	vld.idx.msk [tilespmem:v0+s24+$0x190 ss:$0x1], $0xffff;
	_ =	sdelay $0x5  }
0x9f: {  	[tilespmem:s24+$0xCB90] =	vst.add.f32.msk $0xffff, v1  }
0xa0: {  	v1 =	vld.idx.msk [tilespmem:v0+s24+$0x1A0 ss:$0x1], $0xffff;
	_ =	sdelay $0x5  }
0xa1: {  	[tilespmem:s24+$0xCBA0] =	vst.add.f32.msk $0xffff, v1  }
0xa2: {  	v1 =	vld.idx.msk [tilespmem:v0+s24+$0x1B0 ss:$0x1], $0xffff;
	_ =	sdelay $0x5  }
0xa3: {  	[tilespmem:s24+$0xCBB0] =	vst.add.f32.msk $0xffff, v1  }
0xa4: {  	v1 =	vld.idx.msk [tilespmem:v0+s24+$0x1C0 ss:$0x1], $0xffff;
	_ =	sdelay $0x5  }
0xa5: {  	[tilespmem:s24+$0xCBC0] =	vst.add.f32.msk $0xffff, v1  }
0xa6: {  	v1 =	vld.idx.msk [tilespmem:v0+s24+$0x1D0 ss:$0x1], $0xffff;
	_ =	sdelay $0x5  }
0xa7: {  	[tilespmem:s24+$0xCBD0] =	vst.add.f32.msk $0xffff, v1  }
0xa8: {  	v1 =	vld.idx.msk [tilespmem:v0+s24+$0x1E0 ss:$0x1], $0xffff;
	_ =	sdelay $0x5  }
0xa9: {  	[tilespmem:s24+$0xCBE0] =	vst.add.f32.msk $0xffff, v1  }
0xaa: {  	v1 =	vld.idx.msk [tilespmem:v0+s24+$0x1F0 ss:$0x1], $0xffff;
	_ =	sdelay $0x1  }
.Ltmp0:
0xab: {  	(pc) =	sbr.rel @p1 .LBB2_3-.Ltmp0, $2  }
0xac: {  	_ =	sdelay $0x2  }
0xad: {  	[tilespmem:s24+$0xCBF0] =	vst.add.f32.msk $0xffff, v1;
	s24 =	sshra.s32 s11, $0x2;
	s11 =	sadd.s32 $0x1000, s11  }
0xae: {  	_ =	sdelay $0x3  }
0xaf: {  	v1 =	vld.idx.msk [tilespmem:v0+s24+$0xFFFFFE00 ss:$0x1], $0xffff;
	_ =	sdelay $0x4  }
0xb0: {  	[tilespmem:s24+$0xC800] =	vst.add.f32.msk $0xffff, v1  }
0xb1: {  	v1 =	vld.idx.msk [tilespmem:v0+s24+$0xFFFFFE10 ss:$0x1], $0xffff;
	_ =	sdelay $0x4  }
0xb2: {  	[tilespmem:s24+$0xC810] =	vst.add.f32.msk $0xffff, v1  }
0xb3: {  	v1 =	vld.idx.msk [tilespmem:v0+s24+$0xFFFFFE20 ss:$0x1], $0xffff;
	_ =	sdelay $0x4  }
0xb4: {  	[tilespmem:s24+$0xC820] =	vst.add.f32.msk $0xffff, v1  }
0xb5: {  	v1 =	vld.idx.msk [tilespmem:v0+s24+$0xFFFFFE30 ss:$0x1], $0xffff;
	_ =	sdelay $0x4  }
0xb6: {  	[tilespmem:s24+$0xC830] =	vst.add.f32.msk $0xffff, v1  }
0xb7: {  	v1 =	vld.idx.msk [tilespmem:v0+s24+$0xFFFFFE40 ss:$0x1], $0xffff;
	_ =	sdelay $0x4  }
0xb8: {  	[tilespmem:s24+$0xC840] =	vst.add.f32.msk $0xffff, v1  }
0xb9: {  	v1 =	vld.idx.msk [tilespmem:v0+s24+$0xFFFFFE50 ss:$0x1], $0xffff;
	_ =	sdelay $0x4  }
0xba: {  	[tilespmem:s24+$0xC850] =	vst.add.f32.msk $0xffff, v1  }
0xbb: {  	v1 =	vld.idx.msk [tilespmem:v0+s24+$0xFFFFFE60 ss:$0x1], $0xffff;
	_ =	sdelay $0x4  }
0xbc: {  	[tilespmem:s24+$0xC860] =	vst.add.f32.msk $0xffff, v1  }
0xbd: {  	v1 =	vld.idx.msk [tilespmem:v0+s24+$0xFFFFFE70 ss:$0x1], $0xffff;
	_ =	sdelay $0x4  }
0xbe: {  	[tilespmem:s24+$0xC870] =	vst.add.f32.msk $0xffff, v1  }
0xbf: {  	v1 =	vld.idx.msk [tilespmem:v0+s24+$0xFFFFFE80 ss:$0x1], $0xffff;
	_ =	sdelay $0x4  }
0xc0: {  	[tilespmem:s24+$0xC880] =	vst.add.f32.msk $0xffff, v1  }
0xc1: {  	v1 =	vld.idx.msk [tilespmem:v0+s24+$0xFFFFFE90 ss:$0x1], $0xffff;
	_ =	sdelay $0x4  }
0xc2: {  	[tilespmem:s24+$0xC890] =	vst.add.f32.msk $0xffff, v1  }
0xc3: {  	v1 =	vld.idx.msk [tilespmem:v0+s24+$0xFFFFFEA0 ss:$0x1], $0xffff;
	_ =	sdelay $0x4  }
0xc4: {  	[tilespmem:s24+$0xC8A0] =	vst.add.f32.msk $0xffff, v1  }
0xc5: {  	v1 =	vld.idx.msk [tilespmem:v0+s24+$0xFFFFFEB0 ss:$0x1], $0xffff;
	_ =	sdelay $0x4  }
0xc6: {  	[tilespmem:s24+$0xC8B0] =	vst.add.f32.msk $0xffff, v1  }
0xc7: {  	v1 =	vld.idx.msk [tilespmem:v0+s24+$0xFFFFFEC0 ss:$0x1], $0xffff;
	_ =	sdelay $0x4  }
0xc8: {  	[tilespmem:s24+$0xC8C0] =	vst.add.f32.msk $0xffff, v1  }
0xc9: {  	v1 =	vld.idx.msk [tilespmem:v0+s24+$0xFFFFFED0 ss:$0x1], $0xffff;
	_ =	sdelay $0x4  }
0xca: {  	[tilespmem:s24+$0xC8D0] =	vst.add.f32.msk $0xffff, v1  }
0xcb: {  	v1 =	vld.idx.msk [tilespmem:v0+s24+$0xFFFFFEE0 ss:$0x1], $0xffff;
	_ =	sdelay $0x4  }
0xcc: {  	[tilespmem:s24+$0xC8E0] =	vst.add.f32.msk $0xffff, v1  }
0xcd: {  	v1 =	vld.idx.msk [tilespmem:v0+s24+$0xFFFFFEF0 ss:$0x1], $0xffff;
	_ =	sdelay $0x4  }
0xce: {  	[tilespmem:s24+$0xC8F0] =	vst.add.f32.msk $0xffff, v1  }
0xcf: {  	v1 =	vld.idx.msk [tilespmem:v0+s24+$0xFFFFFF00 ss:$0x1], $0xffff;
	_ =	sdelay $0x4  }
0xd0: {  	[tilespmem:s24+$0xC900] =	vst.add.f32.msk $0xffff, v1  }
0xd1: {  	v1 =	vld.idx.msk [tilespmem:v0+s24+$0xFFFFFF10 ss:$0x1], $0xffff;
	_ =	sdelay $0x4  }
0xd2: {  	[tilespmem:s24+$0xC910] =	vst.add.f32.msk $0xffff, v1  }
0xd3: {  	v1 =	vld.idx.msk [tilespmem:v0+s24+$0xFFFFFF20 ss:$0x1], $0xffff;
	_ =	sdelay $0x4  }
0xd4: {  	[tilespmem:s24+$0xC920] =	vst.add.f32.msk $0xffff, v1  }
0xd5: {  	v1 =	vld.idx.msk [tilespmem:v0+s24+$0xFFFFFF30 ss:$0x1], $0xffff;
	_ =	sdelay $0x4  }
0xd6: {  	[tilespmem:s24+$0xC930] =	vst.add.f32.msk $0xffff, v1  }
0xd7: {  	v1 =	vld.idx.msk [tilespmem:v0+s24+$0xFFFFFF40 ss:$0x1], $0xffff;
	_ =	sdelay $0x4  }
0xd8: {  	[tilespmem:s24+$0xC940] =	vst.add.f32.msk $0xffff, v1  }
0xd9: {  	v1 =	vld.idx.msk [tilespmem:v0+s24+$0xFFFFFF50 ss:$0x1], $0xffff;
	_ =	sdelay $0x4  }
0xda: {  	[tilespmem:s24+$0xC950] =	vst.add.f32.msk $0xffff, v1  }
0xdb: {  	v1 =	vld.idx.msk [tilespmem:v0+s24+$0xFFFFFF60 ss:$0x1], $0xffff;
	_ =	sdelay $0x4  }
0xdc: {  	[tilespmem:s24+$0xC960] =	vst.add.f32.msk $0xffff, v1  }
0xdd: {  	v1 =	vld.idx.msk [tilespmem:v0+s24+$0xFFFFFF70 ss:$0x1], $0xffff;
	_ =	sdelay $0x4  }
0xde: {  	[tilespmem:s24+$0xC970] =	vst.add.f32.msk $0xffff, v1  }
0xdf: {  	v1 =	vld.idx.msk [tilespmem:v0+s24+$0xFFFFFF80 ss:$0x1], $0xffff;
	_ =	sdelay $0x4  }
0xe0: {  	[tilespmem:s24+$0xC980] =	vst.add.f32.msk $0xffff, v1  }
0xe1: {  	v1 =	vld.idx.msk [tilespmem:v0+s24+$0xFFFFFF90 ss:$0x1], $0xffff;
	_ =	sdelay $0x4  }
0xe2: {  	[tilespmem:s24+$0xC990] =	vst.add.f32.msk $0xffff, v1  }
0xe3: {  	v1 =	vld.idx.msk [tilespmem:v0+s24+$0xFFFFFFA0 ss:$0x1], $0xffff;
	_ =	sdelay $0x4  }
0xe4: {  	[tilespmem:s24+$0xC9A0] =	vst.add.f32.msk $0xffff, v1  }
0xe5: {  	v1 =	vld.idx.msk [tilespmem:v0+s24+$0xFFFFFFB0 ss:$0x1], $0xffff;
	_ =	sdelay $0x4  }
0xe6: {  	[tilespmem:s24+$0xC9B0] =	vst.add.f32.msk $0xffff, v1  }
0xe7: {  	v1 =	vld.idx.msk [tilespmem:v0+s24+$0xFFFFFFC0 ss:$0x1], $0xffff;
	_ =	sdelay $0x4  }
0xe8: {  	[tilespmem:s24+$0xC9C0] =	vst.add.f32.msk $0xffff, v1  }
0xe9: {  	v1 =	vld.idx.msk [tilespmem:v0+s24+$0xFFFFFFD0 ss:$0x1], $0xffff;
	_ =	sdelay $0x4  }
0xea: {  	[tilespmem:s24+$0xC9D0] =	vst.add.f32.msk $0xffff, v1  }
0xeb: {  	v1 =	vld.idx.msk [tilespmem:v0+s24+$0xFFFFFFE0 ss:$0x1], $0xffff;
	_ =	sdelay $0x4  }
0xec: {  	[tilespmem:s24+$0xC9E0] =	vst.add.f32.msk $0xffff, v1  }
0xed: {  	v1 =	vld.idx.msk [tilespmem:v0+s24+$0xFFFFFFF0 ss:$0x1], $0xffff;
	_ =	sdelay $0x4  }
0xee: {  	[tilespmem:s24+$0xC9F0] =	vst.add.f32.msk $0xffff, v1  }
0xef: {  	v1 =	vld.idx.msk [tilespmem:v0+s24+$0x0 ss:$0x1], $0xffff;
	_ =	sdelay $0x4  }
0xf0: {  	[tilespmem:s24+$0xCA00] =	vst.add.f32.msk $0xffff, v1  }
0xf1: {  	v1 =	vld.idx.msk [tilespmem:v0+s24+$0x10 ss:$0x1], $0xffff;
	_ =	sdelay $0x4  }
0xf2: {  	[tilespmem:s24+$0xCA10] =	vst.add.f32.msk $0xffff, v1  }
0xf3: {  	v1 =	vld.idx.msk [tilespmem:v0+s24+$0x20 ss:$0x1], $0xffff;
	_ =	sdelay $0x4  }
0xf4: {  	[tilespmem:s24+$0xCA20] =	vst.add.f32.msk $0xffff, v1  }
0xf5: {  	v1 =	vld.idx.msk [tilespmem:v0+s24+$0x30 ss:$0x1], $0xffff;
	_ =	sdelay $0x4  }
0xf6: {  	[tilespmem:s24+$0xCA30] =	vst.add.f32.msk $0xffff, v1  }
0xf7: {  	v1 =	vld.idx.msk [tilespmem:v0+s24+$0x40 ss:$0x1], $0xffff;
	_ =	sdelay $0x4  }
0xf8: {  	[tilespmem:s24+$0xCA40] =	vst.add.f32.msk $0xffff, v1  }
0xf9: {  	v1 =	vld.idx.msk [tilespmem:v0+s24+$0x50 ss:$0x1], $0xffff;
	_ =	sdelay $0x4  }
0xfa: {  	[tilespmem:s24+$0xCA50] =	vst.add.f32.msk $0xffff, v1  }
0xfb: {  	v1 =	vld.idx.msk [tilespmem:v0+s24+$0x60 ss:$0x1], $0xffff;
	_ =	sdelay $0x4  }
0xfc: {  	[tilespmem:s24+$0xCA60] =	vst.add.f32.msk $0xffff, v1  }
0xfd: {  	v1 =	vld.idx.msk [tilespmem:v0+s24+$0x70 ss:$0x1], $0xffff;
	_ =	sdelay $0x4  }
0xfe: {  	[tilespmem:s24+$0xCA70] =	vst.add.f32.msk $0xffff, v1  }
0xff: {  	v1 =	vld.idx.msk [tilespmem:v0+s24+$0x80 ss:$0x1], $0xffff;
	_ =	sdelay $0x4  }
0x100: {  	[tilespmem:s24+$0xCA80] =	vst.add.f32.msk $0xffff, v1  }
0x101: {  	v1 =	vld.idx.msk [tilespmem:v0+s24+$0x90 ss:$0x1], $0xffff;
	_ =	sdelay $0x4  }
0x102: {  	[tilespmem:s24+$0xCA90] =	vst.add.f32.msk $0xffff, v1  }
0x103: {  	v1 =	vld.idx.msk [tilespmem:v0+s24+$0xA0 ss:$0x1], $0xffff;
	_ =	sdelay $0x4  }
0x104: {  	[tilespmem:s24+$0xCAA0] =	vst.add.f32.msk $0xffff, v1  }
0x105: {  	v1 =	vld.idx.msk [tilespmem:v0+s24+$0xB0 ss:$0x1], $0xffff;
	_ =	sdelay $0x4  }
0x106: {  	[tilespmem:s24+$0xCAB0] =	vst.add.f32.msk $0xffff, v1  }
0x107: {  	v1 =	vld.idx.msk [tilespmem:v0+s24+$0xC0 ss:$0x1], $0xffff;
	_ =	sdelay $0x4  }
0x108: {  	[tilespmem:s24+$0xCAC0] =	vst.add.f32.msk $0xffff, v1  }
0x109: {  	v1 =	vld.idx.msk [tilespmem:v0+s24+$0xD0 ss:$0x1], $0xffff;
	_ =	sdelay $0x4  }
0x10a: {  	[tilespmem:s24+$0xCAD0] =	vst.add.f32.msk $0xffff, v1  }
0x10b: {  	v1 =	vld.idx.msk [tilespmem:v0+s24+$0xE0 ss:$0x1], $0xffff;
	_ =	sdelay $0x4  }
0x10c: {  	[tilespmem:s24+$0xCAE0] =	vst.add.f32.msk $0xffff, v1  }
0x10d: {  	v1 =	vld.idx.msk [tilespmem:v0+s24+$0xF0 ss:$0x1], $0xffff;
	_ =	sdelay $0x4  }
0x10e: {  	[tilespmem:s24+$0xCAF0] =	vst.add.f32.msk $0xffff, v1  }
0x10f: {  	v1 =	vld.idx.msk [tilespmem:v0+s24+$0x100 ss:$0x1], $0xffff;
	_ =	sdelay $0x4  }
0x110: {  	[tilespmem:s24+$0xCB00] =	vst.add.f32.msk $0xffff, v1  }
0x111: {  	v1 =	vld.idx.msk [tilespmem:v0+s24+$0x110 ss:$0x1], $0xffff;
	_ =	sdelay $0x4  }
0x112: {  	[tilespmem:s24+$0xCB10] =	vst.add.f32.msk $0xffff, v1  }
0x113: {  	v1 =	vld.idx.msk [tilespmem:v0+s24+$0x120 ss:$0x1], $0xffff;
	_ =	sdelay $0x4  }
0x114: {  	[tilespmem:s24+$0xCB20] =	vst.add.f32.msk $0xffff, v1  }
0x115: {  	v1 =	vld.idx.msk [tilespmem:v0+s24+$0x130 ss:$0x1], $0xffff;
	_ =	sdelay $0x4  }
0x116: {  	[tilespmem:s24+$0xCB30] =	vst.add.f32.msk $0xffff, v1  }
0x117: {  	v1 =	vld.idx.msk [tilespmem:v0+s24+$0x140 ss:$0x1], $0xffff;
	_ =	sdelay $0x4  }
0x118: {  	[tilespmem:s24+$0xCB40] =	vst.add.f32.msk $0xffff, v1  }
0x119: {  	v1 =	vld.idx.msk [tilespmem:v0+s24+$0x150 ss:$0x1], $0xffff;
	_ =	sdelay $0x4  }
0x11a: {  	[tilespmem:s24+$0xCB50] =	vst.add.f32.msk $0xffff, v1  }
0x11b: {  	v1 =	vld.idx.msk [tilespmem:v0+s24+$0x160 ss:$0x1], $0xffff;
	_ =	sdelay $0x4  }
0x11c: {  	[tilespmem:s24+$0xCB60] =	vst.add.f32.msk $0xffff, v1  }
0x11d: {  	v1 =	vld.idx.msk [tilespmem:v0+s24+$0x170 ss:$0x1], $0xffff;
	_ =	sdelay $0x4  }
0x11e: {  	[tilespmem:s24+$0xCB70] =	vst.add.f32.msk $0xffff, v1  }
0x11f: {  	v1 =	vld.idx.msk [tilespmem:v0+s24+$0x180 ss:$0x1], $0xffff;
	_ =	sdelay $0x4  }
0x120: {  	[tilespmem:s24+$0xCB80] =	vst.add.f32.msk $0xffff, v1  }
0x121: {  	v1 =	vld.idx.msk [tilespmem:v0+s24+$0x190 ss:$0x1], $0xffff;
	_ =	sdelay $0x4  }
0x122: {  	[tilespmem:s24+$0xCB90] =	vst.add.f32.msk $0xffff, v1  }
0x123: {  	v1 =	vld.idx.msk [tilespmem:v0+s24+$0x1A0 ss:$0x1], $0xffff;
	_ =	sdelay $0x4  }
0x124: {  	[tilespmem:s24+$0xCBA0] =	vst.add.f32.msk $0xffff, v1  }
0x125: {  	v1 =	vld.idx.msk [tilespmem:v0+s24+$0x1B0 ss:$0x1], $0xffff;
	_ =	sdelay $0x4  }
0x126: {  	[tilespmem:s24+$0xCBB0] =	vst.add.f32.msk $0xffff, v1  }
0x127: {  	v1 =	vld.idx.msk [tilespmem:v0+s24+$0x1C0 ss:$0x1], $0xffff;
	_ =	sdelay $0x4  }
0x128: {  	[tilespmem:s24+$0xCBC0] =	vst.add.f32.msk $0xffff, v1  }
0x129: {  	v1 =	vld.idx.msk [tilespmem:v0+s24+$0x1D0 ss:$0x1], $0xffff;
	_ =	sdelay $0x4  }
0x12a: {  	[tilespmem:s24+$0xCBD0] =	vst.add.f32.msk $0xffff, v1  }
0x12b: {  	v1 =	vld.idx.msk [tilespmem:v0+s24+$0x1E0 ss:$0x1], $0xffff;
	_ =	sdelay $0x4  }
0x12c: {  	[tilespmem:s24+$0xCBE0] =	vst.add.f32.msk $0xffff, v1  }
0x12d: {  	v0 =	vld.idx.msk [tilespmem:v0+s24+$0x1F0 ss:$0x1], $0xffff;
	_ =	sdelay $0x2  }
0x12e: {  	s11 =	sadd.s32 s3, s9  }
0x12f: {  	s11 =	sshll.u32 s11, $0x3  }
0x130: {  	s11 =	sadd.s32 s2, s11;
	[tilespmem:s24+$0xCBF0] =	vst.add.f32.msk $0xffff, v0;
	s24 =	simm.s32 $0xC800  }
0x131: {  	[hbm4b:s11+s4] =	stream.linear.scatter [tilespmem:s24], [sflag:$0x5], $0x2000, $0x38;
	[tilespmem:$0x14800] =	vst v63  }
0x132: {  	s11 =	simm.s32 @!p0 $0x8  }
0x133: {  	s8 =	sor.u32 $0x3, s8;
	_ =	swait.ge @!p0 [sflag:s11], $0x2000  }
0x134: {  	s8 =	sshll.u32 s8, $0x7;
	[sflag:s11] =	ssyncset.done @!p0 $0x0  }
0x135: {  	v0 =	vmov s23;
	s24 =	sand.u32 $0x3FFFFF80, s8;
	[sflag:s11] =	ssyncadd.s32 @!p0 $0xFFFFE000  }
0x136: {  	[tilespmem:s16], [sflag:$0x4] =	stream.indirect.gather [hbm4b:s5+s13], $0x40, s24, s13, $0xb8;
	[tilespmem:$0x14800] =	vst v63  }
0x137: {  	_ =	swait.ge [sflag:s17], $0x2000  }
0x138: {  	s9 =	sor.u32 $0x80, s9;
	[sflag:s17] =	ssyncset.done $0x0  }
0x139: {  	s23 =	simm.s32 $0x0;
	s11 =	simm.s32 $0x1000;
	[sflag:s17] =	ssyncadd.s32 $0xFFFFE000  }
.LBB2_5:
0x13a: {  	p0 =	sne.s32 s11, $0x7000;
	v1 =	vld.idx.msk [tilespmem:v0+s23+$0xFFFFFC10 ss:$0x1], $0xffff;
	_ =	sdelay $0x5  }
0x13b: {  	[tilespmem:s23+$0xE800] =	vst.add.f32.msk $0xffff, v1  }
0x13c: {  	v1 =	vld.idx.msk [tilespmem:v0+s23+$0xFFFFFC20 ss:$0x1], $0xffff;
	_ =	sdelay $0x5  }
0x13d: {  	[tilespmem:s23+$0xE810] =	vst.add.f32.msk $0xffff, v1  }
0x13e: {  	v1 =	vld.idx.msk [tilespmem:v0+s23+$0xFFFFFC30 ss:$0x1], $0xffff;
	_ =	sdelay $0x5  }
0x13f: {  	[tilespmem:s23+$0xE820] =	vst.add.f32.msk $0xffff, v1  }
0x140: {  	v1 =	vld.idx.msk [tilespmem:v0+s23+$0xFFFFFC40 ss:$0x1], $0xffff;
	_ =	sdelay $0x5  }
0x141: {  	[tilespmem:s23+$0xE830] =	vst.add.f32.msk $0xffff, v1  }
0x142: {  	v1 =	vld.idx.msk [tilespmem:v0+s23+$0xFFFFFC50 ss:$0x1], $0xffff;
	_ =	sdelay $0x5  }
0x143: {  	[tilespmem:s23+$0xE840] =	vst.add.f32.msk $0xffff, v1  }
0x144: {  	v1 =	vld.idx.msk [tilespmem:v0+s23+$0xFFFFFC60 ss:$0x1], $0xffff;
	_ =	sdelay $0x5  }
0x145: {  	[tilespmem:s23+$0xE850] =	vst.add.f32.msk $0xffff, v1  }
0x146: {  	v1 =	vld.idx.msk [tilespmem:v0+s23+$0xFFFFFC70 ss:$0x1], $0xffff;
	_ =	sdelay $0x5  }
0x147: {  	[tilespmem:s23+$0xE860] =	vst.add.f32.msk $0xffff, v1  }
0x148: {  	v1 =	vld.idx.msk [tilespmem:v0+s23+$0xFFFFFC80 ss:$0x1], $0xffff;
	_ =	sdelay $0x5  }
0x149: {  	[tilespmem:s23+$0xE870] =	vst.add.f32.msk $0xffff, v1  }
0x14a: {  	v1 =	vld.idx.msk [tilespmem:v0+s23+$0xFFFFFC90 ss:$0x1], $0xffff;
	_ =	sdelay $0x5  }
0x14b: {  	[tilespmem:s23+$0xE880] =	vst.add.f32.msk $0xffff, v1  }
0x14c: {  	v1 =	vld.idx.msk [tilespmem:v0+s23+$0xFFFFFCA0 ss:$0x1], $0xffff;
	_ =	sdelay $0x5  }
0x14d: {  	[tilespmem:s23+$0xE890] =	vst.add.f32.msk $0xffff, v1  }
0x14e: {  	v1 =	vld.idx.msk [tilespmem:v0+s23+$0xFFFFFCB0 ss:$0x1], $0xffff;
	_ =	sdelay $0x5  }
0x14f: {  	[tilespmem:s23+$0xE8A0] =	vst.add.f32.msk $0xffff, v1  }
0x150: {  	v1 =	vld.idx.msk [tilespmem:v0+s23+$0xFFFFFCC0 ss:$0x1], $0xffff;
	_ =	sdelay $0x5  }
0x151: {  	[tilespmem:s23+$0xE8B0] =	vst.add.f32.msk $0xffff, v1  }
0x152: {  	v1 =	vld.idx.msk [tilespmem:v0+s23+$0xFFFFFCD0 ss:$0x1], $0xffff;
	_ =	sdelay $0x5  }
0x153: {  	[tilespmem:s23+$0xE8C0] =	vst.add.f32.msk $0xffff, v1  }
0x154: {  	v1 =	vld.idx.msk [tilespmem:v0+s23+$0xFFFFFCE0 ss:$0x1], $0xffff;
	_ =	sdelay $0x5  }
0x155: {  	[tilespmem:s23+$0xE8D0] =	vst.add.f32.msk $0xffff, v1  }
0x156: {  	v1 =	vld.idx.msk [tilespmem:v0+s23+$0xFFFFFCF0 ss:$0x1], $0xffff;
	_ =	sdelay $0x5  }
0x157: {  	[tilespmem:s23+$0xE8E0] =	vst.add.f32.msk $0xffff, v1  }
0x158: {  	v1 =	vld.idx.msk [tilespmem:v0+s23+$0xFFFFFD00 ss:$0x1], $0xffff;
	_ =	sdelay $0x5  }
0x159: {  	[tilespmem:s23+$0xE8F0] =	vst.add.f32.msk $0xffff, v1  }
0x15a: {  	v1 =	vld.idx.msk [tilespmem:v0+s23+$0xFFFFFD10 ss:$0x1], $0xffff;
	_ =	sdelay $0x5  }
0x15b: {  	[tilespmem:s23+$0xE900] =	vst.add.f32.msk $0xffff, v1  }
0x15c: {  	v1 =	vld.idx.msk [tilespmem:v0+s23+$0xFFFFFD20 ss:$0x1], $0xffff;
	_ =	sdelay $0x5  }
0x15d: {  	[tilespmem:s23+$0xE910] =	vst.add.f32.msk $0xffff, v1  }
0x15e: {  	v1 =	vld.idx.msk [tilespmem:v0+s23+$0xFFFFFD30 ss:$0x1], $0xffff;
	_ =	sdelay $0x5  }
0x15f: {  	[tilespmem:s23+$0xE920] =	vst.add.f32.msk $0xffff, v1  }
0x160: {  	v1 =	vld.idx.msk [tilespmem:v0+s23+$0xFFFFFD40 ss:$0x1], $0xffff;
	_ =	sdelay $0x5  }
0x161: {  	[tilespmem:s23+$0xE930] =	vst.add.f32.msk $0xffff, v1  }
0x162: {  	v1 =	vld.idx.msk [tilespmem:v0+s23+$0xFFFFFD50 ss:$0x1], $0xffff;
	_ =	sdelay $0x5  }
0x163: {  	[tilespmem:s23+$0xE940] =	vst.add.f32.msk $0xffff, v1  }
0x164: {  	v1 =	vld.idx.msk [tilespmem:v0+s23+$0xFFFFFD60 ss:$0x1], $0xffff;
	_ =	sdelay $0x5  }
0x165: {  	[tilespmem:s23+$0xE950] =	vst.add.f32.msk $0xffff, v1  }
0x166: {  	v1 =	vld.idx.msk [tilespmem:v0+s23+$0xFFFFFD70 ss:$0x1], $0xffff;
	_ =	sdelay $0x5  }
0x167: {  	[tilespmem:s23+$0xE960] =	vst.add.f32.msk $0xffff, v1  }
0x168: {  	v1 =	vld.idx.msk [tilespmem:v0+s23+$0xFFFFFD80 ss:$0x1], $0xffff;
	_ =	sdelay $0x5  }
0x169: {  	[tilespmem:s23+$0xE970] =	vst.add.f32.msk $0xffff, v1  }
0x16a: {  	v1 =	vld.idx.msk [tilespmem:v0+s23+$0xFFFFFD90 ss:$0x1], $0xffff;
	_ =	sdelay $0x5  }
0x16b: {  	[tilespmem:s23+$0xE980] =	vst.add.f32.msk $0xffff, v1  }
0x16c: {  	v1 =	vld.idx.msk [tilespmem:v0+s23+$0xFFFFFDA0 ss:$0x1], $0xffff;
	_ =	sdelay $0x5  }
0x16d: {  	[tilespmem:s23+$0xE990] =	vst.add.f32.msk $0xffff, v1  }
0x16e: {  	v1 =	vld.idx.msk [tilespmem:v0+s23+$0xFFFFFDB0 ss:$0x1], $0xffff;
	_ =	sdelay $0x5  }
0x16f: {  	[tilespmem:s23+$0xE9A0] =	vst.add.f32.msk $0xffff, v1  }
0x170: {  	v1 =	vld.idx.msk [tilespmem:v0+s23+$0xFFFFFDC0 ss:$0x1], $0xffff;
	_ =	sdelay $0x5  }
0x171: {  	[tilespmem:s23+$0xE9B0] =	vst.add.f32.msk $0xffff, v1  }
0x172: {  	v1 =	vld.idx.msk [tilespmem:v0+s23+$0xFFFFFDD0 ss:$0x1], $0xffff;
	_ =	sdelay $0x5  }
0x173: {  	[tilespmem:s23+$0xE9C0] =	vst.add.f32.msk $0xffff, v1  }
0x174: {  	v1 =	vld.idx.msk [tilespmem:v0+s23+$0xFFFFFDE0 ss:$0x1], $0xffff;
	_ =	sdelay $0x5  }
0x175: {  	[tilespmem:s23+$0xE9D0] =	vst.add.f32.msk $0xffff, v1  }
0x176: {  	v1 =	vld.idx.msk [tilespmem:v0+s23+$0xFFFFFDF0 ss:$0x1], $0xffff;
	_ =	sdelay $0x5  }
0x177: {  	[tilespmem:s23+$0xE9E0] =	vst.add.f32.msk $0xffff, v1  }
0x178: {  	v1 =	vld.idx.msk [tilespmem:v0+s23+$0xFFFFFE00 ss:$0x1], $0xffff;
	_ =	sdelay $0x5  }
0x179: {  	[tilespmem:s23+$0xE9F0] =	vst.add.f32.msk $0xffff, v1  }
0x17a: {  	v1 =	vld.idx.msk [tilespmem:v0+s23+$0xFFFFFE10 ss:$0x1], $0xffff;
	_ =	sdelay $0x5  }
0x17b: {  	[tilespmem:s23+$0xEA00] =	vst.add.f32.msk $0xffff, v1  }
0x17c: {  	v1 =	vld.idx.msk [tilespmem:v0+s23+$0xFFFFFE20 ss:$0x1], $0xffff;
	_ =	sdelay $0x5  }
0x17d: {  	[tilespmem:s23+$0xEA10] =	vst.add.f32.msk $0xffff, v1  }
0x17e: {  	v1 =	vld.idx.msk [tilespmem:v0+s23+$0xFFFFFE30 ss:$0x1], $0xffff;
	_ =	sdelay $0x5  }
0x17f: {  	[tilespmem:s23+$0xEA20] =	vst.add.f32.msk $0xffff, v1  }
0x180: {  	v1 =	vld.idx.msk [tilespmem:v0+s23+$0xFFFFFE40 ss:$0x1], $0xffff;
	_ =	sdelay $0x5  }
0x181: {  	[tilespmem:s23+$0xEA30] =	vst.add.f32.msk $0xffff, v1  }
0x182: {  	v1 =	vld.idx.msk [tilespmem:v0+s23+$0xFFFFFE50 ss:$0x1], $0xffff;
	_ =	sdelay $0x5  }
0x183: {  	[tilespmem:s23+$0xEA40] =	vst.add.f32.msk $0xffff, v1  }
0x184: {  	v1 =	vld.idx.msk [tilespmem:v0+s23+$0xFFFFFE60 ss:$0x1], $0xffff;
	_ =	sdelay $0x5  }
0x185: {  	[tilespmem:s23+$0xEA50] =	vst.add.f32.msk $0xffff, v1  }
0x186: {  	v1 =	vld.idx.msk [tilespmem:v0+s23+$0xFFFFFE70 ss:$0x1], $0xffff;
	_ =	sdelay $0x5  }
0x187: {  	[tilespmem:s23+$0xEA60] =	vst.add.f32.msk $0xffff, v1  }
0x188: {  	v1 =	vld.idx.msk [tilespmem:v0+s23+$0xFFFFFE80 ss:$0x1], $0xffff;
	_ =	sdelay $0x5  }
0x189: {  	[tilespmem:s23+$0xEA70] =	vst.add.f32.msk $0xffff, v1  }
0x18a: {  	v1 =	vld.idx.msk [tilespmem:v0+s23+$0xFFFFFE90 ss:$0x1], $0xffff;
	_ =	sdelay $0x5  }
0x18b: {  	[tilespmem:s23+$0xEA80] =	vst.add.f32.msk $0xffff, v1  }
0x18c: {  	v1 =	vld.idx.msk [tilespmem:v0+s23+$0xFFFFFEA0 ss:$0x1], $0xffff;
	_ =	sdelay $0x5  }
0x18d: {  	[tilespmem:s23+$0xEA90] =	vst.add.f32.msk $0xffff, v1  }
0x18e: {  	v1 =	vld.idx.msk [tilespmem:v0+s23+$0xFFFFFEB0 ss:$0x1], $0xffff;
	_ =	sdelay $0x5  }
0x18f: {  	[tilespmem:s23+$0xEAA0] =	vst.add.f32.msk $0xffff, v1  }
0x190: {  	v1 =	vld.idx.msk [tilespmem:v0+s23+$0xFFFFFEC0 ss:$0x1], $0xffff;
	_ =	sdelay $0x5  }
0x191: {  	[tilespmem:s23+$0xEAB0] =	vst.add.f32.msk $0xffff, v1  }
0x192: {  	v1 =	vld.idx.msk [tilespmem:v0+s23+$0xFFFFFED0 ss:$0x1], $0xffff;
	_ =	sdelay $0x5  }
0x193: {  	[tilespmem:s23+$0xEAC0] =	vst.add.f32.msk $0xffff, v1  }
0x194: {  	v1 =	vld.idx.msk [tilespmem:v0+s23+$0xFFFFFEE0 ss:$0x1], $0xffff;
	_ =	sdelay $0x5  }
0x195: {  	[tilespmem:s23+$0xEAD0] =	vst.add.f32.msk $0xffff, v1  }
0x196: {  	v1 =	vld.idx.msk [tilespmem:v0+s23+$0xFFFFFEF0 ss:$0x1], $0xffff;
	_ =	sdelay $0x5  }
0x197: {  	[tilespmem:s23+$0xEAE0] =	vst.add.f32.msk $0xffff, v1  }
0x198: {  	v1 =	vld.idx.msk [tilespmem:v0+s23+$0xFFFFFF00 ss:$0x1], $0xffff;
	_ =	sdelay $0x5  }
0x199: {  	[tilespmem:s23+$0xEAF0] =	vst.add.f32.msk $0xffff, v1  }
0x19a: {  	v1 =	vld.idx.msk [tilespmem:v0+s23+$0xFFFFFF10 ss:$0x1], $0xffff;
	_ =	sdelay $0x5  }
0x19b: {  	[tilespmem:s23+$0xEB00] =	vst.add.f32.msk $0xffff, v1  }
0x19c: {  	v1 =	vld.idx.msk [tilespmem:v0+s23+$0xFFFFFF20 ss:$0x1], $0xffff;
	_ =	sdelay $0x5  }
0x19d: {  	[tilespmem:s23+$0xEB10] =	vst.add.f32.msk $0xffff, v1  }
0x19e: {  	v1 =	vld.idx.msk [tilespmem:v0+s23+$0xFFFFFF30 ss:$0x1], $0xffff;
	_ =	sdelay $0x5  }
0x19f: {  	[tilespmem:s23+$0xEB20] =	vst.add.f32.msk $0xffff, v1  }
0x1a0: {  	v1 =	vld.idx.msk [tilespmem:v0+s23+$0xFFFFFF40 ss:$0x1], $0xffff;
	_ =	sdelay $0x5  }
0x1a1: {  	[tilespmem:s23+$0xEB30] =	vst.add.f32.msk $0xffff, v1  }
0x1a2: {  	v1 =	vld.idx.msk [tilespmem:v0+s23+$0xFFFFFF50 ss:$0x1], $0xffff;
	_ =	sdelay $0x5  }
0x1a3: {  	[tilespmem:s23+$0xEB40] =	vst.add.f32.msk $0xffff, v1  }
0x1a4: {  	v1 =	vld.idx.msk [tilespmem:v0+s23+$0xFFFFFF60 ss:$0x1], $0xffff;
	_ =	sdelay $0x5  }
0x1a5: {  	[tilespmem:s23+$0xEB50] =	vst.add.f32.msk $0xffff, v1  }
0x1a6: {  	v1 =	vld.idx.msk [tilespmem:v0+s23+$0xFFFFFF70 ss:$0x1], $0xffff;
	_ =	sdelay $0x5  }
0x1a7: {  	[tilespmem:s23+$0xEB60] =	vst.add.f32.msk $0xffff, v1  }
0x1a8: {  	v1 =	vld.idx.msk [tilespmem:v0+s23+$0xFFFFFF80 ss:$0x1], $0xffff;
	_ =	sdelay $0x5  }
0x1a9: {  	[tilespmem:s23+$0xEB70] =	vst.add.f32.msk $0xffff, v1  }
0x1aa: {  	v1 =	vld.idx.msk [tilespmem:v0+s23+$0xFFFFFF90 ss:$0x1], $0xffff;
	_ =	sdelay $0x5  }
0x1ab: {  	[tilespmem:s23+$0xEB80] =	vst.add.f32.msk $0xffff, v1  }
0x1ac: {  	v1 =	vld.idx.msk [tilespmem:v0+s23+$0xFFFFFFA0 ss:$0x1], $0xffff;
	_ =	sdelay $0x5  }
0x1ad: {  	[tilespmem:s23+$0xEB90] =	vst.add.f32.msk $0xffff, v1  }
0x1ae: {  	v1 =	vld.idx.msk [tilespmem:v0+s23+$0xFFFFFFB0 ss:$0x1], $0xffff;
	_ =	sdelay $0x5  }
0x1af: {  	[tilespmem:s23+$0xEBA0] =	vst.add.f32.msk $0xffff, v1  }
0x1b0: {  	v1 =	vld.idx.msk [tilespmem:v0+s23+$0xFFFFFFC0 ss:$0x1], $0xffff;
	_ =	sdelay $0x5  }
0x1b1: {  	[tilespmem:s23+$0xEBB0] =	vst.add.f32.msk $0xffff, v1  }
0x1b2: {  	v1 =	vld.idx.msk [tilespmem:v0+s23+$0xFFFFFFD0 ss:$0x1], $0xffff;
	_ =	sdelay $0x5  }
0x1b3: {  	[tilespmem:s23+$0xEBC0] =	vst.add.f32.msk $0xffff, v1  }
0x1b4: {  	v1 =	vld.idx.msk [tilespmem:v0+s23+$0xFFFFFFE0 ss:$0x1], $0xffff;
	_ =	sdelay $0x5  }
0x1b5: {  	[tilespmem:s23+$0xEBD0] =	vst.add.f32.msk $0xffff, v1  }
0x1b6: {  	v1 =	vld.idx.msk [tilespmem:v0+s23+$0xFFFFFFF0 ss:$0x1], $0xffff;
	_ =	sdelay $0x5  }
0x1b7: {  	[tilespmem:s23+$0xEBE0] =	vst.add.f32.msk $0xffff, v1  }
0x1b8: {  	v1 =	vld.idx.msk [tilespmem:v0+s23+$0x0 ss:$0x1], $0xffff;
	_ =	sdelay $0x1  }
.Ltmp1:
0x1b9: {  	(pc) =	sbr.rel @p0 .LBB2_5-.Ltmp1, $2  }
0x1ba: {  	_ =	sdelay $0x2  }
0x1bb: {  	[tilespmem:s23+$0xEBF0] =	vst.add.f32.msk $0xffff, v1;
	s23 =	sshra.s32 s11, $0x2;
	s11 =	sadd.s32 $0x1000, s11  }
0x1bc: {  	_ =	sdelay $0x3  }
0x1bd: {  	v1 =	vld.idx.msk [tilespmem:v0+s23+$0xFFFFFC10 ss:$0x1], $0xffff;
	_ =	sdelay $0x4  }
0x1be: {  	[tilespmem:s23+$0xE800] =	vst.add.f32.msk $0xffff, v1  }
0x1bf: {  	v1 =	vld.idx.msk [tilespmem:v0+s23+$0xFFFFFC20 ss:$0x1], $0xffff;
	_ =	sdelay $0x4  }
0x1c0: {  	[tilespmem:s23+$0xE810] =	vst.add.f32.msk $0xffff, v1  }
0x1c1: {  	v1 =	vld.idx.msk [tilespmem:v0+s23+$0xFFFFFC30 ss:$0x1], $0xffff;
	_ =	sdelay $0x4  }
0x1c2: {  	[tilespmem:s23+$0xE820] =	vst.add.f32.msk $0xffff, v1  }
0x1c3: {  	v1 =	vld.idx.msk [tilespmem:v0+s23+$0xFFFFFC40 ss:$0x1], $0xffff;
	_ =	sdelay $0x4  }
0x1c4: {  	[tilespmem:s23+$0xE830] =	vst.add.f32.msk $0xffff, v1  }
0x1c5: {  	v1 =	vld.idx.msk [tilespmem:v0+s23+$0xFFFFFC50 ss:$0x1], $0xffff;
	_ =	sdelay $0x4  }
0x1c6: {  	[tilespmem:s23+$0xE840] =	vst.add.f32.msk $0xffff, v1  }
0x1c7: {  	v1 =	vld.idx.msk [tilespmem:v0+s23+$0xFFFFFC60 ss:$0x1], $0xffff;
	_ =	sdelay $0x4  }
0x1c8: {  	[tilespmem:s23+$0xE850] =	vst.add.f32.msk $0xffff, v1  }
0x1c9: {  	v1 =	vld.idx.msk [tilespmem:v0+s23+$0xFFFFFC70 ss:$0x1], $0xffff;
	_ =	sdelay $0x4  }
0x1ca: {  	[tilespmem:s23+$0xE860] =	vst.add.f32.msk $0xffff, v1  }
0x1cb: {  	v1 =	vld.idx.msk [tilespmem:v0+s23+$0xFFFFFC80 ss:$0x1], $0xffff;
	_ =	sdelay $0x4  }
0x1cc: {  	[tilespmem:s23+$0xE870] =	vst.add.f32.msk $0xffff, v1  }
0x1cd: {  	v1 =	vld.idx.msk [tilespmem:v0+s23+$0xFFFFFC90 ss:$0x1], $0xffff;
	_ =	sdelay $0x4  }
0x1ce: {  	[tilespmem:s23+$0xE880] =	vst.add.f32.msk $0xffff, v1  }
0x1cf: {  	v1 =	vld.idx.msk [tilespmem:v0+s23+$0xFFFFFCA0 ss:$0x1], $0xffff;
	_ =	sdelay $0x4  }
0x1d0: {  	[tilespmem:s23+$0xE890] =	vst.add.f32.msk $0xffff, v1  }
0x1d1: {  	v1 =	vld.idx.msk [tilespmem:v0+s23+$0xFFFFFCB0 ss:$0x1], $0xffff;
	_ =	sdelay $0x4  }
0x1d2: {  	[tilespmem:s23+$0xE8A0] =	vst.add.f32.msk $0xffff, v1  }
0x1d3: {  	v1 =	vld.idx.msk [tilespmem:v0+s23+$0xFFFFFCC0 ss:$0x1], $0xffff;
	_ =	sdelay $0x4  }
0x1d4: {  	[tilespmem:s23+$0xE8B0] =	vst.add.f32.msk $0xffff, v1  }
0x1d5: {  	v1 =	vld.idx.msk [tilespmem:v0+s23+$0xFFFFFCD0 ss:$0x1], $0xffff;
	_ =	sdelay $0x4  }
0x1d6: {  	[tilespmem:s23+$0xE8C0] =	vst.add.f32.msk $0xffff, v1  }
0x1d7: {  	v1 =	vld.idx.msk [tilespmem:v0+s23+$0xFFFFFCE0 ss:$0x1], $0xffff;
	_ =	sdelay $0x4  }
0x1d8: {  	[tilespmem:s23+$0xE8D0] =	vst.add.f32.msk $0xffff, v1  }
0x1d9: {  	v1 =	vld.idx.msk [tilespmem:v0+s23+$0xFFFFFCF0 ss:$0x1], $0xffff;
	_ =	sdelay $0x4  }
0x1da: {  	[tilespmem:s23+$0xE8E0] =	vst.add.f32.msk $0xffff, v1  }
0x1db: {  	v1 =	vld.idx.msk [tilespmem:v0+s23+$0xFFFFFD00 ss:$0x1], $0xffff;
	_ =	sdelay $0x4  }
0x1dc: {  	[tilespmem:s23+$0xE8F0] =	vst.add.f32.msk $0xffff, v1  }
0x1dd: {  	v1 =	vld.idx.msk [tilespmem:v0+s23+$0xFFFFFD10 ss:$0x1], $0xffff;
	_ =	sdelay $0x4  }
0x1de: {  	[tilespmem:s23+$0xE900] =	vst.add.f32.msk $0xffff, v1  }
0x1df: {  	v1 =	vld.idx.msk [tilespmem:v0+s23+$0xFFFFFD20 ss:$0x1], $0xffff;
	_ =	sdelay $0x4  }
0x1e0: {  	[tilespmem:s23+$0xE910] =	vst.add.f32.msk $0xffff, v1  }
0x1e1: {  	v1 =	vld.idx.msk [tilespmem:v0+s23+$0xFFFFFD30 ss:$0x1], $0xffff;
	_ =	sdelay $0x4  }
0x1e2: {  	[tilespmem:s23+$0xE920] =	vst.add.f32.msk $0xffff, v1  }
0x1e3: {  	v1 =	vld.idx.msk [tilespmem:v0+s23+$0xFFFFFD40 ss:$0x1], $0xffff;
	_ =	sdelay $0x4  }
0x1e4: {  	[tilespmem:s23+$0xE930] =	vst.add.f32.msk $0xffff, v1  }
0x1e5: {  	v1 =	vld.idx.msk [tilespmem:v0+s23+$0xFFFFFD50 ss:$0x1], $0xffff;
	_ =	sdelay $0x4  }
0x1e6: {  	[tilespmem:s23+$0xE940] =	vst.add.f32.msk $0xffff, v1  }
0x1e7: {  	v1 =	vld.idx.msk [tilespmem:v0+s23+$0xFFFFFD60 ss:$0x1], $0xffff;
	_ =	sdelay $0x4  }
0x1e8: {  	[tilespmem:s23+$0xE950] =	vst.add.f32.msk $0xffff, v1  }
0x1e9: {  	v1 =	vld.idx.msk [tilespmem:v0+s23+$0xFFFFFD70 ss:$0x1], $0xffff;
	_ =	sdelay $0x4  }
0x1ea: {  	[tilespmem:s23+$0xE960] =	vst.add.f32.msk $0xffff, v1  }
0x1eb: {  	v1 =	vld.idx.msk [tilespmem:v0+s23+$0xFFFFFD80 ss:$0x1], $0xffff;
	_ =	sdelay $0x4  }
0x1ec: {  	[tilespmem:s23+$0xE970] =	vst.add.f32.msk $0xffff, v1  }
0x1ed: {  	v1 =	vld.idx.msk [tilespmem:v0+s23+$0xFFFFFD90 ss:$0x1], $0xffff;
	_ =	sdelay $0x4  }
0x1ee: {  	[tilespmem:s23+$0xE980] =	vst.add.f32.msk $0xffff, v1  }
0x1ef: {  	v1 =	vld.idx.msk [tilespmem:v0+s23+$0xFFFFFDA0 ss:$0x1], $0xffff;
	_ =	sdelay $0x4  }
0x1f0: {  	[tilespmem:s23+$0xE990] =	vst.add.f32.msk $0xffff, v1  }
0x1f1: {  	v1 =	vld.idx.msk [tilespmem:v0+s23+$0xFFFFFDB0 ss:$0x1], $0xffff;
	_ =	sdelay $0x4  }
0x1f2: {  	[tilespmem:s23+$0xE9A0] =	vst.add.f32.msk $0xffff, v1  }
0x1f3: {  	v1 =	vld.idx.msk [tilespmem:v0+s23+$0xFFFFFDC0 ss:$0x1], $0xffff;
	_ =	sdelay $0x4  }
0x1f4: {  	[tilespmem:s23+$0xE9B0] =	vst.add.f32.msk $0xffff, v1  }
0x1f5: {  	v1 =	vld.idx.msk [tilespmem:v0+s23+$0xFFFFFDD0 ss:$0x1], $0xffff;
	_ =	sdelay $0x4  }
0x1f6: {  	[tilespmem:s23+$0xE9C0] =	vst.add.f32.msk $0xffff, v1  }
0x1f7: {  	v1 =	vld.idx.msk [tilespmem:v0+s23+$0xFFFFFDE0 ss:$0x1], $0xffff;
	_ =	sdelay $0x4  }
0x1f8: {  	[tilespmem:s23+$0xE9D0] =	vst.add.f32.msk $0xffff, v1  }
0x1f9: {  	v1 =	vld.idx.msk [tilespmem:v0+s23+$0xFFFFFDF0 ss:$0x1], $0xffff;
	_ =	sdelay $0x4  }
0x1fa: {  	[tilespmem:s23+$0xE9E0] =	vst.add.f32.msk $0xffff, v1  }
0x1fb: {  	v1 =	vld.idx.msk [tilespmem:v0+s23+$0xFFFFFE00 ss:$0x1], $0xffff;
	_ =	sdelay $0x4  }
0x1fc: {  	[tilespmem:s23+$0xE9F0] =	vst.add.f32.msk $0xffff, v1  }
0x1fd: {  	v1 =	vld.idx.msk [tilespmem:v0+s23+$0xFFFFFE10 ss:$0x1], $0xffff;
	_ =	sdelay $0x4  }
0x1fe: {  	[tilespmem:s23+$0xEA00] =	vst.add.f32.msk $0xffff, v1  }
0x1ff: {  	v1 =	vld.idx.msk [tilespmem:v0+s23+$0xFFFFFE20 ss:$0x1], $0xffff;
	_ =	sdelay $0x4  }
0x200: {  	[tilespmem:s23+$0xEA10] =	vst.add.f32.msk $0xffff, v1  }
0x201: {  	v1 =	vld.idx.msk [tilespmem:v0+s23+$0xFFFFFE30 ss:$0x1], $0xffff;
	_ =	sdelay $0x4  }
0x202: {  	[tilespmem:s23+$0xEA20] =	vst.add.f32.msk $0xffff, v1  }
0x203: {  	v1 =	vld.idx.msk [tilespmem:v0+s23+$0xFFFFFE40 ss:$0x1], $0xffff;
	_ =	sdelay $0x4  }
0x204: {  	[tilespmem:s23+$0xEA30] =	vst.add.f32.msk $0xffff, v1  }
0x205: {  	v1 =	vld.idx.msk [tilespmem:v0+s23+$0xFFFFFE50 ss:$0x1], $0xffff;
	_ =	sdelay $0x4  }
0x206: {  	[tilespmem:s23+$0xEA40] =	vst.add.f32.msk $0xffff, v1  }
0x207: {  	v1 =	vld.idx.msk [tilespmem:v0+s23+$0xFFFFFE60 ss:$0x1], $0xffff;
	_ =	sdelay $0x4  }
0x208: {  	[tilespmem:s23+$0xEA50] =	vst.add.f32.msk $0xffff, v1  }
0x209: {  	v1 =	vld.idx.msk [tilespmem:v0+s23+$0xFFFFFE70 ss:$0x1], $0xffff;
	_ =	sdelay $0x4  }
0x20a: {  	[tilespmem:s23+$0xEA60] =	vst.add.f32.msk $0xffff, v1  }
0x20b: {  	v1 =	vld.idx.msk [tilespmem:v0+s23+$0xFFFFFE80 ss:$0x1], $0xffff;
	_ =	sdelay $0x4  }
0x20c: {  	[tilespmem:s23+$0xEA70] =	vst.add.f32.msk $0xffff, v1  }
0x20d: {  	v1 =	vld.idx.msk [tilespmem:v0+s23+$0xFFFFFE90 ss:$0x1], $0xffff;
	_ =	sdelay $0x4  }
0x20e: {  	[tilespmem:s23+$0xEA80] =	vst.add.f32.msk $0xffff, v1  }
0x20f: {  	v1 =	vld.idx.msk [tilespmem:v0+s23+$0xFFFFFEA0 ss:$0x1], $0xffff;
	_ =	sdelay $0x4  }
0x210: {  	[tilespmem:s23+$0xEA90] =	vst.add.f32.msk $0xffff, v1  }
0x211: {  	v1 =	vld.idx.msk [tilespmem:v0+s23+$0xFFFFFEB0 ss:$0x1], $0xffff;
	_ =	sdelay $0x4  }
0x212: {  	[tilespmem:s23+$0xEAA0] =	vst.add.f32.msk $0xffff, v1  }
0x213: {  	v1 =	vld.idx.msk [tilespmem:v0+s23+$0xFFFFFEC0 ss:$0x1], $0xffff;
	_ =	sdelay $0x4  }
0x214: {  	[tilespmem:s23+$0xEAB0] =	vst.add.f32.msk $0xffff, v1  }
0x215: {  	v1 =	vld.idx.msk [tilespmem:v0+s23+$0xFFFFFED0 ss:$0x1], $0xffff;
	_ =	sdelay $0x4  }
0x216: {  	[tilespmem:s23+$0xEAC0] =	vst.add.f32.msk $0xffff, v1  }
0x217: {  	v1 =	vld.idx.msk [tilespmem:v0+s23+$0xFFFFFEE0 ss:$0x1], $0xffff;
	_ =	sdelay $0x4  }
0x218: {  	[tilespmem:s23+$0xEAD0] =	vst.add.f32.msk $0xffff, v1  }
0x219: {  	v1 =	vld.idx.msk [tilespmem:v0+s23+$0xFFFFFEF0 ss:$0x1], $0xffff;
	_ =	sdelay $0x4  }
0x21a: {  	[tilespmem:s23+$0xEAE0] =	vst.add.f32.msk $0xffff, v1  }
0x21b: {  	v1 =	vld.idx.msk [tilespmem:v0+s23+$0xFFFFFF00 ss:$0x1], $0xffff;
	_ =	sdelay $0x4  }
0x21c: {  	[tilespmem:s23+$0xEAF0] =	vst.add.f32.msk $0xffff, v1  }
0x21d: {  	v1 =	vld.idx.msk [tilespmem:v0+s23+$0xFFFFFF10 ss:$0x1], $0xffff;
	_ =	sdelay $0x4  }
0x21e: {  	[tilespmem:s23+$0xEB00] =	vst.add.f32.msk $0xffff, v1  }
0x21f: {  	v1 =	vld.idx.msk [tilespmem:v0+s23+$0xFFFFFF20 ss:$0x1], $0xffff;
	_ =	sdelay $0x4  }
0x220: {  	[tilespmem:s23+$0xEB10] =	vst.add.f32.msk $0xffff, v1  }
0x221: {  	v1 =	vld.idx.msk [tilespmem:v0+s23+$0xFFFFFF30 ss:$0x1], $0xffff;
	_ =	sdelay $0x4  }
0x222: {  	[tilespmem:s23+$0xEB20] =	vst.add.f32.msk $0xffff, v1  }
0x223: {  	v1 =	vld.idx.msk [tilespmem:v0+s23+$0xFFFFFF40 ss:$0x1], $0xffff;
	_ =	sdelay $0x4  }
0x224: {  	[tilespmem:s23+$0xEB30] =	vst.add.f32.msk $0xffff, v1  }
0x225: {  	v1 =	vld.idx.msk [tilespmem:v0+s23+$0xFFFFFF50 ss:$0x1], $0xffff;
	_ =	sdelay $0x4  }
0x226: {  	[tilespmem:s23+$0xEB40] =	vst.add.f32.msk $0xffff, v1  }
0x227: {  	v1 =	vld.idx.msk [tilespmem:v0+s23+$0xFFFFFF60 ss:$0x1], $0xffff;
	_ =	sdelay $0x4  }
0x228: {  	[tilespmem:s23+$0xEB50] =	vst.add.f32.msk $0xffff, v1  }
0x229: {  	v1 =	vld.idx.msk [tilespmem:v0+s23+$0xFFFFFF70 ss:$0x1], $0xffff;
	_ =	sdelay $0x4  }
0x22a: {  	[tilespmem:s23+$0xEB60] =	vst.add.f32.msk $0xffff, v1  }
0x22b: {  	v1 =	vld.idx.msk [tilespmem:v0+s23+$0xFFFFFF80 ss:$0x1], $0xffff;
	_ =	sdelay $0x4  }
0x22c: {  	[tilespmem:s23+$0xEB70] =	vst.add.f32.msk $0xffff, v1  }
0x22d: {  	v1 =	vld.idx.msk [tilespmem:v0+s23+$0xFFFFFF90 ss:$0x1], $0xffff;
	_ =	sdelay $0x4  }
0x22e: {  	[tilespmem:s23+$0xEB80] =	vst.add.f32.msk $0xffff, v1  }
0x22f: {  	v1 =	vld.idx.msk [tilespmem:v0+s23+$0xFFFFFFA0 ss:$0x1], $0xffff;
	_ =	sdelay $0x4  }
0x230: {  	[tilespmem:s23+$0xEB90] =	vst.add.f32.msk $0xffff, v1  }
0x231: {  	v1 =	vld.idx.msk [tilespmem:v0+s23+$0xFFFFFFB0 ss:$0x1], $0xffff;
	_ =	sdelay $0x4  }
0x232: {  	[tilespmem:s23+$0xEBA0] =	vst.add.f32.msk $0xffff, v1  }
0x233: {  	v1 =	vld.idx.msk [tilespmem:v0+s23+$0xFFFFFFC0 ss:$0x1], $0xffff;
	_ =	sdelay $0x4  }
0x234: {  	[tilespmem:s23+$0xEBB0] =	vst.add.f32.msk $0xffff, v1  }
0x235: {  	v1 =	vld.idx.msk [tilespmem:v0+s23+$0xFFFFFFD0 ss:$0x1], $0xffff;
	_ =	sdelay $0x4  }
0x236: {  	[tilespmem:s23+$0xEBC0] =	vst.add.f32.msk $0xffff, v1  }
0x237: {  	v1 =	vld.idx.msk [tilespmem:v0+s23+$0xFFFFFFE0 ss:$0x1], $0xffff;
	_ =	sdelay $0x4  }
0x238: {  	[tilespmem:s23+$0xEBD0] =	vst.add.f32.msk $0xffff, v1  }
0x239: {  	v1 =	vld.idx.msk [tilespmem:v0+s23+$0xFFFFFFF0 ss:$0x1], $0xffff;
	_ =	sdelay $0x4  }
0x23a: {  	[tilespmem:s23+$0xEBE0] =	vst.add.f32.msk $0xffff, v1  }
0x23b: {  	v0 =	vld.idx.msk [tilespmem:v0+s23+$0x0 ss:$0x1], $0xffff;
	_ =	sdelay $0x1  }
0x23c: {  	s9 =	sadd.s32 s3, s9  }
0x23d: {  	s9 =	sshll.u32 s9, $0x3  }
0x23e: {  	s9 =	sand.u32 $0x1FFFF400, s9  }
0x23f: {  	p0 =	seq.s32 s10, $0x31;
	s9 =	sadd.s32 s2, s9;
	[tilespmem:s23+$0xEBF0] =	vst.add.f32.msk $0xffff, v0  }
0x240: {  	[hbm4b:s9+s4] =	stream.linear.scatter [tilespmem:s12], [sflag:$0x6], $0x2000, $0x38;
	[tilespmem:$0x14800] =	vst v63  }
0x241: {  	s9 =	sshll.u32 @!p0 s10, $0x9;
	_ =	swait.ge [sflag:s18], $0x2000  }
0x242: {  	s24 =	simm.s32 @!p0 $0xC800;
	s9 =	sand.u32 @!p0 $0x3FFFFE00, s9;
	[sflag:s18] =	ssyncset.done $0x0  }
0x243: {  	s23 =	simm.s32 @!p0 $0x80;
	v0 =	vmov s22;
	s11 =	sadd.s32 @!p0 $0x200, s9;
	[sflag:s18] =	ssyncadd.s32 $0xFFFFE000  }
0x244: {  	[tilespmem:s24], [sflag:$0x1] =	stream.indirect.gather @!p0 [hbm4b:s5+s23], $0x40, s11, s23, $0xb8;
	[tilespmem:$0x14800] =	vst v63  }
0x245: {  	_ =	swait.ge [sflag:s19], $0x2000  }
0x246: {  	[sflag:s19] =	ssyncset.done $0x0  }
0x247: {  	s22 =	simm.s32 $0x0;
	s11 =	simm.s32 $0x1000;
	[sflag:s19] =	ssyncadd.s32 $0xFFFFE000  }
.LBB2_7:
0x248: {  	p1 =	sne.s32 s11, $0x7000;
	v1 =	vld.idx.msk [tilespmem:v0+s22+$0xFFFFFC10 ss:$0x1], $0xffff;
	_ =	sdelay $0x5  }
0x249: {  	[tilespmem:s22+$0x10800] =	vst.add.f32.msk $0xffff, v1  }
0x24a: {  	v1 =	vld.idx.msk [tilespmem:v0+s22+$0xFFFFFC20 ss:$0x1], $0xffff;
	_ =	sdelay $0x5  }
0x24b: {  	[tilespmem:s22+$0x10810] =	vst.add.f32.msk $0xffff, v1  }
0x24c: {  	v1 =	vld.idx.msk [tilespmem:v0+s22+$0xFFFFFC30 ss:$0x1], $0xffff;
	_ =	sdelay $0x5  }
0x24d: {  	[tilespmem:s22+$0x10820] =	vst.add.f32.msk $0xffff, v1  }
0x24e: {  	v1 =	vld.idx.msk [tilespmem:v0+s22+$0xFFFFFC40 ss:$0x1], $0xffff;
	_ =	sdelay $0x5  }
0x24f: {  	[tilespmem:s22+$0x10830] =	vst.add.f32.msk $0xffff, v1  }
0x250: {  	v1 =	vld.idx.msk [tilespmem:v0+s22+$0xFFFFFC50 ss:$0x1], $0xffff;
	_ =	sdelay $0x5  }
0x251: {  	[tilespmem:s22+$0x10840] =	vst.add.f32.msk $0xffff, v1  }
0x252: {  	v1 =	vld.idx.msk [tilespmem:v0+s22+$0xFFFFFC60 ss:$0x1], $0xffff;
	_ =	sdelay $0x5  }
0x253: {  	[tilespmem:s22+$0x10850] =	vst.add.f32.msk $0xffff, v1  }
0x254: {  	v1 =	vld.idx.msk [tilespmem:v0+s22+$0xFFFFFC70 ss:$0x1], $0xffff;
	_ =	sdelay $0x5  }
0x255: {  	[tilespmem:s22+$0x10860] =	vst.add.f32.msk $0xffff, v1  }
0x256: {  	v1 =	vld.idx.msk [tilespmem:v0+s22+$0xFFFFFC80 ss:$0x1], $0xffff;
	_ =	sdelay $0x5  }
0x257: {  	[tilespmem:s22+$0x10870] =	vst.add.f32.msk $0xffff, v1  }
0x258: {  	v1 =	vld.idx.msk [tilespmem:v0+s22+$0xFFFFFC90 ss:$0x1], $0xffff;
	_ =	sdelay $0x5  }
0x259: {  	[tilespmem:s22+$0x10880] =	vst.add.f32.msk $0xffff, v1  }
0x25a: {  	v1 =	vld.idx.msk [tilespmem:v0+s22+$0xFFFFFCA0 ss:$0x1], $0xffff;
	_ =	sdelay $0x5  }
0x25b: {  	[tilespmem:s22+$0x10890] =	vst.add.f32.msk $0xffff, v1  }
0x25c: {  	v1 =	vld.idx.msk [tilespmem:v0+s22+$0xFFFFFCB0 ss:$0x1], $0xffff;
	_ =	sdelay $0x5  }
0x25d: {  	[tilespmem:s22+$0x108A0] =	vst.add.f32.msk $0xffff, v1  }
0x25e: {  	v1 =	vld.idx.msk [tilespmem:v0+s22+$0xFFFFFCC0 ss:$0x1], $0xffff;
	_ =	sdelay $0x5  }
0x25f: {  	[tilespmem:s22+$0x108B0] =	vst.add.f32.msk $0xffff, v1  }
0x260: {  	v1 =	vld.idx.msk [tilespmem:v0+s22+$0xFFFFFCD0 ss:$0x1], $0xffff;
	_ =	sdelay $0x5  }
0x261: {  	[tilespmem:s22+$0x108C0] =	vst.add.f32.msk $0xffff, v1  }
0x262: {  	v1 =	vld.idx.msk [tilespmem:v0+s22+$0xFFFFFCE0 ss:$0x1], $0xffff;
	_ =	sdelay $0x5  }
0x263: {  	[tilespmem:s22+$0x108D0] =	vst.add.f32.msk $0xffff, v1  }
0x264: {  	v1 =	vld.idx.msk [tilespmem:v0+s22+$0xFFFFFCF0 ss:$0x1], $0xffff;
	_ =	sdelay $0x5  }
0x265: {  	[tilespmem:s22+$0x108E0] =	vst.add.f32.msk $0xffff, v1  }
0x266: {  	v1 =	vld.idx.msk [tilespmem:v0+s22+$0xFFFFFD00 ss:$0x1], $0xffff;
	_ =	sdelay $0x5  }
0x267: {  	[tilespmem:s22+$0x108F0] =	vst.add.f32.msk $0xffff, v1  }
0x268: {  	v1 =	vld.idx.msk [tilespmem:v0+s22+$0xFFFFFD10 ss:$0x1], $0xffff;
	_ =	sdelay $0x5  }
0x269: {  	[tilespmem:s22+$0x10900] =	vst.add.f32.msk $0xffff, v1  }
0x26a: {  	v1 =	vld.idx.msk [tilespmem:v0+s22+$0xFFFFFD20 ss:$0x1], $0xffff;
	_ =	sdelay $0x5  }
0x26b: {  	[tilespmem:s22+$0x10910] =	vst.add.f32.msk $0xffff, v1  }
0x26c: {  	v1 =	vld.idx.msk [tilespmem:v0+s22+$0xFFFFFD30 ss:$0x1], $0xffff;
	_ =	sdelay $0x5  }
0x26d: {  	[tilespmem:s22+$0x10920] =	vst.add.f32.msk $0xffff, v1  }
0x26e: {  	v1 =	vld.idx.msk [tilespmem:v0+s22+$0xFFFFFD40 ss:$0x1], $0xffff;
	_ =	sdelay $0x5  }
0x26f: {  	[tilespmem:s22+$0x10930] =	vst.add.f32.msk $0xffff, v1  }
0x270: {  	v1 =	vld.idx.msk [tilespmem:v0+s22+$0xFFFFFD50 ss:$0x1], $0xffff;
	_ =	sdelay $0x5  }
0x271: {  	[tilespmem:s22+$0x10940] =	vst.add.f32.msk $0xffff, v1  }
0x272: {  	v1 =	vld.idx.msk [tilespmem:v0+s22+$0xFFFFFD60 ss:$0x1], $0xffff;
	_ =	sdelay $0x5  }
0x273: {  	[tilespmem:s22+$0x10950] =	vst.add.f32.msk $0xffff, v1  }
0x274: {  	v1 =	vld.idx.msk [tilespmem:v0+s22+$0xFFFFFD70 ss:$0x1], $0xffff;
	_ =	sdelay $0x5  }
0x275: {  	[tilespmem:s22+$0x10960] =	vst.add.f32.msk $0xffff, v1  }
0x276: {  	v1 =	vld.idx.msk [tilespmem:v0+s22+$0xFFFFFD80 ss:$0x1], $0xffff;
	_ =	sdelay $0x5  }
0x277: {  	[tilespmem:s22+$0x10970] =	vst.add.f32.msk $0xffff, v1  }
0x278: {  	v1 =	vld.idx.msk [tilespmem:v0+s22+$0xFFFFFD90 ss:$0x1], $0xffff;
	_ =	sdelay $0x5  }
0x279: {  	[tilespmem:s22+$0x10980] =	vst.add.f32.msk $0xffff, v1  }
0x27a: {  	v1 =	vld.idx.msk [tilespmem:v0+s22+$0xFFFFFDA0 ss:$0x1], $0xffff;
	_ =	sdelay $0x5  }
0x27b: {  	[tilespmem:s22+$0x10990] =	vst.add.f32.msk $0xffff, v1  }
0x27c: {  	v1 =	vld.idx.msk [tilespmem:v0+s22+$0xFFFFFDB0 ss:$0x1], $0xffff;
	_ =	sdelay $0x5  }
0x27d: {  	[tilespmem:s22+$0x109A0] =	vst.add.f32.msk $0xffff, v1  }
0x27e: {  	v1 =	vld.idx.msk [tilespmem:v0+s22+$0xFFFFFDC0 ss:$0x1], $0xffff;
	_ =	sdelay $0x5  }
0x27f: {  	[tilespmem:s22+$0x109B0] =	vst.add.f32.msk $0xffff, v1  }
0x280: {  	v1 =	vld.idx.msk [tilespmem:v0+s22+$0xFFFFFDD0 ss:$0x1], $0xffff;
	_ =	sdelay $0x5  }
0x281: {  	[tilespmem:s22+$0x109C0] =	vst.add.f32.msk $0xffff, v1  }
0x282: {  	v1 =	vld.idx.msk [tilespmem:v0+s22+$0xFFFFFDE0 ss:$0x1], $0xffff;
	_ =	sdelay $0x5  }
0x283: {  	[tilespmem:s22+$0x109D0] =	vst.add.f32.msk $0xffff, v1  }
0x284: {  	v1 =	vld.idx.msk [tilespmem:v0+s22+$0xFFFFFDF0 ss:$0x1], $0xffff;
	_ =	sdelay $0x5  }
0x285: {  	[tilespmem:s22+$0x109E0] =	vst.add.f32.msk $0xffff, v1  }
0x286: {  	v1 =	vld.idx.msk [tilespmem:v0+s22+$0xFFFFFE00 ss:$0x1], $0xffff;
	_ =	sdelay $0x5  }
0x287: {  	[tilespmem:s22+$0x109F0] =	vst.add.f32.msk $0xffff, v1  }
0x288: {  	v1 =	vld.idx.msk [tilespmem:v0+s22+$0xFFFFFE10 ss:$0x1], $0xffff;
	_ =	sdelay $0x5  }
0x289: {  	[tilespmem:s22+$0x10A00] =	vst.add.f32.msk $0xffff, v1  }
0x28a: {  	v1 =	vld.idx.msk [tilespmem:v0+s22+$0xFFFFFE20 ss:$0x1], $0xffff;
	_ =	sdelay $0x5  }
0x28b: {  	[tilespmem:s22+$0x10A10] =	vst.add.f32.msk $0xffff, v1  }
0x28c: {  	v1 =	vld.idx.msk [tilespmem:v0+s22+$0xFFFFFE30 ss:$0x1], $0xffff;
	_ =	sdelay $0x5  }
0x28d: {  	[tilespmem:s22+$0x10A20] =	vst.add.f32.msk $0xffff, v1  }
0x28e: {  	v1 =	vld.idx.msk [tilespmem:v0+s22+$0xFFFFFE40 ss:$0x1], $0xffff;
	_ =	sdelay $0x5  }
0x28f: {  	[tilespmem:s22+$0x10A30] =	vst.add.f32.msk $0xffff, v1  }
0x290: {  	v1 =	vld.idx.msk [tilespmem:v0+s22+$0xFFFFFE50 ss:$0x1], $0xffff;
	_ =	sdelay $0x5  }
0x291: {  	[tilespmem:s22+$0x10A40] =	vst.add.f32.msk $0xffff, v1  }
0x292: {  	v1 =	vld.idx.msk [tilespmem:v0+s22+$0xFFFFFE60 ss:$0x1], $0xffff;
	_ =	sdelay $0x5  }
0x293: {  	[tilespmem:s22+$0x10A50] =	vst.add.f32.msk $0xffff, v1  }
0x294: {  	v1 =	vld.idx.msk [tilespmem:v0+s22+$0xFFFFFE70 ss:$0x1], $0xffff;
	_ =	sdelay $0x5  }
0x295: {  	[tilespmem:s22+$0x10A60] =	vst.add.f32.msk $0xffff, v1  }
0x296: {  	v1 =	vld.idx.msk [tilespmem:v0+s22+$0xFFFFFE80 ss:$0x1], $0xffff;
	_ =	sdelay $0x5  }
0x297: {  	[tilespmem:s22+$0x10A70] =	vst.add.f32.msk $0xffff, v1  }
0x298: {  	v1 =	vld.idx.msk [tilespmem:v0+s22+$0xFFFFFE90 ss:$0x1], $0xffff;
	_ =	sdelay $0x5  }
0x299: {  	[tilespmem:s22+$0x10A80] =	vst.add.f32.msk $0xffff, v1  }
0x29a: {  	v1 =	vld.idx.msk [tilespmem:v0+s22+$0xFFFFFEA0 ss:$0x1], $0xffff;
	_ =	sdelay $0x5  }
0x29b: {  	[tilespmem:s22+$0x10A90] =	vst.add.f32.msk $0xffff, v1  }
0x29c: {  	v1 =	vld.idx.msk [tilespmem:v0+s22+$0xFFFFFEB0 ss:$0x1], $0xffff;
	_ =	sdelay $0x5  }
0x29d: {  	[tilespmem:s22+$0x10AA0] =	vst.add.f32.msk $0xffff, v1  }
0x29e: {  	v1 =	vld.idx.msk [tilespmem:v0+s22+$0xFFFFFEC0 ss:$0x1], $0xffff;
	_ =	sdelay $0x5  }
0x29f: {  	[tilespmem:s22+$0x10AB0] =	vst.add.f32.msk $0xffff, v1  }
0x2a0: {  	v1 =	vld.idx.msk [tilespmem:v0+s22+$0xFFFFFED0 ss:$0x1], $0xffff;
	_ =	sdelay $0x5  }
0x2a1: {  	[tilespmem:s22+$0x10AC0] =	vst.add.f32.msk $0xffff, v1  }
0x2a2: {  	v1 =	vld.idx.msk [tilespmem:v0+s22+$0xFFFFFEE0 ss:$0x1], $0xffff;
	_ =	sdelay $0x5  }
0x2a3: {  	[tilespmem:s22+$0x10AD0] =	vst.add.f32.msk $0xffff, v1  }
0x2a4: {  	v1 =	vld.idx.msk [tilespmem:v0+s22+$0xFFFFFEF0 ss:$0x1], $0xffff;
	_ =	sdelay $0x5  }
0x2a5: {  	[tilespmem:s22+$0x10AE0] =	vst.add.f32.msk $0xffff, v1  }
0x2a6: {  	v1 =	vld.idx.msk [tilespmem:v0+s22+$0xFFFFFF00 ss:$0x1], $0xffff;
	_ =	sdelay $0x5  }
0x2a7: {  	[tilespmem:s22+$0x10AF0] =	vst.add.f32.msk $0xffff, v1  }
0x2a8: {  	v1 =	vld.idx.msk [tilespmem:v0+s22+$0xFFFFFF10 ss:$0x1], $0xffff;
	_ =	sdelay $0x5  }
0x2a9: {  	[tilespmem:s22+$0x10B00] =	vst.add.f32.msk $0xffff, v1  }
0x2aa: {  	v1 =	vld.idx.msk [tilespmem:v0+s22+$0xFFFFFF20 ss:$0x1], $0xffff;
	_ =	sdelay $0x5  }
0x2ab: {  	[tilespmem:s22+$0x10B10] =	vst.add.f32.msk $0xffff, v1  }
0x2ac: {  	v1 =	vld.idx.msk [tilespmem:v0+s22+$0xFFFFFF30 ss:$0x1], $0xffff;
	_ =	sdelay $0x5  }
0x2ad: {  	[tilespmem:s22+$0x10B20] =	vst.add.f32.msk $0xffff, v1  }
0x2ae: {  	v1 =	vld.idx.msk [tilespmem:v0+s22+$0xFFFFFF40 ss:$0x1], $0xffff;
	_ =	sdelay $0x5  }
0x2af: {  	[tilespmem:s22+$0x10B30] =	vst.add.f32.msk $0xffff, v1  }
0x2b0: {  	v1 =	vld.idx.msk [tilespmem:v0+s22+$0xFFFFFF50 ss:$0x1], $0xffff;
	_ =	sdelay $0x5  }
0x2b1: {  	[tilespmem:s22+$0x10B40] =	vst.add.f32.msk $0xffff, v1  }
0x2b2: {  	v1 =	vld.idx.msk [tilespmem:v0+s22+$0xFFFFFF60 ss:$0x1], $0xffff;
	_ =	sdelay $0x5  }
0x2b3: {  	[tilespmem:s22+$0x10B50] =	vst.add.f32.msk $0xffff, v1  }
0x2b4: {  	v1 =	vld.idx.msk [tilespmem:v0+s22+$0xFFFFFF70 ss:$0x1], $0xffff;
	_ =	sdelay $0x5  }
0x2b5: {  	[tilespmem:s22+$0x10B60] =	vst.add.f32.msk $0xffff, v1  }
0x2b6: {  	v1 =	vld.idx.msk [tilespmem:v0+s22+$0xFFFFFF80 ss:$0x1], $0xffff;
	_ =	sdelay $0x5  }
0x2b7: {  	[tilespmem:s22+$0x10B70] =	vst.add.f32.msk $0xffff, v1  }
0x2b8: {  	v1 =	vld.idx.msk [tilespmem:v0+s22+$0xFFFFFF90 ss:$0x1], $0xffff;
	_ =	sdelay $0x5  }
0x2b9: {  	[tilespmem:s22+$0x10B80] =	vst.add.f32.msk $0xffff, v1  }
0x2ba: {  	v1 =	vld.idx.msk [tilespmem:v0+s22+$0xFFFFFFA0 ss:$0x1], $0xffff;
	_ =	sdelay $0x5  }
0x2bb: {  	[tilespmem:s22+$0x10B90] =	vst.add.f32.msk $0xffff, v1  }
0x2bc: {  	v1 =	vld.idx.msk [tilespmem:v0+s22+$0xFFFFFFB0 ss:$0x1], $0xffff;
	_ =	sdelay $0x5  }
0x2bd: {  	[tilespmem:s22+$0x10BA0] =	vst.add.f32.msk $0xffff, v1  }
0x2be: {  	v1 =	vld.idx.msk [tilespmem:v0+s22+$0xFFFFFFC0 ss:$0x1], $0xffff;
	_ =	sdelay $0x5  }
0x2bf: {  	[tilespmem:s22+$0x10BB0] =	vst.add.f32.msk $0xffff, v1  }
0x2c0: {  	v1 =	vld.idx.msk [tilespmem:v0+s22+$0xFFFFFFD0 ss:$0x1], $0xffff;
	_ =	sdelay $0x5  }
0x2c1: {  	[tilespmem:s22+$0x10BC0] =	vst.add.f32.msk $0xffff, v1  }
0x2c2: {  	v1 =	vld.idx.msk [tilespmem:v0+s22+$0xFFFFFFE0 ss:$0x1], $0xffff;
	_ =	sdelay $0x5  }
0x2c3: {  	[tilespmem:s22+$0x10BD0] =	vst.add.f32.msk $0xffff, v1  }
0x2c4: {  	v1 =	vld.idx.msk [tilespmem:v0+s22+$0xFFFFFFF0 ss:$0x1], $0xffff;
	_ =	sdelay $0x5  }
0x2c5: {  	[tilespmem:s22+$0x10BE0] =	vst.add.f32.msk $0xffff, v1  }
0x2c6: {  	v1 =	vld.idx.msk [tilespmem:v0+s22+$0x0 ss:$0x1], $0xffff;
	_ =	sdelay $0x1  }
.Ltmp2:
0x2c7: {  	(pc) =	sbr.rel @p1 .LBB2_7-.Ltmp2, $2  }
0x2c8: {  	_ =	sdelay $0x2  }
0x2c9: {  	[tilespmem:s22+$0x10BF0] =	vst.add.f32.msk $0xffff, v1;
	s22 =	sshra.s32 s11, $0x2;
	s11 =	sadd.s32 $0x1000, s11  }
0x2ca: {  	_ =	sdelay $0x3  }
0x2cb: {  	v1 =	vld.idx.msk [tilespmem:v0+s22+$0xFFFFFC10 ss:$0x1], $0xffff;
	_ =	sdelay $0x4  }
0x2cc: {  	[tilespmem:s22+$0x10800] =	vst.add.f32.msk $0xffff, v1  }
0x2cd: {  	v1 =	vld.idx.msk [tilespmem:v0+s22+$0xFFFFFC20 ss:$0x1], $0xffff;
	_ =	sdelay $0x4  }
0x2ce: {  	[tilespmem:s22+$0x10810] =	vst.add.f32.msk $0xffff, v1  }
0x2cf: {  	v1 =	vld.idx.msk [tilespmem:v0+s22+$0xFFFFFC30 ss:$0x1], $0xffff;
	_ =	sdelay $0x4  }
0x2d0: {  	[tilespmem:s22+$0x10820] =	vst.add.f32.msk $0xffff, v1  }
0x2d1: {  	v1 =	vld.idx.msk [tilespmem:v0+s22+$0xFFFFFC40 ss:$0x1], $0xffff;
	_ =	sdelay $0x4  }
0x2d2: {  	[tilespmem:s22+$0x10830] =	vst.add.f32.msk $0xffff, v1  }
0x2d3: {  	v1 =	vld.idx.msk [tilespmem:v0+s22+$0xFFFFFC50 ss:$0x1], $0xffff;
	_ =	sdelay $0x4  }
0x2d4: {  	[tilespmem:s22+$0x10840] =	vst.add.f32.msk $0xffff, v1  }
0x2d5: {  	v1 =	vld.idx.msk [tilespmem:v0+s22+$0xFFFFFC60 ss:$0x1], $0xffff;
	_ =	sdelay $0x4  }
0x2d6: {  	[tilespmem:s22+$0x10850] =	vst.add.f32.msk $0xffff, v1  }
0x2d7: {  	v1 =	vld.idx.msk [tilespmem:v0+s22+$0xFFFFFC70 ss:$0x1], $0xffff;
	_ =	sdelay $0x4  }
0x2d8: {  	[tilespmem:s22+$0x10860] =	vst.add.f32.msk $0xffff, v1  }
0x2d9: {  	v1 =	vld.idx.msk [tilespmem:v0+s22+$0xFFFFFC80 ss:$0x1], $0xffff;
	_ =	sdelay $0x4  }
0x2da: {  	[tilespmem:s22+$0x10870] =	vst.add.f32.msk $0xffff, v1  }
0x2db: {  	v1 =	vld.idx.msk [tilespmem:v0+s22+$0xFFFFFC90 ss:$0x1], $0xffff;
	_ =	sdelay $0x4  }
0x2dc: {  	[tilespmem:s22+$0x10880] =	vst.add.f32.msk $0xffff, v1  }
0x2dd: {  	v1 =	vld.idx.msk [tilespmem:v0+s22+$0xFFFFFCA0 ss:$0x1], $0xffff;
	_ =	sdelay $0x4  }
0x2de: {  	[tilespmem:s22+$0x10890] =	vst.add.f32.msk $0xffff, v1  }
0x2df: {  	v1 =	vld.idx.msk [tilespmem:v0+s22+$0xFFFFFCB0 ss:$0x1], $0xffff;
	_ =	sdelay $0x4  }
0x2e0: {  	[tilespmem:s22+$0x108A0] =	vst.add.f32.msk $0xffff, v1  }
0x2e1: {  	v1 =	vld.idx.msk [tilespmem:v0+s22+$0xFFFFFCC0 ss:$0x1], $0xffff;
	_ =	sdelay $0x4  }
0x2e2: {  	[tilespmem:s22+$0x108B0] =	vst.add.f32.msk $0xffff, v1  }
0x2e3: {  	v1 =	vld.idx.msk [tilespmem:v0+s22+$0xFFFFFCD0 ss:$0x1], $0xffff;
	_ =	sdelay $0x4  }
0x2e4: {  	[tilespmem:s22+$0x108C0] =	vst.add.f32.msk $0xffff, v1  }
0x2e5: {  	v1 =	vld.idx.msk [tilespmem:v0+s22+$0xFFFFFCE0 ss:$0x1], $0xffff;
	_ =	sdelay $0x4  }
0x2e6: {  	[tilespmem:s22+$0x108D0] =	vst.add.f32.msk $0xffff, v1  }
0x2e7: {  	v1 =	vld.idx.msk [tilespmem:v0+s22+$0xFFFFFCF0 ss:$0x1], $0xffff;
	_ =	sdelay $0x4  }
0x2e8: {  	[tilespmem:s22+$0x108E0] =	vst.add.f32.msk $0xffff, v1  }
0x2e9: {  	v1 =	vld.idx.msk [tilespmem:v0+s22+$0xFFFFFD00 ss:$0x1], $0xffff;
	_ =	sdelay $0x4  }
0x2ea: {  	[tilespmem:s22+$0x108F0] =	vst.add.f32.msk $0xffff, v1  }
0x2eb: {  	v1 =	vld.idx.msk [tilespmem:v0+s22+$0xFFFFFD10 ss:$0x1], $0xffff;
	_ =	sdelay $0x4  }
0x2ec: {  	[tilespmem:s22+$0x10900] =	vst.add.f32.msk $0xffff, v1  }
0x2ed: {  	v1 =	vld.idx.msk [tilespmem:v0+s22+$0xFFFFFD20 ss:$0x1], $0xffff;
	_ =	sdelay $0x4  }
0x2ee: {  	[tilespmem:s22+$0x10910] =	vst.add.f32.msk $0xffff, v1  }
0x2ef: {  	v1 =	vld.idx.msk [tilespmem:v0+s22+$0xFFFFFD30 ss:$0x1], $0xffff;
	_ =	sdelay $0x4  }
0x2f0: {  	[tilespmem:s22+$0x10920] =	vst.add.f32.msk $0xffff, v1  }
0x2f1: {  	v1 =	vld.idx.msk [tilespmem:v0+s22+$0xFFFFFD40 ss:$0x1], $0xffff;
	_ =	sdelay $0x4  }
0x2f2: {  	[tilespmem:s22+$0x10930] =	vst.add.f32.msk $0xffff, v1  }
0x2f3: {  	v1 =	vld.idx.msk [tilespmem:v0+s22+$0xFFFFFD50 ss:$0x1], $0xffff;
	_ =	sdelay $0x4  }
0x2f4: {  	[tilespmem:s22+$0x10940] =	vst.add.f32.msk $0xffff, v1  }
0x2f5: {  	v1 =	vld.idx.msk [tilespmem:v0+s22+$0xFFFFFD60 ss:$0x1], $0xffff;
	_ =	sdelay $0x4  }
0x2f6: {  	[tilespmem:s22+$0x10950] =	vst.add.f32.msk $0xffff, v1  }
0x2f7: {  	v1 =	vld.idx.msk [tilespmem:v0+s22+$0xFFFFFD70 ss:$0x1], $0xffff;
	_ =	sdelay $0x4  }
0x2f8: {  	[tilespmem:s22+$0x10960] =	vst.add.f32.msk $0xffff, v1  }
0x2f9: {  	v1 =	vld.idx.msk [tilespmem:v0+s22+$0xFFFFFD80 ss:$0x1], $0xffff;
	_ =	sdelay $0x4  }
0x2fa: {  	[tilespmem:s22+$0x10970] =	vst.add.f32.msk $0xffff, v1  }
0x2fb: {  	v1 =	vld.idx.msk [tilespmem:v0+s22+$0xFFFFFD90 ss:$0x1], $0xffff;
	_ =	sdelay $0x4  }
0x2fc: {  	[tilespmem:s22+$0x10980] =	vst.add.f32.msk $0xffff, v1  }
0x2fd: {  	v1 =	vld.idx.msk [tilespmem:v0+s22+$0xFFFFFDA0 ss:$0x1], $0xffff;
	_ =	sdelay $0x4  }
0x2fe: {  	[tilespmem:s22+$0x10990] =	vst.add.f32.msk $0xffff, v1  }
0x2ff: {  	v1 =	vld.idx.msk [tilespmem:v0+s22+$0xFFFFFDB0 ss:$0x1], $0xffff;
	_ =	sdelay $0x4  }
0x300: {  	[tilespmem:s22+$0x109A0] =	vst.add.f32.msk $0xffff, v1  }
0x301: {  	v1 =	vld.idx.msk [tilespmem:v0+s22+$0xFFFFFDC0 ss:$0x1], $0xffff;
	_ =	sdelay $0x4  }
0x302: {  	[tilespmem:s22+$0x109B0] =	vst.add.f32.msk $0xffff, v1  }
0x303: {  	v1 =	vld.idx.msk [tilespmem:v0+s22+$0xFFFFFDD0 ss:$0x1], $0xffff;
	_ =	sdelay $0x4  }
0x304: {  	[tilespmem:s22+$0x109C0] =	vst.add.f32.msk $0xffff, v1  }
0x305: {  	v1 =	vld.idx.msk [tilespmem:v0+s22+$0xFFFFFDE0 ss:$0x1], $0xffff;
	_ =	sdelay $0x4  }
0x306: {  	[tilespmem:s22+$0x109D0] =	vst.add.f32.msk $0xffff, v1  }
0x307: {  	v1 =	vld.idx.msk [tilespmem:v0+s22+$0xFFFFFDF0 ss:$0x1], $0xffff;
	_ =	sdelay $0x4  }
0x308: {  	[tilespmem:s22+$0x109E0] =	vst.add.f32.msk $0xffff, v1  }
0x309: {  	v1 =	vld.idx.msk [tilespmem:v0+s22+$0xFFFFFE00 ss:$0x1], $0xffff;
	_ =	sdelay $0x4  }
0x30a: {  	[tilespmem:s22+$0x109F0] =	vst.add.f32.msk $0xffff, v1  }
0x30b: {  	v1 =	vld.idx.msk [tilespmem:v0+s22+$0xFFFFFE10 ss:$0x1], $0xffff;
	_ =	sdelay $0x4  }
0x30c: {  	[tilespmem:s22+$0x10A00] =	vst.add.f32.msk $0xffff, v1  }
0x30d: {  	v1 =	vld.idx.msk [tilespmem:v0+s22+$0xFFFFFE20 ss:$0x1], $0xffff;
	_ =	sdelay $0x4  }
0x30e: {  	[tilespmem:s22+$0x10A10] =	vst.add.f32.msk $0xffff, v1  }
0x30f: {  	v1 =	vld.idx.msk [tilespmem:v0+s22+$0xFFFFFE30 ss:$0x1], $0xffff;
	_ =	sdelay $0x4  }
0x310: {  	[tilespmem:s22+$0x10A20] =	vst.add.f32.msk $0xffff, v1  }
0x311: {  	v1 =	vld.idx.msk [tilespmem:v0+s22+$0xFFFFFE40 ss:$0x1], $0xffff;
	_ =	sdelay $0x4  }
0x312: {  	[tilespmem:s22+$0x10A30] =	vst.add.f32.msk $0xffff, v1  }
0x313: {  	v1 =	vld.idx.msk [tilespmem:v0+s22+$0xFFFFFE50 ss:$0x1], $0xffff;
	_ =	sdelay $0x4  }
0x314: {  	[tilespmem:s22+$0x10A40] =	vst.add.f32.msk $0xffff, v1  }
0x315: {  	v1 =	vld.idx.msk [tilespmem:v0+s22+$0xFFFFFE60 ss:$0x1], $0xffff;
	_ =	sdelay $0x4  }
0x316: {  	[tilespmem:s22+$0x10A50] =	vst.add.f32.msk $0xffff, v1  }
0x317: {  	v1 =	vld.idx.msk [tilespmem:v0+s22+$0xFFFFFE70 ss:$0x1], $0xffff;
	_ =	sdelay $0x4  }
0x318: {  	[tilespmem:s22+$0x10A60] =	vst.add.f32.msk $0xffff, v1  }
0x319: {  	v1 =	vld.idx.msk [tilespmem:v0+s22+$0xFFFFFE80 ss:$0x1], $0xffff;
	_ =	sdelay $0x4  }
0x31a: {  	[tilespmem:s22+$0x10A70] =	vst.add.f32.msk $0xffff, v1  }
0x31b: {  	v1 =	vld.idx.msk [tilespmem:v0+s22+$0xFFFFFE90 ss:$0x1], $0xffff;
	_ =	sdelay $0x4  }
0x31c: {  	[tilespmem:s22+$0x10A80] =	vst.add.f32.msk $0xffff, v1  }
0x31d: {  	v1 =	vld.idx.msk [tilespmem:v0+s22+$0xFFFFFEA0 ss:$0x1], $0xffff;
	_ =	sdelay $0x4  }
0x31e: {  	[tilespmem:s22+$0x10A90] =	vst.add.f32.msk $0xffff, v1  }
0x31f: {  	v1 =	vld.idx.msk [tilespmem:v0+s22+$0xFFFFFEB0 ss:$0x1], $0xffff;
	_ =	sdelay $0x4  }
0x320: {  	[tilespmem:s22+$0x10AA0] =	vst.add.f32.msk $0xffff, v1  }
0x321: {  	v1 =	vld.idx.msk [tilespmem:v0+s22+$0xFFFFFEC0 ss:$0x1], $0xffff;
	_ =	sdelay $0x4  }
0x322: {  	[tilespmem:s22+$0x10AB0] =	vst.add.f32.msk $0xffff, v1  }
0x323: {  	v1 =	vld.idx.msk [tilespmem:v0+s22+$0xFFFFFED0 ss:$0x1], $0xffff;
	_ =	sdelay $0x4  }
0x324: {  	[tilespmem:s22+$0x10AC0] =	vst.add.f32.msk $0xffff, v1  }
0x325: {  	v1 =	vld.idx.msk [tilespmem:v0+s22+$0xFFFFFEE0 ss:$0x1], $0xffff;
	_ =	sdelay $0x4  }
0x326: {  	[tilespmem:s22+$0x10AD0] =	vst.add.f32.msk $0xffff, v1  }
0x327: {  	v1 =	vld.idx.msk [tilespmem:v0+s22+$0xFFFFFEF0 ss:$0x1], $0xffff;
	_ =	sdelay $0x4  }
0x328: {  	[tilespmem:s22+$0x10AE0] =	vst.add.f32.msk $0xffff, v1  }
0x329: {  	v1 =	vld.idx.msk [tilespmem:v0+s22+$0xFFFFFF00 ss:$0x1], $0xffff;
	_ =	sdelay $0x4  }
0x32a: {  	[tilespmem:s22+$0x10AF0] =	vst.add.f32.msk $0xffff, v1  }
0x32b: {  	v1 =	vld.idx.msk [tilespmem:v0+s22+$0xFFFFFF10 ss:$0x1], $0xffff;
	_ =	sdelay $0x4  }
0x32c: {  	[tilespmem:s22+$0x10B00] =	vst.add.f32.msk $0xffff, v1  }
0x32d: {  	v1 =	vld.idx.msk [tilespmem:v0+s22+$0xFFFFFF20 ss:$0x1], $0xffff;
	_ =	sdelay $0x4  }
0x32e: {  	[tilespmem:s22+$0x10B10] =	vst.add.f32.msk $0xffff, v1  }
0x32f: {  	v1 =	vld.idx.msk [tilespmem:v0+s22+$0xFFFFFF30 ss:$0x1], $0xffff;
	_ =	sdelay $0x4  }
0x330: {  	[tilespmem:s22+$0x10B20] =	vst.add.f32.msk $0xffff, v1  }
0x331: {  	v1 =	vld.idx.msk [tilespmem:v0+s22+$0xFFFFFF40 ss:$0x1], $0xffff;
	_ =	sdelay $0x4  }
0x332: {  	[tilespmem:s22+$0x10B30] =	vst.add.f32.msk $0xffff, v1  }
0x333: {  	v1 =	vld.idx.msk [tilespmem:v0+s22+$0xFFFFFF50 ss:$0x1], $0xffff;
	_ =	sdelay $0x4  }
0x334: {  	[tilespmem:s22+$0x10B40] =	vst.add.f32.msk $0xffff, v1  }
0x335: {  	v1 =	vld.idx.msk [tilespmem:v0+s22+$0xFFFFFF60 ss:$0x1], $0xffff;
	_ =	sdelay $0x4  }
0x336: {  	[tilespmem:s22+$0x10B50] =	vst.add.f32.msk $0xffff, v1  }
0x337: {  	v1 =	vld.idx.msk [tilespmem:v0+s22+$0xFFFFFF70 ss:$0x1], $0xffff;
	_ =	sdelay $0x4  }
0x338: {  	[tilespmem:s22+$0x10B60] =	vst.add.f32.msk $0xffff, v1  }
0x339: {  	v1 =	vld.idx.msk [tilespmem:v0+s22+$0xFFFFFF80 ss:$0x1], $0xffff;
	_ =	sdelay $0x4  }
0x33a: {  	[tilespmem:s22+$0x10B70] =	vst.add.f32.msk $0xffff, v1  }
0x33b: {  	v1 =	vld.idx.msk [tilespmem:v0+s22+$0xFFFFFF90 ss:$0x1], $0xffff;
	_ =	sdelay $0x4  }
0x33c: {  	[tilespmem:s22+$0x10B80] =	vst.add.f32.msk $0xffff, v1  }
0x33d: {  	v1 =	vld.idx.msk [tilespmem:v0+s22+$0xFFFFFFA0 ss:$0x1], $0xffff;
	_ =	sdelay $0x4  }
0x33e: {  	[tilespmem:s22+$0x10B90] =	vst.add.f32.msk $0xffff, v1  }
0x33f: {  	v1 =	vld.idx.msk [tilespmem:v0+s22+$0xFFFFFFB0 ss:$0x1], $0xffff;
	_ =	sdelay $0x4  }
0x340: {  	[tilespmem:s22+$0x10BA0] =	vst.add.f32.msk $0xffff, v1  }
0x341: {  	v1 =	vld.idx.msk [tilespmem:v0+s22+$0xFFFFFFC0 ss:$0x1], $0xffff;
	_ =	sdelay $0x4  }
0x342: {  	[tilespmem:s22+$0x10BB0] =	vst.add.f32.msk $0xffff, v1  }
0x343: {  	v1 =	vld.idx.msk [tilespmem:v0+s22+$0xFFFFFFD0 ss:$0x1], $0xffff;
	_ =	sdelay $0x4  }
0x344: {  	[tilespmem:s22+$0x10BC0] =	vst.add.f32.msk $0xffff, v1  }
0x345: {  	v1 =	vld.idx.msk [tilespmem:v0+s22+$0xFFFFFFE0 ss:$0x1], $0xffff;
	_ =	sdelay $0x4  }
0x346: {  	[tilespmem:s22+$0x10BD0] =	vst.add.f32.msk $0xffff, v1  }
0x347: {  	v1 =	vld.idx.msk [tilespmem:v0+s22+$0xFFFFFFF0 ss:$0x1], $0xffff;
	_ =	sdelay $0x4  }
0x348: {  	[tilespmem:s22+$0x10BE0] =	vst.add.f32.msk $0xffff, v1  }
0x349: {  	v0 =	vld.idx.msk [tilespmem:v0+s22+$0x0 ss:$0x1], $0xffff;
	_ =	sdelay $0x1  }
0x34a: {  	s7 =	sadd.s32 s3, s7  }
0x34b: {  	s7 =	sshll.u32 s7, $0x3  }
0x34c: {  	s7 =	sand.u32 $0x1FFFF800, s7  }
0x34d: {  	s7 =	sadd.s32 s2, s7;
	[tilespmem:s22+$0x10BF0] =	vst.add.f32.msk $0xffff, v0  }
0x34e: {  	[hbm4b:s7+s4] =	stream.linear.scatter [tilespmem:s14], [sflag:$0x7], $0x2000, $0x38;
	[tilespmem:$0x14800] =	vst v63  }
0x34f: {  	_ =	swait.ge [sflag:s20], $0x2000  }
0x350: {  	s11 =	simm.s32 @!p0 $0xE800;
	[sflag:s20] =	ssyncset.done $0x0  }
0x351: {  	v0 =	vmov s6;
	s7 =	sadd.s32 @!p0 $0x280, s9;
	s9 =	simm.s32 @!p0 $0x80;
	[sflag:s20] =	ssyncadd.s32 $0xFFFFE000  }
0x352: {  	[tilespmem:s11], [sflag:$0x2] =	stream.indirect.gather @!p0 [hbm4b:s5+s9], $0x40, s7, s9, $0xb8;
	[tilespmem:$0x14800] =	vst v63  }
0x353: {  	_ =	swait.ge [sflag:s21], $0x2000  }
0x354: {  	[sflag:s21] =	ssyncset.done $0x0  }
0x355: {  	s6 =	simm.s32 $0x0;
	s7 =	simm.s32 $0x1000;
	[sflag:s21] =	ssyncadd.s32 $0xFFFFE000  }
.LBB2_9:
0x356: {  	p0 =	sne.s32 s7, $0x7000;
	v1 =	vld.idx.msk [tilespmem:v0+s6+$0xFFFFFC10 ss:$0x1], $0xffff;
	_ =	sdelay $0x5  }
0x357: {  	[tilespmem:s6+$0x12800] =	vst.add.f32.msk $0xffff, v1  }
0x358: {  	v1 =	vld.idx.msk [tilespmem:v0+s6+$0xFFFFFC20 ss:$0x1], $0xffff;
	_ =	sdelay $0x5  }
0x359: {  	[tilespmem:s6+$0x12810] =	vst.add.f32.msk $0xffff, v1  }
0x35a: {  	v1 =	vld.idx.msk [tilespmem:v0+s6+$0xFFFFFC30 ss:$0x1], $0xffff;
	_ =	sdelay $0x5  }
0x35b: {  	[tilespmem:s6+$0x12820] =	vst.add.f32.msk $0xffff, v1  }
0x35c: {  	v1 =	vld.idx.msk [tilespmem:v0+s6+$0xFFFFFC40 ss:$0x1], $0xffff;
	_ =	sdelay $0x5  }
0x35d: {  	[tilespmem:s6+$0x12830] =	vst.add.f32.msk $0xffff, v1  }
0x35e: {  	v1 =	vld.idx.msk [tilespmem:v0+s6+$0xFFFFFC50 ss:$0x1], $0xffff;
	_ =	sdelay $0x5  }
0x35f: {  	[tilespmem:s6+$0x12840] =	vst.add.f32.msk $0xffff, v1  }
0x360: {  	v1 =	vld.idx.msk [tilespmem:v0+s6+$0xFFFFFC60 ss:$0x1], $0xffff;
	_ =	sdelay $0x5  }
0x361: {  	[tilespmem:s6+$0x12850] =	vst.add.f32.msk $0xffff, v1  }
0x362: {  	v1 =	vld.idx.msk [tilespmem:v0+s6+$0xFFFFFC70 ss:$0x1], $0xffff;
	_ =	sdelay $0x5  }
0x363: {  	[tilespmem:s6+$0x12860] =	vst.add.f32.msk $0xffff, v1  }
0x364: {  	v1 =	vld.idx.msk [tilespmem:v0+s6+$0xFFFFFC80 ss:$0x1], $0xffff;
	_ =	sdelay $0x5  }
0x365: {  	[tilespmem:s6+$0x12870] =	vst.add.f32.msk $0xffff, v1  }
0x366: {  	v1 =	vld.idx.msk [tilespmem:v0+s6+$0xFFFFFC90 ss:$0x1], $0xffff;
	_ =	sdelay $0x5  }
0x367: {  	[tilespmem:s6+$0x12880] =	vst.add.f32.msk $0xffff, v1  }
0x368: {  	v1 =	vld.idx.msk [tilespmem:v0+s6+$0xFFFFFCA0 ss:$0x1], $0xffff;
	_ =	sdelay $0x5  }
0x369: {  	[tilespmem:s6+$0x12890] =	vst.add.f32.msk $0xffff, v1  }
0x36a: {  	v1 =	vld.idx.msk [tilespmem:v0+s6+$0xFFFFFCB0 ss:$0x1], $0xffff;
	_ =	sdelay $0x5  }
0x36b: {  	[tilespmem:s6+$0x128A0] =	vst.add.f32.msk $0xffff, v1  }
0x36c: {  	v1 =	vld.idx.msk [tilespmem:v0+s6+$0xFFFFFCC0 ss:$0x1], $0xffff;
	_ =	sdelay $0x5  }
0x36d: {  	[tilespmem:s6+$0x128B0] =	vst.add.f32.msk $0xffff, v1  }
0x36e: {  	v1 =	vld.idx.msk [tilespmem:v0+s6+$0xFFFFFCD0 ss:$0x1], $0xffff;
	_ =	sdelay $0x5  }
0x36f: {  	[tilespmem:s6+$0x128C0] =	vst.add.f32.msk $0xffff, v1  }
0x370: {  	v1 =	vld.idx.msk [tilespmem:v0+s6+$0xFFFFFCE0 ss:$0x1], $0xffff;
	_ =	sdelay $0x5  }
0x371: {  	[tilespmem:s6+$0x128D0] =	vst.add.f32.msk $0xffff, v1  }
0x372: {  	v1 =	vld.idx.msk [tilespmem:v0+s6+$0xFFFFFCF0 ss:$0x1], $0xffff;
	_ =	sdelay $0x5  }
0x373: {  	[tilespmem:s6+$0x128E0] =	vst.add.f32.msk $0xffff, v1  }
0x374: {  	v1 =	vld.idx.msk [tilespmem:v0+s6+$0xFFFFFD00 ss:$0x1], $0xffff;
	_ =	sdelay $0x5  }
0x375: {  	[tilespmem:s6+$0x128F0] =	vst.add.f32.msk $0xffff, v1  }
0x376: {  	v1 =	vld.idx.msk [tilespmem:v0+s6+$0xFFFFFD10 ss:$0x1], $0xffff;
	_ =	sdelay $0x5  }
0x377: {  	[tilespmem:s6+$0x12900] =	vst.add.f32.msk $0xffff, v1  }
0x378: {  	v1 =	vld.idx.msk [tilespmem:v0+s6+$0xFFFFFD20 ss:$0x1], $0xffff;
	_ =	sdelay $0x5  }
0x379: {  	[tilespmem:s6+$0x12910] =	vst.add.f32.msk $0xffff, v1  }
0x37a: {  	v1 =	vld.idx.msk [tilespmem:v0+s6+$0xFFFFFD30 ss:$0x1], $0xffff;
	_ =	sdelay $0x5  }
0x37b: {  	[tilespmem:s6+$0x12920] =	vst.add.f32.msk $0xffff, v1  }
0x37c: {  	v1 =	vld.idx.msk [tilespmem:v0+s6+$0xFFFFFD40 ss:$0x1], $0xffff;
	_ =	sdelay $0x5  }
0x37d: {  	[tilespmem:s6+$0x12930] =	vst.add.f32.msk $0xffff, v1  }
0x37e: {  	v1 =	vld.idx.msk [tilespmem:v0+s6+$0xFFFFFD50 ss:$0x1], $0xffff;
	_ =	sdelay $0x5  }
0x37f: {  	[tilespmem:s6+$0x12940] =	vst.add.f32.msk $0xffff, v1  }
0x380: {  	v1 =	vld.idx.msk [tilespmem:v0+s6+$0xFFFFFD60 ss:$0x1], $0xffff;
	_ =	sdelay $0x5  }
0x381: {  	[tilespmem:s6+$0x12950] =	vst.add.f32.msk $0xffff, v1  }
0x382: {  	v1 =	vld.idx.msk [tilespmem:v0+s6+$0xFFFFFD70 ss:$0x1], $0xffff;
	_ =	sdelay $0x5  }
0x383: {  	[tilespmem:s6+$0x12960] =	vst.add.f32.msk $0xffff, v1  }
0x384: {  	v1 =	vld.idx.msk [tilespmem:v0+s6+$0xFFFFFD80 ss:$0x1], $0xffff;
	_ =	sdelay $0x5  }
0x385: {  	[tilespmem:s6+$0x12970] =	vst.add.f32.msk $0xffff, v1  }
0x386: {  	v1 =	vld.idx.msk [tilespmem:v0+s6+$0xFFFFFD90 ss:$0x1], $0xffff;
	_ =	sdelay $0x5  }
0x387: {  	[tilespmem:s6+$0x12980] =	vst.add.f32.msk $0xffff, v1  }
0x388: {  	v1 =	vld.idx.msk [tilespmem:v0+s6+$0xFFFFFDA0 ss:$0x1], $0xffff;
	_ =	sdelay $0x5  }
0x389: {  	[tilespmem:s6+$0x12990] =	vst.add.f32.msk $0xffff, v1  }
0x38a: {  	v1 =	vld.idx.msk [tilespmem:v0+s6+$0xFFFFFDB0 ss:$0x1], $0xffff;
	_ =	sdelay $0x5  }
0x38b: {  	[tilespmem:s6+$0x129A0] =	vst.add.f32.msk $0xffff, v1  }
0x38c: {  	v1 =	vld.idx.msk [tilespmem:v0+s6+$0xFFFFFDC0 ss:$0x1], $0xffff;
	_ =	sdelay $0x5  }
0x38d: {  	[tilespmem:s6+$0x129B0] =	vst.add.f32.msk $0xffff, v1  }
0x38e: {  	v1 =	vld.idx.msk [tilespmem:v0+s6+$0xFFFFFDD0 ss:$0x1], $0xffff;
	_ =	sdelay $0x5  }
0x38f: {  	[tilespmem:s6+$0x129C0] =	vst.add.f32.msk $0xffff, v1  }
0x390: {  	v1 =	vld.idx.msk [tilespmem:v0+s6+$0xFFFFFDE0 ss:$0x1], $0xffff;
	_ =	sdelay $0x5  }
0x391: {  	[tilespmem:s6+$0x129D0] =	vst.add.f32.msk $0xffff, v1  }
0x392: {  	v1 =	vld.idx.msk [tilespmem:v0+s6+$0xFFFFFDF0 ss:$0x1], $0xffff;
	_ =	sdelay $0x5  }
0x393: {  	[tilespmem:s6+$0x129E0] =	vst.add.f32.msk $0xffff, v1  }
0x394: {  	v1 =	vld.idx.msk [tilespmem:v0+s6+$0xFFFFFE00 ss:$0x1], $0xffff;
	_ =	sdelay $0x5  }
0x395: {  	[tilespmem:s6+$0x129F0] =	vst.add.f32.msk $0xffff, v1  }
0x396: {  	v1 =	vld.idx.msk [tilespmem:v0+s6+$0xFFFFFE10 ss:$0x1], $0xffff;
	_ =	sdelay $0x5  }
0x397: {  	[tilespmem:s6+$0x12A00] =	vst.add.f32.msk $0xffff, v1  }
0x398: {  	v1 =	vld.idx.msk [tilespmem:v0+s6+$0xFFFFFE20 ss:$0x1], $0xffff;
	_ =	sdelay $0x5  }
0x399: {  	[tilespmem:s6+$0x12A10] =	vst.add.f32.msk $0xffff, v1  }
0x39a: {  	v1 =	vld.idx.msk [tilespmem:v0+s6+$0xFFFFFE30 ss:$0x1], $0xffff;
	_ =	sdelay $0x5  }
0x39b: {  	[tilespmem:s6+$0x12A20] =	vst.add.f32.msk $0xffff, v1  }
0x39c: {  	v1 =	vld.idx.msk [tilespmem:v0+s6+$0xFFFFFE40 ss:$0x1], $0xffff;
	_ =	sdelay $0x5  }
0x39d: {  	[tilespmem:s6+$0x12A30] =	vst.add.f32.msk $0xffff, v1  }
0x39e: {  	v1 =	vld.idx.msk [tilespmem:v0+s6+$0xFFFFFE50 ss:$0x1], $0xffff;
	_ =	sdelay $0x5  }
0x39f: {  	[tilespmem:s6+$0x12A40] =	vst.add.f32.msk $0xffff, v1  }
0x3a0: {  	v1 =	vld.idx.msk [tilespmem:v0+s6+$0xFFFFFE60 ss:$0x1], $0xffff;
	_ =	sdelay $0x5  }
0x3a1: {  	[tilespmem:s6+$0x12A50] =	vst.add.f32.msk $0xffff, v1  }
0x3a2: {  	v1 =	vld.idx.msk [tilespmem:v0+s6+$0xFFFFFE70 ss:$0x1], $0xffff;
	_ =	sdelay $0x5  }
0x3a3: {  	[tilespmem:s6+$0x12A60] =	vst.add.f32.msk $0xffff, v1  }
0x3a4: {  	v1 =	vld.idx.msk [tilespmem:v0+s6+$0xFFFFFE80 ss:$0x1], $0xffff;
	_ =	sdelay $0x5  }
0x3a5: {  	[tilespmem:s6+$0x12A70] =	vst.add.f32.msk $0xffff, v1  }
0x3a6: {  	v1 =	vld.idx.msk [tilespmem:v0+s6+$0xFFFFFE90 ss:$0x1], $0xffff;
	_ =	sdelay $0x5  }
0x3a7: {  	[tilespmem:s6+$0x12A80] =	vst.add.f32.msk $0xffff, v1  }
0x3a8: {  	v1 =	vld.idx.msk [tilespmem:v0+s6+$0xFFFFFEA0 ss:$0x1], $0xffff;
	_ =	sdelay $0x5  }
0x3a9: {  	[tilespmem:s6+$0x12A90] =	vst.add.f32.msk $0xffff, v1  }
0x3aa: {  	v1 =	vld.idx.msk [tilespmem:v0+s6+$0xFFFFFEB0 ss:$0x1], $0xffff;
	_ =	sdelay $0x5  }
0x3ab: {  	[tilespmem:s6+$0x12AA0] =	vst.add.f32.msk $0xffff, v1  }
0x3ac: {  	v1 =	vld.idx.msk [tilespmem:v0+s6+$0xFFFFFEC0 ss:$0x1], $0xffff;
	_ =	sdelay $0x5  }
0x3ad: {  	[tilespmem:s6+$0x12AB0] =	vst.add.f32.msk $0xffff, v1  }
0x3ae: {  	v1 =	vld.idx.msk [tilespmem:v0+s6+$0xFFFFFED0 ss:$0x1], $0xffff;
	_ =	sdelay $0x5  }
0x3af: {  	[tilespmem:s6+$0x12AC0] =	vst.add.f32.msk $0xffff, v1  }
0x3b0: {  	v1 =	vld.idx.msk [tilespmem:v0+s6+$0xFFFFFEE0 ss:$0x1], $0xffff;
	_ =	sdelay $0x5  }
0x3b1: {  	[tilespmem:s6+$0x12AD0] =	vst.add.f32.msk $0xffff, v1  }
0x3b2: {  	v1 =	vld.idx.msk [tilespmem:v0+s6+$0xFFFFFEF0 ss:$0x1], $0xffff;
	_ =	sdelay $0x5  }
0x3b3: {  	[tilespmem:s6+$0x12AE0] =	vst.add.f32.msk $0xffff, v1  }
0x3b4: {  	v1 =	vld.idx.msk [tilespmem:v0+s6+$0xFFFFFF00 ss:$0x1], $0xffff;
	_ =	sdelay $0x5  }
0x3b5: {  	[tilespmem:s6+$0x12AF0] =	vst.add.f32.msk $0xffff, v1  }
0x3b6: {  	v1 =	vld.idx.msk [tilespmem:v0+s6+$0xFFFFFF10 ss:$0x1], $0xffff;
	_ =	sdelay $0x5  }
0x3b7: {  	[tilespmem:s6+$0x12B00] =	vst.add.f32.msk $0xffff, v1  }
0x3b8: {  	v1 =	vld.idx.msk [tilespmem:v0+s6+$0xFFFFFF20 ss:$0x1], $0xffff;
	_ =	sdelay $0x5  }
0x3b9: {  	[tilespmem:s6+$0x12B10] =	vst.add.f32.msk $0xffff, v1  }
0x3ba: {  	v1 =	vld.idx.msk [tilespmem:v0+s6+$0xFFFFFF30 ss:$0x1], $0xffff;
	_ =	sdelay $0x5  }
0x3bb: {  	[tilespmem:s6+$0x12B20] =	vst.add.f32.msk $0xffff, v1  }
0x3bc: {  	v1 =	vld.idx.msk [tilespmem:v0+s6+$0xFFFFFF40 ss:$0x1], $0xffff;
	_ =	sdelay $0x5  }
0x3bd: {  	[tilespmem:s6+$0x12B30] =	vst.add.f32.msk $0xffff, v1  }
0x3be: {  	v1 =	vld.idx.msk [tilespmem:v0+s6+$0xFFFFFF50 ss:$0x1], $0xffff;
	_ =	sdelay $0x5  }
0x3bf: {  	[tilespmem:s6+$0x12B40] =	vst.add.f32.msk $0xffff, v1  }
0x3c0: {  	v1 =	vld.idx.msk [tilespmem:v0+s6+$0xFFFFFF60 ss:$0x1], $0xffff;
	_ =	sdelay $0x5  }
0x3c1: {  	[tilespmem:s6+$0x12B50] =	vst.add.f32.msk $0xffff, v1  }
0x3c2: {  	v1 =	vld.idx.msk [tilespmem:v0+s6+$0xFFFFFF70 ss:$0x1], $0xffff;
	_ =	sdelay $0x5  }
0x3c3: {  	[tilespmem:s6+$0x12B60] =	vst.add.f32.msk $0xffff, v1  }
0x3c4: {  	v1 =	vld.idx.msk [tilespmem:v0+s6+$0xFFFFFF80 ss:$0x1], $0xffff;
	_ =	sdelay $0x5  }
0x3c5: {  	[tilespmem:s6+$0x12B70] =	vst.add.f32.msk $0xffff, v1  }
0x3c6: {  	v1 =	vld.idx.msk [tilespmem:v0+s6+$0xFFFFFF90 ss:$0x1], $0xffff;
	_ =	sdelay $0x5  }
0x3c7: {  	[tilespmem:s6+$0x12B80] =	vst.add.f32.msk $0xffff, v1  }
0x3c8: {  	v1 =	vld.idx.msk [tilespmem:v0+s6+$0xFFFFFFA0 ss:$0x1], $0xffff;
	_ =	sdelay $0x5  }
0x3c9: {  	[tilespmem:s6+$0x12B90] =	vst.add.f32.msk $0xffff, v1  }
0x3ca: {  	v1 =	vld.idx.msk [tilespmem:v0+s6+$0xFFFFFFB0 ss:$0x1], $0xffff;
	_ =	sdelay $0x5  }
0x3cb: {  	[tilespmem:s6+$0x12BA0] =	vst.add.f32.msk $0xffff, v1  }
0x3cc: {  	v1 =	vld.idx.msk [tilespmem:v0+s6+$0xFFFFFFC0 ss:$0x1], $0xffff;
	_ =	sdelay $0x5  }
0x3cd: {  	[tilespmem:s6+$0x12BB0] =	vst.add.f32.msk $0xffff, v1  }
0x3ce: {  	v1 =	vld.idx.msk [tilespmem:v0+s6+$0xFFFFFFD0 ss:$0x1], $0xffff;
	_ =	sdelay $0x5  }
0x3cf: {  	[tilespmem:s6+$0x12BC0] =	vst.add.f32.msk $0xffff, v1  }
0x3d0: {  	v1 =	vld.idx.msk [tilespmem:v0+s6+$0xFFFFFFE0 ss:$0x1], $0xffff;
	_ =	sdelay $0x5  }
0x3d1: {  	[tilespmem:s6+$0x12BD0] =	vst.add.f32.msk $0xffff, v1  }
0x3d2: {  	v1 =	vld.idx.msk [tilespmem:v0+s6+$0xFFFFFFF0 ss:$0x1], $0xffff;
	_ =	sdelay $0x5  }
0x3d3: {  	[tilespmem:s6+$0x12BE0] =	vst.add.f32.msk $0xffff, v1  }
0x3d4: {  	v1 =	vld.idx.msk [tilespmem:v0+s6+$0x0 ss:$0x1], $0xffff;
	_ =	sdelay $0x1  }
.Ltmp3:
0x3d5: {  	(pc) =	sbr.rel @p0 .LBB2_9-.Ltmp3, $2  }
0x3d6: {  	_ =	sdelay $0x2  }
0x3d7: {  	[tilespmem:s6+$0x12BF0] =	vst.add.f32.msk $0xffff, v1;
	s6 =	sshra.s32 s7, $0x2;
	s7 =	sadd.s32 $0x1000, s7  }
0x3d8: {  	_ =	sdelay $0x3  }
0x3d9: {  	v1 =	vld.idx.msk [tilespmem:v0+s6+$0xFFFFFC10 ss:$0x1], $0xffff;
	_ =	sdelay $0x4  }
0x3da: {  	[tilespmem:s6+$0x12800] =	vst.add.f32.msk $0xffff, v1  }
0x3db: {  	v1 =	vld.idx.msk [tilespmem:v0+s6+$0xFFFFFC20 ss:$0x1], $0xffff;
	_ =	sdelay $0x4  }
0x3dc: {  	[tilespmem:s6+$0x12810] =	vst.add.f32.msk $0xffff, v1  }
0x3dd: {  	v1 =	vld.idx.msk [tilespmem:v0+s6+$0xFFFFFC30 ss:$0x1], $0xffff;
	_ =	sdelay $0x4  }
0x3de: {  	[tilespmem:s6+$0x12820] =	vst.add.f32.msk $0xffff, v1  }
0x3df: {  	v1 =	vld.idx.msk [tilespmem:v0+s6+$0xFFFFFC40 ss:$0x1], $0xffff;
	_ =	sdelay $0x4  }
0x3e0: {  	[tilespmem:s6+$0x12830] =	vst.add.f32.msk $0xffff, v1  }
0x3e1: {  	v1 =	vld.idx.msk [tilespmem:v0+s6+$0xFFFFFC50 ss:$0x1], $0xffff;
	_ =	sdelay $0x4  }
0x3e2: {  	[tilespmem:s6+$0x12840] =	vst.add.f32.msk $0xffff, v1  }
0x3e3: {  	v1 =	vld.idx.msk [tilespmem:v0+s6+$0xFFFFFC60 ss:$0x1], $0xffff;
	_ =	sdelay $0x4  }
0x3e4: {  	[tilespmem:s6+$0x12850] =	vst.add.f32.msk $0xffff, v1  }
0x3e5: {  	v1 =	vld.idx.msk [tilespmem:v0+s6+$0xFFFFFC70 ss:$0x1], $0xffff;
	_ =	sdelay $0x4  }
0x3e6: {  	[tilespmem:s6+$0x12860] =	vst.add.f32.msk $0xffff, v1  }
0x3e7: {  	v1 =	vld.idx.msk [tilespmem:v0+s6+$0xFFFFFC80 ss:$0x1], $0xffff;
	_ =	sdelay $0x4  }
0x3e8: {  	[tilespmem:s6+$0x12870] =	vst.add.f32.msk $0xffff, v1  }
0x3e9: {  	v1 =	vld.idx.msk [tilespmem:v0+s6+$0xFFFFFC90 ss:$0x1], $0xffff;
	_ =	sdelay $0x4  }
0x3ea: {  	[tilespmem:s6+$0x12880] =	vst.add.f32.msk $0xffff, v1  }
0x3eb: {  	v1 =	vld.idx.msk [tilespmem:v0+s6+$0xFFFFFCA0 ss:$0x1], $0xffff;
	_ =	sdelay $0x4  }
0x3ec: {  	[tilespmem:s6+$0x12890] =	vst.add.f32.msk $0xffff, v1  }
0x3ed: {  	v1 =	vld.idx.msk [tilespmem:v0+s6+$0xFFFFFCB0 ss:$0x1], $0xffff;
	_ =	sdelay $0x4  }
0x3ee: {  	[tilespmem:s6+$0x128A0] =	vst.add.f32.msk $0xffff, v1  }
0x3ef: {  	v1 =	vld.idx.msk [tilespmem:v0+s6+$0xFFFFFCC0 ss:$0x1], $0xffff;
	_ =	sdelay $0x4  }
0x3f0: {  	[tilespmem:s6+$0x128B0] =	vst.add.f32.msk $0xffff, v1  }
0x3f1: {  	v1 =	vld.idx.msk [tilespmem:v0+s6+$0xFFFFFCD0 ss:$0x1], $0xffff;
	_ =	sdelay $0x4  }
0x3f2: {  	[tilespmem:s6+$0x128C0] =	vst.add.f32.msk $0xffff, v1  }
0x3f3: {  	v1 =	vld.idx.msk [tilespmem:v0+s6+$0xFFFFFCE0 ss:$0x1], $0xffff;
	_ =	sdelay $0x4  }
0x3f4: {  	[tilespmem:s6+$0x128D0] =	vst.add.f32.msk $0xffff, v1  }
0x3f5: {  	v1 =	vld.idx.msk [tilespmem:v0+s6+$0xFFFFFCF0 ss:$0x1], $0xffff;
	_ =	sdelay $0x4  }
0x3f6: {  	[tilespmem:s6+$0x128E0] =	vst.add.f32.msk $0xffff, v1  }
0x3f7: {  	v1 =	vld.idx.msk [tilespmem:v0+s6+$0xFFFFFD00 ss:$0x1], $0xffff;
	_ =	sdelay $0x4  }
0x3f8: {  	[tilespmem:s6+$0x128F0] =	vst.add.f32.msk $0xffff, v1  }
0x3f9: {  	v1 =	vld.idx.msk [tilespmem:v0+s6+$0xFFFFFD10 ss:$0x1], $0xffff;
	_ =	sdelay $0x4  }
0x3fa: {  	[tilespmem:s6+$0x12900] =	vst.add.f32.msk $0xffff, v1  }
0x3fb: {  	v1 =	vld.idx.msk [tilespmem:v0+s6+$0xFFFFFD20 ss:$0x1], $0xffff;
	_ =	sdelay $0x4  }
0x3fc: {  	[tilespmem:s6+$0x12910] =	vst.add.f32.msk $0xffff, v1  }
0x3fd: {  	v1 =	vld.idx.msk [tilespmem:v0+s6+$0xFFFFFD30 ss:$0x1], $0xffff;
	_ =	sdelay $0x4  }
0x3fe: {  	[tilespmem:s6+$0x12920] =	vst.add.f32.msk $0xffff, v1  }
0x3ff: {  	v1 =	vld.idx.msk [tilespmem:v0+s6+$0xFFFFFD40 ss:$0x1], $0xffff;
	_ =	sdelay $0x4  }
0x400: {  	[tilespmem:s6+$0x12930] =	vst.add.f32.msk $0xffff, v1  }
0x401: {  	v1 =	vld.idx.msk [tilespmem:v0+s6+$0xFFFFFD50 ss:$0x1], $0xffff;
	_ =	sdelay $0x4  }
0x402: {  	[tilespmem:s6+$0x12940] =	vst.add.f32.msk $0xffff, v1  }
0x403: {  	v1 =	vld.idx.msk [tilespmem:v0+s6+$0xFFFFFD60 ss:$0x1], $0xffff;
	_ =	sdelay $0x4  }
0x404: {  	[tilespmem:s6+$0x12950] =	vst.add.f32.msk $0xffff, v1  }
0x405: {  	v1 =	vld.idx.msk [tilespmem:v0+s6+$0xFFFFFD70 ss:$0x1], $0xffff;
	_ =	sdelay $0x4  }
0x406: {  	[tilespmem:s6+$0x12960] =	vst.add.f32.msk $0xffff, v1  }
0x407: {  	v1 =	vld.idx.msk [tilespmem:v0+s6+$0xFFFFFD80 ss:$0x1], $0xffff;
	_ =	sdelay $0x4  }
0x408: {  	[tilespmem:s6+$0x12970] =	vst.add.f32.msk $0xffff, v1  }
0x409: {  	v1 =	vld.idx.msk [tilespmem:v0+s6+$0xFFFFFD90 ss:$0x1], $0xffff;
	_ =	sdelay $0x4  }
0x40a: {  	[tilespmem:s6+$0x12980] =	vst.add.f32.msk $0xffff, v1  }
0x40b: {  	v1 =	vld.idx.msk [tilespmem:v0+s6+$0xFFFFFDA0 ss:$0x1], $0xffff;
	_ =	sdelay $0x4  }
0x40c: {  	[tilespmem:s6+$0x12990] =	vst.add.f32.msk $0xffff, v1  }
0x40d: {  	v1 =	vld.idx.msk [tilespmem:v0+s6+$0xFFFFFDB0 ss:$0x1], $0xffff;
	_ =	sdelay $0x4  }
0x40e: {  	[tilespmem:s6+$0x129A0] =	vst.add.f32.msk $0xffff, v1  }
0x40f: {  	v1 =	vld.idx.msk [tilespmem:v0+s6+$0xFFFFFDC0 ss:$0x1], $0xffff;
	_ =	sdelay $0x4  }
0x410: {  	[tilespmem:s6+$0x129B0] =	vst.add.f32.msk $0xffff, v1  }
0x411: {  	v1 =	vld.idx.msk [tilespmem:v0+s6+$0xFFFFFDD0 ss:$0x1], $0xffff;
	_ =	sdelay $0x4  }
0x412: {  	[tilespmem:s6+$0x129C0] =	vst.add.f32.msk $0xffff, v1  }
0x413: {  	v1 =	vld.idx.msk [tilespmem:v0+s6+$0xFFFFFDE0 ss:$0x1], $0xffff;
	_ =	sdelay $0x4  }
0x414: {  	[tilespmem:s6+$0x129D0] =	vst.add.f32.msk $0xffff, v1  }
0x415: {  	v1 =	vld.idx.msk [tilespmem:v0+s6+$0xFFFFFDF0 ss:$0x1], $0xffff;
	_ =	sdelay $0x4  }
0x416: {  	[tilespmem:s6+$0x129E0] =	vst.add.f32.msk $0xffff, v1  }
0x417: {  	v1 =	vld.idx.msk [tilespmem:v0+s6+$0xFFFFFE00 ss:$0x1], $0xffff;
	_ =	sdelay $0x4  }
0x418: {  	[tilespmem:s6+$0x129F0] =	vst.add.f32.msk $0xffff, v1  }
0x419: {  	v1 =	vld.idx.msk [tilespmem:v0+s6+$0xFFFFFE10 ss:$0x1], $0xffff;
	_ =	sdelay $0x4  }
0x41a: {  	[tilespmem:s6+$0x12A00] =	vst.add.f32.msk $0xffff, v1  }
0x41b: {  	v1 =	vld.idx.msk [tilespmem:v0+s6+$0xFFFFFE20 ss:$0x1], $0xffff;
	_ =	sdelay $0x4  }
0x41c: {  	[tilespmem:s6+$0x12A10] =	vst.add.f32.msk $0xffff, v1  }
0x41d: {  	v1 =	vld.idx.msk [tilespmem:v0+s6+$0xFFFFFE30 ss:$0x1], $0xffff;
	_ =	sdelay $0x4  }
0x41e: {  	[tilespmem:s6+$0x12A20] =	vst.add.f32.msk $0xffff, v1  }
0x41f: {  	v1 =	vld.idx.msk [tilespmem:v0+s6+$0xFFFFFE40 ss:$0x1], $0xffff;
	_ =	sdelay $0x4  }
0x420: {  	[tilespmem:s6+$0x12A30] =	vst.add.f32.msk $0xffff, v1  }
0x421: {  	v1 =	vld.idx.msk [tilespmem:v0+s6+$0xFFFFFE50 ss:$0x1], $0xffff;
	_ =	sdelay $0x4  }
0x422: {  	[tilespmem:s6+$0x12A40] =	vst.add.f32.msk $0xffff, v1  }
0x423: {  	v1 =	vld.idx.msk [tilespmem:v0+s6+$0xFFFFFE60 ss:$0x1], $0xffff;
	_ =	sdelay $0x4  }
0x424: {  	[tilespmem:s6+$0x12A50] =	vst.add.f32.msk $0xffff, v1  }
0x425: {  	v1 =	vld.idx.msk [tilespmem:v0+s6+$0xFFFFFE70 ss:$0x1], $0xffff;
	_ =	sdelay $0x4  }
0x426: {  	[tilespmem:s6+$0x12A60] =	vst.add.f32.msk $0xffff, v1  }
0x427: {  	v1 =	vld.idx.msk [tilespmem:v0+s6+$0xFFFFFE80 ss:$0x1], $0xffff;
	_ =	sdelay $0x4  }
0x428: {  	[tilespmem:s6+$0x12A70] =	vst.add.f32.msk $0xffff, v1  }
0x429: {  	v1 =	vld.idx.msk [tilespmem:v0+s6+$0xFFFFFE90 ss:$0x1], $0xffff;
	_ =	sdelay $0x4  }
0x42a: {  	[tilespmem:s6+$0x12A80] =	vst.add.f32.msk $0xffff, v1  }
0x42b: {  	v1 =	vld.idx.msk [tilespmem:v0+s6+$0xFFFFFEA0 ss:$0x1], $0xffff;
	_ =	sdelay $0x4  }
0x42c: {  	[tilespmem:s6+$0x12A90] =	vst.add.f32.msk $0xffff, v1  }
0x42d: {  	v1 =	vld.idx.msk [tilespmem:v0+s6+$0xFFFFFEB0 ss:$0x1], $0xffff;
	_ =	sdelay $0x4  }
0x42e: {  	[tilespmem:s6+$0x12AA0] =	vst.add.f32.msk $0xffff, v1  }
0x42f: {  	v1 =	vld.idx.msk [tilespmem:v0+s6+$0xFFFFFEC0 ss:$0x1], $0xffff;
	_ =	sdelay $0x4  }
0x430: {  	[tilespmem:s6+$0x12AB0] =	vst.add.f32.msk $0xffff, v1  }
0x431: {  	v1 =	vld.idx.msk [tilespmem:v0+s6+$0xFFFFFED0 ss:$0x1], $0xffff;
	_ =	sdelay $0x4  }
0x432: {  	[tilespmem:s6+$0x12AC0] =	vst.add.f32.msk $0xffff, v1  }
0x433: {  	v1 =	vld.idx.msk [tilespmem:v0+s6+$0xFFFFFEE0 ss:$0x1], $0xffff;
	_ =	sdelay $0x4  }
0x434: {  	[tilespmem:s6+$0x12AD0] =	vst.add.f32.msk $0xffff, v1  }
0x435: {  	v1 =	vld.idx.msk [tilespmem:v0+s6+$0xFFFFFEF0 ss:$0x1], $0xffff;
	_ =	sdelay $0x4  }
0x436: {  	[tilespmem:s6+$0x12AE0] =	vst.add.f32.msk $0xffff, v1  }
0x437: {  	v1 =	vld.idx.msk [tilespmem:v0+s6+$0xFFFFFF00 ss:$0x1], $0xffff;
	_ =	sdelay $0x4  }
0x438: {  	[tilespmem:s6+$0x12AF0] =	vst.add.f32.msk $0xffff, v1  }
0x439: {  	v1 =	vld.idx.msk [tilespmem:v0+s6+$0xFFFFFF10 ss:$0x1], $0xffff;
	_ =	sdelay $0x4  }
0x43a: {  	[tilespmem:s6+$0x12B00] =	vst.add.f32.msk $0xffff, v1  }
0x43b: {  	v1 =	vld.idx.msk [tilespmem:v0+s6+$0xFFFFFF20 ss:$0x1], $0xffff;
	_ =	sdelay $0x4  }
0x43c: {  	[tilespmem:s6+$0x12B10] =	vst.add.f32.msk $0xffff, v1  }
0x43d: {  	v1 =	vld.idx.msk [tilespmem:v0+s6+$0xFFFFFF30 ss:$0x1], $0xffff;
	_ =	sdelay $0x4  }
0x43e: {  	[tilespmem:s6+$0x12B20] =	vst.add.f32.msk $0xffff, v1  }
0x43f: {  	v1 =	vld.idx.msk [tilespmem:v0+s6+$0xFFFFFF40 ss:$0x1], $0xffff;
	_ =	sdelay $0x4  }
0x440: {  	[tilespmem:s6+$0x12B30] =	vst.add.f32.msk $0xffff, v1  }
0x441: {  	v1 =	vld.idx.msk [tilespmem:v0+s6+$0xFFFFFF50 ss:$0x1], $0xffff;
	_ =	sdelay $0x4  }
0x442: {  	[tilespmem:s6+$0x12B40] =	vst.add.f32.msk $0xffff, v1  }
0x443: {  	v1 =	vld.idx.msk [tilespmem:v0+s6+$0xFFFFFF60 ss:$0x1], $0xffff;
	_ =	sdelay $0x4  }
0x444: {  	[tilespmem:s6+$0x12B50] =	vst.add.f32.msk $0xffff, v1  }
0x445: {  	v1 =	vld.idx.msk [tilespmem:v0+s6+$0xFFFFFF70 ss:$0x1], $0xffff;
	_ =	sdelay $0x4  }
0x446: {  	[tilespmem:s6+$0x12B60] =	vst.add.f32.msk $0xffff, v1  }
0x447: {  	v1 =	vld.idx.msk [tilespmem:v0+s6+$0xFFFFFF80 ss:$0x1], $0xffff;
	_ =	sdelay $0x4  }
0x448: {  	[tilespmem:s6+$0x12B70] =	vst.add.f32.msk $0xffff, v1  }
0x449: {  	v1 =	vld.idx.msk [tilespmem:v0+s6+$0xFFFFFF90 ss:$0x1], $0xffff;
	_ =	sdelay $0x4  }
0x44a: {  	[tilespmem:s6+$0x12B80] =	vst.add.f32.msk $0xffff, v1  }
0x44b: {  	v1 =	vld.idx.msk [tilespmem:v0+s6+$0xFFFFFFA0 ss:$0x1], $0xffff;
	_ =	sdelay $0x4  }
0x44c: {  	[tilespmem:s6+$0x12B90] =	vst.add.f32.msk $0xffff, v1  }
0x44d: {  	v1 =	vld.idx.msk [tilespmem:v0+s6+$0xFFFFFFB0 ss:$0x1], $0xffff;
	_ =	sdelay $0x4  }
0x44e: {  	[tilespmem:s6+$0x12BA0] =	vst.add.f32.msk $0xffff, v1  }
0x44f: {  	v1 =	vld.idx.msk [tilespmem:v0+s6+$0xFFFFFFC0 ss:$0x1], $0xffff;
	_ =	sdelay $0x4  }
0x450: {  	[tilespmem:s6+$0x12BB0] =	vst.add.f32.msk $0xffff, v1  }
0x451: {  	v1 =	vld.idx.msk [tilespmem:v0+s6+$0xFFFFFFD0 ss:$0x1], $0xffff;
	_ =	sdelay $0x4  }
0x452: {  	[tilespmem:s6+$0x12BC0] =	vst.add.f32.msk $0xffff, v1  }
0x453: {  	v1 =	vld.idx.msk [tilespmem:v0+s6+$0xFFFFFFE0 ss:$0x1], $0xffff;
	_ =	sdelay $0x4  }
0x454: {  	[tilespmem:s6+$0x12BD0] =	vst.add.f32.msk $0xffff, v1  }
0x455: {  	v1 =	vld.idx.msk [tilespmem:v0+s6+$0xFFFFFFF0 ss:$0x1], $0xffff;
	_ =	sdelay $0x4  }
0x456: {  	[tilespmem:s6+$0x12BE0] =	vst.add.f32.msk $0xffff, v1  }
0x457: {  	s10 =	sadd.s32 $0x1, s10;
	v63 =	vld.idx.msk [tilespmem:v0+s6+$0x0 ss:$0x1], $0xffff  }
0x458: {  	s7 =	sadd.s32 s3, s8;
	p0 =	sne.s32 s10, $0x32  }
.Ltmp4:
0x459: {  	s0 =	sadd.s32 $0xFFFF8000, s0;
	s1 =	sadd.s32 $0x200, s1;
	(pc) =	sbr.rel @p0 .LBB2_2-.Ltmp4, $4  }
0x45a: {  	s25 =	sadd.s32 $0x8000, s25;
	s31 =	sadd.s32 $0x200, s31;
	s7 =	sshll.u32 s7, $0x3  }
0x45b: {  	s26 =	sadd.s32 $0x8000, s26;
	s28 =	sadd.s32 $0x200, s28;
	s7 =	sand.u32 $0x1FFFFC00, s7  }
0x45c: {  	s29 =	sadd.s32 $0x8000, s29;
	s30 =	sadd.s32 $0x200, s30;
	s24 =	sadd.s32 s2, s7;
	[tilespmem:s6+$0x12BF0] =	vst.add.f32.msk $0xffff, v63  }
0x45d: {  	[hbm4b:s24+s4] =	stream.linear.scatter [tilespmem:s16], [sflag:$0x8], $0x2000, $0x38;
	[tilespmem:$0x14800] =	vst v63  }
0x45e: {  	s0 =	simm.s32 $0x7  }
0x45f: {  	_ =	swait.ge [sflag:s0], $0x2000  }
0x460: {  	[sflag:s0] =	ssyncset.done $0x0  }
0x461: {  	s1 =	simm.s32 $0x8;
	[sflag:s0] =	ssyncadd.s32 $0xFFFFE000  }
0x462: {  	_ =	swait.ge [sflag:s1], $0x2000  }
0x463: {  	s6 =	rddreg [dreg:$0x6]  }
0x464: {  	s31 =	rddreg [dreg:$0x5];
	s6 =	sadd.s32 $0x1, s6  }
0x465: {  	p0 =	sne.s32 s6, s31  }
.Ltmp5:
0x466: {  	_ = 	snop;
	(pc) =	sbr.rel @p0 .LBB2_1-.Ltmp5, $3  }
0x467: {  	_ =	sdelay $0x1  }
0x468: {  	[sflag:s1] =	ssyncset.done $0x0  }
0x469: {  	[sflag:s1] =	ssyncadd.s32 $0xFFFFE000  }
0x46a: {  	_ =	sfence.sel $0x180000  }
0x46b: {  	[bflag:$0x0] =	sbarrier.arrive $0xFFFF  }
0x46c: {  	_ =	strace $0x90000047  }
0x46d: {  	s0 =	stileid.u32;
	[bflag:$0x2] =	sbarrier.arrive $0xFFFF  }
0x46e: {  	p0 =	sne.s32 s0, $0x0;
	s0 =	rddreg [dreg:$0x2]  }
0x46f: {  	s0 =	sadd.s32 @!p0 $0x100000, s0  }
0x470: {  	[sflag:s0] =	ssyncadd.tile.s32 @!p0 $0x1;
	_ =	shalt  }
.Lfunc_end2:
_tile_overlayer_lowered:
.L_overlay_start_2:
0x471: {  	(tag) =	ssettag $0x2  }
0x472: {  	s0 =	rddreg [dreg:$0x0];
	s2 =	stileid.u32  }
0x473: {  	s1 =	rddreg [dreg:$0x1];
	p0 =	sne.s32 s2, $0x0  }
0x474: {  	s3 =	rddreg [dreg:$0x2];
	[bflag:$0x3] =	sbarrier.arrive $0xFFFF;
	s2 =	simm.s32 @!p0 $0x1C09  }
0x475: {  	[timem:s3], [sflag:s2] =	dma.local @!p0 [hbm:s0], s1  }
0x476: {  	s0 =	simm.s32 @!p0 $0x9  }
0x477: {  	_ =	swait.ge @!p0 [sflag:s0], s1  }
0x478: {  	s1 =	ssub.s32 @!p0 $0x0, s1;
	[sflag:s0] =	ssyncset.done @!p0 $0x0  }
0x479: {  	[sflag:s0] =	ssyncadd.s32 @!p0 s1  }
0x47a: {  	[bflag:$0x3] =	sbarrier.arrive $0xFFFF  }
0x47b: {  	_ =	shalt  }

// kernel: sparse-core-data-format-call.cloned.1.call-start
scs
called_computation_lowered:
.L_overlay_start_0:
0x0: {  	s2 =	sld [smem:$0x3FD9]  }
0x1: {  	s3 =	sld [smem:$0x3FFE];
	_ =	sdelay $0x1  }
0x2: {  	s1 =	srdreg.scid  }
0x3: {  	s0 =	sand.u32 $0x1, s1  }
0x4: {  	s18 =	sshll.u32 s0, $0xA;
	s2 =	sadd.s32 s3, s2  }
0x5: {  	s2 =	sadd.s32 s2, s18  }
0x6: {  	[smem:$0x3FC6] =	sst s2  }
0x7: {  	_ = 	snop  }
0x8: {  	s2 =	sld [smem:$0x3FD0];
	(tm) =	ssettm $0x1  }
0x9: {  	s19 =	sld [smem:$0x3FFB];
	_ =	sdelay $0x3  }
0xa: {  	_ =	strace s19  }
0xb: {  	s3 =	sld [smem:$0x3FFC];
	_ =	sdelay $0x3  }
0xc: {  	_ =	strace s3  }
0xd: {  	s3 =	sld [smem:$0x3FFD];
	_ =	sdelay $0x3  }
0xe: {  	_ =	strace s3  }
0xf: {  	_ =	strace $0x8FFFFFFF  }
0x10: {  	s20 =	sld [smem:$0x3FDB];
	_ =	sdelay $0x1  }
0x11: {  	s4 =	simm.s32 $_scs_section_size  }
0x12: {  	s5 =	simm.s32 $_size__tile_overlayer_lowered;
	s6 =	simm.s32 $_tile_overlayer_lowered  }
0x13: {  	s23 =	simm.s32 $0x1BFF;
	s22 =	sshll.u32 s6, $0x1;
	s3 =	sadd.s32 s4, s20  }
0x14: {  	s7 =	simm.s32 $0x0;
	s21 =	sshll.u32 s5, $0x1;
	s5 =	sadd.s32 s22, s3  }
0x15: {  	[timem:s7], [sflag:s23] =	dma.local [hbm:s5], s21  }
0x16: {  	_ =	swait.ge [sflag:s23], s21  }
0x17: {  	s4 =	ssub.s32 $0x0, s21;
	[sflag:s23] =	ssyncset.done $0x0  }
0x18: {  	[sflag:s23] =	ssyncadd.s32 s4;
	_ =	sdelay $0x1  }
0x19: {  	s24 =	simm.s32 $0x1B8B  }
0x1a: {  	_ =	swait.ge [sflag:s24], $0x1  }
0x1b: {  	[sflag:s24] =	ssyncset.done $0x0  }
0x1c: {  	s26 =	simm.s32 $0x1B8E;
	s25 =	sld [smem:$0x3FFE];
	[sflag:s24] =	ssyncadd.s32 $0xFFFFFFFF  }
0x1d: {  	s27 =	simm.s32 $execute0_lowered;
	[smem:$0x3FD2] =	sst s26  }
0x1e: {  	s5 =	sshll.u32 s27, $0x1;
	_ =	strace $0x80000049;
	[dreg:$0x1] =	wrdreg $0xFFFFFFFF  }
0x1f: {  	s28 =	simm.s32 $_size_execute0_lowered;
	s3 =	sadd.s32 s3, s5;
	[dreg:$0x0] =	wrdreg $0x0  }
0x20: {  	s5 =	sshll.u32 s28, $0x1;
	[dreg:$0x2] =	wrdreg s3  }
0x21: {  	[dreg:$0x3] =	wrdreg s5  }
0x22: {  	[dreg:$0x4] =	wrdreg $0xC0  }
0x23: {  	_ =	task [dreg:s7], $0x5FFFF  }
0x24: {  	[dreg:$0x1] =	wrdreg $0xFFFFFFFF  }
0x25: {  	[dreg:$0x0] =	wrdreg $0x60  }
0x26: {  	[dreg:$0x2] =	wrdreg s25  }
0x27: {  	[dreg:$0x3] =	wrdreg s2  }
0x28: {  	[dreg:$0x4] =	wrdreg $0x9  }
0x29: {  	_ =	task.clear_ibuf [dreg:s7], $0x5FFFF;
	_ =	strace $0x90000049  }
0x2a: {  	s29 =	simm.s32 $0x9;
	_ =	strace $0x8000004B  }
0x2b: {  	_ =	swait.ge [sflag:s29], $0x1  }
0x2c: {  	[sflag:s29] =	ssyncadd.s32 $0xFFFFFFFF  }
0x2d: {  	_ =	strace $0x9000004B  }
0x2e: {  	_ =	sfence  }
0x2f: {  	s30 =	sld [smem:$0x0];
	_ =	sdelay $0x2  }
0x30: {  	s31 =	sshll.u32 s1, $0xD;
	s1 =	sshrl.u32 s1, $0x2  }
0x31: {  	s3 =	sand.u32 $0x4000, s31;
	s1 =	sadd.s32 s1, s30  }
0x32: {  	s0 =	sor.u32 s3, s0;
	s1 =	sshll.u32 s1, $0x11  }
0x33: {  	s0 =	sor.u32 s1, s0  }
0x34: {  	s0 =	sadd.s32 $0x8F2B, s0  }
0x35: {  	[sflag:s0] =	ssyncadd.remote.s32 $0x1  }
0x36: {  	_ =	sfence.sel $0xFFFF  }
0x37: {  	[dreg:$0x0] =	wrdreg $0xFFFFFFFF;
	(pc) =	sbr.abs _section_cstart, $3  }
0x38: {  	[dreg:$0x1] =	wrdreg $0xFFFFFFFF  }
0x39: {  	_ =	task.clear_ibuf [dreg:s7], $0x2FFFF;
	_ =	strace $0x9FFFFFFF  }
0x3a: {  	(tm) =	ssettm $0x7FFFFFFF  }
0x3b: {  	_ =	shalt  }
tec
execute0_lowered:
.L_overlay_start_1:
0x0: {  	(tag) =	ssettag $0x1  }
0x1: {  	s0 =	srdreg.scid  }
0x2: {  	s1 =	sshll.u32 s0, $0x4  }
0x3: {  	s0 =	stileid.u32;
	s1 =	sand.u32 $0x10, s1  }
0x4: {  	s1 =	sor.u32 s0, s1  }
0x5: {  	s6 =	rddreg [dreg:$0x0];
	s4 =	simm.s32 $0x1;
	s2 =	sshll.u32 s1, $0x7  }
0x6: {  	s7 =	simm.s32 $0x2;
	s12 =	simm.s32 $0x0;
	s1 =	ssub.s32 $0x1000, s2  }
0x7: {  	s8 =	simm.s32 $0x8000;
	s13 =	simm.s32 $0x0;
	s3 =	sand.u32 $0xF80, s1  }
0x8: {  	s9 =	simm.s32 $0x0;
	s5 =	sshrl.u32 s1, $0xC;
	p0 =	sne.s32 s3, $0x0  }
.Ltmp0:
0x9: {  	s1 =	rddreg [dreg:$0x2];
	s4 =	simm.s32 @!p0 $0x0;
	(pc) =	sbr.rel .LBB1_1-.Ltmp0, $4  }
0xa: {  	s11 =	simm.s32 $0x0;
	s3 =	rddreg [dreg:$0x1];
	s5 =	sadd.s32 s4, s5  }
0xb: {  	_ =	strace $0x8000004A;
	s4 =	simm.s32 $0x1;
	s5 =	smul.u32 $0xC8, s5  }
0xc: {  	s6 =	sadd.s32 $0xE00, s6;
	s10 =	smov.u32 s2;
	[sflag:s4] =	ssyncpa.u1 $0x0  }
0xd: {  	p0 =	por $0x0, $0x0;
	[sflag:s7] =	ssyncpa.u1 $0x0;
	s7 =	sor.u32 $0x1, s5  }
.LBB1_4:
0xe: {  	s16 =	sshll.u32 s13, $0x3;
	s17 =	sand.u32 $0x78, s13  }
0xf: {  	s30 =	sand.u32 $0x7E00, s13;
	s12 =	sshll.u32 s12, $0xF;
	s16 =	sand.u32 $0xC00, s16  }
0x10: {  	[tilespmem:s15+$0x810 ss:$0x81] =	vst.msk $0xffff, v2;
	s31 =	sand.u32 $0x7, s13;
	s16 =	sor.u32 s17, s16;
	s17 =	sadd.s32 s3, s30  }
0x11: {  	[tilespmem:s15+$0x1020 ss:$0x81] =	vst.msk $0xffff, v0;
	s13 =	sshll.u32 s31, $0x12;
	s12 =	sadd.s32 s12, s17;
	s16 =	sshrl.u32 s16, $0x3  }
0x12: {  	[tilespmem:s15+$0x0 ss:$0x81] =	vst.msk $0xffff, v1;
	s13 =	sor.u32 $0x400, s13;
	s12 =	sadd.s32 s16, s12  }
0x13: {  	[hbm4b:s12+s13] =	stream.strided.scatter [tilespmem:s14], [sflag:$0x2], $0x2000, s8, s13, $0x20;
	[tilespmem:$0x8080] =	vst v63  }
.LBB1_5:
0x14: {  	s14 =	sadd.s32 $0x1, s9  }
0x15: {  	s12 =	sadd.s32 $0x1000, s10;
	s16 =	smov.u32 s10;
	p2 =	sgt.s32 s14, $0xC7  }
0x16: {  	s16 =	smov.u32 @p2 s12  }
0x17: {  	s14 =	simm.s32 @p2 $0x0;
	p2 =	sgt.s32 s16, $0xFFF  }
0x18: {  	s16 =	smov.u32 @p2 s2;
	p2 =	sne.s32 s11, s7  }
.Ltmp1:
0x19: {  	p1 =	slt.u32 s11, $0x2;
	(pc) =	sbr.rel @!p2 .LBB1_6-.Ltmp1, $4  }
0x1a: {  	s15 =	simm.s32 @!p1 $0x2  }
0x1b: {  	s13 =	smov.u32 s10;
	p0 =	por !p0, !p0;
	_ =	swait.ge @!p1 [sflag:s15], $0x2000  }
0x1c: {  	s12 =	smov.u32 s9;
	[sflag:s15] =	ssyncset.done @!p1 $0x0;
	s9 =	smov.u32 s14  }
0x1d: {  	s11 =	sadd.s32 $0x1, s11;
	[sflag:s15] =	ssyncadd.s32 @!p1 $0xFFFFE000;
	s10 =	smov.u32 s16  }
.LBB1_1:
0x1e: {  	p1 =	sge.u32 s11, s5  }
0x1f: {  	s14 =	sand.u32 @!p1 $0x1FFFFFF, s9  }
0x20: {  	s15 =	smulhi.u32 @!p1 $0x147AE15, s14;
	_ =	sdelay $0x1  }
0x21: {  	s15 =	smul.u32 @!p1 $0xC8, s15  }
0x22: {  	s16 =	sxor.u32 @!p1 $0xFFFFFFFF, s11;
	s17 =	smul.u32 @!p1 $0xC80, s10  }
0x23: {  	s31 =	sadd.s32 $0xFFFFFFFF, s11;
	s16 =	sshll.u32 @!p1 s16, $0xD;
	s14 =	ssub.s32 @!p1 s14, s15  }
0x24: {  	s15 =	sand.u32 @!p1 $0x2000, s16;
	s16 =	sadd.s32 @!p1 s6, s17;
	s14 =	sshll.u32 @!p1 s14, $0x4  }
0x25: {  	s17 =	simm.s32 @!p1 $0x6400;
	s14 =	sadd.s32 @!p1 s14, s16;
	s16 =	simm.s32 @!p1 $0x40  }
0x26: {  	[tilespmem:s15], [sflag:$0x1] =	stream.strided.gather @!p1 [hbm4b:s14+s16], $0x2000, s17, s16, $0x38;
	[tilespmem:$0x8080] =	vst v63  }
0x27: {  	p1 =	sge.u32 s31, s5  }
.Ltmp2:
0x28: {  	_ = 	snop;
	(pc) =	sbr.rel @p1 .LBB1_5-.Ltmp2, $1  }
0x29: {  	_ =	sdelay $0x3  }
0x2a: {  	s14 =	simm.s32 $0x1  }
0x2b: {  	_ =	swait.ge [sflag:s4], $0x2000;
	s14 =	simm.s32 @!p0 $0x0  }
0x2c: {  	[sflag:s4] =	ssyncset.done $0x0;
	s15 =	sshll.u32 s14, $0xD  }
0x2d: {  	[sflag:s4] =	ssyncadd.s32 $0xFFFFE000;
	s18 =	sor.u32 $0x20, s15  }
0x2e: {  	s14 =	smul.u32 $0x8100, s14;
	v3 =	vld [tilespmem:s18+$0x10]  }
0x2f: {  	s30 =	sand.u32 $0x1, s11;
	v2 =	vld [tilespmem:s18+$0xFFFFFFF0]  }
0x30: {  	s15 =	smul.u32 $0x8100, s30;
	s14 =	sshrl.u32 s14, $0x2;
	v0 =	vld [tilespmem:s18+$0x0]  }
0x31: {  	v1 =	vld [tilespmem:s18+$0xFFFFFFE0];
	s16 =	sor.u32 $0x4000, s14  }
0x32: {  	s31 =	sshrl.u32 s15, $0x2;
	s15 =	sadd.s32 $0x0, s16  }
0x33: {  	s17 =	simm.s32 $0x4;
	s18 =	sadd.s32 $0x40, s18;
	s14 =	sor.u32 $0x4000, s31;
	[tilespmem:s15+$0x1830 ss:$0x81] =	vst.msk $0xffff, v3  }
.LBB1_3:
0x34: {  	v3 =	vld [tilespmem:s18+$0x10];
	p1 =	sne.s32 s17, $0x1FC;
	[tilespmem:s15+$0x810 ss:$0x81] =	vst.msk $0xffff, v2;
	s19 =	smov.u32 s17;
	s17 =	sadd.s32 $0x4, s17  }
.Ltmp3:
0x35: {  	v2 =	vld [tilespmem:s18+$0xFFFFFFF0];
	[tilespmem:s15+$0x1020 ss:$0x81] =	vst.msk $0xffff, v0;
	(pc) =	sbr.rel @p1 .LBB1_3-.Ltmp3, $4  }
0x36: {  	v0 =	vld [tilespmem:s18+$0x0];
	[tilespmem:s15+$0x0 ss:$0x81] =	vst.msk $0xffff, v1  }
0x37: {  	s15 =	sshra.s32 s19, $0x2;
	v1 =	vld [tilespmem:s18+$0xFFFFFFE0]  }
0x38: {  	s15 =	sadd.s32 s15, s16  }
0x39: {  	s18 =	sadd.s32 $0x40, s18;
	[tilespmem:s15+$0x1830 ss:$0x81] =	vst.msk $0xffff, v3  }
.Ltmp4:
0x3a: {  	_ = 	snop;
	(pc) =	sbr.rel .LBB1_4-.Ltmp4, $1  }
0x3b: {  	_ =	sdelay $0x3  }
.LBB1_6:
0x3c: {  	_ =	sfence.sel $0x180000  }
0x3d: {  	s2 =	simm.s32 $0x1;
	[bflag:$0x0] =	sbarrier.arrive $0xFFFF  }
0x3e: {  	s31 =	simm.s32 $0x2;
	[sflag:s2] =	ssyncpa.u1 $0x1  }
0x3f: {  	[sflag:s31] =	ssyncpa.u1 $0x1  }
0x40: {  	p0 =	sne.s32 s0, $0x0;
	_ =	strace $0x9000004A  }
0x41: {  	s0 =	sadd.s32 @!p0 $0x100000, s1;
	[bflag:$0x2] =	sbarrier.arrive $0xFFFF  }
0x42: {  	[sflag:s0] =	ssyncadd.tile.s32 @!p0 $0x1;
	_ =	shalt  }
.Lfunc_end1:
_tile_overlayer_lowered:
.L_overlay_start_2:
0x43: {  	(tag) =	ssettag $0x2  }
0x44: {  	s0 =	rddreg [dreg:$0x0];
	s2 =	stileid.u32  }
0x45: {  	s1 =	rddreg [dreg:$0x1];
	p0 =	sne.s32 s2, $0x0  }
0x46: {  	s3 =	rddreg [dreg:$0x2];
	[bflag:$0x3] =	sbarrier.arrive $0xFFFF;
	s2 =	simm.s32 @!p0 $0x1C01  }
0x47: {  	[timem:s3], [sflag:s2] =	dma.local @!p0 [hbm:s0], s1  }
0x48: {  	s0 =	simm.s32 @!p0 $0x1  }
0x49: {  	_ =	swait.ge @!p0 [sflag:s0], s1  }
0x4a: {  	s1 =	ssub.s32 @!p0 $0x0, s1;
	[sflag:s0] =	ssyncset.done @!p0 $0x0  }
0x4b: {  	[sflag:s0] =	ssyncadd.s32 @!p0 s1  }
0x4c: {  	[bflag:$0x3] =	sbarrier.arrive $0xFFFF  }
0x4d: {  	_ =	shalt  }

</sc_bundles>
